<compile_context>
chip_gen: v7x
topology: tpu7x:2x2x1
jax: 0.10.2.dev20260603
libtpu: 0.0.44.dev20260713+nightly
codegen_flags: <defaults>
</compile_context>

<pallas_src>
import jax
import jax.numpy as jnp
from jax import lax
from jax.experimental import pallas as pl
from jax.experimental.pallas import tpu as pltpu
from jax.experimental.pallas import tpu_sc as plsc

_MAX_MZ = 1500.0
_NUM_BINS = 1500
_B = 1024
_T = 200

_NB_PAD = 1504
_NW = 32
_ROWS = _B // _NW
_LANES = 16
_TG = 13
_T_TAIL = _T - (_TG - 1) * _LANES

_PRED_VR = _ROWS * _NUM_BINS // 128
_TGT_VR = _ROWS * _T // 128


_CHUNKS = 4
_CROWS = _ROWS // _CHUNKS


def _sc_body(pred_hbm, mz_hbm, it_hbm,
             dot_hbm, tn2_hbm,
             pred_v, mz_v, it_v, hist_v, idx_v, w_v, dot_v, tn2_v,
             tsem, *psems):
  c = lax.axis_index("c")
  s = lax.axis_index("s")
  wid = s * 2 + c

  base = wid * _ROWS
  cm = pltpu.async_copy(mz_hbm.at[pl.ds(base, _ROWS)], mz_v, tsem)
  ci = pltpu.async_copy(it_hbm.at[pl.ds(base, _ROWS)], it_v, tsem)
  pred_copies = [
      pltpu.async_copy(pred_hbm.at[pl.ds(base + k * _CROWS, _CROWS)],
                       pred_v.at[pl.ds(k * _CROWS, _CROWS)], psems[k])
      for k in range(2)
  ]

  zeros = jnp.zeros((_LANES,), jnp.float32)
  lane = lax.iota(jnp.int32, _LANES)
  tail_mask = lane >= (_LANES - _T_TAIL)

  def zero_hist(j, carry):
    hist_v[pl.ds(j * _LANES, _LANES)] = zeros
    return carry

  lax.fori_loop(0, _NB_PAD // _LANES, zero_hist, 0)
  cm.wait()
  ci.wait()

  def row_body(r, carry):
    rsplat = jnp.full((_LANES,), r, jnp.int32)

    dot = jnp.zeros((_LANES,), jnp.float32)
    for j in range(_TG):
      co = j * _LANES if j < _TG - 1 else _T - _LANES
      mz = mz_v[r, pl.ds(co, _LANES)]
      w = it_v[r, pl.ds(co, _LANES)]
      if j == _TG - 1:
        w = jnp.where(tail_mask, w, 0.0)
      idx = jnp.clip((mz * _MAX_MZ).astype(jnp.int32), 0, _NUM_BINS - 1)
      idx_v[pl.ds(j * _LANES, _LANES)] = idx
      w_v[pl.ds(j * _LANES, _LANES)] = w
      g = plsc.load_gather(pred_v, [rsplat, idx])
      plsc.addupdate_scatter(hist_v, [idx], w)
      dot = dot + g * w

    tn2 = jnp.zeros((_LANES,), jnp.float32)
    for j in range(_TG):
      idx = idx_v[pl.ds(j * _LANES, _LANES)]
      w = w_v[pl.ds(j * _LANES, _LANES)]
      hv = plsc.load_gather(hist_v, [idx])
      tn2 = tn2 + hv * w

    for j in range(_TG):
      idx = idx_v[pl.ds(j * _LANES, _LANES)]
      plsc.store_scatter(hist_v, [idx], zeros)

    dot_v[r // 8, pl.ds((r % 8) * _LANES, _LANES)] = dot
    tn2_v[r // 8, pl.ds((r % 8) * _LANES, _LANES)] = tn2
    return carry

  for k in range(_CHUNKS):
    if k + 2 < _CHUNKS:
      pred_copies.append(
          pltpu.async_copy(
              pred_hbm.at[pl.ds(base + (k + 2) * _CROWS, _CROWS)],
              pred_v.at[pl.ds((k + 2) * _CROWS, _CROWS)], psems[k + 2]))
    pred_copies[k].wait()
    lax.fori_loop(k * _CROWS, (k + 1) * _CROWS, row_body, 0)

  vr = _ROWS * _LANES // 128
  pltpu.sync_copy(dot_v, dot_hbm.at[pl.ds(wid * vr, vr)])
  pltpu.sync_copy(tn2_v, tn2_hbm.at[pl.ds(wid * vr, vr)])


def _pn2_body(pred_ref, out_ref):
  x = pred_ref[...]
  out_ref[...] = jnp.sum(x * x, axis=1, keepdims=True).reshape(16, 8)


def _combine_body(dot_ref, tn2_ref, pn2_ref, out_ref):
  sel = (lax.broadcasted_iota(jnp.int32, (128, 8), 0) // _LANES
         == lax.broadcasted_iota(jnp.int32, (128, 8), 1)
         ).astype(jnp.float32)
  dot = jnp.dot(dot_ref[...], sel, preferred_element_type=jnp.float32)
  tn2 = jnp.dot(tn2_ref[...], sel, preferred_element_type=jnp.float32)
  tnorm = jnp.sqrt(tn2)
  pnorm = jnp.sqrt(pn2_ref[...])
  num = dot / ((pnorm + 1e-8) * (tnorm + 1e-8))
  na = jnp.maximum(pnorm / (pnorm + 1e-8), 1e-8)
  nb = jnp.maximum(tnorm / (tnorm + 1e-8), 1e-8)
  cos = num / (na * nb)
  out_ref[...] = jnp.broadcast_to(1.0 - jnp.mean(cos), (1, 1))


def kernel(pred_binned, target_mz, target_intensity, target_mask):
  sc = pl.kernel(
      _sc_body,
      mesh=plsc.VectorSubcoreMesh(core_axis_name="c", subcore_axis_name="s"),
      compiler_params=pltpu.CompilerParams(
          use_tc_tiling_on_sc=True, needs_layout_passes=False,
          skip_device_barrier=True),
      out_type=(
          jax.ShapeDtypeStruct((_B * _LANES // 128, 128), jnp.float32),
          jax.ShapeDtypeStruct((_B * _LANES // 128, 128), jnp.float32),
      ),
      scratch_types=[
          pltpu.VMEM((_ROWS, _NUM_BINS), jnp.float32),
          pltpu.VMEM((_ROWS, _T), jnp.float32),
          pltpu.VMEM((_ROWS, _T), jnp.float32),
          pltpu.VMEM((_NB_PAD,), jnp.float32),
          pltpu.VMEM((_TG * _LANES,), jnp.int32),
          pltpu.VMEM((_TG * _LANES,), jnp.float32),
          pltpu.VMEM((_ROWS * _LANES // 128, 128), jnp.float32),
          pltpu.VMEM((_ROWS * _LANES // 128, 128), jnp.float32),
      ] + [pltpu.SemaphoreType.DMA] * (_CHUNKS + 1),
  )
  dot, tn2 = sc(pred_binned, target_mz, target_intensity * target_mask)

  pn2 = pl.pallas_call(
      _pn2_body,
      grid=(8,),
      in_specs=[pl.BlockSpec((_B // 8, _NUM_BINS), lambda i: (i, 0))],
      out_specs=pl.BlockSpec((_B // 8 // 8, 8), lambda i: (i, 0)),
      out_shape=jax.ShapeDtypeStruct((_B // 8, 8), jnp.float32),
  )(pred_binned)

  out = pl.pallas_call(
      _combine_body,
      out_shape=jax.ShapeDtypeStruct((1, 1), jnp.float32),
  )(dot, tn2, pn2)
  return out.reshape(())

# --- scband reference (transcript-rebuilt; emitter-appended) ---
"""Pipeline reference for scband-binned-cosine-loss-61753039782332 (READ-ONLY COPY).

The authoritative reference and input builder live on the scoring server;
editing this copy changes nothing except your own understanding.
"""

import jax, jax.numpy as jnp
import numpy as np

WEIGHT = 1.0
BIN_SIZE = 1.0
MAX_MZ = 1500.0
NUM_BINS = int(MAX_MZ / BIN_SIZE)
NORMALIZE_BINS = True


def setup_inputs(seed: int = 0) -> dict:
    key = jax.random.key(seed)
    k1, k2, k3 = jax.random.split(key, 3)
    B, T = 1024, 200
    pred_binned = jax.random.uniform(k1, (B, NUM_BINS), dtype=jnp.float32)
    target_mz = jax.random.uniform(k2, (B, T), dtype=jnp.float32)
    target_intensity = jax.random.uniform(k3, (B, T), dtype=jnp.float32)
    target_mask = jnp.ones((B, T), dtype=jnp.float32)
    return {
        "pred_binned": pred_binned,
        "target_mz": target_mz,
        "target_intensity": target_intensity,
        "target_mask": target_mask,
    }


def _create_binned_spectrum(mz, intensity):
    B = mz.shape[0]
    mz_denorm = mz * MAX_MZ
    bin_indices = (mz_denorm / BIN_SIZE).astype(jnp.int32)
    bin_indices = jnp.clip(bin_indices, 0, NUM_BINS - 1)
    batch_idx = jnp.broadcast_to(jnp.arange(B)[:, None], bin_indices.shape)
    binned = jnp.zeros((B, NUM_BINS), dtype=intensity.dtype).at[batch_idx, bin_indices].add(intensity)
    if NORMALIZE_BINS:
        norm = jnp.linalg.norm(binned, axis=1, keepdims=True)
        binned = binned / (norm + 1e-08)
    return binned


def reference(pred_binned, target_mz, target_intensity, target_mask):
    if NORMALIZE_BINS:
        pred_norm = jnp.linalg.norm(pred_binned, axis=1, keepdims=True)
        pred_binned_normalized = pred_binned / (pred_norm + 1e-08)
    else:
        pred_binned_normalized = pred_binned
    target_intensity_masked = target_intensity * target_mask
    target_binned = _create_binned_spectrum(target_mz, target_intensity_masked)
    # F.cosine_similarity with eps=1e-8
    num = jnp.sum(pred_binned_normalized * target_binned, axis=1)
    na = jnp.maximum(jnp.linalg.norm(pred_binned_normalized, axis=1), 1e-08)
    nb = jnp.maximum(jnp.linalg.norm(target_binned, axis=1), 1e-08)
    cosine_sim = num / (na * nb)
    loss = 1.0 - jnp.mean(cosine_sim)
    return WEIGHT * loss

if __name__ == "__main__":
    import jax
    _d = setup_inputs()
    print(jax.jit(kernel)(*tuple(_d.values())))

</pallas_src>

<mosaic_0001>
#map = affine_map<(d0, d1) -> (0, 0)>
module attributes {stable_mosaic.version = 14 : i64} {
  func.func @_sc_body(%arg0: i32, %arg1: i32, %arg2: memref<1024x1500xf32, #tpu.memory_space<hbm>>, %arg3: memref<1024x200xf32, #tpu.memory_space<hbm>>, %arg4: memref<1024x200xf32, #tpu.memory_space<hbm>>, %arg5: memref<128x128xf32, #tpu.memory_space<hbm>>, %arg6: memref<128x128xf32, #tpu.memory_space<hbm>>, %arg7: memref<32x1500xf32, #tpu.memory_space<vmem>>, %arg8: memref<32x200xf32, #tpu.memory_space<vmem>>, %arg9: memref<32x200xf32, #tpu.memory_space<vmem>>, %arg10: memref<1504xf32, #tpu.memory_space<vmem>>, %arg11: memref<208xi32, #tpu.memory_space<vmem>>, %arg12: memref<208xf32, #tpu.memory_space<vmem>>, %arg13: memref<4x128xf32, #tpu.memory_space<vmem>>, %arg14: memref<4x128xf32, #tpu.memory_space<vmem>>, %arg15: memref<!tpu.dma_semaphore, #tpu.memory_space<semaphore_mem>>, %arg16: memref<!tpu.dma_semaphore, #tpu.memory_space<semaphore_mem>>, %arg17: memref<!tpu.dma_semaphore, #tpu.memory_space<semaphore_mem>>, %arg18: memref<!tpu.dma_semaphore, #tpu.memory_space<semaphore_mem>>, %arg19: memref<!tpu.dma_semaphore, #tpu.memory_space<semaphore_mem>>) attributes {dimension_semantics = [#tpu.dimension_semantics<core_parallel>, #tpu.dimension_semantics<subcore_parallel>], iteration_bounds = array<i64: 2, 16>, scalar_prefetch = 0 : i64, scratch_operands = 13 : i64, tpu.core_type = #tpu.core_type<sc_vector_subcore>, window_params = [{transform_indices = #map}, {transform_indices = #map}, {transform_indices = #map}, {transform_indices = #map}, {transform_indices = #map}]} {
    %mul3A = arith.constant 2 : i32
    %mul3A_0 = arith.muli %arg1, %mul3A : i32
    %add3A = arith.addi %mul3A_0, %arg0 : i32
    %mul3A_1 = arith.constant 32 : i32
    %mul3A_2 = arith.muli %add3A, %mul3A_1 : i32
    %dma_start3A = arith.constant 0 : i32
    %dma_start3A_3 = tpu.memref_slice %arg3[%mul3A_2, %dma_start3A] : memref<1024x200xf32, #tpu.memory_space<hbm>> -> memref<32x200xf32, #tpu.memory_space<hbm>>
    %dma_start3A_4 = arith.constant 0 : i32
    %dma_start3A_5 = tpu.memref_slice %arg3[%mul3A_2, %dma_start3A_4] : memref<1024x200xf32, #tpu.memory_space<hbm>> -> memref<32x200xf32, #tpu.memory_space<hbm>>
    tpu.enqueue_dma source(%dma_start3A_5 : memref<32x200xf32, #tpu.memory_space<hbm>>) target(%arg8 : memref<32x200xf32, #tpu.memory_space<vmem>>) target_semaphore(%arg15 : memref<!tpu.dma_semaphore, #tpu.memory_space<semaphore_mem>>)
    %dma_start3A_6 = arith.constant 0 : i32
    %dma_start3A_7 = tpu.memref_slice %arg4[%mul3A_2, %dma_start3A_6] : memref<1024x200xf32, #tpu.memory_space<hbm>> -> memref<32x200xf32, #tpu.memory_space<hbm>>
    %dma_start3A_8 = arith.constant 0 : i32
    %dma_start3A_9 = tpu.memref_slice %arg4[%mul3A_2, %dma_start3A_8] : memref<1024x200xf32, #tpu.memory_space<hbm>> -> memref<32x200xf32, #tpu.memory_space<hbm>>
    tpu.enqueue_dma source(%dma_start3A_9 : memref<32x200xf32, #tpu.memory_space<hbm>>) target(%arg9 : memref<32x200xf32, #tpu.memory_space<vmem>>) target_semaphore(%arg15 : memref<!tpu.dma_semaphore, #tpu.memory_space<semaphore_mem>>)
    %add3A_10 = arith.constant 0 : i32
    %add3A_11 = arith.addi %mul3A_2, %add3A_10 : i32
    %dma_start3A_12 = arith.constant 0 : i32
    %dma_start3A_13 = arith.constant 0 : i32
    %dma_start3A_14 = tpu.memref_slice %arg7[%dma_start3A_12, %dma_start3A_13] : memref<32x1500xf32, #tpu.memory_space<vmem>> -> memref<8x1500xf32, #tpu.memory_space<vmem>>
    %dma_start3A_15 = arith.constant 0 : i32
    %dma_start3A_16 = tpu.memref_slice %arg2[%add3A_11, %dma_start3A_15] : memref<1024x1500xf32, #tpu.memory_space<hbm>> -> memref<8x1500xf32, #tpu.memory_space<hbm>>
    %dma_start3A_17 = arith.constant 0 : i32
    %dma_start3A_18 = arith.constant 0 : i32
    %dma_start3A_19 = tpu.memref_slice %arg7[%dma_start3A_17, %dma_start3A_18] : memref<32x1500xf32, #tpu.memory_space<vmem>> -> memref<8x1500xf32, #tpu.memory_space<vmem>>
    %dma_start3A_20 = arith.constant 0 : i32
    %dma_start3A_21 = tpu.memref_slice %arg2[%add3A_11, %dma_start3A_20] : memref<1024x1500xf32, #tpu.memory_space<hbm>> -> memref<8x1500xf32, #tpu.memory_space<hbm>>
    tpu.enqueue_dma source(%dma_start3A_21 : memref<8x1500xf32, #tpu.memory_space<hbm>>) target(%dma_start3A_19 : memref<8x1500xf32, #tpu.memory_space<vmem>>) target_semaphore(%arg16 : memref<!tpu.dma_semaphore, #tpu.memory_space<semaphore_mem>>)
    %add3A_22 = arith.constant 8 : i32
    %add3A_23 = arith.addi %mul3A_2, %add3A_22 : i32
    %dma_start3A_24 = arith.constant 8 : i32
    %dma_start3A_25 = arith.constant 0 : i32
    %dma_start3A_26 = tpu.memref_slice %arg7[%dma_start3A_24, %dma_start3A_25] : memref<32x1500xf32, #tpu.memory_space<vmem>> -> memref<8x1500xf32, #tpu.memory_space<vmem>>
    %dma_start3A_27 = arith.constant 0 : i32
    %dma_start3A_28 = tpu.memref_slice %arg2[%add3A_23, %dma_start3A_27] : memref<1024x1500xf32, #tpu.memory_space<hbm>> -> memref<8x1500xf32, #tpu.memory_space<hbm>>
    %dma_start3A_29 = arith.constant 8 : i32
    %dma_start3A_30 = arith.constant 0 : i32
    %dma_start3A_31 = tpu.memref_slice %arg7[%dma_start3A_29, %dma_start3A_30] : memref<32x1500xf32, #tpu.memory_space<vmem>> -> memref<8x1500xf32, #tpu.memory_space<vmem>>
    %dma_start3A_32 = arith.constant 0 : i32
    %dma_start3A_33 = tpu.memref_slice %arg2[%add3A_23, %dma_start3A_32] : memref<1024x1500xf32, #tpu.memory_space<hbm>> -> memref<8x1500xf32, #tpu.memory_space<hbm>>
    tpu.enqueue_dma source(%dma_start3A_33 : memref<8x1500xf32, #tpu.memory_space<hbm>>) target(%dma_start3A_31 : memref<8x1500xf32, #tpu.memory_space<vmem>>) target_semaphore(%arg17 : memref<!tpu.dma_semaphore, #tpu.memory_space<semaphore_mem>>)
    %broadcast_in_dim3A = arith.constant 0.000000e+00 : f32
    %broadcast_in_dim3A_34 = vector.broadcast %broadcast_in_dim3A : f32 to vector<16xf32>
    %iota3A = tpu.iota {dimensions = array<i32: 0>} : vector<16xi32>
    %ge3A = arith.constant 8 : i32
    %ge3A_35 = vector.broadcast %ge3A : i32 to vector<16xi32>
    %ge3A_36 = arith.cmpi sge, %iota3A, %ge3A_35 : vector<16xi32>
    %scan3A = arith.constant 0 : i32
    %scan3A_37 = arith.constant 0 : i32
    %scan3A_38 = arith.constant 94 : i32
    %scan3A_39 = arith.addi %scan3A_37, %scan3A_38 : i32
    %scan3A_40 = arith.constant 1 : i32
    scf.for %scan3A_141 = %scan3A_37 to %scan3A_39 step %scan3A_40  : i32 {
      %mul3A_142 = arith.constant 16 : i32
      %mul3A_143 = arith.muli %scan3A_141, %mul3A_142 : i32
      %swap3A = arith.index_cast %mul3A_143 : i32 to index
      %swap3A_144 = tpu.vector_load %arg10[%swap3A] {strides = array<i32>} : memref<1504xf32, #tpu.memory_space<vmem>>, vector<16xf32>,
      tpu.vector_store %arg10[%swap3A], %broadcast_in_dim3A_34 {strides = array<i32>} : memref<1504xf32, #tpu.memory_space<vmem>>, vector<16xf32>,
    }
    %scan3A_41 = arith.constant 94 : i32
    %dma_wait3A = arith.constant 0 : i32
    %dma_wait3A_42 = tpu.memref_slice %arg3[%mul3A_2, %dma_wait3A] : memref<1024x200xf32, #tpu.memory_space<hbm>> -> memref<32x200xf32, #tpu.memory_space<hbm>>
    %dma_wait3A_43 = arith.constant 0 : i32
    %dma_wait3A_44 = tpu.memref_slice %arg3[%mul3A_2, %dma_wait3A_43] : memref<1024x200xf32, #tpu.memory_space<hbm>> -> memref<32x200xf32, #tpu.memory_space<hbm>>
    tpu.wait_dma2 semaphore(%arg15 : memref<!tpu.dma_semaphore, #tpu.memory_space<semaphore_mem>>) src(%dma_wait3A_44 : memref<32x200xf32, #tpu.memory_space<hbm>>) dst(%arg8 : memref<32x200xf32, #tpu.memory_space<vmem>>)
    %dma_wait3A_45 = arith.constant 0 : i32
    %dma_wait3A_46 = tpu.memref_slice %arg4[%mul3A_2, %dma_wait3A_45] : memref<1024x200xf32, #tpu.memory_space<hbm>> -> memref<32x200xf32, #tpu.memory_space<hbm>>
    %dma_wait3A_47 = arith.constant 0 : i32
    %dma_wait3A_48 = tpu.memref_slice %arg4[%mul3A_2, %dma_wait3A_47] : memref<1024x200xf32, #tpu.memory_space<hbm>> -> memref<32x200xf32, #tpu.memory_space<hbm>>
    tpu.wait_dma2 semaphore(%arg15 : memref<!tpu.dma_semaphore, #tpu.memory_space<semaphore_mem>>) src(%dma_wait3A_48 : memref<32x200xf32, #tpu.memory_space<hbm>>) dst(%arg9 : memref<32x200xf32, #tpu.memory_space<vmem>>)
    %add3A_49 = arith.constant 16 : i32
    %add3A_50 = arith.addi %mul3A_2, %add3A_49 : i32
    %dma_start3A_51 = arith.constant 16 : i32
    %dma_start3A_52 = arith.constant 0 : i32
    %dma_start3A_53 = tpu.memref_slice %arg7[%dma_start3A_51, %dma_start3A_52] : memref<32x1500xf32, #tpu.memory_space<vmem>> -> memref<8x1500xf32, #tpu.memory_space<vmem>>
    %dma_start3A_54 = arith.constant 0 : i32
    %dma_start3A_55 = tpu.memref_slice %arg2[%add3A_50, %dma_start3A_54] : memref<1024x1500xf32, #tpu.memory_space<hbm>> -> memref<8x1500xf32, #tpu.memory_space<hbm>>
    %dma_start3A_56 = arith.constant 16 : i32
    %dma_start3A_57 = arith.constant 0 : i32
    %dma_start3A_58 = tpu.memref_slice %arg7[%dma_start3A_56, %dma_start3A_57] : memref<32x1500xf32, #tpu.memory_space<vmem>> -> memref<8x1500xf32, #tpu.memory_space<vmem>>
    %dma_start3A_59 = arith.constant 0 : i32
    %dma_start3A_60 = tpu.memref_slice %arg2[%add3A_50, %dma_start3A_59] : memref<1024x1500xf32, #tpu.memory_space<hbm>> -> memref<8x1500xf32, #tpu.memory_space<hbm>>
    tpu.enqueue_dma source(%dma_start3A_60 : memref<8x1500xf32, #tpu.memory_space<hbm>>) target(%dma_start3A_58 : memref<8x1500xf32, #tpu.memory_space<vmem>>) target_semaphore(%arg18 : memref<!tpu.dma_semaphore, #tpu.memory_space<semaphore_mem>>)
    %dma_wait3A_61 = arith.constant 0 : i32
    %dma_wait3A_62 = arith.constant 0 : i32
    %dma_wait3A_63 = tpu.memref_slice %arg7[%dma_wait3A_61, %dma_wait3A_62] : memref<32x1500xf32, #tpu.memory_space<vmem>> -> memref<8x1500xf32, #tpu.memory_space<vmem>>
    %dma_wait3A_64 = arith.constant 0 : i32
    %dma_wait3A_65 = tpu.memref_slice %arg2[%add3A_11, %dma_wait3A_64] : memref<1024x1500xf32, #tpu.memory_space<hbm>> -> memref<8x1500xf32, #tpu.memory_space<hbm>>
    %dma_wait3A_66 = arith.constant 0 : i32
    %dma_wait3A_67 = arith.constant 0 : i32
    %dma_wait3A_68 = tpu.memref_slice %arg7[%dma_wait3A_66, %dma_wait3A_67] : memref<32x1500xf32, #tpu.memory_space<vmem>> -> memref<8x1500xf32, #tpu.memory_space<vmem>>
    %dma_wait3A_69 = arith.constant 0 : i32
    %dma_wait3A_70 = tpu.memref_slice %arg2[%add3A_11, %dma_wait3A_69] : memref<1024x1500xf32, #tpu.memory_space<hbm>> -> memref<8x1500xf32, #tpu.memory_space<hbm>>
    tpu.wait_dma2 semaphore(%arg16 : memref<!tpu.dma_semaphore, #tpu.memory_space<semaphore_mem>>) src(%dma_wait3A_70 : memref<8x1500xf32, #tpu.memory_space<hbm>>) dst(%dma_wait3A_68 : memref<8x1500xf32, #tpu.memory_space<vmem>>)
    %scan3A_71 = arith.constant 0 : i32
    %scan3A_72 = arith.constant 0 : i32
    %scan3A_73 = arith.constant 8 : i32
    %scan3A_74 = arith.addi %scan3A_72, %scan3A_73 : i32
    %scan3A_75 = arith.constant 1 : i32
    scf.for %scan3A_141 = %scan3A_72 to %scan3A_74 step %scan3A_75  : i32 {
      %broadcast_in_dim3A_142 = vector.broadcast %scan3A_141 : i32 to vector<16xi32>
      %broadcast_in_dim3A_143 = arith.constant 0.000000e+00 : f32
      %broadcast_in_dim3A_144 = vector.broadcast %broadcast_in_dim3A_143 : f32 to vector<16xf32>
      %get3A = arith.index_cast %scan3A_141 : i32 to index
      %get3A_145 = arith.constant 0 : index
      %get3A_146 = tpu.vector_load %arg8[%get3A, %get3A_145] {strides = array<i32>} : memref<32x200xf32, #tpu.memory_space<vmem>>, vector<16xf32>,
      %get3A_147 = arith.index_cast %scan3A_141 : i32 to index
      %get3A_148 = arith.constant 0 : index
      %get3A_149 = tpu.vector_load %arg9[%get3A_147, %get3A_148] {strides = array<i32>} : memref<32x200xf32, #tpu.memory_space<vmem>>, vector<16xf32>,
      %mul3A_150 = arith.constant 1.500000e+03 : f32
      %mul3A_151 = vector.broadcast %mul3A_150 : f32 to vector<16xf32>
      %mul3A_152 = arith.mulf %get3A_146, %mul3A_151 : vector<16xf32>
      %convert_element_type3A = arith.fptosi %mul3A_152 : vector<16xf32> to vector<16xi32>
      %jit3A = arith.constant 0 : i32
      %jit3A_153 = arith.constant 1499 : i32
      %max3A = vector.broadcast %jit3A : i32 to vector<16xi32>
      %max3A_154 = arith.maxsi %max3A, %convert_element_type3A : vector<16xi32>
      %min3A = vector.broadcast %jit3A_153 : i32 to vector<16xi32>
      %min3A_155 = arith.minsi %min3A, %max3A_154 : vector<16xi32>
      %swap3A = arith.constant 0 : index
      %swap3A_156 = tpu.vector_load %arg11[%swap3A] {strides = array<i32>} : memref<208xi32, #tpu.memory_space<vmem>>, vector<16xi32>,
      tpu.vector_store %arg11[%swap3A], %min3A_155 {strides = array<i32>} : memref<208xi32, #tpu.memory_space<vmem>>, vector<16xi32>,
      %swap3A_157 = arith.constant 0 : index
      %swap3A_158 = tpu.vector_load %arg12[%swap3A_157] {strides = array<i32>} : memref<208xf32, #tpu.memory_space<vmem>>, vector<16xf32>,
      tpu.vector_store %arg12[%swap3A_157], %get3A_149 {strides = array<i32>} : memref<208xf32, #tpu.memory_space<vmem>>, vector<16xf32>,
      %gather3A = tpu.vector_load_idx %arg7[%broadcast_in_dim3A_142, %min3A_155] : memref<32x1500xf32, #tpu.memory_space<vmem>>[vector<16xi32>, vector<16xi32>], vector<16xf32>,
      tpu.vector_store_idx %arg10[%min3A_155], %get3A_149 {add = true} : memref<1504xf32, #tpu.memory_space<vmem>>[vector<16xi32>], vector<16xf32>,
      %mul3A_159 = arith.mulf %gather3A, %get3A_149 : vector<16xf32>
      %add3A_160 = arith.addf %broadcast_in_dim3A_144, %mul3A_159 : vector<16xf32>
      %get3A_161 = arith.index_cast %scan3A_141 : i32 to index
      %get3A_162 = arith.constant 16 : index
      %get3A_163 = tpu.vector_load %arg8[%get3A_161, %get3A_162] {strides = array<i32>} : memref<32x200xf32, #tpu.memory_space<vmem>>, vector<16xf32>,
      %get3A_164 = arith.index_cast %scan3A_141 : i32 to index
      %get3A_165 = arith.constant 16 : index
      %get3A_166 = tpu.vector_load %arg9[%get3A_164, %get3A_165] {strides = array<i32>} : memref<32x200xf32, #tpu.memory_space<vmem>>, vector<16xf32>,
      %mul3A_167 = arith.constant 1.500000e+03 : f32
      %mul3A_168 = vector.broadcast %mul3A_167 : f32 to vector<16xf32>
      %mul3A_169 = arith.mulf %get3A_163, %mul3A_168 : vector<16xf32>
      %convert_element_type3A_170 = arith.fptosi %mul3A_169 : vector<16xf32> to vector<16xi32>
      %jit3A_171 = arith.constant 0 : i32
      %jit3A_172 = arith.constant 1499 : i32
      %max3A_173 = vector.broadcast %jit3A_171 : i32 to vector<16xi32>
      %max3A_174 = arith.maxsi %max3A_173, %convert_element_type3A_170 : vector<16xi32>
      %min3A_175 = vector.broadcast %jit3A_172 : i32 to vector<16xi32>
      %min3A_176 = arith.minsi %min3A_175, %max3A_174 : vector<16xi32>
      %swap3A_177 = arith.constant 16 : index
      %swap3A_178 = tpu.vector_load %arg11[%swap3A_177] {strides = array<i32>} : memref<208xi32, #tpu.memory_space<vmem>>, vector<16xi32>,
      tpu.vector_store %arg11[%swap3A_177], %min3A_176 {strides = array<i32>} : memref<208xi32, #tpu.memory_space<vmem>>, vector<16xi32>,
      %swap3A_179 = arith.constant 16 : index
      %swap3A_180 = tpu.vector_load %arg12[%swap3A_179] {strides = array<i32>} : memref<208xf32, #tpu.memory_space<vmem>>, vector<16xf32>,
      tpu.vector_store %arg12[%swap3A_179], %get3A_166 {strides = array<i32>} : memref<208xf32, #tpu.memory_space<vmem>>, vector<16xf32>,
      %gather3A_181 = tpu.vector_load_idx %arg7[%broadcast_in_dim3A_142, %min3A_176] : memref<32x1500xf32, #tpu.memory_space<vmem>>[vector<16xi32>, vector<16xi32>], vector<16xf32>,
      tpu.vector_store_idx %arg10[%min3A_176], %get3A_166 {add = true} : memref<1504xf32, #tpu.memory_space<vmem>>[vector<16xi32>], vector<16xf32>,
      %mul3A_182 = arith.mulf %gather3A_181, %get3A_166 : vector<16xf32>
      %add3A_183 = arith.addf %add3A_160, %mul3A_182 : vector<16xf32>
      %get3A_184 = arith.index_cast %scan3A_141 : i32 to index
      %get3A_185 = arith.constant 32 : index
      %get3A_186 = tpu.vector_load %arg8[%get3A_184, %get3A_185] {strides = array<i32>} : memref<32x200xf32, #tpu.memory_space<vmem>>, vector<16xf32>,
      %get3A_187 = arith.index_cast %scan3A_141 : i32 to index
      %get3A_188 = arith.constant 32 : index
      %get3A_189 = tpu.vector_load %arg9[%get3A_187, %get3A_188] {strides = array<i32>} : memref<32x200xf32, #tpu.memory_space<vmem>>, vector<16xf32>,
      %mul3A_190 = arith.constant 1.500000e+03 : f32
      %mul3A_191 = vector.broadcast %mul3A_190 : f32 to vector<16xf32>
      %mul3A_192 = arith.mulf %get3A_186, %mul3A_191 : vector<16xf32>
      %convert_element_type3A_193 = arith.fptosi %mul3A_192 : vector<16xf32> to vector<16xi32>
      %jit3A_194 = arith.constant 0 : i32
      %jit3A_195 = arith.constant 1499 : i32
      %max3A_196 = vector.broadcast %jit3A_194 : i32 to vector<16xi32>
      %max3A_197 = arith.maxsi %max3A_196, %convert_element_type3A_193 : vector<16xi32>
      %min3A_198 = vector.broadcast %jit3A_195 : i32 to vector<16xi32>
      %min3A_199 = arith.minsi %min3A_198, %max3A_197 : vector<16xi32>
      %swap3A_200 = arith.constant 32 : index
      %swap3A_201 = tpu.vector_load %arg11[%swap3A_200] {strides = array<i32>} : memref<208xi32, #tpu.memory_space<vmem>>, vector<16xi32>,
      tpu.vector_store %arg11[%swap3A_200], %min3A_199 {strides = array<i32>} : memref<208xi32, #tpu.memory_space<vmem>>, vector<16xi32>,
      %swap3A_202 = arith.constant 32 : index
      %swap3A_203 = tpu.vector_load %arg12[%swap3A_202] {strides = array<i32>} : memref<208xf32, #tpu.memory_space<vmem>>, vector<16xf32>,
      tpu.vector_store %arg12[%swap3A_202], %get3A_189 {strides = array<i32>} : memref<208xf32, #tpu.memory_space<vmem>>, vector<16xf32>,
      %gather3A_204 = tpu.vector_load_idx %arg7[%broadcast_in_dim3A_142, %min3A_199] : memref<32x1500xf32, #tpu.memory_space<vmem>>[vector<16xi32>, vector<16xi32>], vector<16xf32>,
      tpu.vector_store_idx %arg10[%min3A_199], %get3A_189 {add = true} : memref<1504xf32, #tpu.memory_space<vmem>>[vector<16xi32>], vector<16xf32>,
      %mul3A_205 = arith.mulf %gather3A_204, %get3A_189 : vector<16xf32>
      %add3A_206 = arith.addf %add3A_183, %mul3A_205 : vector<16xf32>
      %get3A_207 = arith.index_cast %scan3A_141 : i32 to index
      %get3A_208 = arith.constant 48 : index
      %get3A_209 = tpu.vector_load %arg8[%get3A_207, %get3A_208] {strides = array<i32>} : memref<32x200xf32, #tpu.memory_space<vmem>>, vector<16xf32>,
      %get3A_210 = arith.index_cast %scan3A_141 : i32 to index
      %get3A_211 = arith.constant 48 : index
      %get3A_212 = tpu.vector_load %arg9[%get3A_210, %get3A_211] {strides = array<i32>} : memref<32x200xf32, #tpu.memory_space<vmem>>, vector<16xf32>,
      %mul3A_213 = arith.constant 1.500000e+03 : f32
      %mul3A_214 = vector.broadcast %mul3A_213 : f32 to vector<16xf32>
      %mul3A_215 = arith.mulf %get3A_209, %mul3A_214 : vector<16xf32>
      %convert_element_type3A_216 = arith.fptosi %mul3A_215 : vector<16xf32> to vector<16xi32>
      %jit3A_217 = arith.constant 0 : i32
      %jit3A_218 = arith.constant 1499 : i32
      %max3A_219 = vector.broadcast %jit3A_217 : i32 to vector<16xi32>
      %max3A_220 = arith.maxsi %max3A_219, %convert_element_type3A_216 : vector<16xi32>
      %min3A_221 = vector.broadcast %jit3A_218 : i32 to vector<16xi32>
      %min3A_222 = arith.minsi %min3A_221, %max3A_220 : vector<16xi32>
      %swap3A_223 = arith.constant 48 : index
      %swap3A_224 = tpu.vector_load %arg11[%swap3A_223] {strides = array<i32>} : memref<208xi32, #tpu.memory_space<vmem>>, vector<16xi32>,
      tpu.vector_store %arg11[%swap3A_223], %min3A_222 {strides = array<i32>} : memref<208xi32, #tpu.memory_space<vmem>>, vector<16xi32>,
      %swap3A_225 = arith.constant 48 : index
      %swap3A_226 = tpu.vector_load %arg12[%swap3A_225] {strides = array<i32>} : memref<208xf32, #tpu.memory_space<vmem>>, vector<16xf32>,
      tpu.vector_store %arg12[%swap3A_225], %get3A_212 {strides = array<i32>} : memref<208xf32, #tpu.memory_space<vmem>>, vector<16xf32>,
      %gather3A_227 = tpu.vector_load_idx %arg7[%broadcast_in_dim3A_142, %min3A_222] : memref<32x1500xf32, #tpu.memory_space<vmem>>[vector<16xi32>, vector<16xi32>], vector<16xf32>,
      tpu.vector_store_idx %arg10[%min3A_222], %get3A_212 {add = true} : memref<1504xf32, #tpu.memory_space<vmem>>[vector<16xi32>], vector<16xf32>,
      %mul3A_228 = arith.mulf %gather3A_227, %get3A_212 : vector<16xf32>
      %add3A_229 = arith.addf %add3A_206, %mul3A_228 : vector<16xf32>
      %get3A_230 = arith.index_cast %scan3A_141 : i32 to index
      %get3A_231 = arith.constant 64 : index
      %get3A_232 = tpu.vector_load %arg8[%get3A_230, %get3A_231] {strides = array<i32>} : memref<32x200xf32, #tpu.memory_space<vmem>>, vector<16xf32>,
      %get3A_233 = arith.index_cast %scan3A_141 : i32 to index
      %get3A_234 = arith.constant 64 : index
      %get3A_235 = tpu.vector_load %arg9[%get3A_233, %get3A_234] {strides = array<i32>} : memref<32x200xf32, #tpu.memory_space<vmem>>, vector<16xf32>,
      %mul3A_236 = arith.constant 1.500000e+03 : f32
      %mul3A_237 = vector.broadcast %mul3A_236 : f32 to vector<16xf32>
      %mul3A_238 = arith.mulf %get3A_232, %mul3A_237 : vector<16xf32>
      %convert_element_type3A_239 = arith.fptosi %mul3A_238 : vector<16xf32> to vector<16xi32>
      %jit3A_240 = arith.constant 0 : i32
      %jit3A_241 = arith.constant 1499 : i32
      %max3A_242 = vector.broadcast %jit3A_240 : i32 to vector<16xi32>
      %max3A_243 = arith.maxsi %max3A_242, %convert_element_type3A_239 : vector<16xi32>
      %min3A_244 = vector.broadcast %jit3A_241 : i32 to vector<16xi32>
      %min3A_245 = arith.minsi %min3A_244, %max3A_243 : vector<16xi32>
      %swap3A_246 = arith.constant 64 : index
      %swap3A_247 = tpu.vector_load %arg11[%swap3A_246] {strides = array<i32>} : memref<208xi32, #tpu.memory_space<vmem>>, vector<16xi32>,
      tpu.vector_store %arg11[%swap3A_246], %min3A_245 {strides = array<i32>} : memref<208xi32, #tpu.memory_space<vmem>>, vector<16xi32>,
      %swap3A_248 = arith.constant 64 : index
      %swap3A_249 = tpu.vector_load %arg12[%swap3A_248] {strides = array<i32>} : memref<208xf32, #tpu.memory_space<vmem>>, vector<16xf32>,
      tpu.vector_store %arg12[%swap3A_248], %get3A_235 {strides = array<i32>} : memref<208xf32, #tpu.memory_space<vmem>>, vector<16xf32>,
      %gather3A_250 = tpu.vector_load_idx %arg7[%broadcast_in_dim3A_142, %min3A_245] : memref<32x1500xf32, #tpu.memory_space<vmem>>[vector<16xi32>, vector<16xi32>], vector<16xf32>,
      tpu.vector_store_idx %arg10[%min3A_245], %get3A_235 {add = true} : memref<1504xf32, #tpu.memory_space<vmem>>[vector<16xi32>], vector<16xf32>,
      %mul3A_251 = arith.mulf %gather3A_250, %get3A_235 : vector<16xf32>
      %add3A_252 = arith.addf %add3A_229, %mul3A_251 : vector<16xf32>
      %get3A_253 = arith.index_cast %scan3A_141 : i32 to index
      %get3A_254 = arith.constant 80 : index
      %get3A_255 = tpu.vector_load %arg8[%get3A_253, %get3A_254] {strides = array<i32>} : memref<32x200xf32, #tpu.memory_space<vmem>>, vector<16xf32>,
      %get3A_256 = arith.index_cast %scan3A_141 : i32 to index
      %get3A_257 = arith.constant 80 : index
      %get3A_258 = tpu.vector_load %arg9[%get3A_256, %get3A_257] {strides = array<i32>} : memref<32x200xf32, #tpu.memory_space<vmem>>, vector<16xf32>,
      %mul3A_259 = arith.constant 1.500000e+03 : f32
      %mul3A_260 = vector.broadcast %mul3A_259 : f32 to vector<16xf32>
      %mul3A_261 = arith.mulf %get3A_255, %mul3A_260 : vector<16xf32>
      %convert_element_type3A_262 = arith.fptosi %mul3A_261 : vector<16xf32> to vector<16xi32>
      %jit3A_263 = arith.constant 0 : i32
      %jit3A_264 = arith.constant 1499 : i32
      %max3A_265 = vector.broadcast %jit3A_263 : i32 to vector<16xi32>
      %max3A_266 = arith.maxsi %max3A_265, %convert_element_type3A_262 : vector<16xi32>
      %min3A_267 = vector.broadcast %jit3A_264 : i32 to vector<16xi32>
      %min3A_268 = arith.minsi %min3A_267, %max3A_266 : vector<16xi32>
      %swap3A_269 = arith.constant 80 : index
      %swap3A_270 = tpu.vector_load %arg11[%swap3A_269] {strides = array<i32>} : memref<208xi32, #tpu.memory_space<vmem>>, vector<16xi32>,
      tpu.vector_store %arg11[%swap3A_269], %min3A_268 {strides = array<i32>} : memref<208xi32, #tpu.memory_space<vmem>>, vector<16xi32>,
      %swap3A_271 = arith.constant 80 : index
      %swap3A_272 = tpu.vector_load %arg12[%swap3A_271] {strides = array<i32>} : memref<208xf32, #tpu.memory_space<vmem>>, vector<16xf32>,
      tpu.vector_store %arg12[%swap3A_271], %get3A_258 {strides = array<i32>} : memref<208xf32, #tpu.memory_space<vmem>>, vector<16xf32>,
      %gather3A_273 = tpu.vector_load_idx %arg7[%broadcast_in_dim3A_142, %min3A_268] : memref<32x1500xf32, #tpu.memory_space<vmem>>[vector<16xi32>, vector<16xi32>], vector<16xf32>,
      tpu.vector_store_idx %arg10[%min3A_268], %get3A_258 {add = true} : memref<1504xf32, #tpu.memory_space<vmem>>[vector<16xi32>], vector<16xf32>,
      %mul3A_274 = arith.mulf %gather3A_273, %get3A_258 : vector<16xf32>
      %add3A_275 = arith.addf %add3A_252, %mul3A_274 : vector<16xf32>
      %get3A_276 = arith.index_cast %scan3A_141 : i32 to index
      %get3A_277 = arith.constant 96 : index
      %get3A_278 = tpu.vector_load %arg8[%get3A_276, %get3A_277] {strides = array<i32>} : memref<32x200xf32, #tpu.memory_space<vmem>>, vector<16xf32>,
      %get3A_279 = arith.index_cast %scan3A_141 : i32 to index
      %get3A_280 = arith.constant 96 : index
      %get3A_281 = tpu.vector_load %arg9[%get3A_279, %get3A_280] {strides = array<i32>} : memref<32x200xf32, #tpu.memory_space<vmem>>, vector<16xf32>,
      %mul3A_282 = arith.constant 1.500000e+03 : f32
      %mul3A_283 = vector.broadcast %mul3A_282 : f32 to vector<16xf32>
      %mul3A_284 = arith.mulf %get3A_278, %mul3A_283 : vector<16xf32>
      %convert_element_type3A_285 = arith.fptosi %mul3A_284 : vector<16xf32> to vector<16xi32>
      %jit3A_286 = arith.constant 0 : i32
      %jit3A_287 = arith.constant 1499 : i32
      %max3A_288 = vector.broadcast %jit3A_286 : i32 to vector<16xi32>
      %max3A_289 = arith.maxsi %max3A_288, %convert_element_type3A_285 : vector<16xi32>
      %min3A_290 = vector.broadcast %jit3A_287 : i32 to vector<16xi32>
      %min3A_291 = arith.minsi %min3A_290, %max3A_289 : vector<16xi32>
      %swap3A_292 = arith.constant 96 : index
      %swap3A_293 = tpu.vector_load %arg11[%swap3A_292] {strides = array<i32>} : memref<208xi32, #tpu.memory_space<vmem>>, vector<16xi32>,
      tpu.vector_store %arg11[%swap3A_292], %min3A_291 {strides = array<i32>} : memref<208xi32, #tpu.memory_space<vmem>>, vector<16xi32>,
      %swap3A_294 = arith.constant 96 : index
      %swap3A_295 = tpu.vector_load %arg12[%swap3A_294] {strides = array<i32>} : memref<208xf32, #tpu.memory_space<vmem>>, vector<16xf32>,
      tpu.vector_store %arg12[%swap3A_294], %get3A_281 {strides = array<i32>} : memref<208xf32, #tpu.memory_space<vmem>>, vector<16xf32>,
      %gather3A_296 = tpu.vector_load_idx %arg7[%broadcast_in_dim3A_142, %min3A_291] : memref<32x1500xf32, #tpu.memory_space<vmem>>[vector<16xi32>, vector<16xi32>], vector<16xf32>,
      tpu.vector_store_idx %arg10[%min3A_291], %get3A_281 {add = true} : memref<1504xf32, #tpu.memory_space<vmem>>[vector<16xi32>], vector<16xf32>,
      %mul3A_297 = arith.mulf %gather3A_296, %get3A_281 : vector<16xf32>
      %add3A_298 = arith.addf %add3A_275, %mul3A_297 : vector<16xf32>
      %get3A_299 = arith.index_cast %scan3A_141 : i32 to index
      %get3A_300 = arith.constant 112 : index
      %get3A_301 = tpu.vector_load %arg8[%get3A_299, %get3A_300] {strides = array<i32>} : memref<32x200xf32, #tpu.memory_space<vmem>>, vector<16xf32>,
      %get3A_302 = arith.index_cast %scan3A_141 : i32 to index
      %get3A_303 = arith.constant 112 : index
      %get3A_304 = tpu.vector_load %arg9[%get3A_302, %get3A_303] {strides = array<i32>} : memref<32x200xf32, #tpu.memory_space<vmem>>, vector<16xf32>,
      %mul3A_305 = arith.constant 1.500000e+03 : f32
      %mul3A_306 = vector.broadcast %mul3A_305 : f32 to vector<16xf32>
      %mul3A_307 = arith.mulf %get3A_301, %mul3A_306 : vector<16xf32>
      %convert_element_type3A_308 = arith.fptosi %mul3A_307 : vector<16xf32> to vector<16xi32>
      %jit3A_309 = arith.constant 0 : i32
      %jit3A_310 = arith.constant 1499 : i32
      %max3A_311 = vector.broadcast %jit3A_309 : i32 to vector<16xi32>
      %max3A_312 = arith.maxsi %max3A_311, %convert_element_type3A_308 : vector<16xi32>
      %min3A_313 = vector.broadcast %jit3A_310 : i32 to vector<16xi32>
      %min3A_314 = arith.minsi %min3A_313, %max3A_312 : vector<16xi32>
      %swap3A_315 = arith.constant 112 : index
      %swap3A_316 = tpu.vector_load %arg11[%swap3A_315] {strides = array<i32>} : memref<208xi32, #tpu.memory_space<vmem>>, vector<16xi32>,
      tpu.vector_store %arg11[%swap3A_315], %min3A_314 {strides = array<i32>} : memref<208xi32, #tpu.memory_space<vmem>>, vector<16xi32>,
      %swap3A_317 = arith.constant 112 : index
      %swap3A_318 = tpu.vector_load %arg12[%swap3A_317] {strides = array<i32>} : memref<208xf32, #tpu.memory_space<vmem>>, vector<16xf32>,
      tpu.vector_store %arg12[%swap3A_317], %get3A_304 {strides = array<i32>} : memref<208xf32, #tpu.memory_space<vmem>>, vector<16xf32>,
      %gather3A_319 = tpu.vector_load_idx %arg7[%broadcast_in_dim3A_142, %min3A_314] : memref<32x1500xf32, #tpu.memory_space<vmem>>[vector<16xi32>, vector<16xi32>], vector<16xf32>,
      tpu.vector_store_idx %arg10[%min3A_314], %get3A_304 {add = true} : memref<1504xf32, #tpu.memory_space<vmem>>[vector<16xi32>], vector<16xf32>,
      %mul3A_320 = arith.mulf %gather3A_319, %get3A_304 : vector<16xf32>
      %add3A_321 = arith.addf %add3A_298, %mul3A_320 : vector<16xf32>
      %get3A_322 = arith.index_cast %scan3A_141 : i32 to index
      %get3A_323 = arith.constant 128 : index
      %get3A_324 = tpu.vector_load %arg8[%get3A_322, %get3A_323] {strides = array<i32>} : memref<32x200xf32, #tpu.memory_space<vmem>>, vector<16xf32>,
      %get3A_325 = arith.index_cast %scan3A_141 : i32 to index
      %get3A_326 = arith.constant 128 : index
      %get3A_327 = tpu.vector_load %arg9[%get3A_325, %get3A_326] {strides = array<i32>} : memref<32x200xf32, #tpu.memory_space<vmem>>, vector<16xf32>,
      %mul3A_328 = arith.constant 1.500000e+03 : f32
      %mul3A_329 = vector.broadcast %mul3A_328 : f32 to vector<16xf32>
      %mul3A_330 = arith.mulf %get3A_324, %mul3A_329 : vector<16xf32>
      %convert_element_type3A_331 = arith.fptosi %mul3A_330 : vector<16xf32> to vector<16xi32>
      %jit3A_332 = arith.constant 0 : i32
      %jit3A_333 = arith.constant 1499 : i32
      %max3A_334 = vector.broadcast %jit3A_332 : i32 to vector<16xi32>
      %max3A_335 = arith.maxsi %max3A_334, %convert_element_type3A_331 : vector<16xi32>
      %min3A_336 = vector.broadcast %jit3A_333 : i32 to vector<16xi32>
      %min3A_337 = arith.minsi %min3A_336, %max3A_335 : vector<16xi32>
      %swap3A_338 = arith.constant 128 : index
      %swap3A_339 = tpu.vector_load %arg11[%swap3A_338] {strides = array<i32>} : memref<208xi32, #tpu.memory_space<vmem>>, vector<16xi32>,
      tpu.vector_store %arg11[%swap3A_338], %min3A_337 {strides = array<i32>} : memref<208xi32, #tpu.memory_space<vmem>>, vector<16xi32>,
      %swap3A_340 = arith.constant 128 : index
      %swap3A_341 = tpu.vector_load %arg12[%swap3A_340] {strides = array<i32>} : memref<208xf32, #tpu.memory_space<vmem>>, vector<16xf32>,
      tpu.vector_store %arg12[%swap3A_340], %get3A_327 {strides = array<i32>} : memref<208xf32, #tpu.memory_space<vmem>>, vector<16xf32>,
      %gather3A_342 = tpu.vector_load_idx %arg7[%broadcast_in_dim3A_142, %min3A_337] : memref<32x1500xf32, #tpu.memory_space<vmem>>[vector<16xi32>, vector<16xi32>], vector<16xf32>,
      tpu.vector_store_idx %arg10[%min3A_337], %get3A_327 {add = true} : memref<1504xf32, #tpu.memory_space<vmem>>[vector<16xi32>], vector<16xf32>,
      %mul3A_343 = arith.mulf %gather3A_342, %get3A_327 : vector<16xf32>
      %add3A_344 = arith.addf %add3A_321, %mul3A_343 : vector<16xf32>
      %get3A_345 = arith.index_cast %scan3A_141 : i32 to index
      %get3A_346 = arith.constant 144 : index
      %get3A_347 = tpu.vector_load %arg8[%get3A_345, %get3A_346] {strides = array<i32>} : memref<32x200xf32, #tpu.memory_space<vmem>>, vector<16xf32>,
      %get3A_348 = arith.index_cast %scan3A_141 : i32 to index
      %get3A_349 = arith.constant 144 : index
      %get3A_350 = tpu.vector_load %arg9[%get3A_348, %get3A_349] {strides = array<i32>} : memref<32x200xf32, #tpu.memory_space<vmem>>, vector<16xf32>,
      %mul3A_351 = arith.constant 1.500000e+03 : f32
      %mul3A_352 = vector.broadcast %mul3A_351 : f32 to vector<16xf32>
      %mul3A_353 = arith.mulf %get3A_347, %mul3A_352 : vector<16xf32>
      %convert_element_type3A_354 = arith.fptosi %mul3A_353 : vector<16xf32> to vector<16xi32>
      %jit3A_355 = arith.constant 0 : i32
      %jit3A_356 = arith.constant 1499 : i32
      %max3A_357 = vector.broadcast %jit3A_355 : i32 to vector<16xi32>
      %max3A_358 = arith.maxsi %max3A_357, %convert_element_type3A_354 : vector<16xi32>
      %min3A_359 = vector.broadcast %jit3A_356 : i32 to vector<16xi32>
      %min3A_360 = arith.minsi %min3A_359, %max3A_358 : vector<16xi32>
      %swap3A_361 = arith.constant 144 : index
      %swap3A_362 = tpu.vector_load %arg11[%swap3A_361] {strides = array<i32>} : memref<208xi32, #tpu.memory_space<vmem>>, vector<16xi32>,
      tpu.vector_store %arg11[%swap3A_361], %min3A_360 {strides = array<i32>} : memref<208xi32, #tpu.memory_space<vmem>>, vector<16xi32>,
      %swap3A_363 = arith.constant 144 : index
      %swap3A_364 = tpu.vector_load %arg12[%swap3A_363] {strides = array<i32>} : memref<208xf32, #tpu.memory_space<vmem>>, vector<16xf32>,
      tpu.vector_store %arg12[%swap3A_363], %get3A_350 {strides = array<i32>} : memref<208xf32, #tpu.memory_space<vmem>>, vector<16xf32>,
      %gather3A_365 = tpu.vector_load_idx %arg7[%broadcast_in_dim3A_142, %min3A_360] : memref<32x1500xf32, #tpu.memory_space<vmem>>[vector<16xi32>, vector<16xi32>], vector<16xf32>,
      tpu.vector_store_idx %arg10[%min3A_360], %get3A_350 {add = true} : memref<1504xf32, #tpu.memory_space<vmem>>[vector<16xi32>], vector<16xf32>,
      %mul3A_366 = arith.mulf %gather3A_365, %get3A_350 : vector<16xf32>
      %add3A_367 = arith.addf %add3A_344, %mul3A_366 : vector<16xf32>
      %get3A_368 = arith.index_cast %scan3A_141 : i32 to index
      %get3A_369 = arith.constant 160 : index
      %get3A_370 = tpu.vector_load %arg8[%get3A_368, %get3A_369] {strides = array<i32>} : memref<32x200xf32, #tpu.memory_space<vmem>>, vector<16xf32>,
      %get3A_371 = arith.index_cast %scan3A_141 : i32 to index
      %get3A_372 = arith.constant 160 : index
      %get3A_373 = tpu.vector_load %arg9[%get3A_371, %get3A_372] {strides = array<i32>} : memref<32x200xf32, #tpu.memory_space<vmem>>, vector<16xf32>,
      %mul3A_374 = arith.constant 1.500000e+03 : f32
      %mul3A_375 = vector.broadcast %mul3A_374 : f32 to vector<16xf32>
      %mul3A_376 = arith.mulf %get3A_370, %mul3A_375 : vector<16xf32>
      %convert_element_type3A_377 = arith.fptosi %mul3A_376 : vector<16xf32> to vector<16xi32>
      %jit3A_378 = arith.constant 0 : i32
      %jit3A_379 = arith.constant 1499 : i32
      %max3A_380 = vector.broadcast %jit3A_378 : i32 to vector<16xi32>
      %max3A_381 = arith.maxsi %max3A_380, %convert_element_type3A_377 : vector<16xi32>
      %min3A_382 = vector.broadcast %jit3A_379 : i32 to vector<16xi32>
      %min3A_383 = arith.minsi %min3A_382, %max3A_381 : vector<16xi32>
      %swap3A_384 = arith.constant 160 : index
      %swap3A_385 = tpu.vector_load %arg11[%swap3A_384] {strides = array<i32>} : memref<208xi32, #tpu.memory_space<vmem>>, vector<16xi32>,
      tpu.vector_store %arg11[%swap3A_384], %min3A_383 {strides = array<i32>} : memref<208xi32, #tpu.memory_space<vmem>>, vector<16xi32>,
      %swap3A_386 = arith.constant 160 : index
      %swap3A_387 = tpu.vector_load %arg12[%swap3A_386] {strides = array<i32>} : memref<208xf32, #tpu.memory_space<vmem>>, vector<16xf32>,
      tpu.vector_store %arg12[%swap3A_386], %get3A_373 {strides = array<i32>} : memref<208xf32, #tpu.memory_space<vmem>>, vector<16xf32>,
      %gather3A_388 = tpu.vector_load_idx %arg7[%broadcast_in_dim3A_142, %min3A_383] : memref<32x1500xf32, #tpu.memory_space<vmem>>[vector<16xi32>, vector<16xi32>], vector<16xf32>,
      tpu.vector_store_idx %arg10[%min3A_383], %get3A_373 {add = true} : memref<1504xf32, #tpu.memory_space<vmem>>[vector<16xi32>], vector<16xf32>,
      %mul3A_389 = arith.mulf %gather3A_388, %get3A_373 : vector<16xf32>
      %add3A_390 = arith.addf %add3A_367, %mul3A_389 : vector<16xf32>
      %get3A_391 = arith.index_cast %scan3A_141 : i32 to index
      %get3A_392 = arith.constant 176 : index
      %get3A_393 = tpu.vector_load %arg8[%get3A_391, %get3A_392] {strides = array<i32>} : memref<32x200xf32, #tpu.memory_space<vmem>>, vector<16xf32>,
      %get3A_394 = arith.index_cast %scan3A_141 : i32 to index
      %get3A_395 = arith.constant 176 : index
      %get3A_396 = tpu.vector_load %arg9[%get3A_394, %get3A_395] {strides = array<i32>} : memref<32x200xf32, #tpu.memory_space<vmem>>, vector<16xf32>,
      %mul3A_397 = arith.constant 1.500000e+03 : f32
      %mul3A_398 = vector.broadcast %mul3A_397 : f32 to vector<16xf32>
      %mul3A_399 = arith.mulf %get3A_393, %mul3A_398 : vector<16xf32>
      %convert_element_type3A_400 = arith.fptosi %mul3A_399 : vector<16xf32> to vector<16xi32>
      %jit3A_401 = arith.constant 0 : i32
      %jit3A_402 = arith.constant 1499 : i32
      %max3A_403 = vector.broadcast %jit3A_401 : i32 to vector<16xi32>
      %max3A_404 = arith.maxsi %max3A_403, %convert_element_type3A_400 : vector<16xi32>
      %min3A_405 = vector.broadcast %jit3A_402 : i32 to vector<16xi32>
      %min3A_406 = arith.minsi %min3A_405, %max3A_404 : vector<16xi32>
      %swap3A_407 = arith.constant 176 : index
      %swap3A_408 = tpu.vector_load %arg11[%swap3A_407] {strides = array<i32>} : memref<208xi32, #tpu.memory_space<vmem>>, vector<16xi32>,
      tpu.vector_store %arg11[%swap3A_407], %min3A_406 {strides = array<i32>} : memref<208xi32, #tpu.memory_space<vmem>>, vector<16xi32>,
      %swap3A_409 = arith.constant 176 : index
      %swap3A_410 = tpu.vector_load %arg12[%swap3A_409] {strides = array<i32>} : memref<208xf32, #tpu.memory_space<vmem>>, vector<16xf32>,
      tpu.vector_store %arg12[%swap3A_409], %get3A_396 {strides = array<i32>} : memref<208xf32, #tpu.memory_space<vmem>>, vector<16xf32>,
      %gather3A_411 = tpu.vector_load_idx %arg7[%broadcast_in_dim3A_142, %min3A_406] : memref<32x1500xf32, #tpu.memory_space<vmem>>[vector<16xi32>, vector<16xi32>], vector<16xf32>,
      tpu.vector_store_idx %arg10[%min3A_406], %get3A_396 {add = true} : memref<1504xf32, #tpu.memory_space<vmem>>[vector<16xi32>], vector<16xf32>,
      %mul3A_412 = arith.mulf %gather3A_411, %get3A_396 : vector<16xf32>
      %add3A_413 = arith.addf %add3A_390, %mul3A_412 : vector<16xf32>
      %get3A_414 = arith.index_cast %scan3A_141 : i32 to index
      %get3A_415 = arith.constant 184 : index
      %get3A_416 = tpu.vector_load %arg8[%get3A_414, %get3A_415] {strides = array<i32>} : memref<32x200xf32, #tpu.memory_space<vmem>>, vector<16xf32>,
      %get3A_417 = arith.index_cast %scan3A_141 : i32 to index
      %get3A_418 = arith.constant 184 : index
      %get3A_419 = tpu.vector_load %arg9[%get3A_417, %get3A_418] {strides = array<i32>} : memref<32x200xf32, #tpu.memory_space<vmem>>, vector<16xf32>,
      %jit3A_420 = arith.constant 0.000000e+00 : f32
      %broadcast_in_dim3A_421 = vector.broadcast %jit3A_420 : f32 to vector<16xf32>
      %select_n3A = arith.select %ge3A_36, %get3A_419, %broadcast_in_dim3A_421 : vector<16xi1>, vector<16xf32>
      %mul3A_422 = arith.constant 1.500000e+03 : f32
      %mul3A_423 = vector.broadcast %mul3A_422 : f32 to vector<16xf32>
      %mul3A_424 = arith.mulf %get3A_416, %mul3A_423 : vector<16xf32>
      %convert_element_type3A_425 = arith.fptosi %mul3A_424 : vector<16xf32> to vector<16xi32>
      %jit3A_426 = arith.constant 0 : i32
      %jit3A_427 = arith.constant 1499 : i32
      %max3A_428 = vector.broadcast %jit3A_426 : i32 to vector<16xi32>
      %max3A_429 = arith.maxsi %max3A_428, %convert_element_type3A_425 : vector<16xi32>
      %min3A_430 = vector.broadcast %jit3A_427 : i32 to vector<16xi32>
      %min3A_431 = arith.minsi %min3A_430, %max3A_429 : vector<16xi32>
      %swap3A_432 = arith.constant 192 : index
      %swap3A_433 = tpu.vector_load %arg11[%swap3A_432] {strides = array<i32>} : memref<208xi32, #tpu.memory_space<vmem>>, vector<16xi32>,
      tpu.vector_store %arg11[%swap3A_432], %min3A_431 {strides = array<i32>} : memref<208xi32, #tpu.memory_space<vmem>>, vector<16xi32>,
      %swap3A_434 = arith.constant 192 : index
      %swap3A_435 = tpu.vector_load %arg12[%swap3A_434] {strides = array<i32>} : memref<208xf32, #tpu.memory_space<vmem>>, vector<16xf32>,
      tpu.vector_store %arg12[%swap3A_434], %select_n3A {strides = array<i32>} : memref<208xf32, #tpu.memory_space<vmem>>, vector<16xf32>,
      %gather3A_436 = tpu.vector_load_idx %arg7[%broadcast_in_dim3A_142, %min3A_431] : memref<32x1500xf32, #tpu.memory_space<vmem>>[vector<16xi32>, vector<16xi32>], vector<16xf32>,
      tpu.vector_store_idx %arg10[%min3A_431], %select_n3A {add = true} : memref<1504xf32, #tpu.memory_space<vmem>>[vector<16xi32>], vector<16xf32>,
      %mul3A_437 = arith.mulf %gather3A_436, %select_n3A : vector<16xf32>
      %add3A_438 = arith.addf %add3A_413, %mul3A_437 : vector<16xf32>
      %broadcast_in_dim3A_439 = arith.constant 0.000000e+00 : f32
      %broadcast_in_dim3A_440 = vector.broadcast %broadcast_in_dim3A_439 : f32 to vector<16xf32>
      %get3A_441 = arith.constant 0 : index
      %get3A_442 = tpu.vector_load %arg11[%get3A_441] {strides = array<i32>} : memref<208xi32, #tpu.memory_space<vmem>>, vector<16xi32>,
      %get3A_443 = arith.constant 0 : index
      %get3A_444 = tpu.vector_load %arg12[%get3A_443] {strides = array<i32>} : memref<208xf32, #tpu.memory_space<vmem>>, vector<16xf32>,
      %gather3A_445 = tpu.vector_load_idx %arg10[%get3A_442] : memref<1504xf32, #tpu.memory_space<vmem>>[vector<16xi32>], vector<16xf32>,
      %mul3A_446 = arith.mulf %gather3A_445, %get3A_444 : vector<16xf32>
      %add3A_447 = arith.addf %broadcast_in_dim3A_440, %mul3A_446 : vector<16xf32>
      %get3A_448 = arith.constant 16 : index
      %get3A_449 = tpu.vector_load %arg11[%get3A_448] {strides = array<i32>} : memref<208xi32, #tpu.memory_space<vmem>>, vector<16xi32>,
      %get3A_450 = arith.constant 16 : index
      %get3A_451 = tpu.vector_load %arg12[%get3A_450] {strides = array<i32>} : memref<208xf32, #tpu.memory_space<vmem>>, vector<16xf32>,
      %gather3A_452 = tpu.vector_load_idx %arg10[%get3A_449] : memref<1504xf32, #tpu.memory_space<vmem>>[vector<16xi32>], vector<16xf32>,
      %mul3A_453 = arith.mulf %gather3A_452, %get3A_451 : vector<16xf32>
      %add3A_454 = arith.addf %add3A_447, %mul3A_453 : vector<16xf32>
      %get3A_455 = arith.constant 32 : index
      %get3A_456 = tpu.vector_load %arg11[%get3A_455] {strides = array<i32>} : memref<208xi32, #tpu.memory_space<vmem>>, vector<16xi32>,
      %get3A_457 = arith.constant 32 : index
      %get3A_458 = tpu.vector_load %arg12[%get3A_457] {strides = array<i32>} : memref<208xf32, #tpu.memory_space<vmem>>, vector<16xf32>,
      %gather3A_459 = tpu.vector_load_idx %arg10[%get3A_456] : memref<1504xf32, #tpu.memory_space<vmem>>[vector<16xi32>], vector<16xf32>,
      %mul3A_460 = arith.mulf %gather3A_459, %get3A_458 : vector<16xf32>
      %add3A_461 = arith.addf %add3A_454, %mul3A_460 : vector<16xf32>
      %get3A_462 = arith.constant 48 : index
      %get3A_463 = tpu.vector_load %arg11[%get3A_462] {strides = array<i32>} : memref<208xi32, #tpu.memory_space<vmem>>, vector<16xi32>,
      %get3A_464 = arith.constant 48 : index
      %get3A_465 = tpu.vector_load %arg12[%get3A_464] {strides = array<i32>} : memref<208xf32, #tpu.memory_space<vmem>>, vector<16xf32>,
      %gather3A_466 = tpu.vector_load_idx %arg10[%get3A_463] : memref<1504xf32, #tpu.memory_space<vmem>>[vector<16xi32>], vector<16xf32>,
      %mul3A_467 = arith.mulf %gather3A_466, %get3A_465 : vector<16xf32>
      %add3A_468 = arith.addf %add3A_461, %mul3A_467 : vector<16xf32>
      %get3A_469 = arith.constant 64 : index
      %get3A_470 = tpu.vector_load %arg11[%get3A_469] {strides = array<i32>} : memref<208xi32, #tpu.memory_space<vmem>>, vector<16xi32>,
      %get3A_471 = arith.constant 64 : index
      %get3A_472 = tpu.vector_load %arg12[%get3A_471] {strides = array<i32>} : memref<208xf32, #tpu.memory_space<vmem>>, vector<16xf32>,
      %gather3A_473 = tpu.vector_load_idx %arg10[%get3A_470] : memref<1504xf32, #tpu.memory_space<vmem>>[vector<16xi32>], vector<16xf32>,
      %mul3A_474 = arith.mulf %gather3A_473, %get3A_472 : vector<16xf32>
      %add3A_475 = arith.addf %add3A_468, %mul3A_474 : vector<16xf32>
      %get3A_476 = arith.constant 80 : index
      %get3A_477 = tpu.vector_load %arg11[%get3A_476] {strides = array<i32>} : memref<208xi32, #tpu.memory_space<vmem>>, vector<16xi32>,
      %get3A_478 = arith.constant 80 : index
      %get3A_479 = tpu.vector_load %arg12[%get3A_478] {strides = array<i32>} : memref<208xf32, #tpu.memory_space<vmem>>, vector<16xf32>,
      %gather3A_480 = tpu.vector_load_idx %arg10[%get3A_477] : memref<1504xf32, #tpu.memory_space<vmem>>[vector<16xi32>], vector<16xf32>,
      %mul3A_481 = arith.mulf %gather3A_480, %get3A_479 : vector<16xf32>
      %add3A_482 = arith.addf %add3A_475, %mul3A_481 : vector<16xf32>
      %get3A_483 = arith.constant 96 : index
      %get3A_484 = tpu.vector_load %arg11[%get3A_483] {strides = array<i32>} : memref<208xi32, #tpu.memory_space<vmem>>, vector<16xi32>,
      %get3A_485 = arith.constant 96 : index
      %get3A_486 = tpu.vector_load %arg12[%get3A_485] {strides = array<i32>} : memref<208xf32, #tpu.memory_space<vmem>>, vector<16xf32>,
      %gather3A_487 = tpu.vector_load_idx %arg10[%get3A_484] : memref<1504xf32, #tpu.memory_space<vmem>>[vector<16xi32>], vector<16xf32>,
      %mul3A_488 = arith.mulf %gather3A_487, %get3A_486 : vector<16xf32>
      %add3A_489 = arith.addf %add3A_482, %mul3A_488 : vector<16xf32>
      %get3A_490 = arith.constant 112 : index
      %get3A_491 = tpu.vector_load %arg11[%get3A_490] {strides = array<i32>} : memref<208xi32, #tpu.memory_space<vmem>>, vector<16xi32>,
      %get3A_492 = arith.constant 112 : index
      %get3A_493 = tpu.vector_load %arg12[%get3A_492] {strides = array<i32>} : memref<208xf32, #tpu.memory_space<vmem>>, vector<16xf32>,
      %gather3A_494 = tpu.vector_load_idx %arg10[%get3A_491] : memref<1504xf32, #tpu.memory_space<vmem>>[vector<16xi32>], vector<16xf32>,
      %mul3A_495 = arith.mulf %gather3A_494, %get3A_493 : vector<16xf32>
      %add3A_496 = arith.addf %add3A_489, %mul3A_495 : vector<16xf32>
      %get3A_497 = arith.constant 128 : index
      %get3A_498 = tpu.vector_load %arg11[%get3A_497] {strides = array<i32>} : memref<208xi32, #tpu.memory_space<vmem>>, vector<16xi32>,
      %get3A_499 = arith.constant 128 : index
      %get3A_500 = tpu.vector_load %arg12[%get3A_499] {strides = array<i32>} : memref<208xf32, #tpu.memory_space<vmem>>, vector<16xf32>,
      %gather3A_501 = tpu.vector_load_idx %arg10[%get3A_498] : memref<1504xf32, #tpu.memory_space<vmem>>[vector<16xi32>], vector<16xf32>,
      %mul3A_502 = arith.mulf %gather3A_501, %get3A_500 : vector<16xf32>
      %add3A_503 = arith.addf %add3A_496, %mul3A_502 : vector<16xf32>
      %get3A_504 = arith.constant 144 : index
      %get3A_505 = tpu.vector_load %arg11[%get3A_504] {strides = array<i32>} : memref<208xi32, #tpu.memory_space<vmem>>, vector<16xi32>,
      %get3A_506 = arith.constant 144 : index
      %get3A_507 = tpu.vector_load %arg12[%get3A_506] {strides = array<i32>} : memref<208xf32, #tpu.memory_space<vmem>>, vector<16xf32>,
      %gather3A_508 = tpu.vector_load_idx %arg10[%get3A_505] : memref<1504xf32, #tpu.memory_space<vmem>>[vector<16xi32>], vector<16xf32>,
      %mul3A_509 = arith.mulf %gather3A_508, %get3A_507 : vector<16xf32>
      %add3A_510 = arith.addf %add3A_503, %mul3A_509 : vector<16xf32>
      %get3A_511 = arith.constant 160 : index
      %get3A_512 = tpu.vector_load %arg11[%get3A_511] {strides = array<i32>} : memref<208xi32, #tpu.memory_space<vmem>>, vector<16xi32>,
      %get3A_513 = arith.constant 160 : index
      %get3A_514 = tpu.vector_load %arg12[%get3A_513] {strides = array<i32>} : memref<208xf32, #tpu.memory_space<vmem>>, vector<16xf32>,
      %gather3A_515 = tpu.vector_load_idx %arg10[%get3A_512] : memref<1504xf32, #tpu.memory_space<vmem>>[vector<16xi32>], vector<16xf32>,
      %mul3A_516 = arith.mulf %gather3A_515, %get3A_514 : vector<16xf32>
      %add3A_517 = arith.addf %add3A_510, %mul3A_516 : vector<16xf32>
      %get3A_518 = arith.constant 176 : index
      %get3A_519 = tpu.vector_load %arg11[%get3A_518] {strides = array<i32>} : memref<208xi32, #tpu.memory_space<vmem>>, vector<16xi32>,
      %get3A_520 = arith.constant 176 : index
      %get3A_521 = tpu.vector_load %arg12[%get3A_520] {strides = array<i32>} : memref<208xf32, #tpu.memory_space<vmem>>, vector<16xf32>,
      %gather3A_522 = tpu.vector_load_idx %arg10[%get3A_519] : memref<1504xf32, #tpu.memory_space<vmem>>[vector<16xi32>], vector<16xf32>,
      %mul3A_523 = arith.mulf %gather3A_522, %get3A_521 : vector<16xf32>
      %add3A_524 = arith.addf %add3A_517, %mul3A_523 : vector<16xf32>
      %get3A_525 = arith.constant 192 : index
      %get3A_526 = tpu.vector_load %arg11[%get3A_525] {strides = array<i32>} : memref<208xi32, #tpu.memory_space<vmem>>, vector<16xi32>,
      %get3A_527 = arith.constant 192 : index
      %get3A_528 = tpu.vector_load %arg12[%get3A_527] {strides = array<i32>} : memref<208xf32, #tpu.memory_space<vmem>>, vector<16xf32>,
      %gather3A_529 = tpu.vector_load_idx %arg10[%get3A_526] : memref<1504xf32, #tpu.memory_space<vmem>>[vector<16xi32>], vector<16xf32>,
      %mul3A_530 = arith.mulf %gather3A_529, %get3A_528 : vector<16xf32>
      %add3A_531 = arith.addf %add3A_524, %mul3A_530 : vector<16xf32>
      %get3A_532 = arith.constant 0 : index
      %get3A_533 = tpu.vector_load %arg11[%get3A_532] {strides = array<i32>} : memref<208xi32, #tpu.memory_space<vmem>>, vector<16xi32>,
      tpu.vector_store_idx %arg10[%get3A_533], %broadcast_in_dim3A_34 : memref<1504xf32, #tpu.memory_space<vmem>>[vector<16xi32>], vector<16xf32>,
      %get3A_534 = arith.constant 16 : index
      %get3A_535 = tpu.vector_load %arg11[%get3A_534] {strides = array<i32>} : memref<208xi32, #tpu.memory_space<vmem>>, vector<16xi32>,
      tpu.vector_store_idx %arg10[%get3A_535], %broadcast_in_dim3A_34 : memref<1504xf32, #tpu.memory_space<vmem>>[vector<16xi32>], vector<16xf32>,
      %get3A_536 = arith.constant 32 : index
      %get3A_537 = tpu.vector_load %arg11[%get3A_536] {strides = array<i32>} : memref<208xi32, #tpu.memory_space<vmem>>, vector<16xi32>,
      tpu.vector_store_idx %arg10[%get3A_537], %broadcast_in_dim3A_34 : memref<1504xf32, #tpu.memory_space<vmem>>[vector<16xi32>], vector<16xf32>,
      %get3A_538 = arith.constant 48 : index
      %get3A_539 = tpu.vector_load %arg11[%get3A_538] {strides = array<i32>} : memref<208xi32, #tpu.memory_space<vmem>>, vector<16xi32>,
      tpu.vector_store_idx %arg10[%get3A_539], %broadcast_in_dim3A_34 : memref<1504xf32, #tpu.memory_space<vmem>>[vector<16xi32>], vector<16xf32>,
      %get3A_540 = arith.constant 64 : index
      %get3A_541 = tpu.vector_load %arg11[%get3A_540] {strides = array<i32>} : memref<208xi32, #tpu.memory_space<vmem>>, vector<16xi32>,
      tpu.vector_store_idx %arg10[%get3A_541], %broadcast_in_dim3A_34 : memref<1504xf32, #tpu.memory_space<vmem>>[vector<16xi32>], vector<16xf32>,
      %get3A_542 = arith.constant 80 : index
      %get3A_543 = tpu.vector_load %arg11[%get3A_542] {strides = array<i32>} : memref<208xi32, #tpu.memory_space<vmem>>, vector<16xi32>,
      tpu.vector_store_idx %arg10[%get3A_543], %broadcast_in_dim3A_34 : memref<1504xf32, #tpu.memory_space<vmem>>[vector<16xi32>], vector<16xf32>,
      %get3A_544 = arith.constant 96 : index
      %get3A_545 = tpu.vector_load %arg11[%get3A_544] {strides = array<i32>} : memref<208xi32, #tpu.memory_space<vmem>>, vector<16xi32>,
      tpu.vector_store_idx %arg10[%get3A_545], %broadcast_in_dim3A_34 : memref<1504xf32, #tpu.memory_space<vmem>>[vector<16xi32>], vector<16xf32>,
      %get3A_546 = arith.constant 112 : index
      %get3A_547 = tpu.vector_load %arg11[%get3A_546] {strides = array<i32>} : memref<208xi32, #tpu.memory_space<vmem>>, vector<16xi32>,
      tpu.vector_store_idx %arg10[%get3A_547], %broadcast_in_dim3A_34 : memref<1504xf32, #tpu.memory_space<vmem>>[vector<16xi32>], vector<16xf32>,
      %get3A_548 = arith.constant 128 : index
      %get3A_549 = tpu.vector_load %arg11[%get3A_548] {strides = array<i32>} : memref<208xi32, #tpu.memory_space<vmem>>, vector<16xi32>,
      tpu.vector_store_idx %arg10[%get3A_549], %broadcast_in_dim3A_34 : memref<1504xf32, #tpu.memory_space<vmem>>[vector<16xi32>], vector<16xf32>,
      %get3A_550 = arith.constant 144 : index
      %get3A_551 = tpu.vector_load %arg11[%get3A_550] {strides = array<i32>} : memref<208xi32, #tpu.memory_space<vmem>>, vector<16xi32>,
      tpu.vector_store_idx %arg10[%get3A_551], %broadcast_in_dim3A_34 : memref<1504xf32, #tpu.memory_space<vmem>>[vector<16xi32>], vector<16xf32>,
      %get3A_552 = arith.constant 160 : index
      %get3A_553 = tpu.vector_load %arg11[%get3A_552] {strides = array<i32>} : memref<208xi32, #tpu.memory_space<vmem>>, vector<16xi32>,
      tpu.vector_store_idx %arg10[%get3A_553], %broadcast_in_dim3A_34 : memref<1504xf32, #tpu.memory_space<vmem>>[vector<16xi32>], vector<16xf32>,
      %get3A_554 = arith.constant 176 : index
      %get3A_555 = tpu.vector_load %arg11[%get3A_554] {strides = array<i32>} : memref<208xi32, #tpu.memory_space<vmem>>, vector<16xi32>,
      tpu.vector_store_idx %arg10[%get3A_555], %broadcast_in_dim3A_34 : memref<1504xf32, #tpu.memory_space<vmem>>[vector<16xi32>], vector<16xf32>,
      %get3A_556 = arith.constant 192 : index
      %get3A_557 = tpu.vector_load %arg11[%get3A_556] {strides = array<i32>} : memref<208xi32, #tpu.memory_space<vmem>>, vector<16xi32>,
      tpu.vector_store_idx %arg10[%get3A_557], %broadcast_in_dim3A_34 : memref<1504xf32, #tpu.memory_space<vmem>>[vector<16xi32>], vector<16xf32>,
      %jit3A_558 = arith.constant 8 : i32
      %div3A = arith.divsi %scan3A_141, %jit3A_558 : i32
      %sign3A = arith.constant 0 : i32
      %sign3A_559 = arith.cmpi sgt, %scan3A_141, %sign3A : i32
      %sign3A_560 = arith.extui %sign3A_559 : i1 to i32
      %sign3A_561 = arith.constant 0 : i32
      %sign3A_562 = arith.cmpi slt, %scan3A_141, %sign3A_561 : i32
      %sign3A_563 = arith.extui %sign3A_562 : i1 to i32
      %sign3A_564 = arith.subi %sign3A_560, %sign3A_563 : i32
      %sign3A_565 = arith.constant 0 : i32
      %sign3A_566 = arith.cmpi sgt, %jit3A_558, %sign3A_565 : i32
      %sign3A_567 = arith.extui %sign3A_566 : i1 to i32
      %sign3A_568 = arith.constant 0 : i32
      %sign3A_569 = arith.cmpi slt, %jit3A_558, %sign3A_568 : i32
      %sign3A_570 = arith.extui %sign3A_569 : i1 to i32
      %sign3A_571 = arith.subi %sign3A_567, %sign3A_570 : i32
      %ne3A = arith.cmpi ne, %sign3A_564, %sign3A_571 : i32
      %rem3A = arith.remsi %scan3A_141, %jit3A_558 : i32
      %ne3A_572 = arith.constant 0 : i32
      %ne3A_573 = arith.cmpi ne, %rem3A, %ne3A_572 : i32
      %and3A = arith.andi %ne3A, %ne3A_573 : i1
      %sub3A = arith.constant 1 : i32
      %sub3A_574 = arith.subi %div3A, %sub3A : i32
      %select_n3A_575 = arith.select %and3A, %sub3A_574, %div3A : i32
      %jit3A_576 = arith.constant 8 : i32
      %eq3A = arith.constant 0 : i32
      %eq3A_577 = arith.cmpi eq, %jit3A_576, %eq3A : i32
      %jit3A_578 = arith.constant 1 : i32
      %select_n3A_579 = arith.select %eq3A_577, %jit3A_578, %jit3A_576 : i32
      %rem3A_580 = arith.remsi %scan3A_141, %select_n3A_579 : i32
      %ne3A_581 = arith.constant 0 : i32
      %ne3A_582 = arith.cmpi ne, %rem3A_580, %ne3A_581 : i32
      %lt3A = arith.constant 0 : i32
      %lt3A_583 = arith.cmpi slt, %rem3A_580, %lt3A : i32
      %lt3A_584 = arith.constant 0 : i32
      %lt3A_585 = arith.cmpi slt, %select_n3A_579, %lt3A_584 : i32
      %ne3A_586 = arith.xori %lt3A_583, %lt3A_585 : i1
      %and3A_587 = arith.andi %ne3A_586, %ne3A_582 : i1
      %add3A_588 = arith.addi %rem3A_580, %select_n3A_579 : i32
      %select_n3A_589 = arith.select %and3A_587, %add3A_588, %rem3A_580 : i32
      %mul3A_590 = arith.constant 16 : i32
      %mul3A_591 = arith.muli %select_n3A_589, %mul3A_590 : i32
      %swap3A_592 = arith.index_cast %select_n3A_575 : i32 to index
      %swap3A_593 = arith.index_cast %mul3A_591 : i32 to index
      %swap3A_594 = tpu.vector_load %arg13[%swap3A_592, %swap3A_593] {strides = array<i32>} : memref<4x128xf32, #tpu.memory_space<vmem>>, vector<16xf32>,
      tpu.vector_store %arg13[%swap3A_592, %swap3A_593], %add3A_438 {strides = array<i32>} : memref<4x128xf32, #tpu.memory_space<vmem>>, vector<16xf32>,
      %jit3A_595 = arith.constant 8 : i32
      %div3A_596 = arith.divsi %scan3A_141, %jit3A_595 : i32
      %sign3A_597 = arith.constant 0 : i32
      %sign3A_598 = arith.cmpi sgt, %scan3A_141, %sign3A_597 : i32
      %sign3A_599 = arith.extui %sign3A_598 : i1 to i32
      %sign3A_600 = arith.constant 0 : i32
      %sign3A_601 = arith.cmpi slt, %scan3A_141, %sign3A_600 : i32
      %sign3A_602 = arith.extui %sign3A_601 : i1 to i32
      %sign3A_603 = arith.subi %sign3A_599, %sign3A_602 : i32
      %sign3A_604 = arith.constant 0 : i32
      %sign3A_605 = arith.cmpi sgt, %jit3A_595, %sign3A_604 : i32
      %sign3A_606 = arith.extui %sign3A_605 : i1 to i32
      %sign3A_607 = arith.constant 0 : i32
      %sign3A_608 = arith.cmpi slt, %jit3A_595, %sign3A_607 : i32
      %sign3A_609 = arith.extui %sign3A_608 : i1 to i32
      %sign3A_610 = arith.subi %sign3A_606, %sign3A_609 : i32
      %ne3A_611 = arith.cmpi ne, %sign3A_603, %sign3A_610 : i32
      %rem3A_612 = arith.remsi %scan3A_141, %jit3A_595 : i32
      %ne3A_613 = arith.constant 0 : i32
      %ne3A_614 = arith.cmpi ne, %rem3A_612, %ne3A_613 : i32
      %and3A_615 = arith.andi %ne3A_611, %ne3A_614 : i1
      %sub3A_616 = arith.constant 1 : i32
      %sub3A_617 = arith.subi %div3A_596, %sub3A_616 : i32
      %select_n3A_618 = arith.select %and3A_615, %sub3A_617, %div3A_596 : i32
      %jit3A_619 = arith.constant 8 : i32
      %eq3A_620 = arith.constant 0 : i32
      %eq3A_621 = arith.cmpi eq, %jit3A_619, %eq3A_620 : i32
      %jit3A_622 = arith.constant 1 : i32
      %select_n3A_623 = arith.select %eq3A_621, %jit3A_622, %jit3A_619 : i32
      %rem3A_624 = arith.remsi %scan3A_141, %select_n3A_623 : i32
      %ne3A_625 = arith.constant 0 : i32
      %ne3A_626 = arith.cmpi ne, %rem3A_624, %ne3A_625 : i32
      %lt3A_627 = arith.constant 0 : i32
      %lt3A_628 = arith.cmpi slt, %rem3A_624, %lt3A_627 : i32
      %lt3A_629 = arith.constant 0 : i32
      %lt3A_630 = arith.cmpi slt, %select_n3A_623, %lt3A_629 : i32
      %ne3A_631 = arith.xori %lt3A_628, %lt3A_630 : i1
      %and3A_632 = arith.andi %ne3A_631, %ne3A_626 : i1
      %add3A_633 = arith.addi %rem3A_624, %select_n3A_623 : i32
      %select_n3A_634 = arith.select %and3A_632, %add3A_633, %rem3A_624 : i32
      %mul3A_635 = arith.constant 16 : i32
      %mul3A_636 = arith.muli %select_n3A_634, %mul3A_635 : i32
      %swap3A_637 = arith.index_cast %select_n3A_618 : i32 to index
      %swap3A_638 = arith.index_cast %mul3A_636 : i32 to index
      %swap3A_639 = tpu.vector_load %arg14[%swap3A_637, %swap3A_638] {strides = array<i32>} : memref<4x128xf32, #tpu.memory_space<vmem>>, vector<16xf32>,
      tpu.vector_store %arg14[%swap3A_637, %swap3A_638], %add3A_531 {strides = array<i32>} : memref<4x128xf32, #tpu.memory_space<vmem>>, vector<16xf32>,
    }
    %scan3A_76 = arith.constant 8 : i32
    %add3A_77 = arith.constant 24 : i32
    %add3A_78 = arith.addi %mul3A_2, %add3A_77 : i32
    %dma_start3A_79 = arith.constant 24 : i32
    %dma_start3A_80 = arith.constant 0 : i32
    %dma_start3A_81 = tpu.memref_slice %arg7[%dma_start3A_79, %dma_start3A_80] : memref<32x1500xf32, #tpu.memory_space<vmem>> -> memref<8x1500xf32, #tpu.memory_space<vmem>>
    %dma_start3A_82 = arith.constant 0 : i32
    %dma_start3A_83 = tpu.memref_slice %arg2[%add3A_78, %dma_start3A_82] : memref<1024x1500xf32, #tpu.memory_space<hbm>> -> memref<8x1500xf32, #tpu.memory_space<hbm>>
    %dma_start3A_84 = arith.constant 24 : i32
    %dma_start3A_85 = arith.constant 0 : i32
    %dma_start3A_86 = tpu.memref_slice %arg7[%dma_start3A_84, %dma_start3A_85] : memref<32x1500xf32, #tpu.memory_space<vmem>> -> memref<8x1500xf32, #tpu.memory_space<vmem>>
    %dma_start3A_87 = arith.constant 0 : i32
    %dma_start3A_88 = tpu.memref_slice %arg2[%add3A_78, %dma_start3A_87] : memref<1024x1500xf32, #tpu.memory_space<hbm>> -> memref<8x1500xf32, #tpu.memory_space<hbm>>
    tpu.enqueue_dma source(%dma_start3A_88 : memref<8x1500xf32, #tpu.memory_space<hbm>>) target(%dma_start3A_86 : memref<8x1500xf32, #tpu.memory_space<vmem>>) target_semaphore(%arg19 : memref<!tpu.dma_semaphore, #tpu.memory_space<semaphore_mem>>)
    %dma_wait3A_89 = arith.constant 8 : i32
    %dma_wait3A_90 = arith.constant 0 : i32
    %dma_wait3A_91 = tpu.memref_slice %arg7[%dma_wait3A_89, %dma_wait3A_90] : memref<32x1500xf32, #tpu.memory_space<vmem>> -> memref<8x1500xf32, #tpu.memory_space<vmem>>
    %dma_wait3A_92 = arith.constant 0 : i32
    %dma_wait3A_93 = tpu.memref_slice %arg2[%add3A_23, %dma_wait3A_92] : memref<1024x1500xf32, #tpu.memory_space<hbm>> -> memref<8x1500xf32, #tpu.memory_space<hbm>>
    %dma_wait3A_94 = arith.constant 8 : i32
    %dma_wait3A_95 = arith.constant 0 : i32
    %dma_wait3A_96 = tpu.memref_slice %arg7[%dma_wait3A_94, %dma_wait3A_95] : memref<32x1500xf32, #tpu.memory_space<vmem>> -> memref<8x1500xf32, #tpu.memory_space<vmem>>
    %dma_wait3A_97 = arith.constant 0 : i32
    %dma_wait3A_98 = tpu.memref_slice %arg2[%add3A_23, %dma_wait3A_97] : memref<1024x1500xf32, #tpu.memory_space<hbm>> -> memref<8x1500xf32, #tpu.memory_space<hbm>>
    tpu.wait_dma2 semaphore(%arg17 : memref<!tpu.dma_semaphore, #tpu.memory_space<semaphore_mem>>) src(%dma_wait3A_98 : memref<8x1500xf32, #tpu.memory_space<hbm>>) dst(%dma_wait3A_96 : memref<8x1500xf32, #tpu.memory_space<vmem>>)
    %scan3A_99 = arith.constant 0 : i32
    %scan3A_100 = arith.constant 8 : i32
    %scan3A_101 = arith.constant 8 : i32
    %scan3A_102 = arith.addi %scan3A_100, %scan3A_101 : i32
    %scan3A_103 = arith.constant 1 : i32
    scf.for %scan3A_141 = %scan3A_100 to %scan3A_102 step %scan3A_103  : i32 {
      %broadcast_in_dim3A_142 = vector.broadcast %scan3A_141 : i32 to vector<16xi32>
      %broadcast_in_dim3A_143 = arith.constant 0.000000e+00 : f32
      %broadcast_in_dim3A_144 = vector.broadcast %broadcast_in_dim3A_143 : f32 to vector<16xf32>
      %get3A = arith.index_cast %scan3A_141 : i32 to index
      %get3A_145 = arith.constant 0 : index
      %get3A_146 = tpu.vector_load %arg8[%get3A, %get3A_145] {strides = array<i32>} : memref<32x200xf32, #tpu.memory_space<vmem>>, vector<16xf32>,
      %get3A_147 = arith.index_cast %scan3A_141 : i32 to index
      %get3A_148 = arith.constant 0 : index
      %get3A_149 = tpu.vector_load %arg9[%get3A_147, %get3A_148] {strides = array<i32>} : memref<32x200xf32, #tpu.memory_space<vmem>>, vector<16xf32>,
      %mul3A_150 = arith.constant 1.500000e+03 : f32
      %mul3A_151 = vector.broadcast %mul3A_150 : f32 to vector<16xf32>
      %mul3A_152 = arith.mulf %get3A_146, %mul3A_151 : vector<16xf32>
      %convert_element_type3A = arith.fptosi %mul3A_152 : vector<16xf32> to vector<16xi32>
      %jit3A = arith.constant 0 : i32
      %jit3A_153 = arith.constant 1499 : i32
      %max3A = vector.broadcast %jit3A : i32 to vector<16xi32>
      %max3A_154 = arith.maxsi %max3A, %convert_element_type3A : vector<16xi32>
      %min3A = vector.broadcast %jit3A_153 : i32 to vector<16xi32>
      %min3A_155 = arith.minsi %min3A, %max3A_154 : vector<16xi32>
      %swap3A = arith.constant 0 : index
      %swap3A_156 = tpu.vector_load %arg11[%swap3A] {strides = array<i32>} : memref<208xi32, #tpu.memory_space<vmem>>, vector<16xi32>,
      tpu.vector_store %arg11[%swap3A], %min3A_155 {strides = array<i32>} : memref<208xi32, #tpu.memory_space<vmem>>, vector<16xi32>,
      %swap3A_157 = arith.constant 0 : index
      %swap3A_158 = tpu.vector_load %arg12[%swap3A_157] {strides = array<i32>} : memref<208xf32, #tpu.memory_space<vmem>>, vector<16xf32>,
      tpu.vector_store %arg12[%swap3A_157], %get3A_149 {strides = array<i32>} : memref<208xf32, #tpu.memory_space<vmem>>, vector<16xf32>,
      %gather3A = tpu.vector_load_idx %arg7[%broadcast_in_dim3A_142, %min3A_155] : memref<32x1500xf32, #tpu.memory_space<vmem>>[vector<16xi32>, vector<16xi32>], vector<16xf32>,
      tpu.vector_store_idx %arg10[%min3A_155], %get3A_149 {add = true} : memref<1504xf32, #tpu.memory_space<vmem>>[vector<16xi32>], vector<16xf32>,
      %mul3A_159 = arith.mulf %gather3A, %get3A_149 : vector<16xf32>
      %add3A_160 = arith.addf %broadcast_in_dim3A_144, %mul3A_159 : vector<16xf32>
      %get3A_161 = arith.index_cast %scan3A_141 : i32 to index
      %get3A_162 = arith.constant 16 : index
      %get3A_163 = tpu.vector_load %arg8[%get3A_161, %get3A_162] {strides = array<i32>} : memref<32x200xf32, #tpu.memory_space<vmem>>, vector<16xf32>,
      %get3A_164 = arith.index_cast %scan3A_141 : i32 to index
      %get3A_165 = arith.constant 16 : index
      %get3A_166 = tpu.vector_load %arg9[%get3A_164, %get3A_165] {strides = array<i32>} : memref<32x200xf32, #tpu.memory_space<vmem>>, vector<16xf32>,
      %mul3A_167 = arith.constant 1.500000e+03 : f32
      %mul3A_168 = vector.broadcast %mul3A_167 : f32 to vector<16xf32>
      %mul3A_169 = arith.mulf %get3A_163, %mul3A_168 : vector<16xf32>
      %convert_element_type3A_170 = arith.fptosi %mul3A_169 : vector<16xf32> to vector<16xi32>
      %jit3A_171 = arith.constant 0 : i32
      %jit3A_172 = arith.constant 1499 : i32
      %max3A_173 = vector.broadcast %jit3A_171 : i32 to vector<16xi32>
      %max3A_174 = arith.maxsi %max3A_173, %convert_element_type3A_170 : vector<16xi32>
      %min3A_175 = vector.broadcast %jit3A_172 : i32 to vector<16xi32>
      %min3A_176 = arith.minsi %min3A_175, %max3A_174 : vector<16xi32>
      %swap3A_177 = arith.constant 16 : index
      %swap3A_178 = tpu.vector_load %arg11[%swap3A_177] {strides = array<i32>} : memref<208xi32, #tpu.memory_space<vmem>>, vector<16xi32>,
      tpu.vector_store %arg11[%swap3A_177], %min3A_176 {strides = array<i32>} : memref<208xi32, #tpu.memory_space<vmem>>, vector<16xi32>,
      %swap3A_179 = arith.constant 16 : index
      %swap3A_180 = tpu.vector_load %arg12[%swap3A_179] {strides = array<i32>} : memref<208xf32, #tpu.memory_space<vmem>>, vector<16xf32>,
      tpu.vector_store %arg12[%swap3A_179], %get3A_166 {strides = array<i32>} : memref<208xf32, #tpu.memory_space<vmem>>, vector<16xf32>,
      %gather3A_181 = tpu.vector_load_idx %arg7[%broadcast_in_dim3A_142, %min3A_176] : memref<32x1500xf32, #tpu.memory_space<vmem>>[vector<16xi32>, vector<16xi32>], vector<16xf32>,
      tpu.vector_store_idx %arg10[%min3A_176], %get3A_166 {add = true} : memref<1504xf32, #tpu.memory_space<vmem>>[vector<16xi32>], vector<16xf32>,
      %mul3A_182 = arith.mulf %gather3A_181, %get3A_166 : vector<16xf32>
      %add3A_183 = arith.addf %add3A_160, %mul3A_182 : vector<16xf32>
      %get3A_184 = arith.index_cast %scan3A_141 : i32 to index
      %get3A_185 = arith.constant 32 : index
      %get3A_186 = tpu.vector_load %arg8[%get3A_184, %get3A_185] {strides = array<i32>} : memref<32x200xf32, #tpu.memory_space<vmem>>, vector<16xf32>,
      %get3A_187 = arith.index_cast %scan3A_141 : i32 to index
      %get3A_188 = arith.constant 32 : index
      %get3A_189 = tpu.vector_load %arg9[%get3A_187, %get3A_188] {strides = array<i32>} : memref<32x200xf32, #tpu.memory_space<vmem>>, vector<16xf32>,
      %mul3A_190 = arith.constant 1.500000e+03 : f32
      %mul3A_191 = vector.broadcast %mul3A_190 : f32 to vector<16xf32>
      %mul3A_192 = arith.mulf %get3A_186, %mul3A_191 : vector<16xf32>
      %convert_element_type3A_193 = arith.fptosi %mul3A_192 : vector<16xf32> to vector<16xi32>
      %jit3A_194 = arith.constant 0 : i32
      %jit3A_195 = arith.constant 1499 : i32
      %max3A_196 = vector.broadcast %jit3A_194 : i32 to vector<16xi32>
      %max3A_197 = arith.maxsi %max3A_196, %convert_element_type3A_193 : vector<16xi32>
      %min3A_198 = vector.broadcast %jit3A_195 : i32 to vector<16xi32>
      %min3A_199 = arith.minsi %min3A_198, %max3A_197 : vector<16xi32>
      %swap3A_200 = arith.constant 32 : index
      %swap3A_201 = tpu.vector_load %arg11[%swap3A_200] {strides = array<i32>} : memref<208xi32, #tpu.memory_space<vmem>>, vector<16xi32>,
      tpu.vector_store %arg11[%swap3A_200], %min3A_199 {strides = array<i32>} : memref<208xi32, #tpu.memory_space<vmem>>, vector<16xi32>,
      %swap3A_202 = arith.constant 32 : index
      %swap3A_203 = tpu.vector_load %arg12[%swap3A_202] {strides = array<i32>} : memref<208xf32, #tpu.memory_space<vmem>>, vector<16xf32>,
      tpu.vector_store %arg12[%swap3A_202], %get3A_189 {strides = array<i32>} : memref<208xf32, #tpu.memory_space<vmem>>, vector<16xf32>,
      %gather3A_204 = tpu.vector_load_idx %arg7[%broadcast_in_dim3A_142, %min3A_199] : memref<32x1500xf32, #tpu.memory_space<vmem>>[vector<16xi32>, vector<16xi32>], vector<16xf32>,
      tpu.vector_store_idx %arg10[%min3A_199], %get3A_189 {add = true} : memref<1504xf32, #tpu.memory_space<vmem>>[vector<16xi32>], vector<16xf32>,
      %mul3A_205 = arith.mulf %gather3A_204, %get3A_189 : vector<16xf32>
      %add3A_206 = arith.addf %add3A_183, %mul3A_205 : vector<16xf32>
      %get3A_207 = arith.index_cast %scan3A_141 : i32 to index
      %get3A_208 = arith.constant 48 : index
      %get3A_209 = tpu.vector_load %arg8[%get3A_207, %get3A_208] {strides = array<i32>} : memref<32x200xf32, #tpu.memory_space<vmem>>, vector<16xf32>,
      %get3A_210 = arith.index_cast %scan3A_141 : i32 to index
      %get3A_211 = arith.constant 48 : index
      %get3A_212 = tpu.vector_load %arg9[%get3A_210, %get3A_211] {strides = array<i32>} : memref<32x200xf32, #tpu.memory_space<vmem>>, vector<16xf32>,
      %mul3A_213 = arith.constant 1.500000e+03 : f32
      %mul3A_214 = vector.broadcast %mul3A_213 : f32 to vector<16xf32>
      %mul3A_215 = arith.mulf %get3A_209, %mul3A_214 : vector<16xf32>
      %convert_element_type3A_216 = arith.fptosi %mul3A_215 : vector<16xf32> to vector<16xi32>
      %jit3A_217 = arith.constant 0 : i32
      %jit3A_218 = arith.constant 1499 : i32
      %max3A_219 = vector.broadcast %jit3A_217 : i32 to vector<16xi32>
      %max3A_220 = arith.maxsi %max3A_219, %convert_element_type3A_216 : vector<16xi32>
      %min3A_221 = vector.broadcast %jit3A_218 : i32 to vector<16xi32>
      %min3A_222 = arith.minsi %min3A_221, %max3A_220 : vector<16xi32>
      %swap3A_223 = arith.constant 48 : index
      %swap3A_224 = tpu.vector_load %arg11[%swap3A_223] {strides = array<i32>} : memref<208xi32, #tpu.memory_space<vmem>>, vector<16xi32>,
      tpu.vector_store %arg11[%swap3A_223], %min3A_222 {strides = array<i32>} : memref<208xi32, #tpu.memory_space<vmem>>, vector<16xi32>,
      %swap3A_225 = arith.constant 48 : index
      %swap3A_226 = tpu.vector_load %arg12[%swap3A_225] {strides = array<i32>} : memref<208xf32, #tpu.memory_space<vmem>>, vector<16xf32>,
      tpu.vector_store %arg12[%swap3A_225], %get3A_212 {strides = array<i32>} : memref<208xf32, #tpu.memory_space<vmem>>, vector<16xf32>,
      %gather3A_227 = tpu.vector_load_idx %arg7[%broadcast_in_dim3A_142, %min3A_222] : memref<32x1500xf32, #tpu.memory_space<vmem>>[vector<16xi32>, vector<16xi32>], vector<16xf32>,
      tpu.vector_store_idx %arg10[%min3A_222], %get3A_212 {add = true} : memref<1504xf32, #tpu.memory_space<vmem>>[vector<16xi32>], vector<16xf32>,
      %mul3A_228 = arith.mulf %gather3A_227, %get3A_212 : vector<16xf32>
      %add3A_229 = arith.addf %add3A_206, %mul3A_228 : vector<16xf32>
      %get3A_230 = arith.index_cast %scan3A_141 : i32 to index
      %get3A_231 = arith.constant 64 : index
      %get3A_232 = tpu.vector_load %arg8[%get3A_230, %get3A_231] {strides = array<i32>} : memref<32x200xf32, #tpu.memory_space<vmem>>, vector<16xf32>,
      %get3A_233 = arith.index_cast %scan3A_141 : i32 to index
      %get3A_234 = arith.constant 64 : index
      %get3A_235 = tpu.vector_load %arg9[%get3A_233, %get3A_234] {strides = array<i32>} : memref<32x200xf32, #tpu.memory_space<vmem>>, vector<16xf32>,
      %mul3A_236 = arith.constant 1.500000e+03 : f32
      %mul3A_237 = vector.broadcast %mul3A_236 : f32 to vector<16xf32>
      %mul3A_238 = arith.mulf %get3A_232, %mul3A_237 : vector<16xf32>
      %convert_element_type3A_239 = arith.fptosi %mul3A_238 : vector<16xf32> to vector<16xi32>
      %jit3A_240 = arith.constant 0 : i32
      %jit3A_241 = arith.constant 1499 : i32
      %max3A_242 = vector.broadcast %jit3A_240 : i32 to vector<16xi32>
      %max3A_243 = arith.maxsi %max3A_242, %convert_element_type3A_239 : vector<16xi32>
      %min3A_244 = vector.broadcast %jit3A_241 : i32 to vector<16xi32>
      %min3A_245 = arith.minsi %min3A_244, %max3A_243 : vector<16xi32>
      %swap3A_246 = arith.constant 64 : index
      %swap3A_247 = tpu.vector_load %arg11[%swap3A_246] {strides = array<i32>} : memref<208xi32, #tpu.memory_space<vmem>>, vector<16xi32>,
      tpu.vector_store %arg11[%swap3A_246], %min3A_245 {strides = array<i32>} : memref<208xi32, #tpu.memory_space<vmem>>, vector<16xi32>,
      %swap3A_248 = arith.constant 64 : index
      %swap3A_249 = tpu.vector_load %arg12[%swap3A_248] {strides = array<i32>} : memref<208xf32, #tpu.memory_space<vmem>>, vector<16xf32>,
      tpu.vector_store %arg12[%swap3A_248], %get3A_235 {strides = array<i32>} : memref<208xf32, #tpu.memory_space<vmem>>, vector<16xf32>,
      %gather3A_250 = tpu.vector_load_idx %arg7[%broadcast_in_dim3A_142, %min3A_245] : memref<32x1500xf32, #tpu.memory_space<vmem>>[vector<16xi32>, vector<16xi32>], vector<16xf32>,
      tpu.vector_store_idx %arg10[%min3A_245], %get3A_235 {add = true} : memref<1504xf32, #tpu.memory_space<vmem>>[vector<16xi32>], vector<16xf32>,
      %mul3A_251 = arith.mulf %gather3A_250, %get3A_235 : vector<16xf32>
      %add3A_252 = arith.addf %add3A_229, %mul3A_251 : vector<16xf32>
      %get3A_253 = arith.index_cast %scan3A_141 : i32 to index
      %get3A_254 = arith.constant 80 : index
      %get3A_255 = tpu.vector_load %arg8[%get3A_253, %get3A_254] {strides = array<i32>} : memref<32x200xf32, #tpu.memory_space<vmem>>, vector<16xf32>,
      %get3A_256 = arith.index_cast %scan3A_141 : i32 to index
      %get3A_257 = arith.constant 80 : index
      %get3A_258 = tpu.vector_load %arg9[%get3A_256, %get3A_257] {strides = array<i32>} : memref<32x200xf32, #tpu.memory_space<vmem>>, vector<16xf32>,
      %mul3A_259 = arith.constant 1.500000e+03 : f32
      %mul3A_260 = vector.broadcast %mul3A_259 : f32 to vector<16xf32>
      %mul3A_261 = arith.mulf %get3A_255, %mul3A_260 : vector<16xf32>
      %convert_element_type3A_262 = arith.fptosi %mul3A_261 : vector<16xf32> to vector<16xi32>
      %jit3A_263 = arith.constant 0 : i32
      %jit3A_264 = arith.constant 1499 : i32
      %max3A_265 = vector.broadcast %jit3A_263 : i32 to vector<16xi32>
      %max3A_266 = arith.maxsi %max3A_265, %convert_element_type3A_262 : vector<16xi32>
      %min3A_267 = vector.broadcast %jit3A_264 : i32 to vector<16xi32>
      %min3A_268 = arith.minsi %min3A_267, %max3A_266 : vector<16xi32>
      %swap3A_269 = arith.constant 80 : index
      %swap3A_270 = tpu.vector_load %arg11[%swap3A_269] {strides = array<i32>} : memref<208xi32, #tpu.memory_space<vmem>>, vector<16xi32>,
      tpu.vector_store %arg11[%swap3A_269], %min3A_268 {strides = array<i32>} : memref<208xi32, #tpu.memory_space<vmem>>, vector<16xi32>,
      %swap3A_271 = arith.constant 80 : index
      %swap3A_272 = tpu.vector_load %arg12[%swap3A_271] {strides = array<i32>} : memref<208xf32, #tpu.memory_space<vmem>>, vector<16xf32>,
      tpu.vector_store %arg12[%swap3A_271], %get3A_258 {strides = array<i32>} : memref<208xf32, #tpu.memory_space<vmem>>, vector<16xf32>,
      %gather3A_273 = tpu.vector_load_idx %arg7[%broadcast_in_dim3A_142, %min3A_268] : memref<32x1500xf32, #tpu.memory_space<vmem>>[vector<16xi32>, vector<16xi32>], vector<16xf32>,
      tpu.vector_store_idx %arg10[%min3A_268], %get3A_258 {add = true} : memref<1504xf32, #tpu.memory_space<vmem>>[vector<16xi32>], vector<16xf32>,
      %mul3A_274 = arith.mulf %gather3A_273, %get3A_258 : vector<16xf32>
      %add3A_275 = arith.addf %add3A_252, %mul3A_274 : vector<16xf32>
      %get3A_276 = arith.index_cast %scan3A_141 : i32 to index
      %get3A_277 = arith.constant 96 : index
      %get3A_278 = tpu.vector_load %arg8[%get3A_276, %get3A_277] {strides = array<i32>} : memref<32x200xf32, #tpu.memory_space<vmem>>, vector<16xf32>,
      %get3A_279 = arith.index_cast %scan3A_141 : i32 to index
      %get3A_280 = arith.constant 96 : index
      %get3A_281 = tpu.vector_load %arg9[%get3A_279, %get3A_280] {strides = array<i32>} : memref<32x200xf32, #tpu.memory_space<vmem>>, vector<16xf32>,
      %mul3A_282 = arith.constant 1.500000e+03 : f32
      %mul3A_283 = vector.broadcast %mul3A_282 : f32 to vector<16xf32>
      %mul3A_284 = arith.mulf %get3A_278, %mul3A_283 : vector<16xf32>
      %convert_element_type3A_285 = arith.fptosi %mul3A_284 : vector<16xf32> to vector<16xi32>
      %jit3A_286 = arith.constant 0 : i32
      %jit3A_287 = arith.constant 1499 : i32
      %max3A_288 = vector.broadcast %jit3A_286 : i32 to vector<16xi32>
      %max3A_289 = arith.maxsi %max3A_288, %convert_element_type3A_285 : vector<16xi32>
      %min3A_290 = vector.broadcast %jit3A_287 : i32 to vector<16xi32>
      %min3A_291 = arith.minsi %min3A_290, %max3A_289 : vector<16xi32>
      %swap3A_292 = arith.constant 96 : index
      %swap3A_293 = tpu.vector_load %arg11[%swap3A_292] {strides = array<i32>} : memref<208xi32, #tpu.memory_space<vmem>>, vector<16xi32>,
      tpu.vector_store %arg11[%swap3A_292], %min3A_291 {strides = array<i32>} : memref<208xi32, #tpu.memory_space<vmem>>, vector<16xi32>,
      %swap3A_294 = arith.constant 96 : index
      %swap3A_295 = tpu.vector_load %arg12[%swap3A_294] {strides = array<i32>} : memref<208xf32, #tpu.memory_space<vmem>>, vector<16xf32>,
      tpu.vector_store %arg12[%swap3A_294], %get3A_281 {strides = array<i32>} : memref<208xf32, #tpu.memory_space<vmem>>, vector<16xf32>,
      %gather3A_296 = tpu.vector_load_idx %arg7[%broadcast_in_dim3A_142, %min3A_291] : memref<32x1500xf32, #tpu.memory_space<vmem>>[vector<16xi32>, vector<16xi32>], vector<16xf32>,
      tpu.vector_store_idx %arg10[%min3A_291], %get3A_281 {add = true} : memref<1504xf32, #tpu.memory_space<vmem>>[vector<16xi32>], vector<16xf32>,
      %mul3A_297 = arith.mulf %gather3A_296, %get3A_281 : vector<16xf32>
      %add3A_298 = arith.addf %add3A_275, %mul3A_297 : vector<16xf32>
      %get3A_299 = arith.index_cast %scan3A_141 : i32 to index
      %get3A_300 = arith.constant 112 : index
      %get3A_301 = tpu.vector_load %arg8[%get3A_299, %get3A_300] {strides = array<i32>} : memref<32x200xf32, #tpu.memory_space<vmem>>, vector<16xf32>,
      %get3A_302 = arith.index_cast %scan3A_141 : i32 to index
      %get3A_303 = arith.constant 112 : index
      %get3A_304 = tpu.vector_load %arg9[%get3A_302, %get3A_303] {strides = array<i32>} : memref<32x200xf32, #tpu.memory_space<vmem>>, vector<16xf32>,
      %mul3A_305 = arith.constant 1.500000e+03 : f32
      %mul3A_306 = vector.broadcast %mul3A_305 : f32 to vector<16xf32>
      %mul3A_307 = arith.mulf %get3A_301, %mul3A_306 : vector<16xf32>
      %convert_element_type3A_308 = arith.fptosi %mul3A_307 : vector<16xf32> to vector<16xi32>
      %jit3A_309 = arith.constant 0 : i32
      %jit3A_310 = arith.constant 1499 : i32
      %max3A_311 = vector.broadcast %jit3A_309 : i32 to vector<16xi32>
      %max3A_312 = arith.maxsi %max3A_311, %convert_element_type3A_308 : vector<16xi32>
      %min3A_313 = vector.broadcast %jit3A_310 : i32 to vector<16xi32>
      %min3A_314 = arith.minsi %min3A_313, %max3A_312 : vector<16xi32>
      %swap3A_315 = arith.constant 112 : index
      %swap3A_316 = tpu.vector_load %arg11[%swap3A_315] {strides = array<i32>} : memref<208xi32, #tpu.memory_space<vmem>>, vector<16xi32>,
      tpu.vector_store %arg11[%swap3A_315], %min3A_314 {strides = array<i32>} : memref<208xi32, #tpu.memory_space<vmem>>, vector<16xi32>,
      %swap3A_317 = arith.constant 112 : index
      %swap3A_318 = tpu.vector_load %arg12[%swap3A_317] {strides = array<i32>} : memref<208xf32, #tpu.memory_space<vmem>>, vector<16xf32>,
      tpu.vector_store %arg12[%swap3A_317], %get3A_304 {strides = array<i32>} : memref<208xf32, #tpu.memory_space<vmem>>, vector<16xf32>,
      %gather3A_319 = tpu.vector_load_idx %arg7[%broadcast_in_dim3A_142, %min3A_314] : memref<32x1500xf32, #tpu.memory_space<vmem>>[vector<16xi32>, vector<16xi32>], vector<16xf32>,
      tpu.vector_store_idx %arg10[%min3A_314], %get3A_304 {add = true} : memref<1504xf32, #tpu.memory_space<vmem>>[vector<16xi32>], vector<16xf32>,
      %mul3A_320 = arith.mulf %gather3A_319, %get3A_304 : vector<16xf32>
      %add3A_321 = arith.addf %add3A_298, %mul3A_320 : vector<16xf32>
      %get3A_322 = arith.index_cast %scan3A_141 : i32 to index
      %get3A_323 = arith.constant 128 : index
      %get3A_324 = tpu.vector_load %arg8[%get3A_322, %get3A_323] {strides = array<i32>} : memref<32x200xf32, #tpu.memory_space<vmem>>, vector<16xf32>,
      %get3A_325 = arith.index_cast %scan3A_141 : i32 to index
      %get3A_326 = arith.constant 128 : index
      %get3A_327 = tpu.vector_load %arg9[%get3A_325, %get3A_326] {strides = array<i32>} : memref<32x200xf32, #tpu.memory_space<vmem>>, vector<16xf32>,
      %mul3A_328 = arith.constant 1.500000e+03 : f32
      %mul3A_329 = vector.broadcast %mul3A_328 : f32 to vector<16xf32>
      %mul3A_330 = arith.mulf %get3A_324, %mul3A_329 : vector<16xf32>
      %convert_element_type3A_331 = arith.fptosi %mul3A_330 : vector<16xf32> to vector<16xi32>
      %jit3A_332 = arith.constant 0 : i32
      %jit3A_333 = arith.constant 1499 : i32
      %max3A_334 = vector.broadcast %jit3A_332 : i32 to vector<16xi32>
      %max3A_335 = arith.maxsi %max3A_334, %convert_element_type3A_331 : vector<16xi32>
      %min3A_336 = vector.broadcast %jit3A_333 : i32 to vector<16xi32>
      %min3A_337 = arith.minsi %min3A_336, %max3A_335 : vector<16xi32>
      %swap3A_338 = arith.constant 128 : index
      %swap3A_339 = tpu.vector_load %arg11[%swap3A_338] {strides = array<i32>} : memref<208xi32, #tpu.memory_space<vmem>>, vector<16xi32>,
      tpu.vector_store %arg11[%swap3A_338], %min3A_337 {strides = array<i32>} : memref<208xi32, #tpu.memory_space<vmem>>, vector<16xi32>,
      %swap3A_340 = arith.constant 128 : index
      %swap3A_341 = tpu.vector_load %arg12[%swap3A_340] {strides = array<i32>} : memref<208xf32, #tpu.memory_space<vmem>>, vector<16xf32>,
      tpu.vector_store %arg12[%swap3A_340], %get3A_327 {strides = array<i32>} : memref<208xf32, #tpu.memory_space<vmem>>, vector<16xf32>,
      %gather3A_342 = tpu.vector_load_idx %arg7[%broadcast_in_dim3A_142, %min3A_337] : memref<32x1500xf32, #tpu.memory_space<vmem>>[vector<16xi32>, vector<16xi32>], vector<16xf32>,
      tpu.vector_store_idx %arg10[%min3A_337], %get3A_327 {add = true} : memref<1504xf32, #tpu.memory_space<vmem>>[vector<16xi32>], vector<16xf32>,
      %mul3A_343 = arith.mulf %gather3A_342, %get3A_327 : vector<16xf32>
      %add3A_344 = arith.addf %add3A_321, %mul3A_343 : vector<16xf32>
      %get3A_345 = arith.index_cast %scan3A_141 : i32 to index
      %get3A_346 = arith.constant 144 : index
      %get3A_347 = tpu.vector_load %arg8[%get3A_345, %get3A_346] {strides = array<i32>} : memref<32x200xf32, #tpu.memory_space<vmem>>, vector<16xf32>,
      %get3A_348 = arith.index_cast %scan3A_141 : i32 to index
      %get3A_349 = arith.constant 144 : index
      %get3A_350 = tpu.vector_load %arg9[%get3A_348, %get3A_349] {strides = array<i32>} : memref<32x200xf32, #tpu.memory_space<vmem>>, vector<16xf32>,
      %mul3A_351 = arith.constant 1.500000e+03 : f32
      %mul3A_352 = vector.broadcast %mul3A_351 : f32 to vector<16xf32>
      %mul3A_353 = arith.mulf %get3A_347, %mul3A_352 : vector<16xf32>
      %convert_element_type3A_354 = arith.fptosi %mul3A_353 : vector<16xf32> to vector<16xi32>
      %jit3A_355 = arith.constant 0 : i32
      %jit3A_356 = arith.constant 1499 : i32
      %max3A_357 = vector.broadcast %jit3A_355 : i32 to vector<16xi32>
      %max3A_358 = arith.maxsi %max3A_357, %convert_element_type3A_354 : vector<16xi32>
      %min3A_359 = vector.broadcast %jit3A_356 : i32 to vector<16xi32>
      %min3A_360 = arith.minsi %min3A_359, %max3A_358 : vector<16xi32>
      %swap3A_361 = arith.constant 144 : index
      %swap3A_362 = tpu.vector_load %arg11[%swap3A_361] {strides = array<i32>} : memref<208xi32, #tpu.memory_space<vmem>>, vector<16xi32>,
      tpu.vector_store %arg11[%swap3A_361], %min3A_360 {strides = array<i32>} : memref<208xi32, #tpu.memory_space<vmem>>, vector<16xi32>,
      %swap3A_363 = arith.constant 144 : index
      %swap3A_364 = tpu.vector_load %arg12[%swap3A_363] {strides = array<i32>} : memref<208xf32, #tpu.memory_space<vmem>>, vector<16xf32>,
      tpu.vector_store %arg12[%swap3A_363], %get3A_350 {strides = array<i32>} : memref<208xf32, #tpu.memory_space<vmem>>, vector<16xf32>,
      %gather3A_365 = tpu.vector_load_idx %arg7[%broadcast_in_dim3A_142, %min3A_360] : memref<32x1500xf32, #tpu.memory_space<vmem>>[vector<16xi32>, vector<16xi32>], vector<16xf32>,
      tpu.vector_store_idx %arg10[%min3A_360], %get3A_350 {add = true} : memref<1504xf32, #tpu.memory_space<vmem>>[vector<16xi32>], vector<16xf32>,
      %mul3A_366 = arith.mulf %gather3A_365, %get3A_350 : vector<16xf32>
      %add3A_367 = arith.addf %add3A_344, %mul3A_366 : vector<16xf32>
      %get3A_368 = arith.index_cast %scan3A_141 : i32 to index
      %get3A_369 = arith.constant 160 : index
      %get3A_370 = tpu.vector_load %arg8[%get3A_368, %get3A_369] {strides = array<i32>} : memref<32x200xf32, #tpu.memory_space<vmem>>, vector<16xf32>,
      %get3A_371 = arith.index_cast %scan3A_141 : i32 to index
      %get3A_372 = arith.constant 160 : index
      %get3A_373 = tpu.vector_load %arg9[%get3A_371, %get3A_372] {strides = array<i32>} : memref<32x200xf32, #tpu.memory_space<vmem>>, vector<16xf32>,
      %mul3A_374 = arith.constant 1.500000e+03 : f32
      %mul3A_375 = vector.broadcast %mul3A_374 : f32 to vector<16xf32>
      %mul3A_376 = arith.mulf %get3A_370, %mul3A_375 : vector<16xf32>
      %convert_element_type3A_377 = arith.fptosi %mul3A_376 : vector<16xf32> to vector<16xi32>
      %jit3A_378 = arith.constant 0 : i32
      %jit3A_379 = arith.constant 1499 : i32
      %max3A_380 = vector.broadcast %jit3A_378 : i32 to vector<16xi32>
      %max3A_381 = arith.maxsi %max3A_380, %convert_element_type3A_377 : vector<16xi32>
      %min3A_382 = vector.broadcast %jit3A_379 : i32 to vector<16xi32>
      %min3A_383 = arith.minsi %min3A_382, %max3A_381 : vector<16xi32>
      %swap3A_384 = arith.constant 160 : index
      %swap3A_385 = tpu.vector_load %arg11[%swap3A_384] {strides = array<i32>} : memref<208xi32, #tpu.memory_space<vmem>>, vector<16xi32>,
      tpu.vector_store %arg11[%swap3A_384], %min3A_383 {strides = array<i32>} : memref<208xi32, #tpu.memory_space<vmem>>, vector<16xi32>,
      %swap3A_386 = arith.constant 160 : index
      %swap3A_387 = tpu.vector_load %arg12[%swap3A_386] {strides = array<i32>} : memref<208xf32, #tpu.memory_space<vmem>>, vector<16xf32>,
      tpu.vector_store %arg12[%swap3A_386], %get3A_373 {strides = array<i32>} : memref<208xf32, #tpu.memory_space<vmem>>, vector<16xf32>,
      %gather3A_388 = tpu.vector_load_idx %arg7[%broadcast_in_dim3A_142, %min3A_383] : memref<32x1500xf32, #tpu.memory_space<vmem>>[vector<16xi32>, vector<16xi32>], vector<16xf32>,
      tpu.vector_store_idx %arg10[%min3A_383], %get3A_373 {add = true} : memref<1504xf32, #tpu.memory_space<vmem>>[vector<16xi32>], vector<16xf32>,
      %mul3A_389 = arith.mulf %gather3A_388, %get3A_373 : vector<16xf32>
      %add3A_390 = arith.addf %add3A_367, %mul3A_389 : vector<16xf32>
      %get3A_391 = arith.index_cast %scan3A_141 : i32 to index
      %get3A_392 = arith.constant 176 : index
      %get3A_393 = tpu.vector_load %arg8[%get3A_391, %get3A_392] {strides = array<i32>} : memref<32x200xf32, #tpu.memory_space<vmem>>, vector<16xf32>,
      %get3A_394 = arith.index_cast %scan3A_141 : i32 to index
      %get3A_395 = arith.constant 176 : index
      %get3A_396 = tpu.vector_load %arg9[%get3A_394, %get3A_395] {strides = array<i32>} : memref<32x200xf32, #tpu.memory_space<vmem>>, vector<16xf32>,
      %mul3A_397 = arith.constant 1.500000e+03 : f32
      %mul3A_398 = vector.broadcast %mul3A_397 : f32 to vector<16xf32>
      %mul3A_399 = arith.mulf %get3A_393, %mul3A_398 : vector<16xf32>
      %convert_element_type3A_400 = arith.fptosi %mul3A_399 : vector<16xf32> to vector<16xi32>
      %jit3A_401 = arith.constant 0 : i32
      %jit3A_402 = arith.constant 1499 : i32
      %max3A_403 = vector.broadcast %jit3A_401 : i32 to vector<16xi32>
      %max3A_404 = arith.maxsi %max3A_403, %convert_element_type3A_400 : vector<16xi32>
      %min3A_405 = vector.broadcast %jit3A_402 : i32 to vector<16xi32>
      %min3A_406 = arith.minsi %min3A_405, %max3A_404 : vector<16xi32>
      %swap3A_407 = arith.constant 176 : index
      %swap3A_408 = tpu.vector_load %arg11[%swap3A_407] {strides = array<i32>} : memref<208xi32, #tpu.memory_space<vmem>>, vector<16xi32>,
      tpu.vector_store %arg11[%swap3A_407], %min3A_406 {strides = array<i32>} : memref<208xi32, #tpu.memory_space<vmem>>, vector<16xi32>,
      %swap3A_409 = arith.constant 176 : index
      %swap3A_410 = tpu.vector_load %arg12[%swap3A_409] {strides = array<i32>} : memref<208xf32, #tpu.memory_space<vmem>>, vector<16xf32>,
      tpu.vector_store %arg12[%swap3A_409], %get3A_396 {strides = array<i32>} : memref<208xf32, #tpu.memory_space<vmem>>, vector<16xf32>,
      %gather3A_411 = tpu.vector_load_idx %arg7[%broadcast_in_dim3A_142, %min3A_406] : memref<32x1500xf32, #tpu.memory_space<vmem>>[vector<16xi32>, vector<16xi32>], vector<16xf32>,
      tpu.vector_store_idx %arg10[%min3A_406], %get3A_396 {add = true} : memref<1504xf32, #tpu.memory_space<vmem>>[vector<16xi32>], vector<16xf32>,
      %mul3A_412 = arith.mulf %gather3A_411, %get3A_396 : vector<16xf32>
      %add3A_413 = arith.addf %add3A_390, %mul3A_412 : vector<16xf32>
      %get3A_414 = arith.index_cast %scan3A_141 : i32 to index
      %get3A_415 = arith.constant 184 : index
      %get3A_416 = tpu.vector_load %arg8[%get3A_414, %get3A_415] {strides = array<i32>} : memref<32x200xf32, #tpu.memory_space<vmem>>, vector<16xf32>,
      %get3A_417 = arith.index_cast %scan3A_141 : i32 to index
      %get3A_418 = arith.constant 184 : index
      %get3A_419 = tpu.vector_load %arg9[%get3A_417, %get3A_418] {strides = array<i32>} : memref<32x200xf32, #tpu.memory_space<vmem>>, vector<16xf32>,
      %jit3A_420 = arith.constant 0.000000e+00 : f32
      %broadcast_in_dim3A_421 = vector.broadcast %jit3A_420 : f32 to vector<16xf32>
      %select_n3A = arith.select %ge3A_36, %get3A_419, %broadcast_in_dim3A_421 : vector<16xi1>, vector<16xf32>
      %mul3A_422 = arith.constant 1.500000e+03 : f32
      %mul3A_423 = vector.broadcast %mul3A_422 : f32 to vector<16xf32>
      %mul3A_424 = arith.mulf %get3A_416, %mul3A_423 : vector<16xf32>
      %convert_element_type3A_425 = arith.fptosi %mul3A_424 : vector<16xf32> to vector<16xi32>
      %jit3A_426 = arith.constant 0 : i32
      %jit3A_427 = arith.constant 1499 : i32
      %max3A_428 = vector.broadcast %jit3A_426 : i32 to vector<16xi32>
      %max3A_429 = arith.maxsi %max3A_428, %convert_element_type3A_425 : vector<16xi32>
      %min3A_430 = vector.broadcast %jit3A_427 : i32 to vector<16xi32>
      %min3A_431 = arith.minsi %min3A_430, %max3A_429 : vector<16xi32>
      %swap3A_432 = arith.constant 192 : index
      %swap3A_433 = tpu.vector_load %arg11[%swap3A_432] {strides = array<i32>} : memref<208xi32, #tpu.memory_space<vmem>>, vector<16xi32>,
      tpu.vector_store %arg11[%swap3A_432], %min3A_431 {strides = array<i32>} : memref<208xi32, #tpu.memory_space<vmem>>, vector<16xi32>,
      %swap3A_434 = arith.constant 192 : index
      %swap3A_435 = tpu.vector_load %arg12[%swap3A_434] {strides = array<i32>} : memref<208xf32, #tpu.memory_space<vmem>>, vector<16xf32>,
      tpu.vector_store %arg12[%swap3A_434], %select_n3A {strides = array<i32>} : memref<208xf32, #tpu.memory_space<vmem>>, vector<16xf32>,
      %gather3A_436 = tpu.vector_load_idx %arg7[%broadcast_in_dim3A_142, %min3A_431] : memref<32x1500xf32, #tpu.memory_space<vmem>>[vector<16xi32>, vector<16xi32>], vector<16xf32>,
      tpu.vector_store_idx %arg10[%min3A_431], %select_n3A {add = true} : memref<1504xf32, #tpu.memory_space<vmem>>[vector<16xi32>], vector<16xf32>,
      %mul3A_437 = arith.mulf %gather3A_436, %select_n3A : vector<16xf32>
      %add3A_438 = arith.addf %add3A_413, %mul3A_437 : vector<16xf32>
      %broadcast_in_dim3A_439 = arith.constant 0.000000e+00 : f32
      %broadcast_in_dim3A_440 = vector.broadcast %broadcast_in_dim3A_439 : f32 to vector<16xf32>
      %get3A_441 = arith.constant 0 : index
      %get3A_442 = tpu.vector_load %arg11[%get3A_441] {strides = array<i32>} : memref<208xi32, #tpu.memory_space<vmem>>, vector<16xi32>,
      %get3A_443 = arith.constant 0 : index
      %get3A_444 = tpu.vector_load %arg12[%get3A_443] {strides = array<i32>} : memref<208xf32, #tpu.memory_space<vmem>>, vector<16xf32>,
      %gather3A_445 = tpu.vector_load_idx %arg10[%get3A_442] : memref<1504xf32, #tpu.memory_space<vmem>>[vector<16xi32>], vector<16xf32>,
      %mul3A_446 = arith.mulf %gather3A_445, %get3A_444 : vector<16xf32>
      %add3A_447 = arith.addf %broadcast_in_dim3A_440, %mul3A_446 : vector<16xf32>
      %get3A_448 = arith.constant 16 : index
      %get3A_449 = tpu.vector_load %arg11[%get3A_448] {strides = array<i32>} : memref<208xi32, #tpu.memory_space<vmem>>, vector<16xi32>,
      %get3A_450 = arith.constant 16 : index
      %get3A_451 = tpu.vector_load %arg12[%get3A_450] {strides = array<i32>} : memref<208xf32, #tpu.memory_space<vmem>>, vector<16xf32>,
      %gather3A_452 = tpu.vector_load_idx %arg10[%get3A_449] : memref<1504xf32, #tpu.memory_space<vmem>>[vector<16xi32>], vector<16xf32>,
      %mul3A_453 = arith.mulf %gather3A_452, %get3A_451 : vector<16xf32>
      %add3A_454 = arith.addf %add3A_447, %mul3A_453 : vector<16xf32>
      %get3A_455 = arith.constant 32 : index
      %get3A_456 = tpu.vector_load %arg11[%get3A_455] {strides = array<i32>} : memref<208xi32, #tpu.memory_space<vmem>>, vector<16xi32>,
      %get3A_457 = arith.constant 32 : index
      %get3A_458 = tpu.vector_load %arg12[%get3A_457] {strides = array<i32>} : memref<208xf32, #tpu.memory_space<vmem>>, vector<16xf32>,
      %gather3A_459 = tpu.vector_load_idx %arg10[%get3A_456] : memref<1504xf32, #tpu.memory_space<vmem>>[vector<16xi32>], vector<16xf32>,
      %mul3A_460 = arith.mulf %gather3A_459, %get3A_458 : vector<16xf32>
      %add3A_461 = arith.addf %add3A_454, %mul3A_460 : vector<16xf32>
      %get3A_462 = arith.constant 48 : index
      %get3A_463 = tpu.vector_load %arg11[%get3A_462] {strides = array<i32>} : memref<208xi32, #tpu.memory_space<vmem>>, vector<16xi32>,
      %get3A_464 = arith.constant 48 : index
      %get3A_465 = tpu.vector_load %arg12[%get3A_464] {strides = array<i32>} : memref<208xf32, #tpu.memory_space<vmem>>, vector<16xf32>,
      %gather3A_466 = tpu.vector_load_idx %arg10[%get3A_463] : memref<1504xf32, #tpu.memory_space<vmem>>[vector<16xi32>], vector<16xf32>,
      %mul3A_467 = arith.mulf %gather3A_466, %get3A_465 : vector<16xf32>
      %add3A_468 = arith.addf %add3A_461, %mul3A_467 : vector<16xf32>
      %get3A_469 = arith.constant 64 : index
      %get3A_470 = tpu.vector_load %arg11[%get3A_469] {strides = array<i32>} : memref<208xi32, #tpu.memory_space<vmem>>, vector<16xi32>,
      %get3A_471 = arith.constant 64 : index
      %get3A_472 = tpu.vector_load %arg12[%get3A_471] {strides = array<i32>} : memref<208xf32, #tpu.memory_space<vmem>>, vector<16xf32>,
      %gather3A_473 = tpu.vector_load_idx %arg10[%get3A_470] : memref<1504xf32, #tpu.memory_space<vmem>>[vector<16xi32>], vector<16xf32>,
      %mul3A_474 = arith.mulf %gather3A_473, %get3A_472 : vector<16xf32>
      %add3A_475 = arith.addf %add3A_468, %mul3A_474 : vector<16xf32>
      %get3A_476 = arith.constant 80 : index
      %get3A_477 = tpu.vector_load %arg11[%get3A_476] {strides = array<i32>} : memref<208xi32, #tpu.memory_space<vmem>>, vector<16xi32>,
      %get3A_478 = arith.constant 80 : index
      %get3A_479 = tpu.vector_load %arg12[%get3A_478] {strides = array<i32>} : memref<208xf32, #tpu.memory_space<vmem>>, vector<16xf32>,
      %gather3A_480 = tpu.vector_load_idx %arg10[%get3A_477] : memref<1504xf32, #tpu.memory_space<vmem>>[vector<16xi32>], vector<16xf32>,
      %mul3A_481 = arith.mulf %gather3A_480, %get3A_479 : vector<16xf32>
      %add3A_482 = arith.addf %add3A_475, %mul3A_481 : vector<16xf32>
      %get3A_483 = arith.constant 96 : index
      %get3A_484 = tpu.vector_load %arg11[%get3A_483] {strides = array<i32>} : memref<208xi32, #tpu.memory_space<vmem>>, vector<16xi32>,
      %get3A_485 = arith.constant 96 : index
      %get3A_486 = tpu.vector_load %arg12[%get3A_485] {strides = array<i32>} : memref<208xf32, #tpu.memory_space<vmem>>, vector<16xf32>,
      %gather3A_487 = tpu.vector_load_idx %arg10[%get3A_484] : memref<1504xf32, #tpu.memory_space<vmem>>[vector<16xi32>], vector<16xf32>,
      %mul3A_488 = arith.mulf %gather3A_487, %get3A_486 : vector<16xf32>
      %add3A_489 = arith.addf %add3A_482, %mul3A_488 : vector<16xf32>
      %get3A_490 = arith.constant 112 : index
      %get3A_491 = tpu.vector_load %arg11[%get3A_490] {strides = array<i32>} : memref<208xi32, #tpu.memory_space<vmem>>, vector<16xi32>,
      %get3A_492 = arith.constant 112 : index
      %get3A_493 = tpu.vector_load %arg12[%get3A_492] {strides = array<i32>} : memref<208xf32, #tpu.memory_space<vmem>>, vector<16xf32>,
      %gather3A_494 = tpu.vector_load_idx %arg10[%get3A_491] : memref<1504xf32, #tpu.memory_space<vmem>>[vector<16xi32>], vector<16xf32>,
      %mul3A_495 = arith.mulf %gather3A_494, %get3A_493 : vector<16xf32>
      %add3A_496 = arith.addf %add3A_489, %mul3A_495 : vector<16xf32>
      %get3A_497 = arith.constant 128 : index
      %get3A_498 = tpu.vector_load %arg11[%get3A_497] {strides = array<i32>} : memref<208xi32, #tpu.memory_space<vmem>>, vector<16xi32>,
      %get3A_499 = arith.constant 128 : index
      %get3A_500 = tpu.vector_load %arg12[%get3A_499] {strides = array<i32>} : memref<208xf32, #tpu.memory_space<vmem>>, vector<16xf32>,
      %gather3A_501 = tpu.vector_load_idx %arg10[%get3A_498] : memref<1504xf32, #tpu.memory_space<vmem>>[vector<16xi32>], vector<16xf32>,
      %mul3A_502 = arith.mulf %gather3A_501, %get3A_500 : vector<16xf32>
      %add3A_503 = arith.addf %add3A_496, %mul3A_502 : vector<16xf32>
      %get3A_504 = arith.constant 144 : index
      %get3A_505 = tpu.vector_load %arg11[%get3A_504] {strides = array<i32>} : memref<208xi32, #tpu.memory_space<vmem>>, vector<16xi32>,
      %get3A_506 = arith.constant 144 : index
      %get3A_507 = tpu.vector_load %arg12[%get3A_506] {strides = array<i32>} : memref<208xf32, #tpu.memory_space<vmem>>, vector<16xf32>,
      %gather3A_508 = tpu.vector_load_idx %arg10[%get3A_505] : memref<1504xf32, #tpu.memory_space<vmem>>[vector<16xi32>], vector<16xf32>,
      %mul3A_509 = arith.mulf %gather3A_508, %get3A_507 : vector<16xf32>
      %add3A_510 = arith.addf %add3A_503, %mul3A_509 : vector<16xf32>
      %get3A_511 = arith.constant 160 : index
      %get3A_512 = tpu.vector_load %arg11[%get3A_511] {strides = array<i32>} : memref<208xi32, #tpu.memory_space<vmem>>, vector<16xi32>,
      %get3A_513 = arith.constant 160 : index
      %get3A_514 = tpu.vector_load %arg12[%get3A_513] {strides = array<i32>} : memref<208xf32, #tpu.memory_space<vmem>>, vector<16xf32>,
      %gather3A_515 = tpu.vector_load_idx %arg10[%get3A_512] : memref<1504xf32, #tpu.memory_space<vmem>>[vector<16xi32>], vector<16xf32>,
      %mul3A_516 = arith.mulf %gather3A_515, %get3A_514 : vector<16xf32>
      %add3A_517 = arith.addf %add3A_510, %mul3A_516 : vector<16xf32>
      %get3A_518 = arith.constant 176 : index
      %get3A_519 = tpu.vector_load %arg11[%get3A_518] {strides = array<i32>} : memref<208xi32, #tpu.memory_space<vmem>>, vector<16xi32>,
      %get3A_520 = arith.constant 176 : index
      %get3A_521 = tpu.vector_load %arg12[%get3A_520] {strides = array<i32>} : memref<208xf32, #tpu.memory_space<vmem>>, vector<16xf32>,
      %gather3A_522 = tpu.vector_load_idx %arg10[%get3A_519] : memref<1504xf32, #tpu.memory_space<vmem>>[vector<16xi32>], vector<16xf32>,
      %mul3A_523 = arith.mulf %gather3A_522, %get3A_521 : vector<16xf32>
      %add3A_524 = arith.addf %add3A_517, %mul3A_523 : vector<16xf32>
      %get3A_525 = arith.constant 192 : index
      %get3A_526 = tpu.vector_load %arg11[%get3A_525] {strides = array<i32>} : memref<208xi32, #tpu.memory_space<vmem>>, vector<16xi32>,
      %get3A_527 = arith.constant 192 : index
      %get3A_528 = tpu.vector_load %arg12[%get3A_527] {strides = array<i32>} : memref<208xf32, #tpu.memory_space<vmem>>, vector<16xf32>,
      %gather3A_529 = tpu.vector_load_idx %arg10[%get3A_526] : memref<1504xf32, #tpu.memory_space<vmem>>[vector<16xi32>], vector<16xf32>,
      %mul3A_530 = arith.mulf %gather3A_529, %get3A_528 : vector<16xf32>
      %add3A_531 = arith.addf %add3A_524, %mul3A_530 : vector<16xf32>
      %get3A_532 = arith.constant 0 : index
      %get3A_533 = tpu.vector_load %arg11[%get3A_532] {strides = array<i32>} : memref<208xi32, #tpu.memory_space<vmem>>, vector<16xi32>,
      tpu.vector_store_idx %arg10[%get3A_533], %broadcast_in_dim3A_34 : memref<1504xf32, #tpu.memory_space<vmem>>[vector<16xi32>], vector<16xf32>,
      %get3A_534 = arith.constant 16 : index
      %get3A_535 = tpu.vector_load %arg11[%get3A_534] {strides = array<i32>} : memref<208xi32, #tpu.memory_space<vmem>>, vector<16xi32>,
      tpu.vector_store_idx %arg10[%get3A_535], %broadcast_in_dim3A_34 : memref<1504xf32, #tpu.memory_space<vmem>>[vector<16xi32>], vector<16xf32>,
      %get3A_536 = arith.constant 32 : index
      %get3A_537 = tpu.vector_load %arg11[%get3A_536] {strides = array<i32>} : memref<208xi32, #tpu.memory_space<vmem>>, vector<16xi32>,
      tpu.vector_store_idx %arg10[%get3A_537], %broadcast_in_dim3A_34 : memref<1504xf32, #tpu.memory_space<vmem>>[vector<16xi32>], vector<16xf32>,
      %get3A_538 = arith.constant 48 : index
      %get3A_539 = tpu.vector_load %arg11[%get3A_538] {strides = array<i32>} : memref<208xi32, #tpu.memory_space<vmem>>, vector<16xi32>,
      tpu.vector_store_idx %arg10[%get3A_539], %broadcast_in_dim3A_34 : memref<1504xf32, #tpu.memory_space<vmem>>[vector<16xi32>], vector<16xf32>,
      %get3A_540 = arith.constant 64 : index
      %get3A_541 = tpu.vector_load %arg11[%get3A_540] {strides = array<i32>} : memref<208xi32, #tpu.memory_space<vmem>>, vector<16xi32>,
      tpu.vector_store_idx %arg10[%get3A_541], %broadcast_in_dim3A_34 : memref<1504xf32, #tpu.memory_space<vmem>>[vector<16xi32>], vector<16xf32>,
      %get3A_542 = arith.constant 80 : index
      %get3A_543 = tpu.vector_load %arg11[%get3A_542] {strides = array<i32>} : memref<208xi32, #tpu.memory_space<vmem>>, vector<16xi32>,
      tpu.vector_store_idx %arg10[%get3A_543], %broadcast_in_dim3A_34 : memref<1504xf32, #tpu.memory_space<vmem>>[vector<16xi32>], vector<16xf32>,
      %get3A_544 = arith.constant 96 : index
      %get3A_545 = tpu.vector_load %arg11[%get3A_544] {strides = array<i32>} : memref<208xi32, #tpu.memory_space<vmem>>, vector<16xi32>,
      tpu.vector_store_idx %arg10[%get3A_545], %broadcast_in_dim3A_34 : memref<1504xf32, #tpu.memory_space<vmem>>[vector<16xi32>], vector<16xf32>,
      %get3A_546 = arith.constant 112 : index
      %get3A_547 = tpu.vector_load %arg11[%get3A_546] {strides = array<i32>} : memref<208xi32, #tpu.memory_space<vmem>>, vector<16xi32>,
      tpu.vector_store_idx %arg10[%get3A_547], %broadcast_in_dim3A_34 : memref<1504xf32, #tpu.memory_space<vmem>>[vector<16xi32>], vector<16xf32>,
      %get3A_548 = arith.constant 128 : index
      %get3A_549 = tpu.vector_load %arg11[%get3A_548] {strides = array<i32>} : memref<208xi32, #tpu.memory_space<vmem>>, vector<16xi32>,
      tpu.vector_store_idx %arg10[%get3A_549], %broadcast_in_dim3A_34 : memref<1504xf32, #tpu.memory_space<vmem>>[vector<16xi32>], vector<16xf32>,
      %get3A_550 = arith.constant 144 : index
      %get3A_551 = tpu.vector_load %arg11[%get3A_550] {strides = array<i32>} : memref<208xi32, #tpu.memory_space<vmem>>, vector<16xi32>,
      tpu.vector_store_idx %arg10[%get3A_551], %broadcast_in_dim3A_34 : memref<1504xf32, #tpu.memory_space<vmem>>[vector<16xi32>], vector<16xf32>,
      %get3A_552 = arith.constant 160 : index
      %get3A_553 = tpu.vector_load %arg11[%get3A_552] {strides = array<i32>} : memref<208xi32, #tpu.memory_space<vmem>>, vector<16xi32>,
      tpu.vector_store_idx %arg10[%get3A_553], %broadcast_in_dim3A_34 : memref<1504xf32, #tpu.memory_space<vmem>>[vector<16xi32>], vector<16xf32>,
      %get3A_554 = arith.constant 176 : index
      %get3A_555 = tpu.vector_load %arg11[%get3A_554] {strides = array<i32>} : memref<208xi32, #tpu.memory_space<vmem>>, vector<16xi32>,
      tpu.vector_store_idx %arg10[%get3A_555], %broadcast_in_dim3A_34 : memref<1504xf32, #tpu.memory_space<vmem>>[vector<16xi32>], vector<16xf32>,
      %get3A_556 = arith.constant 192 : index
      %get3A_557 = tpu.vector_load %arg11[%get3A_556] {strides = array<i32>} : memref<208xi32, #tpu.memory_space<vmem>>, vector<16xi32>,
      tpu.vector_store_idx %arg10[%get3A_557], %broadcast_in_dim3A_34 : memref<1504xf32, #tpu.memory_space<vmem>>[vector<16xi32>], vector<16xf32>,
      %jit3A_558 = arith.constant 8 : i32
      %div3A = arith.divsi %scan3A_141, %jit3A_558 : i32
      %sign3A = arith.constant 0 : i32
      %sign3A_559 = arith.cmpi sgt, %scan3A_141, %sign3A : i32
      %sign3A_560 = arith.extui %sign3A_559 : i1 to i32
      %sign3A_561 = arith.constant 0 : i32
      %sign3A_562 = arith.cmpi slt, %scan3A_141, %sign3A_561 : i32
      %sign3A_563 = arith.extui %sign3A_562 : i1 to i32
      %sign3A_564 = arith.subi %sign3A_560, %sign3A_563 : i32
      %sign3A_565 = arith.constant 0 : i32
      %sign3A_566 = arith.cmpi sgt, %jit3A_558, %sign3A_565 : i32
      %sign3A_567 = arith.extui %sign3A_566 : i1 to i32
      %sign3A_568 = arith.constant 0 : i32
      %sign3A_569 = arith.cmpi slt, %jit3A_558, %sign3A_568 : i32
      %sign3A_570 = arith.extui %sign3A_569 : i1 to i32
      %sign3A_571 = arith.subi %sign3A_567, %sign3A_570 : i32
      %ne3A = arith.cmpi ne, %sign3A_564, %sign3A_571 : i32
      %rem3A = arith.remsi %scan3A_141, %jit3A_558 : i32
      %ne3A_572 = arith.constant 0 : i32
      %ne3A_573 = arith.cmpi ne, %rem3A, %ne3A_572 : i32
      %and3A = arith.andi %ne3A, %ne3A_573 : i1
      %sub3A = arith.constant 1 : i32
      %sub3A_574 = arith.subi %div3A, %sub3A : i32
      %select_n3A_575 = arith.select %and3A, %sub3A_574, %div3A : i32
      %jit3A_576 = arith.constant 8 : i32
      %eq3A = arith.constant 0 : i32
      %eq3A_577 = arith.cmpi eq, %jit3A_576, %eq3A : i32
      %jit3A_578 = arith.constant 1 : i32
      %select_n3A_579 = arith.select %eq3A_577, %jit3A_578, %jit3A_576 : i32
      %rem3A_580 = arith.remsi %scan3A_141, %select_n3A_579 : i32
      %ne3A_581 = arith.constant 0 : i32
      %ne3A_582 = arith.cmpi ne, %rem3A_580, %ne3A_581 : i32
      %lt3A = arith.constant 0 : i32
      %lt3A_583 = arith.cmpi slt, %rem3A_580, %lt3A : i32
      %lt3A_584 = arith.constant 0 : i32
      %lt3A_585 = arith.cmpi slt, %select_n3A_579, %lt3A_584 : i32
      %ne3A_586 = arith.xori %lt3A_583, %lt3A_585 : i1
      %and3A_587 = arith.andi %ne3A_586, %ne3A_582 : i1
      %add3A_588 = arith.addi %rem3A_580, %select_n3A_579 : i32
      %select_n3A_589 = arith.select %and3A_587, %add3A_588, %rem3A_580 : i32
      %mul3A_590 = arith.constant 16 : i32
      %mul3A_591 = arith.muli %select_n3A_589, %mul3A_590 : i32
      %swap3A_592 = arith.index_cast %select_n3A_575 : i32 to index
      %swap3A_593 = arith.index_cast %mul3A_591 : i32 to index
      %swap3A_594 = tpu.vector_load %arg13[%swap3A_592, %swap3A_593] {strides = array<i32>} : memref<4x128xf32, #tpu.memory_space<vmem>>, vector<16xf32>,
      tpu.vector_store %arg13[%swap3A_592, %swap3A_593], %add3A_438 {strides = array<i32>} : memref<4x128xf32, #tpu.memory_space<vmem>>, vector<16xf32>,
      %jit3A_595 = arith.constant 8 : i32
      %div3A_596 = arith.divsi %scan3A_141, %jit3A_595 : i32
      %sign3A_597 = arith.constant 0 : i32
      %sign3A_598 = arith.cmpi sgt, %scan3A_141, %sign3A_597 : i32
      %sign3A_599 = arith.extui %sign3A_598 : i1 to i32
      %sign3A_600 = arith.constant 0 : i32
      %sign3A_601 = arith.cmpi slt, %scan3A_141, %sign3A_600 : i32
      %sign3A_602 = arith.extui %sign3A_601 : i1 to i32
      %sign3A_603 = arith.subi %sign3A_599, %sign3A_602 : i32
      %sign3A_604 = arith.constant 0 : i32
      %sign3A_605 = arith.cmpi sgt, %jit3A_595, %sign3A_604 : i32
      %sign3A_606 = arith.extui %sign3A_605 : i1 to i32
      %sign3A_607 = arith.constant 0 : i32
      %sign3A_608 = arith.cmpi slt, %jit3A_595, %sign3A_607 : i32
      %sign3A_609 = arith.extui %sign3A_608 : i1 to i32
      %sign3A_610 = arith.subi %sign3A_606, %sign3A_609 : i32
      %ne3A_611 = arith.cmpi ne, %sign3A_603, %sign3A_610 : i32
      %rem3A_612 = arith.remsi %scan3A_141, %jit3A_595 : i32
      %ne3A_613 = arith.constant 0 : i32
      %ne3A_614 = arith.cmpi ne, %rem3A_612, %ne3A_613 : i32
      %and3A_615 = arith.andi %ne3A_611, %ne3A_614 : i1
      %sub3A_616 = arith.constant 1 : i32
      %sub3A_617 = arith.subi %div3A_596, %sub3A_616 : i32
      %select_n3A_618 = arith.select %and3A_615, %sub3A_617, %div3A_596 : i32
      %jit3A_619 = arith.constant 8 : i32
      %eq3A_620 = arith.constant 0 : i32
      %eq3A_621 = arith.cmpi eq, %jit3A_619, %eq3A_620 : i32
      %jit3A_622 = arith.constant 1 : i32
      %select_n3A_623 = arith.select %eq3A_621, %jit3A_622, %jit3A_619 : i32
      %rem3A_624 = arith.remsi %scan3A_141, %select_n3A_623 : i32
      %ne3A_625 = arith.constant 0 : i32
      %ne3A_626 = arith.cmpi ne, %rem3A_624, %ne3A_625 : i32
      %lt3A_627 = arith.constant 0 : i32
      %lt3A_628 = arith.cmpi slt, %rem3A_624, %lt3A_627 : i32
      %lt3A_629 = arith.constant 0 : i32
      %lt3A_630 = arith.cmpi slt, %select_n3A_623, %lt3A_629 : i32
      %ne3A_631 = arith.xori %lt3A_628, %lt3A_630 : i1
      %and3A_632 = arith.andi %ne3A_631, %ne3A_626 : i1
      %add3A_633 = arith.addi %rem3A_624, %select_n3A_623 : i32
      %select_n3A_634 = arith.select %and3A_632, %add3A_633, %rem3A_624 : i32
      %mul3A_635 = arith.constant 16 : i32
      %mul3A_636 = arith.muli %select_n3A_634, %mul3A_635 : i32
      %swap3A_637 = arith.index_cast %select_n3A_618 : i32 to index
      %swap3A_638 = arith.index_cast %mul3A_636 : i32 to index
      %swap3A_639 = tpu.vector_load %arg14[%swap3A_637, %swap3A_638] {strides = array<i32>} : memref<4x128xf32, #tpu.memory_space<vmem>>, vector<16xf32>,
      tpu.vector_store %arg14[%swap3A_637, %swap3A_638], %add3A_531 {strides = array<i32>} : memref<4x128xf32, #tpu.memory_space<vmem>>, vector<16xf32>,
    }
    %scan3A_104 = arith.constant 8 : i32
    %dma_wait3A_105 = arith.constant 16 : i32
    %dma_wait3A_106 = arith.constant 0 : i32
    %dma_wait3A_107 = tpu.memref_slice %arg7[%dma_wait3A_105, %dma_wait3A_106] : memref<32x1500xf32, #tpu.memory_space<vmem>> -> memref<8x1500xf32, #tpu.memory_space<vmem>>
    %dma_wait3A_108 = arith.constant 0 : i32
    %dma_wait3A_109 = tpu.memref_slice %arg2[%add3A_50, %dma_wait3A_108] : memref<1024x1500xf32, #tpu.memory_space<hbm>> -> memref<8x1500xf32, #tpu.memory_space<hbm>>
    %dma_wait3A_110 = arith.constant 16 : i32
    %dma_wait3A_111 = arith.constant 0 : i32
    %dma_wait3A_112 = tpu.memref_slice %arg7[%dma_wait3A_110, %dma_wait3A_111] : memref<32x1500xf32, #tpu.memory_space<vmem>> -> memref<8x1500xf32, #tpu.memory_space<vmem>>
    %dma_wait3A_113 = arith.constant 0 : i32
    %dma_wait3A_114 = tpu.memref_slice %arg2[%add3A_50, %dma_wait3A_113] : memref<1024x1500xf32, #tpu.memory_space<hbm>> -> memref<8x1500xf32, #tpu.memory_space<hbm>>
    tpu.wait_dma2 semaphore(%arg18 : memref<!tpu.dma_semaphore, #tpu.memory_space<semaphore_mem>>) src(%dma_wait3A_114 : memref<8x1500xf32, #tpu.memory_space<hbm>>) dst(%dma_wait3A_112 : memref<8x1500xf32, #tpu.memory_space<vmem>>)
    %scan3A_115 = arith.constant 0 : i32
    %scan3A_116 = arith.constant 16 : i32
    %scan3A_117 = arith.constant 8 : i32
    %scan3A_118 = arith.addi %scan3A_116, %scan3A_117 : i32
    %scan3A_119 = arith.constant 1 : i32
    scf.for %scan3A_141 = %scan3A_116 to %scan3A_118 step %scan3A_119  : i32 {
      %broadcast_in_dim3A_142 = vector.broadcast %scan3A_141 : i32 to vector<16xi32>
      %broadcast_in_dim3A_143 = arith.constant 0.000000e+00 : f32
      %broadcast_in_dim3A_144 = vector.broadcast %broadcast_in_dim3A_143 : f32 to vector<16xf32>
      %get3A = arith.index_cast %scan3A_141 : i32 to index
      %get3A_145 = arith.constant 0 : index
      %get3A_146 = tpu.vector_load %arg8[%get3A, %get3A_145] {strides = array<i32>} : memref<32x200xf32, #tpu.memory_space<vmem>>, vector<16xf32>,
      %get3A_147 = arith.index_cast %scan3A_141 : i32 to index
      %get3A_148 = arith.constant 0 : index
      %get3A_149 = tpu.vector_load %arg9[%get3A_147, %get3A_148] {strides = array<i32>} : memref<32x200xf32, #tpu.memory_space<vmem>>, vector<16xf32>,
      %mul3A_150 = arith.constant 1.500000e+03 : f32
      %mul3A_151 = vector.broadcast %mul3A_150 : f32 to vector<16xf32>
      %mul3A_152 = arith.mulf %get3A_146, %mul3A_151 : vector<16xf32>
      %convert_element_type3A = arith.fptosi %mul3A_152 : vector<16xf32> to vector<16xi32>
      %jit3A = arith.constant 0 : i32
      %jit3A_153 = arith.constant 1499 : i32
      %max3A = vector.broadcast %jit3A : i32 to vector<16xi32>
      %max3A_154 = arith.maxsi %max3A, %convert_element_type3A : vector<16xi32>
      %min3A = vector.broadcast %jit3A_153 : i32 to vector<16xi32>
      %min3A_155 = arith.minsi %min3A, %max3A_154 : vector<16xi32>
      %swap3A = arith.constant 0 : index
      %swap3A_156 = tpu.vector_load %arg11[%swap3A] {strides = array<i32>} : memref<208xi32, #tpu.memory_space<vmem>>, vector<16xi32>,
      tpu.vector_store %arg11[%swap3A], %min3A_155 {strides = array<i32>} : memref<208xi32, #tpu.memory_space<vmem>>, vector<16xi32>,
      %swap3A_157 = arith.constant 0 : index
      %swap3A_158 = tpu.vector_load %arg12[%swap3A_157] {strides = array<i32>} : memref<208xf32, #tpu.memory_space<vmem>>, vector<16xf32>,
      tpu.vector_store %arg12[%swap3A_157], %get3A_149 {strides = array<i32>} : memref<208xf32, #tpu.memory_space<vmem>>, vector<16xf32>,
      %gather3A = tpu.vector_load_idx %arg7[%broadcast_in_dim3A_142, %min3A_155] : memref<32x1500xf32, #tpu.memory_space<vmem>>[vector<16xi32>, vector<16xi32>], vector<16xf32>,
      tpu.vector_store_idx %arg10[%min3A_155], %get3A_149 {add = true} : memref<1504xf32, #tpu.memory_space<vmem>>[vector<16xi32>], vector<16xf32>,
      %mul3A_159 = arith.mulf %gather3A, %get3A_149 : vector<16xf32>
      %add3A_160 = arith.addf %broadcast_in_dim3A_144, %mul3A_159 : vector<16xf32>
      %get3A_161 = arith.index_cast %scan3A_141 : i32 to index
      %get3A_162 = arith.constant 16 : index
      %get3A_163 = tpu.vector_load %arg8[%get3A_161, %get3A_162] {strides = array<i32>} : memref<32x200xf32, #tpu.memory_space<vmem>>, vector<16xf32>,
      %get3A_164 = arith.index_cast %scan3A_141 : i32 to index
      %get3A_165 = arith.constant 16 : index
      %get3A_166 = tpu.vector_load %arg9[%get3A_164, %get3A_165] {strides = array<i32>} : memref<32x200xf32, #tpu.memory_space<vmem>>, vector<16xf32>,
      %mul3A_167 = arith.constant 1.500000e+03 : f32
      %mul3A_168 = vector.broadcast %mul3A_167 : f32 to vector<16xf32>
      %mul3A_169 = arith.mulf %get3A_163, %mul3A_168 : vector<16xf32>
      %convert_element_type3A_170 = arith.fptosi %mul3A_169 : vector<16xf32> to vector<16xi32>
      %jit3A_171 = arith.constant 0 : i32
      %jit3A_172 = arith.constant 1499 : i32
      %max3A_173 = vector.broadcast %jit3A_171 : i32 to vector<16xi32>
      %max3A_174 = arith.maxsi %max3A_173, %convert_element_type3A_170 : vector<16xi32>
      %min3A_175 = vector.broadcast %jit3A_172 : i32 to vector<16xi32>
      %min3A_176 = arith.minsi %min3A_175, %max3A_174 : vector<16xi32>
      %swap3A_177 = arith.constant 16 : index
      %swap3A_178 = tpu.vector_load %arg11[%swap3A_177] {strides = array<i32>} : memref<208xi32, #tpu.memory_space<vmem>>, vector<16xi32>,
      tpu.vector_store %arg11[%swap3A_177], %min3A_176 {strides = array<i32>} : memref<208xi32, #tpu.memory_space<vmem>>, vector<16xi32>,
      %swap3A_179 = arith.constant 16 : index
      %swap3A_180 = tpu.vector_load %arg12[%swap3A_179] {strides = array<i32>} : memref<208xf32, #tpu.memory_space<vmem>>, vector<16xf32>,
      tpu.vector_store %arg12[%swap3A_179], %get3A_166 {strides = array<i32>} : memref<208xf32, #tpu.memory_space<vmem>>, vector<16xf32>,
      %gather3A_181 = tpu.vector_load_idx %arg7[%broadcast_in_dim3A_142, %min3A_176] : memref<32x1500xf32, #tpu.memory_space<vmem>>[vector<16xi32>, vector<16xi32>], vector<16xf32>,
      tpu.vector_store_idx %arg10[%min3A_176], %get3A_166 {add = true} : memref<1504xf32, #tpu.memory_space<vmem>>[vector<16xi32>], vector<16xf32>,
      %mul3A_182 = arith.mulf %gather3A_181, %get3A_166 : vector<16xf32>
      %add3A_183 = arith.addf %add3A_160, %mul3A_182 : vector<16xf32>
      %get3A_184 = arith.index_cast %scan3A_141 : i32 to index
      %get3A_185 = arith.constant 32 : index
      %get3A_186 = tpu.vector_load %arg8[%get3A_184, %get3A_185] {strides = array<i32>} : memref<32x200xf32, #tpu.memory_space<vmem>>, vector<16xf32>,
      %get3A_187 = arith.index_cast %scan3A_141 : i32 to index
      %get3A_188 = arith.constant 32 : index
      %get3A_189 = tpu.vector_load %arg9[%get3A_187, %get3A_188] {strides = array<i32>} : memref<32x200xf32, #tpu.memory_space<vmem>>, vector<16xf32>,
      %mul3A_190 = arith.constant 1.500000e+03 : f32
      %mul3A_191 = vector.broadcast %mul3A_190 : f32 to vector<16xf32>
      %mul3A_192 = arith.mulf %get3A_186, %mul3A_191 : vector<16xf32>
      %convert_element_type3A_193 = arith.fptosi %mul3A_192 : vector<16xf32> to vector<16xi32>
      %jit3A_194 = arith.constant 0 : i32
      %jit3A_195 = arith.constant 1499 : i32
      %max3A_196 = vector.broadcast %jit3A_194 : i32 to vector<16xi32>
      %max3A_197 = arith.maxsi %max3A_196, %convert_element_type3A_193 : vector<16xi32>
      %min3A_198 = vector.broadcast %jit3A_195 : i32 to vector<16xi32>
      %min3A_199 = arith.minsi %min3A_198, %max3A_197 : vector<16xi32>
      %swap3A_200 = arith.constant 32 : index
      %swap3A_201 = tpu.vector_load %arg11[%swap3A_200] {strides = array<i32>} : memref<208xi32, #tpu.memory_space<vmem>>, vector<16xi32>,
      tpu.vector_store %arg11[%swap3A_200], %min3A_199 {strides = array<i32>} : memref<208xi32, #tpu.memory_space<vmem>>, vector<16xi32>,
      %swap3A_202 = arith.constant 32 : index
      %swap3A_203 = tpu.vector_load %arg12[%swap3A_202] {strides = array<i32>} : memref<208xf32, #tpu.memory_space<vmem>>, vector<16xf32>,
      tpu.vector_store %arg12[%swap3A_202], %get3A_189 {strides = array<i32>} : memref<208xf32, #tpu.memory_space<vmem>>, vector<16xf32>,
      %gather3A_204 = tpu.vector_load_idx %arg7[%broadcast_in_dim3A_142, %min3A_199] : memref<32x1500xf32, #tpu.memory_space<vmem>>[vector<16xi32>, vector<16xi32>], vector<16xf32>,
      tpu.vector_store_idx %arg10[%min3A_199], %get3A_189 {add = true} : memref<1504xf32, #tpu.memory_space<vmem>>[vector<16xi32>], vector<16xf32>,
      %mul3A_205 = arith.mulf %gather3A_204, %get3A_189 : vector<16xf32>
      %add3A_206 = arith.addf %add3A_183, %mul3A_205 : vector<16xf32>
      %get3A_207 = arith.index_cast %scan3A_141 : i32 to index
      %get3A_208 = arith.constant 48 : index
      %get3A_209 = tpu.vector_load %arg8[%get3A_207, %get3A_208] {strides = array<i32>} : memref<32x200xf32, #tpu.memory_space<vmem>>, vector<16xf32>,
      %get3A_210 = arith.index_cast %scan3A_141 : i32 to index
      %get3A_211 = arith.constant 48 : index
      %get3A_212 = tpu.vector_load %arg9[%get3A_210, %get3A_211] {strides = array<i32>} : memref<32x200xf32, #tpu.memory_space<vmem>>, vector<16xf32>,
      %mul3A_213 = arith.constant 1.500000e+03 : f32
      %mul3A_214 = vector.broadcast %mul3A_213 : f32 to vector<16xf32>
      %mul3A_215 = arith.mulf %get3A_209, %mul3A_214 : vector<16xf32>
      %convert_element_type3A_216 = arith.fptosi %mul3A_215 : vector<16xf32> to vector<16xi32>
      %jit3A_217 = arith.constant 0 : i32
      %jit3A_218 = arith.constant 1499 : i32
      %max3A_219 = vector.broadcast %jit3A_217 : i32 to vector<16xi32>
      %max3A_220 = arith.maxsi %max3A_219, %convert_element_type3A_216 : vector<16xi32>
      %min3A_221 = vector.broadcast %jit3A_218 : i32 to vector<16xi32>
      %min3A_222 = arith.minsi %min3A_221, %max3A_220 : vector<16xi32>
      %swap3A_223 = arith.constant 48 : index
      %swap3A_224 = tpu.vector_load %arg11[%swap3A_223] {strides = array<i32>} : memref<208xi32, #tpu.memory_space<vmem>>, vector<16xi32>,
      tpu.vector_store %arg11[%swap3A_223], %min3A_222 {strides = array<i32>} : memref<208xi32, #tpu.memory_space<vmem>>, vector<16xi32>,
      %swap3A_225 = arith.constant 48 : index
      %swap3A_226 = tpu.vector_load %arg12[%swap3A_225] {strides = array<i32>} : memref<208xf32, #tpu.memory_space<vmem>>, vector<16xf32>,
      tpu.vector_store %arg12[%swap3A_225], %get3A_212 {strides = array<i32>} : memref<208xf32, #tpu.memory_space<vmem>>, vector<16xf32>,
      %gather3A_227 = tpu.vector_load_idx %arg7[%broadcast_in_dim3A_142, %min3A_222] : memref<32x1500xf32, #tpu.memory_space<vmem>>[vector<16xi32>, vector<16xi32>], vector<16xf32>,
      tpu.vector_store_idx %arg10[%min3A_222], %get3A_212 {add = true} : memref<1504xf32, #tpu.memory_space<vmem>>[vector<16xi32>], vector<16xf32>,
      %mul3A_228 = arith.mulf %gather3A_227, %get3A_212 : vector<16xf32>
      %add3A_229 = arith.addf %add3A_206, %mul3A_228 : vector<16xf32>
      %get3A_230 = arith.index_cast %scan3A_141 : i32 to index
      %get3A_231 = arith.constant 64 : index
      %get3A_232 = tpu.vector_load %arg8[%get3A_230, %get3A_231] {strides = array<i32>} : memref<32x200xf32, #tpu.memory_space<vmem>>, vector<16xf32>,
      %get3A_233 = arith.index_cast %scan3A_141 : i32 to index
      %get3A_234 = arith.constant 64 : index
      %get3A_235 = tpu.vector_load %arg9[%get3A_233, %get3A_234] {strides = array<i32>} : memref<32x200xf32, #tpu.memory_space<vmem>>, vector<16xf32>,
      %mul3A_236 = arith.constant 1.500000e+03 : f32
      %mul3A_237 = vector.broadcast %mul3A_236 : f32 to vector<16xf32>
      %mul3A_238 = arith.mulf %get3A_232, %mul3A_237 : vector<16xf32>
      %convert_element_type3A_239 = arith.fptosi %mul3A_238 : vector<16xf32> to vector<16xi32>
      %jit3A_240 = arith.constant 0 : i32
      %jit3A_241 = arith.constant 1499 : i32
      %max3A_242 = vector.broadcast %jit3A_240 : i32 to vector<16xi32>
      %max3A_243 = arith.maxsi %max3A_242, %convert_element_type3A_239 : vector<16xi32>
      %min3A_244 = vector.broadcast %jit3A_241 : i32 to vector<16xi32>
      %min3A_245 = arith.minsi %min3A_244, %max3A_243 : vector<16xi32>
      %swap3A_246 = arith.constant 64 : index
      %swap3A_247 = tpu.vector_load %arg11[%swap3A_246] {strides = array<i32>} : memref<208xi32, #tpu.memory_space<vmem>>, vector<16xi32>,
      tpu.vector_store %arg11[%swap3A_246], %min3A_245 {strides = array<i32>} : memref<208xi32, #tpu.memory_space<vmem>>, vector<16xi32>,
      %swap3A_248 = arith.constant 64 : index
      %swap3A_249 = tpu.vector_load %arg12[%swap3A_248] {strides = array<i32>} : memref<208xf32, #tpu.memory_space<vmem>>, vector<16xf32>,
      tpu.vector_store %arg12[%swap3A_248], %get3A_235 {strides = array<i32>} : memref<208xf32, #tpu.memory_space<vmem>>, vector<16xf32>,
      %gather3A_250 = tpu.vector_load_idx %arg7[%broadcast_in_dim3A_142, %min3A_245] : memref<32x1500xf32, #tpu.memory_space<vmem>>[vector<16xi32>, vector<16xi32>], vector<16xf32>,
      tpu.vector_store_idx %arg10[%min3A_245], %get3A_235 {add = true} : memref<1504xf32, #tpu.memory_space<vmem>>[vector<16xi32>], vector<16xf32>,
      %mul3A_251 = arith.mulf %gather3A_250, %get3A_235 : vector<16xf32>
      %add3A_252 = arith.addf %add3A_229, %mul3A_251 : vector<16xf32>
      %get3A_253 = arith.index_cast %scan3A_141 : i32 to index
      %get3A_254 = arith.constant 80 : index
      %get3A_255 = tpu.vector_load %arg8[%get3A_253, %get3A_254] {strides = array<i32>} : memref<32x200xf32, #tpu.memory_space<vmem>>, vector<16xf32>,
      %get3A_256 = arith.index_cast %scan3A_141 : i32 to index
      %get3A_257 = arith.constant 80 : index
      %get3A_258 = tpu.vector_load %arg9[%get3A_256, %get3A_257] {strides = array<i32>} : memref<32x200xf32, #tpu.memory_space<vmem>>, vector<16xf32>,
      %mul3A_259 = arith.constant 1.500000e+03 : f32
      %mul3A_260 = vector.broadcast %mul3A_259 : f32 to vector<16xf32>
      %mul3A_261 = arith.mulf %get3A_255, %mul3A_260 : vector<16xf32>
      %convert_element_type3A_262 = arith.fptosi %mul3A_261 : vector<16xf32> to vector<16xi32>
      %jit3A_263 = arith.constant 0 : i32
      %jit3A_264 = arith.constant 1499 : i32
      %max3A_265 = vector.broadcast %jit3A_263 : i32 to vector<16xi32>
      %max3A_266 = arith.maxsi %max3A_265, %convert_element_type3A_262 : vector<16xi32>
      %min3A_267 = vector.broadcast %jit3A_264 : i32 to vector<16xi32>
      %min3A_268 = arith.minsi %min3A_267, %max3A_266 : vector<16xi32>
      %swap3A_269 = arith.constant 80 : index
      %swap3A_270 = tpu.vector_load %arg11[%swap3A_269] {strides = array<i32>} : memref<208xi32, #tpu.memory_space<vmem>>, vector<16xi32>,
      tpu.vector_store %arg11[%swap3A_269], %min3A_268 {strides = array<i32>} : memref<208xi32, #tpu.memory_space<vmem>>, vector<16xi32>,
      %swap3A_271 = arith.constant 80 : index
      %swap3A_272 = tpu.vector_load %arg12[%swap3A_271] {strides = array<i32>} : memref<208xf32, #tpu.memory_space<vmem>>, vector<16xf32>,
      tpu.vector_store %arg12[%swap3A_271], %get3A_258 {strides = array<i32>} : memref<208xf32, #tpu.memory_space<vmem>>, vector<16xf32>,
      %gather3A_273 = tpu.vector_load_idx %arg7[%broadcast_in_dim3A_142, %min3A_268] : memref<32x1500xf32, #tpu.memory_space<vmem>>[vector<16xi32>, vector<16xi32>], vector<16xf32>,
      tpu.vector_store_idx %arg10[%min3A_268], %get3A_258 {add = true} : memref<1504xf32, #tpu.memory_space<vmem>>[vector<16xi32>], vector<16xf32>,
      %mul3A_274 = arith.mulf %gather3A_273, %get3A_258 : vector<16xf32>
      %add3A_275 = arith.addf %add3A_252, %mul3A_274 : vector<16xf32>
      %get3A_276 = arith.index_cast %scan3A_141 : i32 to index
      %get3A_277 = arith.constant 96 : index
      %get3A_278 = tpu.vector_load %arg8[%get3A_276, %get3A_277] {strides = array<i32>} : memref<32x200xf32, #tpu.memory_space<vmem>>, vector<16xf32>,
      %get3A_279 = arith.index_cast %scan3A_141 : i32 to index
      %get3A_280 = arith.constant 96 : index
      %get3A_281 = tpu.vector_load %arg9[%get3A_279, %get3A_280] {strides = array<i32>} : memref<32x200xf32, #tpu.memory_space<vmem>>, vector<16xf32>,
      %mul3A_282 = arith.constant 1.500000e+03 : f32
      %mul3A_283 = vector.broadcast %mul3A_282 : f32 to vector<16xf32>
      %mul3A_284 = arith.mulf %get3A_278, %mul3A_283 : vector<16xf32>
      %convert_element_type3A_285 = arith.fptosi %mul3A_284 : vector<16xf32> to vector<16xi32>
      %jit3A_286 = arith.constant 0 : i32
      %jit3A_287 = arith.constant 1499 : i32
      %max3A_288 = vector.broadcast %jit3A_286 : i32 to vector<16xi32>
      %max3A_289 = arith.maxsi %max3A_288, %convert_element_type3A_285 : vector<16xi32>
      %min3A_290 = vector.broadcast %jit3A_287 : i32 to vector<16xi32>
      %min3A_291 = arith.minsi %min3A_290, %max3A_289 : vector<16xi32>
      %swap3A_292 = arith.constant 96 : index
      %swap3A_293 = tpu.vector_load %arg11[%swap3A_292] {strides = array<i32>} : memref<208xi32, #tpu.memory_space<vmem>>, vector<16xi32>,
      tpu.vector_store %arg11[%swap3A_292], %min3A_291 {strides = array<i32>} : memref<208xi32, #tpu.memory_space<vmem>>, vector<16xi32>,
      %swap3A_294 = arith.constant 96 : index
      %swap3A_295 = tpu.vector_load %arg12[%swap3A_294] {strides = array<i32>} : memref<208xf32, #tpu.memory_space<vmem>>, vector<16xf32>,
      tpu.vector_store %arg12[%swap3A_294], %get3A_281 {strides = array<i32>} : memref<208xf32, #tpu.memory_space<vmem>>, vector<16xf32>,
      %gather3A_296 = tpu.vector_load_idx %arg7[%broadcast_in_dim3A_142, %min3A_291] : memref<32x1500xf32, #tpu.memory_space<vmem>>[vector<16xi32>, vector<16xi32>], vector<16xf32>,
      tpu.vector_store_idx %arg10[%min3A_291], %get3A_281 {add = true} : memref<1504xf32, #tpu.memory_space<vmem>>[vector<16xi32>], vector<16xf32>,
      %mul3A_297 = arith.mulf %gather3A_296, %get3A_281 : vector<16xf32>
      %add3A_298 = arith.addf %add3A_275, %mul3A_297 : vector<16xf32>
      %get3A_299 = arith.index_cast %scan3A_141 : i32 to index
      %get3A_300 = arith.constant 112 : index
      %get3A_301 = tpu.vector_load %arg8[%get3A_299, %get3A_300] {strides = array<i32>} : memref<32x200xf32, #tpu.memory_space<vmem>>, vector<16xf32>,
      %get3A_302 = arith.index_cast %scan3A_141 : i32 to index
      %get3A_303 = arith.constant 112 : index
      %get3A_304 = tpu.vector_load %arg9[%get3A_302, %get3A_303] {strides = array<i32>} : memref<32x200xf32, #tpu.memory_space<vmem>>, vector<16xf32>,
      %mul3A_305 = arith.constant 1.500000e+03 : f32
      %mul3A_306 = vector.broadcast %mul3A_305 : f32 to vector<16xf32>
      %mul3A_307 = arith.mulf %get3A_301, %mul3A_306 : vector<16xf32>
      %convert_element_type3A_308 = arith.fptosi %mul3A_307 : vector<16xf32> to vector<16xi32>
      %jit3A_309 = arith.constant 0 : i32
      %jit3A_310 = arith.constant 1499 : i32
      %max3A_311 = vector.broadcast %jit3A_309 : i32 to vector<16xi32>
      %max3A_312 = arith.maxsi %max3A_311, %convert_element_type3A_308 : vector<16xi32>
      %min3A_313 = vector.broadcast %jit3A_310 : i32 to vector<16xi32>
      %min3A_314 = arith.minsi %min3A_313, %max3A_312 : vector<16xi32>
      %swap3A_315 = arith.constant 112 : index
      %swap3A_316 = tpu.vector_load %arg11[%swap3A_315] {strides = array<i32>} : memref<208xi32, #tpu.memory_space<vmem>>, vector<16xi32>,
      tpu.vector_store %arg11[%swap3A_315], %min3A_314 {strides = array<i32>} : memref<208xi32, #tpu.memory_space<vmem>>, vector<16xi32>,
      %swap3A_317 = arith.constant 112 : index
      %swap3A_318 = tpu.vector_load %arg12[%swap3A_317] {strides = array<i32>} : memref<208xf32, #tpu.memory_space<vmem>>, vector<16xf32>,
      tpu.vector_store %arg12[%swap3A_317], %get3A_304 {strides = array<i32>} : memref<208xf32, #tpu.memory_space<vmem>>, vector<16xf32>,
      %gather3A_319 = tpu.vector_load_idx %arg7[%broadcast_in_dim3A_142, %min3A_314] : memref<32x1500xf32, #tpu.memory_space<vmem>>[vector<16xi32>, vector<16xi32>], vector<16xf32>,
      tpu.vector_store_idx %arg10[%min3A_314], %get3A_304 {add = true} : memref<1504xf32, #tpu.memory_space<vmem>>[vector<16xi32>], vector<16xf32>,
      %mul3A_320 = arith.mulf %gather3A_319, %get3A_304 : vector<16xf32>
      %add3A_321 = arith.addf %add3A_298, %mul3A_320 : vector<16xf32>
      %get3A_322 = arith.index_cast %scan3A_141 : i32 to index
      %get3A_323 = arith.constant 128 : index
      %get3A_324 = tpu.vector_load %arg8[%get3A_322, %get3A_323] {strides = array<i32>} : memref<32x200xf32, #tpu.memory_space<vmem>>, vector<16xf32>,
      %get3A_325 = arith.index_cast %scan3A_141 : i32 to index
      %get3A_326 = arith.constant 128 : index
      %get3A_327 = tpu.vector_load %arg9[%get3A_325, %get3A_326] {strides = array<i32>} : memref<32x200xf32, #tpu.memory_space<vmem>>, vector<16xf32>,
      %mul3A_328 = arith.constant 1.500000e+03 : f32
      %mul3A_329 = vector.broadcast %mul3A_328 : f32 to vector<16xf32>
      %mul3A_330 = arith.mulf %get3A_324, %mul3A_329 : vector<16xf32>
      %convert_element_type3A_331 = arith.fptosi %mul3A_330 : vector<16xf32> to vector<16xi32>
      %jit3A_332 = arith.constant 0 : i32
      %jit3A_333 = arith.constant 1499 : i32
      %max3A_334 = vector.broadcast %jit3A_332 : i32 to vector<16xi32>
      %max3A_335 = arith.maxsi %max3A_334, %convert_element_type3A_331 : vector<16xi32>
      %min3A_336 = vector.broadcast %jit3A_333 : i32 to vector<16xi32>
      %min3A_337 = arith.minsi %min3A_336, %max3A_335 : vector<16xi32>
      %swap3A_338 = arith.constant 128 : index
      %swap3A_339 = tpu.vector_load %arg11[%swap3A_338] {strides = array<i32>} : memref<208xi32, #tpu.memory_space<vmem>>, vector<16xi32>,
      tpu.vector_store %arg11[%swap3A_338], %min3A_337 {strides = array<i32>} : memref<208xi32, #tpu.memory_space<vmem>>, vector<16xi32>,
      %swap3A_340 = arith.constant 128 : index
      %swap3A_341 = tpu.vector_load %arg12[%swap3A_340] {strides = array<i32>} : memref<208xf32, #tpu.memory_space<vmem>>, vector<16xf32>,
      tpu.vector_store %arg12[%swap3A_340], %get3A_327 {strides = array<i32>} : memref<208xf32, #tpu.memory_space<vmem>>, vector<16xf32>,
      %gather3A_342 = tpu.vector_load_idx %arg7[%broadcast_in_dim3A_142, %min3A_337] : memref<32x1500xf32, #tpu.memory_space<vmem>>[vector<16xi32>, vector<16xi32>], vector<16xf32>,
      tpu.vector_store_idx %arg10[%min3A_337], %get3A_327 {add = true} : memref<1504xf32, #tpu.memory_space<vmem>>[vector<16xi32>], vector<16xf32>,
      %mul3A_343 = arith.mulf %gather3A_342, %get3A_327 : vector<16xf32>
      %add3A_344 = arith.addf %add3A_321, %mul3A_343 : vector<16xf32>
      %get3A_345 = arith.index_cast %scan3A_141 : i32 to index
      %get3A_346 = arith.constant 144 : index
      %get3A_347 = tpu.vector_load %arg8[%get3A_345, %get3A_346] {strides = array<i32>} : memref<32x200xf32, #tpu.memory_space<vmem>>, vector<16xf32>,
      %get3A_348 = arith.index_cast %scan3A_141 : i32 to index
      %get3A_349 = arith.constant 144 : index
      %get3A_350 = tpu.vector_load %arg9[%get3A_348, %get3A_349] {strides = array<i32>} : memref<32x200xf32, #tpu.memory_space<vmem>>, vector<16xf32>,
      %mul3A_351 = arith.constant 1.500000e+03 : f32
      %mul3A_352 = vector.broadcast %mul3A_351 : f32 to vector<16xf32>
      %mul3A_353 = arith.mulf %get3A_347, %mul3A_352 : vector<16xf32>
      %convert_element_type3A_354 = arith.fptosi %mul3A_353 : vector<16xf32> to vector<16xi32>
      %jit3A_355 = arith.constant 0 : i32
      %jit3A_356 = arith.constant 1499 : i32
      %max3A_357 = vector.broadcast %jit3A_355 : i32 to vector<16xi32>
      %max3A_358 = arith.maxsi %max3A_357, %convert_element_type3A_354 : vector<16xi32>
      %min3A_359 = vector.broadcast %jit3A_356 : i32 to vector<16xi32>
      %min3A_360 = arith.minsi %min3A_359, %max3A_358 : vector<16xi32>
      %swap3A_361 = arith.constant 144 : index
      %swap3A_362 = tpu.vector_load %arg11[%swap3A_361] {strides = array<i32>} : memref<208xi32, #tpu.memory_space<vmem>>, vector<16xi32>,
      tpu.vector_store %arg11[%swap3A_361], %min3A_360 {strides = array<i32>} : memref<208xi32, #tpu.memory_space<vmem>>, vector<16xi32>,
      %swap3A_363 = arith.constant 144 : index
      %swap3A_364 = tpu.vector_load %arg12[%swap3A_363] {strides = array<i32>} : memref<208xf32, #tpu.memory_space<vmem>>, vector<16xf32>,
      tpu.vector_store %arg12[%swap3A_363], %get3A_350 {strides = array<i32>} : memref<208xf32, #tpu.memory_space<vmem>>, vector<16xf32>,
      %gather3A_365 = tpu.vector_load_idx %arg7[%broadcast_in_dim3A_142, %min3A_360] : memref<32x1500xf32, #tpu.memory_space<vmem>>[vector<16xi32>, vector<16xi32>], vector<16xf32>,
      tpu.vector_store_idx %arg10[%min3A_360], %get3A_350 {add = true} : memref<1504xf32, #tpu.memory_space<vmem>>[vector<16xi32>], vector<16xf32>,
      %mul3A_366 = arith.mulf %gather3A_365, %get3A_350 : vector<16xf32>
      %add3A_367 = arith.addf %add3A_344, %mul3A_366 : vector<16xf32>
      %get3A_368 = arith.index_cast %scan3A_141 : i32 to index
      %get3A_369 = arith.constant 160 : index
      %get3A_370 = tpu.vector_load %arg8[%get3A_368, %get3A_369] {strides = array<i32>} : memref<32x200xf32, #tpu.memory_space<vmem>>, vector<16xf32>,
      %get3A_371 = arith.index_cast %scan3A_141 : i32 to index
      %get3A_372 = arith.constant 160 : index
      %get3A_373 = tpu.vector_load %arg9[%get3A_371, %get3A_372] {strides = array<i32>} : memref<32x200xf32, #tpu.memory_space<vmem>>, vector<16xf32>,
      %mul3A_374 = arith.constant 1.500000e+03 : f32
      %mul3A_375 = vector.broadcast %mul3A_374 : f32 to vector<16xf32>
      %mul3A_376 = arith.mulf %get3A_370, %mul3A_375 : vector<16xf32>
      %convert_element_type3A_377 = arith.fptosi %mul3A_376 : vector<16xf32> to vector<16xi32>
      %jit3A_378 = arith.constant 0 : i32
      %jit3A_379 = arith.constant 1499 : i32
      %max3A_380 = vector.broadcast %jit3A_378 : i32 to vector<16xi32>
      %max3A_381 = arith.maxsi %max3A_380, %convert_element_type3A_377 : vector<16xi32>
      %min3A_382 = vector.broadcast %jit3A_379 : i32 to vector<16xi32>
      %min3A_383 = arith.minsi %min3A_382, %max3A_381 : vector<16xi32>
      %swap3A_384 = arith.constant 160 : index
      %swap3A_385 = tpu.vector_load %arg11[%swap3A_384] {strides = array<i32>} : memref<208xi32, #tpu.memory_space<vmem>>, vector<16xi32>,
      tpu.vector_store %arg11[%swap3A_384], %min3A_383 {strides = array<i32>} : memref<208xi32, #tpu.memory_space<vmem>>, vector<16xi32>,
      %swap3A_386 = arith.constant 160 : index
      %swap3A_387 = tpu.vector_load %arg12[%swap3A_386] {strides = array<i32>} : memref<208xf32, #tpu.memory_space<vmem>>, vector<16xf32>,
      tpu.vector_store %arg12[%swap3A_386], %get3A_373 {strides = array<i32>} : memref<208xf32, #tpu.memory_space<vmem>>, vector<16xf32>,
      %gather3A_388 = tpu.vector_load_idx %arg7[%broadcast_in_dim3A_142, %min3A_383] : memref<32x1500xf32, #tpu.memory_space<vmem>>[vector<16xi32>, vector<16xi32>], vector<16xf32>,
      tpu.vector_store_idx %arg10[%min3A_383], %get3A_373 {add = true} : memref<1504xf32, #tpu.memory_space<vmem>>[vector<16xi32>], vector<16xf32>,
      %mul3A_389 = arith.mulf %gather3A_388, %get3A_373 : vector<16xf32>
      %add3A_390 = arith.addf %add3A_367, %mul3A_389 : vector<16xf32>
      %get3A_391 = arith.index_cast %scan3A_141 : i32 to index
      %get3A_392 = arith.constant 176 : index
      %get3A_393 = tpu.vector_load %arg8[%get3A_391, %get3A_392] {strides = array<i32>} : memref<32x200xf32, #tpu.memory_space<vmem>>, vector<16xf32>,
      %get3A_394 = arith.index_cast %scan3A_141 : i32 to index
      %get3A_395 = arith.constant 176 : index
      %get3A_396 = tpu.vector_load %arg9[%get3A_394, %get3A_395] {strides = array<i32>} : memref<32x200xf32, #tpu.memory_space<vmem>>, vector<16xf32>,
      %mul3A_397 = arith.constant 1.500000e+03 : f32
      %mul3A_398 = vector.broadcast %mul3A_397 : f32 to vector<16xf32>
      %mul3A_399 = arith.mulf %get3A_393, %mul3A_398 : vector<16xf32>
      %convert_element_type3A_400 = arith.fptosi %mul3A_399 : vector<16xf32> to vector<16xi32>
      %jit3A_401 = arith.constant 0 : i32
      %jit3A_402 = arith.constant 1499 : i32
      %max3A_403 = vector.broadcast %jit3A_401 : i32 to vector<16xi32>
      %max3A_404 = arith.maxsi %max3A_403, %convert_element_type3A_400 : vector<16xi32>
      %min3A_405 = vector.broadcast %jit3A_402 : i32 to vector<16xi32>
      %min3A_406 = arith.minsi %min3A_405, %max3A_404 : vector<16xi32>
      %swap3A_407 = arith.constant 176 : index
      %swap3A_408 = tpu.vector_load %arg11[%swap3A_407] {strides = array<i32>} : memref<208xi32, #tpu.memory_space<vmem>>, vector<16xi32>,
      tpu.vector_store %arg11[%swap3A_407], %min3A_406 {strides = array<i32>} : memref<208xi32, #tpu.memory_space<vmem>>, vector<16xi32>,
      %swap3A_409 = arith.constant 176 : index
      %swap3A_410 = tpu.vector_load %arg12[%swap3A_409] {strides = array<i32>} : memref<208xf32, #tpu.memory_space<vmem>>, vector<16xf32>,
      tpu.vector_store %arg12[%swap3A_409], %get3A_396 {strides = array<i32>} : memref<208xf32, #tpu.memory_space<vmem>>, vector<16xf32>,
      %gather3A_411 = tpu.vector_load_idx %arg7[%broadcast_in_dim3A_142, %min3A_406] : memref<32x1500xf32, #tpu.memory_space<vmem>>[vector<16xi32>, vector<16xi32>], vector<16xf32>,
      tpu.vector_store_idx %arg10[%min3A_406], %get3A_396 {add = true} : memref<1504xf32, #tpu.memory_space<vmem>>[vector<16xi32>], vector<16xf32>,
      %mul3A_412 = arith.mulf %gather3A_411, %get3A_396 : vector<16xf32>
      %add3A_413 = arith.addf %add3A_390, %mul3A_412 : vector<16xf32>
      %get3A_414 = arith.index_cast %scan3A_141 : i32 to index
      %get3A_415 = arith.constant 184 : index
      %get3A_416 = tpu.vector_load %arg8[%get3A_414, %get3A_415] {strides = array<i32>} : memref<32x200xf32, #tpu.memory_space<vmem>>, vector<16xf32>,
      %get3A_417 = arith.index_cast %scan3A_141 : i32 to index
      %get3A_418 = arith.constant 184 : index
      %get3A_419 = tpu.vector_load %arg9[%get3A_417, %get3A_418] {strides = array<i32>} : memref<32x200xf32, #tpu.memory_space<vmem>>, vector<16xf32>,
      %jit3A_420 = arith.constant 0.000000e+00 : f32
      %broadcast_in_dim3A_421 = vector.broadcast %jit3A_420 : f32 to vector<16xf32>
      %select_n3A = arith.select %ge3A_36, %get3A_419, %broadcast_in_dim3A_421 : vector<16xi1>, vector<16xf32>
      %mul3A_422 = arith.constant 1.500000e+03 : f32
      %mul3A_423 = vector.broadcast %mul3A_422 : f32 to vector<16xf32>
      %mul3A_424 = arith.mulf %get3A_416, %mul3A_423 : vector<16xf32>
      %convert_element_type3A_425 = arith.fptosi %mul3A_424 : vector<16xf32> to vector<16xi32>
      %jit3A_426 = arith.constant 0 : i32
      %jit3A_427 = arith.constant 1499 : i32
      %max3A_428 = vector.broadcast %jit3A_426 : i32 to vector<16xi32>
      %max3A_429 = arith.maxsi %max3A_428, %convert_element_type3A_425 : vector<16xi32>
      %min3A_430 = vector.broadcast %jit3A_427 : i32 to vector<16xi32>
      %min3A_431 = arith.minsi %min3A_430, %max3A_429 : vector<16xi32>
      %swap3A_432 = arith.constant 192 : index
      %swap3A_433 = tpu.vector_load %arg11[%swap3A_432] {strides = array<i32>} : memref<208xi32, #tpu.memory_space<vmem>>, vector<16xi32>,
      tpu.vector_store %arg11[%swap3A_432], %min3A_431 {strides = array<i32>} : memref<208xi32, #tpu.memory_space<vmem>>, vector<16xi32>,
      %swap3A_434 = arith.constant 192 : index
      %swap3A_435 = tpu.vector_load %arg12[%swap3A_434] {strides = array<i32>} : memref<208xf32, #tpu.memory_space<vmem>>, vector<16xf32>,
      tpu.vector_store %arg12[%swap3A_434], %select_n3A {strides = array<i32>} : memref<208xf32, #tpu.memory_space<vmem>>, vector<16xf32>,
      %gather3A_436 = tpu.vector_load_idx %arg7[%broadcast_in_dim3A_142, %min3A_431] : memref<32x1500xf32, #tpu.memory_space<vmem>>[vector<16xi32>, vector<16xi32>], vector<16xf32>,
      tpu.vector_store_idx %arg10[%min3A_431], %select_n3A {add = true} : memref<1504xf32, #tpu.memory_space<vmem>>[vector<16xi32>], vector<16xf32>,
      %mul3A_437 = arith.mulf %gather3A_436, %select_n3A : vector<16xf32>
      %add3A_438 = arith.addf %add3A_413, %mul3A_437 : vector<16xf32>
      %broadcast_in_dim3A_439 = arith.constant 0.000000e+00 : f32
      %broadcast_in_dim3A_440 = vector.broadcast %broadcast_in_dim3A_439 : f32 to vector<16xf32>
      %get3A_441 = arith.constant 0 : index
      %get3A_442 = tpu.vector_load %arg11[%get3A_441] {strides = array<i32>} : memref<208xi32, #tpu.memory_space<vmem>>, vector<16xi32>,
      %get3A_443 = arith.constant 0 : index
      %get3A_444 = tpu.vector_load %arg12[%get3A_443] {strides = array<i32>} : memref<208xf32, #tpu.memory_space<vmem>>, vector<16xf32>,
      %gather3A_445 = tpu.vector_load_idx %arg10[%get3A_442] : memref<1504xf32, #tpu.memory_space<vmem>>[vector<16xi32>], vector<16xf32>,
      %mul3A_446 = arith.mulf %gather3A_445, %get3A_444 : vector<16xf32>
      %add3A_447 = arith.addf %broadcast_in_dim3A_440, %mul3A_446 : vector<16xf32>
      %get3A_448 = arith.constant 16 : index
      %get3A_449 = tpu.vector_load %arg11[%get3A_448] {strides = array<i32>} : memref<208xi32, #tpu.memory_space<vmem>>, vector<16xi32>,
      %get3A_450 = arith.constant 16 : index
      %get3A_451 = tpu.vector_load %arg12[%get3A_450] {strides = array<i32>} : memref<208xf32, #tpu.memory_space<vmem>>, vector<16xf32>,
      %gather3A_452 = tpu.vector_load_idx %arg10[%get3A_449] : memref<1504xf32, #tpu.memory_space<vmem>>[vector<16xi32>], vector<16xf32>,
      %mul3A_453 = arith.mulf %gather3A_452, %get3A_451 : vector<16xf32>
      %add3A_454 = arith.addf %add3A_447, %mul3A_453 : vector<16xf32>
      %get3A_455 = arith.constant 32 : index
      %get3A_456 = tpu.vector_load %arg11[%get3A_455] {strides = array<i32>} : memref<208xi32, #tpu.memory_space<vmem>>, vector<16xi32>,
      %get3A_457 = arith.constant 32 : index
      %get3A_458 = tpu.vector_load %arg12[%get3A_457] {strides = array<i32>} : memref<208xf32, #tpu.memory_space<vmem>>, vector<16xf32>,
      %gather3A_459 = tpu.vector_load_idx %arg10[%get3A_456] : memref<1504xf32, #tpu.memory_space<vmem>>[vector<16xi32>], vector<16xf32>,
      %mul3A_460 = arith.mulf %gather3A_459, %get3A_458 : vector<16xf32>
      %add3A_461 = arith.addf %add3A_454, %mul3A_460 : vector<16xf32>
      %get3A_462 = arith.constant 48 : index
      %get3A_463 = tpu.vector_load %arg11[%get3A_462] {strides = array<i32>} : memref<208xi32, #tpu.memory_space<vmem>>, vector<16xi32>,
      %get3A_464 = arith.constant 48 : index
      %get3A_465 = tpu.vector_load %arg12[%get3A_464] {strides = array<i32>} : memref<208xf32, #tpu.memory_space<vmem>>, vector<16xf32>,
      %gather3A_466 = tpu.vector_load_idx %arg10[%get3A_463] : memref<1504xf32, #tpu.memory_space<vmem>>[vector<16xi32>], vector<16xf32>,
      %mul3A_467 = arith.mulf %gather3A_466, %get3A_465 : vector<16xf32>
      %add3A_468 = arith.addf %add3A_461, %mul3A_467 : vector<16xf32>
      %get3A_469 = arith.constant 64 : index
      %get3A_470 = tpu.vector_load %arg11[%get3A_469] {strides = array<i32>} : memref<208xi32, #tpu.memory_space<vmem>>, vector<16xi32>,
      %get3A_471 = arith.constant 64 : index
      %get3A_472 = tpu.vector_load %arg12[%get3A_471] {strides = array<i32>} : memref<208xf32, #tpu.memory_space<vmem>>, vector<16xf32>,
      %gather3A_473 = tpu.vector_load_idx %arg10[%get3A_470] : memref<1504xf32, #tpu.memory_space<vmem>>[vector<16xi32>], vector<16xf32>,
      %mul3A_474 = arith.mulf %gather3A_473, %get3A_472 : vector<16xf32>
      %add3A_475 = arith.addf %add3A_468, %mul3A_474 : vector<16xf32>
      %get3A_476 = arith.constant 80 : index
      %get3A_477 = tpu.vector_load %arg11[%get3A_476] {strides = array<i32>} : memref<208xi32, #tpu.memory_space<vmem>>, vector<16xi32>,
      %get3A_478 = arith.constant 80 : index
      %get3A_479 = tpu.vector_load %arg12[%get3A_478] {strides = array<i32>} : memref<208xf32, #tpu.memory_space<vmem>>, vector<16xf32>,
      %gather3A_480 = tpu.vector_load_idx %arg10[%get3A_477] : memref<1504xf32, #tpu.memory_space<vmem>>[vector<16xi32>], vector<16xf32>,
      %mul3A_481 = arith.mulf %gather3A_480, %get3A_479 : vector<16xf32>
      %add3A_482 = arith.addf %add3A_475, %mul3A_481 : vector<16xf32>
      %get3A_483 = arith.constant 96 : index
      %get3A_484 = tpu.vector_load %arg11[%get3A_483] {strides = array<i32>} : memref<208xi32, #tpu.memory_space<vmem>>, vector<16xi32>,
      %get3A_485 = arith.constant 96 : index
      %get3A_486 = tpu.vector_load %arg12[%get3A_485] {strides = array<i32>} : memref<208xf32, #tpu.memory_space<vmem>>, vector<16xf32>,
      %gather3A_487 = tpu.vector_load_idx %arg10[%get3A_484] : memref<1504xf32, #tpu.memory_space<vmem>>[vector<16xi32>], vector<16xf32>,
      %mul3A_488 = arith.mulf %gather3A_487, %get3A_486 : vector<16xf32>
      %add3A_489 = arith.addf %add3A_482, %mul3A_488 : vector<16xf32>
      %get3A_490 = arith.constant 112 : index
      %get3A_491 = tpu.vector_load %arg11[%get3A_490] {strides = array<i32>} : memref<208xi32, #tpu.memory_space<vmem>>, vector<16xi32>,
      %get3A_492 = arith.constant 112 : index
      %get3A_493 = tpu.vector_load %arg12[%get3A_492] {strides = array<i32>} : memref<208xf32, #tpu.memory_space<vmem>>, vector<16xf32>,
      %gather3A_494 = tpu.vector_load_idx %arg10[%get3A_491] : memref<1504xf32, #tpu.memory_space<vmem>>[vector<16xi32>], vector<16xf32>,
      %mul3A_495 = arith.mulf %gather3A_494, %get3A_493 : vector<16xf32>
      %add3A_496 = arith.addf %add3A_489, %mul3A_495 : vector<16xf32>
      %get3A_497 = arith.constant 128 : index
      %get3A_498 = tpu.vector_load %arg11[%get3A_497] {strides = array<i32>} : memref<208xi32, #tpu.memory_space<vmem>>, vector<16xi32>,
      %get3A_499 = arith.constant 128 : index
      %get3A_500 = tpu.vector_load %arg12[%get3A_499] {strides = array<i32>} : memref<208xf32, #tpu.memory_space<vmem>>, vector<16xf32>,
      %gather3A_501 = tpu.vector_load_idx %arg10[%get3A_498] : memref<1504xf32, #tpu.memory_space<vmem>>[vector<16xi32>], vector<16xf32>,
      %mul3A_502 = arith.mulf %gather3A_501, %get3A_500 : vector<16xf32>
      %add3A_503 = arith.addf %add3A_496, %mul3A_502 : vector<16xf32>
      %get3A_504 = arith.constant 144 : index
      %get3A_505 = tpu.vector_load %arg11[%get3A_504] {strides = array<i32>} : memref<208xi32, #tpu.memory_space<vmem>>, vector<16xi32>,
      %get3A_506 = arith.constant 144 : index
      %get3A_507 = tpu.vector_load %arg12[%get3A_506] {strides = array<i32>} : memref<208xf32, #tpu.memory_space<vmem>>, vector<16xf32>,
      %gather3A_508 = tpu.vector_load_idx %arg10[%get3A_505] : memref<1504xf32, #tpu.memory_space<vmem>>[vector<16xi32>], vector<16xf32>,
      %mul3A_509 = arith.mulf %gather3A_508, %get3A_507 : vector<16xf32>
      %add3A_510 = arith.addf %add3A_503, %mul3A_509 : vector<16xf32>
      %get3A_511 = arith.constant 160 : index
      %get3A_512 = tpu.vector_load %arg11[%get3A_511] {strides = array<i32>} : memref<208xi32, #tpu.memory_space<vmem>>, vector<16xi32>,
      %get3A_513 = arith.constant 160 : index
      %get3A_514 = tpu.vector_load %arg12[%get3A_513] {strides = array<i32>} : memref<208xf32, #tpu.memory_space<vmem>>, vector<16xf32>,
      %gather3A_515 = tpu.vector_load_idx %arg10[%get3A_512] : memref<1504xf32, #tpu.memory_space<vmem>>[vector<16xi32>], vector<16xf32>,
      %mul3A_516 = arith.mulf %gather3A_515, %get3A_514 : vector<16xf32>
      %add3A_517 = arith.addf %add3A_510, %mul3A_516 : vector<16xf32>
      %get3A_518 = arith.constant 176 : index
      %get3A_519 = tpu.vector_load %arg11[%get3A_518] {strides = array<i32>} : memref<208xi32, #tpu.memory_space<vmem>>, vector<16xi32>,
      %get3A_520 = arith.constant 176 : index
      %get3A_521 = tpu.vector_load %arg12[%get3A_520] {strides = array<i32>} : memref<208xf32, #tpu.memory_space<vmem>>, vector<16xf32>,
      %gather3A_522 = tpu.vector_load_idx %arg10[%get3A_519] : memref<1504xf32, #tpu.memory_space<vmem>>[vector<16xi32>], vector<16xf32>,
      %mul3A_523 = arith.mulf %gather3A_522, %get3A_521 : vector<16xf32>
      %add3A_524 = arith.addf %add3A_517, %mul3A_523 : vector<16xf32>
      %get3A_525 = arith.constant 192 : index
      %get3A_526 = tpu.vector_load %arg11[%get3A_525] {strides = array<i32>} : memref<208xi32, #tpu.memory_space<vmem>>, vector<16xi32>,
      %get3A_527 = arith.constant 192 : index
      %get3A_528 = tpu.vector_load %arg12[%get3A_527] {strides = array<i32>} : memref<208xf32, #tpu.memory_space<vmem>>, vector<16xf32>,
      %gather3A_529 = tpu.vector_load_idx %arg10[%get3A_526] : memref<1504xf32, #tpu.memory_space<vmem>>[vector<16xi32>], vector<16xf32>,
      %mul3A_530 = arith.mulf %gather3A_529, %get3A_528 : vector<16xf32>
      %add3A_531 = arith.addf %add3A_524, %mul3A_530 : vector<16xf32>
      %get3A_532 = arith.constant 0 : index
      %get3A_533 = tpu.vector_load %arg11[%get3A_532] {strides = array<i32>} : memref<208xi32, #tpu.memory_space<vmem>>, vector<16xi32>,
      tpu.vector_store_idx %arg10[%get3A_533], %broadcast_in_dim3A_34 : memref<1504xf32, #tpu.memory_space<vmem>>[vector<16xi32>], vector<16xf32>,
      %get3A_534 = arith.constant 16 : index
      %get3A_535 = tpu.vector_load %arg11[%get3A_534] {strides = array<i32>} : memref<208xi32, #tpu.memory_space<vmem>>, vector<16xi32>,
      tpu.vector_store_idx %arg10[%get3A_535], %broadcast_in_dim3A_34 : memref<1504xf32, #tpu.memory_space<vmem>>[vector<16xi32>], vector<16xf32>,
      %get3A_536 = arith.constant 32 : index
      %get3A_537 = tpu.vector_load %arg11[%get3A_536] {strides = array<i32>} : memref<208xi32, #tpu.memory_space<vmem>>, vector<16xi32>,
      tpu.vector_store_idx %arg10[%get3A_537], %broadcast_in_dim3A_34 : memref<1504xf32, #tpu.memory_space<vmem>>[vector<16xi32>], vector<16xf32>,
      %get3A_538 = arith.constant 48 : index
      %get3A_539 = tpu.vector_load %arg11[%get3A_538] {strides = array<i32>} : memref<208xi32, #tpu.memory_space<vmem>>, vector<16xi32>,
      tpu.vector_store_idx %arg10[%get3A_539], %broadcast_in_dim3A_34 : memref<1504xf32, #tpu.memory_space<vmem>>[vector<16xi32>], vector<16xf32>,
      %get3A_540 = arith.constant 64 : index
      %get3A_541 = tpu.vector_load %arg11[%get3A_540] {strides = array<i32>} : memref<208xi32, #tpu.memory_space<vmem>>, vector<16xi32>,
      tpu.vector_store_idx %arg10[%get3A_541], %broadcast_in_dim3A_34 : memref<1504xf32, #tpu.memory_space<vmem>>[vector<16xi32>], vector<16xf32>,
      %get3A_542 = arith.constant 80 : index
      %get3A_543 = tpu.vector_load %arg11[%get3A_542] {strides = array<i32>} : memref<208xi32, #tpu.memory_space<vmem>>, vector<16xi32>,
      tpu.vector_store_idx %arg10[%get3A_543], %broadcast_in_dim3A_34 : memref<1504xf32, #tpu.memory_space<vmem>>[vector<16xi32>], vector<16xf32>,
      %get3A_544 = arith.constant 96 : index
      %get3A_545 = tpu.vector_load %arg11[%get3A_544] {strides = array<i32>} : memref<208xi32, #tpu.memory_space<vmem>>, vector<16xi32>,
      tpu.vector_store_idx %arg10[%get3A_545], %broadcast_in_dim3A_34 : memref<1504xf32, #tpu.memory_space<vmem>>[vector<16xi32>], vector<16xf32>,
      %get3A_546 = arith.constant 112 : index
      %get3A_547 = tpu.vector_load %arg11[%get3A_546] {strides = array<i32>} : memref<208xi32, #tpu.memory_space<vmem>>, vector<16xi32>,
      tpu.vector_store_idx %arg10[%get3A_547], %broadcast_in_dim3A_34 : memref<1504xf32, #tpu.memory_space<vmem>>[vector<16xi32>], vector<16xf32>,
      %get3A_548 = arith.constant 128 : index
      %get3A_549 = tpu.vector_load %arg11[%get3A_548] {strides = array<i32>} : memref<208xi32, #tpu.memory_space<vmem>>, vector<16xi32>,
      tpu.vector_store_idx %arg10[%get3A_549], %broadcast_in_dim3A_34 : memref<1504xf32, #tpu.memory_space<vmem>>[vector<16xi32>], vector<16xf32>,
      %get3A_550 = arith.constant 144 : index
      %get3A_551 = tpu.vector_load %arg11[%get3A_550] {strides = array<i32>} : memref<208xi32, #tpu.memory_space<vmem>>, vector<16xi32>,
      tpu.vector_store_idx %arg10[%get3A_551], %broadcast_in_dim3A_34 : memref<1504xf32, #tpu.memory_space<vmem>>[vector<16xi32>], vector<16xf32>,
      %get3A_552 = arith.constant 160 : index
      %get3A_553 = tpu.vector_load %arg11[%get3A_552] {strides = array<i32>} : memref<208xi32, #tpu.memory_space<vmem>>, vector<16xi32>,
      tpu.vector_store_idx %arg10[%get3A_553], %broadcast_in_dim3A_34 : memref<1504xf32, #tpu.memory_space<vmem>>[vector<16xi32>], vector<16xf32>,
      %get3A_554 = arith.constant 176 : index
      %get3A_555 = tpu.vector_load %arg11[%get3A_554] {strides = array<i32>} : memref<208xi32, #tpu.memory_space<vmem>>, vector<16xi32>,
      tpu.vector_store_idx %arg10[%get3A_555], %broadcast_in_dim3A_34 : memref<1504xf32, #tpu.memory_space<vmem>>[vector<16xi32>], vector<16xf32>,
      %get3A_556 = arith.constant 192 : index
      %get3A_557 = tpu.vector_load %arg11[%get3A_556] {strides = array<i32>} : memref<208xi32, #tpu.memory_space<vmem>>, vector<16xi32>,
      tpu.vector_store_idx %arg10[%get3A_557], %broadcast_in_dim3A_34 : memref<1504xf32, #tpu.memory_space<vmem>>[vector<16xi32>], vector<16xf32>,
      %jit3A_558 = arith.constant 8 : i32
      %div3A = arith.divsi %scan3A_141, %jit3A_558 : i32
      %sign3A = arith.constant 0 : i32
      %sign3A_559 = arith.cmpi sgt, %scan3A_141, %sign3A : i32
      %sign3A_560 = arith.extui %sign3A_559 : i1 to i32
      %sign3A_561 = arith.constant 0 : i32
      %sign3A_562 = arith.cmpi slt, %scan3A_141, %sign3A_561 : i32
      %sign3A_563 = arith.extui %sign3A_562 : i1 to i32
      %sign3A_564 = arith.subi %sign3A_560, %sign3A_563 : i32
      %sign3A_565 = arith.constant 0 : i32
      %sign3A_566 = arith.cmpi sgt, %jit3A_558, %sign3A_565 : i32
      %sign3A_567 = arith.extui %sign3A_566 : i1 to i32
      %sign3A_568 = arith.constant 0 : i32
      %sign3A_569 = arith.cmpi slt, %jit3A_558, %sign3A_568 : i32
      %sign3A_570 = arith.extui %sign3A_569 : i1 to i32
      %sign3A_571 = arith.subi %sign3A_567, %sign3A_570 : i32
      %ne3A = arith.cmpi ne, %sign3A_564, %sign3A_571 : i32
      %rem3A = arith.remsi %scan3A_141, %jit3A_558 : i32
      %ne3A_572 = arith.constant 0 : i32
      %ne3A_573 = arith.cmpi ne, %rem3A, %ne3A_572 : i32
      %and3A = arith.andi %ne3A, %ne3A_573 : i1
      %sub3A = arith.constant 1 : i32
      %sub3A_574 = arith.subi %div3A, %sub3A : i32
      %select_n3A_575 = arith.select %and3A, %sub3A_574, %div3A : i32
      %jit3A_576 = arith.constant 8 : i32
      %eq3A = arith.constant 0 : i32
      %eq3A_577 = arith.cmpi eq, %jit3A_576, %eq3A : i32
      %jit3A_578 = arith.constant 1 : i32
      %select_n3A_579 = arith.select %eq3A_577, %jit3A_578, %jit3A_576 : i32
      %rem3A_580 = arith.remsi %scan3A_141, %select_n3A_579 : i32
      %ne3A_581 = arith.constant 0 : i32
      %ne3A_582 = arith.cmpi ne, %rem3A_580, %ne3A_581 : i32
      %lt3A = arith.constant 0 : i32
      %lt3A_583 = arith.cmpi slt, %rem3A_580, %lt3A : i32
      %lt3A_584 = arith.constant 0 : i32
      %lt3A_585 = arith.cmpi slt, %select_n3A_579, %lt3A_584 : i32
      %ne3A_586 = arith.xori %lt3A_583, %lt3A_585 : i1
      %and3A_587 = arith.andi %ne3A_586, %ne3A_582 : i1
      %add3A_588 = arith.addi %rem3A_580, %select_n3A_579 : i32
      %select_n3A_589 = arith.select %and3A_587, %add3A_588, %rem3A_580 : i32
      %mul3A_590 = arith.constant 16 : i32
      %mul3A_591 = arith.muli %select_n3A_589, %mul3A_590 : i32
      %swap3A_592 = arith.index_cast %select_n3A_575 : i32 to index
      %swap3A_593 = arith.index_cast %mul3A_591 : i32 to index
      %swap3A_594 = tpu.vector_load %arg13[%swap3A_592, %swap3A_593] {strides = array<i32>} : memref<4x128xf32, #tpu.memory_space<vmem>>, vector<16xf32>,
      tpu.vector_store %arg13[%swap3A_592, %swap3A_593], %add3A_438 {strides = array<i32>} : memref<4x128xf32, #tpu.memory_space<vmem>>, vector<16xf32>,
      %jit3A_595 = arith.constant 8 : i32
      %div3A_596 = arith.divsi %scan3A_141, %jit3A_595 : i32
      %sign3A_597 = arith.constant 0 : i32
      %sign3A_598 = arith.cmpi sgt, %scan3A_141, %sign3A_597 : i32
      %sign3A_599 = arith.extui %sign3A_598 : i1 to i32
      %sign3A_600 = arith.constant 0 : i32
      %sign3A_601 = arith.cmpi slt, %scan3A_141, %sign3A_600 : i32
      %sign3A_602 = arith.extui %sign3A_601 : i1 to i32
      %sign3A_603 = arith.subi %sign3A_599, %sign3A_602 : i32
      %sign3A_604 = arith.constant 0 : i32
      %sign3A_605 = arith.cmpi sgt, %jit3A_595, %sign3A_604 : i32
      %sign3A_606 = arith.extui %sign3A_605 : i1 to i32
      %sign3A_607 = arith.constant 0 : i32
      %sign3A_608 = arith.cmpi slt, %jit3A_595, %sign3A_607 : i32
      %sign3A_609 = arith.extui %sign3A_608 : i1 to i32
      %sign3A_610 = arith.subi %sign3A_606, %sign3A_609 : i32
      %ne3A_611 = arith.cmpi ne, %sign3A_603, %sign3A_610 : i32
      %rem3A_612 = arith.remsi %scan3A_141, %jit3A_595 : i32
      %ne3A_613 = arith.constant 0 : i32
      %ne3A_614 = arith.cmpi ne, %rem3A_612, %ne3A_613 : i32
      %and3A_615 = arith.andi %ne3A_611, %ne3A_614 : i1
      %sub3A_616 = arith.constant 1 : i32
      %sub3A_617 = arith.subi %div3A_596, %sub3A_616 : i32
      %select_n3A_618 = arith.select %and3A_615, %sub3A_617, %div3A_596 : i32
      %jit3A_619 = arith.constant 8 : i32
      %eq3A_620 = arith.constant 0 : i32
      %eq3A_621 = arith.cmpi eq, %jit3A_619, %eq3A_620 : i32
      %jit3A_622 = arith.constant 1 : i32
      %select_n3A_623 = arith.select %eq3A_621, %jit3A_622, %jit3A_619 : i32
      %rem3A_624 = arith.remsi %scan3A_141, %select_n3A_623 : i32
      %ne3A_625 = arith.constant 0 : i32
      %ne3A_626 = arith.cmpi ne, %rem3A_624, %ne3A_625 : i32
      %lt3A_627 = arith.constant 0 : i32
      %lt3A_628 = arith.cmpi slt, %rem3A_624, %lt3A_627 : i32
      %lt3A_629 = arith.constant 0 : i32
      %lt3A_630 = arith.cmpi slt, %select_n3A_623, %lt3A_629 : i32
      %ne3A_631 = arith.xori %lt3A_628, %lt3A_630 : i1
      %and3A_632 = arith.andi %ne3A_631, %ne3A_626 : i1
      %add3A_633 = arith.addi %rem3A_624, %select_n3A_623 : i32
      %select_n3A_634 = arith.select %and3A_632, %add3A_633, %rem3A_624 : i32
      %mul3A_635 = arith.constant 16 : i32
      %mul3A_636 = arith.muli %select_n3A_634, %mul3A_635 : i32
      %swap3A_637 = arith.index_cast %select_n3A_618 : i32 to index
      %swap3A_638 = arith.index_cast %mul3A_636 : i32 to index
      %swap3A_639 = tpu.vector_load %arg14[%swap3A_637, %swap3A_638] {strides = array<i32>} : memref<4x128xf32, #tpu.memory_space<vmem>>, vector<16xf32>,
      tpu.vector_store %arg14[%swap3A_637, %swap3A_638], %add3A_531 {strides = array<i32>} : memref<4x128xf32, #tpu.memory_space<vmem>>, vector<16xf32>,
    }
    %scan3A_120 = arith.constant 8 : i32
    %dma_wait3A_121 = arith.constant 24 : i32
    %dma_wait3A_122 = arith.constant 0 : i32
    %dma_wait3A_123 = tpu.memref_slice %arg7[%dma_wait3A_121, %dma_wait3A_122] : memref<32x1500xf32, #tpu.memory_space<vmem>> -> memref<8x1500xf32, #tpu.memory_space<vmem>>
    %dma_wait3A_124 = arith.constant 0 : i32
    %dma_wait3A_125 = tpu.memref_slice %arg2[%add3A_78, %dma_wait3A_124] : memref<1024x1500xf32, #tpu.memory_space<hbm>> -> memref<8x1500xf32, #tpu.memory_space<hbm>>
    %dma_wait3A_126 = arith.constant 24 : i32
    %dma_wait3A_127 = arith.constant 0 : i32
    %dma_wait3A_128 = tpu.memref_slice %arg7[%dma_wait3A_126, %dma_wait3A_127] : memref<32x1500xf32, #tpu.memory_space<vmem>> -> memref<8x1500xf32, #tpu.memory_space<vmem>>
    %dma_wait3A_129 = arith.constant 0 : i32
    %dma_wait3A_130 = tpu.memref_slice %arg2[%add3A_78, %dma_wait3A_129] : memref<1024x1500xf32, #tpu.memory_space<hbm>> -> memref<8x1500xf32, #tpu.memory_space<hbm>>
    tpu.wait_dma2 semaphore(%arg19 : memref<!tpu.dma_semaphore, #tpu.memory_space<semaphore_mem>>) src(%dma_wait3A_130 : memref<8x1500xf32, #tpu.memory_space<hbm>>) dst(%dma_wait3A_128 : memref<8x1500xf32, #tpu.memory_space<vmem>>)
    %scan3A_131 = arith.constant 0 : i32
    %scan3A_132 = arith.constant 24 : i32
    %scan3A_133 = arith.constant 8 : i32
    %scan3A_134 = arith.addi %scan3A_132, %scan3A_133 : i32
    %scan3A_135 = arith.constant 1 : i32
    scf.for %scan3A_141 = %scan3A_132 to %scan3A_134 step %scan3A_135  : i32 {
      %broadcast_in_dim3A_142 = vector.broadcast %scan3A_141 : i32 to vector<16xi32>
      %broadcast_in_dim3A_143 = arith.constant 0.000000e+00 : f32
      %broadcast_in_dim3A_144 = vector.broadcast %broadcast_in_dim3A_143 : f32 to vector<16xf32>
      %get3A = arith.index_cast %scan3A_141 : i32 to index
      %get3A_145 = arith.constant 0 : index
      %get3A_146 = tpu.vector_load %arg8[%get3A, %get3A_145] {strides = array<i32>} : memref<32x200xf32, #tpu.memory_space<vmem>>, vector<16xf32>,
      %get3A_147 = arith.index_cast %scan3A_141 : i32 to index
      %get3A_148 = arith.constant 0 : index
      %get3A_149 = tpu.vector_load %arg9[%get3A_147, %get3A_148] {strides = array<i32>} : memref<32x200xf32, #tpu.memory_space<vmem>>, vector<16xf32>,
      %mul3A_150 = arith.constant 1.500000e+03 : f32
      %mul3A_151 = vector.broadcast %mul3A_150 : f32 to vector<16xf32>
      %mul3A_152 = arith.mulf %get3A_146, %mul3A_151 : vector<16xf32>
      %convert_element_type3A = arith.fptosi %mul3A_152 : vector<16xf32> to vector<16xi32>
      %jit3A = arith.constant 0 : i32
      %jit3A_153 = arith.constant 1499 : i32
      %max3A = vector.broadcast %jit3A : i32 to vector<16xi32>
      %max3A_154 = arith.maxsi %max3A, %convert_element_type3A : vector<16xi32>
      %min3A = vector.broadcast %jit3A_153 : i32 to vector<16xi32>
      %min3A_155 = arith.minsi %min3A, %max3A_154 : vector<16xi32>
      %swap3A = arith.constant 0 : index
      %swap3A_156 = tpu.vector_load %arg11[%swap3A] {strides = array<i32>} : memref<208xi32, #tpu.memory_space<vmem>>, vector<16xi32>,
      tpu.vector_store %arg11[%swap3A], %min3A_155 {strides = array<i32>} : memref<208xi32, #tpu.memory_space<vmem>>, vector<16xi32>,
      %swap3A_157 = arith.constant 0 : index
      %swap3A_158 = tpu.vector_load %arg12[%swap3A_157] {strides = array<i32>} : memref<208xf32, #tpu.memory_space<vmem>>, vector<16xf32>,
      tpu.vector_store %arg12[%swap3A_157], %get3A_149 {strides = array<i32>} : memref<208xf32, #tpu.memory_space<vmem>>, vector<16xf32>,
      %gather3A = tpu.vector_load_idx %arg7[%broadcast_in_dim3A_142, %min3A_155] : memref<32x1500xf32, #tpu.memory_space<vmem>>[vector<16xi32>, vector<16xi32>], vector<16xf32>,
      tpu.vector_store_idx %arg10[%min3A_155], %get3A_149 {add = true} : memref<1504xf32, #tpu.memory_space<vmem>>[vector<16xi32>], vector<16xf32>,
      %mul3A_159 = arith.mulf %gather3A, %get3A_149 : vector<16xf32>
      %add3A_160 = arith.addf %broadcast_in_dim3A_144, %mul3A_159 : vector<16xf32>
      %get3A_161 = arith.index_cast %scan3A_141 : i32 to index
      %get3A_162 = arith.constant 16 : index
      %get3A_163 = tpu.vector_load %arg8[%get3A_161, %get3A_162] {strides = array<i32>} : memref<32x200xf32, #tpu.memory_space<vmem>>, vector<16xf32>,
      %get3A_164 = arith.index_cast %scan3A_141 : i32 to index
      %get3A_165 = arith.constant 16 : index
      %get3A_166 = tpu.vector_load %arg9[%get3A_164, %get3A_165] {strides = array<i32>} : memref<32x200xf32, #tpu.memory_space<vmem>>, vector<16xf32>,
      %mul3A_167 = arith.constant 1.500000e+03 : f32
      %mul3A_168 = vector.broadcast %mul3A_167 : f32 to vector<16xf32>
      %mul3A_169 = arith.mulf %get3A_163, %mul3A_168 : vector<16xf32>
      %convert_element_type3A_170 = arith.fptosi %mul3A_169 : vector<16xf32> to vector<16xi32>
      %jit3A_171 = arith.constant 0 : i32
      %jit3A_172 = arith.constant 1499 : i32
      %max3A_173 = vector.broadcast %jit3A_171 : i32 to vector<16xi32>
      %max3A_174 = arith.maxsi %max3A_173, %convert_element_type3A_170 : vector<16xi32>
      %min3A_175 = vector.broadcast %jit3A_172 : i32 to vector<16xi32>
      %min3A_176 = arith.minsi %min3A_175, %max3A_174 : vector<16xi32>
      %swap3A_177 = arith.constant 16 : index
      %swap3A_178 = tpu.vector_load %arg11[%swap3A_177] {strides = array<i32>} : memref<208xi32, #tpu.memory_space<vmem>>, vector<16xi32>,
      tpu.vector_store %arg11[%swap3A_177], %min3A_176 {strides = array<i32>} : memref<208xi32, #tpu.memory_space<vmem>>, vector<16xi32>,
      %swap3A_179 = arith.constant 16 : index
      %swap3A_180 = tpu.vector_load %arg12[%swap3A_179] {strides = array<i32>} : memref<208xf32, #tpu.memory_space<vmem>>, vector<16xf32>,
      tpu.vector_store %arg12[%swap3A_179], %get3A_166 {strides = array<i32>} : memref<208xf32, #tpu.memory_space<vmem>>, vector<16xf32>,
      %gather3A_181 = tpu.vector_load_idx %arg7[%broadcast_in_dim3A_142, %min3A_176] : memref<32x1500xf32, #tpu.memory_space<vmem>>[vector<16xi32>, vector<16xi32>], vector<16xf32>,
      tpu.vector_store_idx %arg10[%min3A_176], %get3A_166 {add = true} : memref<1504xf32, #tpu.memory_space<vmem>>[vector<16xi32>], vector<16xf32>,
      %mul3A_182 = arith.mulf %gather3A_181, %get3A_166 : vector<16xf32>
      %add3A_183 = arith.addf %add3A_160, %mul3A_182 : vector<16xf32>
      %get3A_184 = arith.index_cast %scan3A_141 : i32 to index
      %get3A_185 = arith.constant 32 : index
      %get3A_186 = tpu.vector_load %arg8[%get3A_184, %get3A_185] {strides = array<i32>} : memref<32x200xf32, #tpu.memory_space<vmem>>, vector<16xf32>,
      %get3A_187 = arith.index_cast %scan3A_141 : i32 to index
      %get3A_188 = arith.constant 32 : index
      %get3A_189 = tpu.vector_load %arg9[%get3A_187, %get3A_188] {strides = array<i32>} : memref<32x200xf32, #tpu.memory_space<vmem>>, vector<16xf32>,
      %mul3A_190 = arith.constant 1.500000e+03 : f32
      %mul3A_191 = vector.broadcast %mul3A_190 : f32 to vector<16xf32>
      %mul3A_192 = arith.mulf %get3A_186, %mul3A_191 : vector<16xf32>
      %convert_element_type3A_193 = arith.fptosi %mul3A_192 : vector<16xf32> to vector<16xi32>
      %jit3A_194 = arith.constant 0 : i32
      %jit3A_195 = arith.constant 1499 : i32
      %max3A_196 = vector.broadcast %jit3A_194 : i32 to vector<16xi32>
      %max3A_197 = arith.maxsi %max3A_196, %convert_element_type3A_193 : vector<16xi32>
      %min3A_198 = vector.broadcast %jit3A_195 : i32 to vector<16xi32>
      %min3A_199 = arith.minsi %min3A_198, %max3A_197 : vector<16xi32>
      %swap3A_200 = arith.constant 32 : index
      %swap3A_201 = tpu.vector_load %arg11[%swap3A_200] {strides = array<i32>} : memref<208xi32, #tpu.memory_space<vmem>>, vector<16xi32>,
      tpu.vector_store %arg11[%swap3A_200], %min3A_199 {strides = array<i32>} : memref<208xi32, #tpu.memory_space<vmem>>, vector<16xi32>,
      %swap3A_202 = arith.constant 32 : index
      %swap3A_203 = tpu.vector_load %arg12[%swap3A_202] {strides = array<i32>} : memref<208xf32, #tpu.memory_space<vmem>>, vector<16xf32>,
      tpu.vector_store %arg12[%swap3A_202], %get3A_189 {strides = array<i32>} : memref<208xf32, #tpu.memory_space<vmem>>, vector<16xf32>,
      %gather3A_204 = tpu.vector_load_idx %arg7[%broadcast_in_dim3A_142, %min3A_199] : memref<32x1500xf32, #tpu.memory_space<vmem>>[vector<16xi32>, vector<16xi32>], vector<16xf32>,
      tpu.vector_store_idx %arg10[%min3A_199], %get3A_189 {add = true} : memref<1504xf32, #tpu.memory_space<vmem>>[vector<16xi32>], vector<16xf32>,
      %mul3A_205 = arith.mulf %gather3A_204, %get3A_189 : vector<16xf32>
      %add3A_206 = arith.addf %add3A_183, %mul3A_205 : vector<16xf32>
      %get3A_207 = arith.index_cast %scan3A_141 : i32 to index
      %get3A_208 = arith.constant 48 : index
      %get3A_209 = tpu.vector_load %arg8[%get3A_207, %get3A_208] {strides = array<i32>} : memref<32x200xf32, #tpu.memory_space<vmem>>, vector<16xf32>,
      %get3A_210 = arith.index_cast %scan3A_141 : i32 to index
      %get3A_211 = arith.constant 48 : index
      %get3A_212 = tpu.vector_load %arg9[%get3A_210, %get3A_211] {strides = array<i32>} : memref<32x200xf32, #tpu.memory_space<vmem>>, vector<16xf32>,
      %mul3A_213 = arith.constant 1.500000e+03 : f32
      %mul3A_214 = vector.broadcast %mul3A_213 : f32 to vector<16xf32>
      %mul3A_215 = arith.mulf %get3A_209, %mul3A_214 : vector<16xf32>
      %convert_element_type3A_216 = arith.fptosi %mul3A_215 : vector<16xf32> to vector<16xi32>
      %jit3A_217 = arith.constant 0 : i32
      %jit3A_218 = arith.constant 1499 : i32
      %max3A_219 = vector.broadcast %jit3A_217 : i32 to vector<16xi32>
      %max3A_220 = arith.maxsi %max3A_219, %convert_element_type3A_216 : vector<16xi32>
      %min3A_221 = vector.broadcast %jit3A_218 : i32 to vector<16xi32>
      %min3A_222 = arith.minsi %min3A_221, %max3A_220 : vector<16xi32>
      %swap3A_223 = arith.constant 48 : index
      %swap3A_224 = tpu.vector_load %arg11[%swap3A_223] {strides = array<i32>} : memref<208xi32, #tpu.memory_space<vmem>>, vector<16xi32>,
      tpu.vector_store %arg11[%swap3A_223], %min3A_222 {strides = array<i32>} : memref<208xi32, #tpu.memory_space<vmem>>, vector<16xi32>,
      %swap3A_225 = arith.constant 48 : index
      %swap3A_226 = tpu.vector_load %arg12[%swap3A_225] {strides = array<i32>} : memref<208xf32, #tpu.memory_space<vmem>>, vector<16xf32>,
      tpu.vector_store %arg12[%swap3A_225], %get3A_212 {strides = array<i32>} : memref<208xf32, #tpu.memory_space<vmem>>, vector<16xf32>,
      %gather3A_227 = tpu.vector_load_idx %arg7[%broadcast_in_dim3A_142, %min3A_222] : memref<32x1500xf32, #tpu.memory_space<vmem>>[vector<16xi32>, vector<16xi32>], vector<16xf32>,
      tpu.vector_store_idx %arg10[%min3A_222], %get3A_212 {add = true} : memref<1504xf32, #tpu.memory_space<vmem>>[vector<16xi32>], vector<16xf32>,
      %mul3A_228 = arith.mulf %gather3A_227, %get3A_212 : vector<16xf32>
      %add3A_229 = arith.addf %add3A_206, %mul3A_228 : vector<16xf32>
      %get3A_230 = arith.index_cast %scan3A_141 : i32 to index
      %get3A_231 = arith.constant 64 : index
      %get3A_232 = tpu.vector_load %arg8[%get3A_230, %get3A_231] {strides = array<i32>} : memref<32x200xf32, #tpu.memory_space<vmem>>, vector<16xf32>,
      %get3A_233 = arith.index_cast %scan3A_141 : i32 to index
      %get3A_234 = arith.constant 64 : index
      %get3A_235 = tpu.vector_load %arg9[%get3A_233, %get3A_234] {strides = array<i32>} : memref<32x200xf32, #tpu.memory_space<vmem>>, vector<16xf32>,
      %mul3A_236 = arith.constant 1.500000e+03 : f32
      %mul3A_237 = vector.broadcast %mul3A_236 : f32 to vector<16xf32>
      %mul3A_238 = arith.mulf %get3A_232, %mul3A_237 : vector<16xf32>
      %convert_element_type3A_239 = arith.fptosi %mul3A_238 : vector<16xf32> to vector<16xi32>
      %jit3A_240 = arith.constant 0 : i32
      %jit3A_241 = arith.constant 1499 : i32
      %max3A_242 = vector.broadcast %jit3A_240 : i32 to vector<16xi32>
      %max3A_243 = arith.maxsi %max3A_242, %convert_element_type3A_239 : vector<16xi32>
      %min3A_244 = vector.broadcast %jit3A_241 : i32 to vector<16xi32>
      %min3A_245 = arith.minsi %min3A_244, %max3A_243 : vector<16xi32>
      %swap3A_246 = arith.constant 64 : index
      %swap3A_247 = tpu.vector_load %arg11[%swap3A_246] {strides = array<i32>} : memref<208xi32, #tpu.memory_space<vmem>>, vector<16xi32>,
      tpu.vector_store %arg11[%swap3A_246], %min3A_245 {strides = array<i32>} : memref<208xi32, #tpu.memory_space<vmem>>, vector<16xi32>,
      %swap3A_248 = arith.constant 64 : index
      %swap3A_249 = tpu.vector_load %arg12[%swap3A_248] {strides = array<i32>} : memref<208xf32, #tpu.memory_space<vmem>>, vector<16xf32>,
      tpu.vector_store %arg12[%swap3A_248], %get3A_235 {strides = array<i32>} : memref<208xf32, #tpu.memory_space<vmem>>, vector<16xf32>,
      %gather3A_250 = tpu.vector_load_idx %arg7[%broadcast_in_dim3A_142, %min3A_245] : memref<32x1500xf32, #tpu.memory_space<vmem>>[vector<16xi32>, vector<16xi32>], vector<16xf32>,
      tpu.vector_store_idx %arg10[%min3A_245], %get3A_235 {add = true} : memref<1504xf32, #tpu.memory_space<vmem>>[vector<16xi32>], vector<16xf32>,
      %mul3A_251 = arith.mulf %gather3A_250, %get3A_235 : vector<16xf32>
      %add3A_252 = arith.addf %add3A_229, %mul3A_251 : vector<16xf32>
      %get3A_253 = arith.index_cast %scan3A_141 : i32 to index
      %get3A_254 = arith.constant 80 : index
      %get3A_255 = tpu.vector_load %arg8[%get3A_253, %get3A_254] {strides = array<i32>} : memref<32x200xf32, #tpu.memory_space<vmem>>, vector<16xf32>,
      %get3A_256 = arith.index_cast %scan3A_141 : i32 to index
      %get3A_257 = arith.constant 80 : index
      %get3A_258 = tpu.vector_load %arg9[%get3A_256, %get3A_257] {strides = array<i32>} : memref<32x200xf32, #tpu.memory_space<vmem>>, vector<16xf32>,
      %mul3A_259 = arith.constant 1.500000e+03 : f32
      %mul3A_260 = vector.broadcast %mul3A_259 : f32 to vector<16xf32>
      %mul3A_261 = arith.mulf %get3A_255, %mul3A_260 : vector<16xf32>
      %convert_element_type3A_262 = arith.fptosi %mul3A_261 : vector<16xf32> to vector<16xi32>
      %jit3A_263 = arith.constant 0 : i32
      %jit3A_264 = arith.constant 1499 : i32
      %max3A_265 = vector.broadcast %jit3A_263 : i32 to vector<16xi32>
      %max3A_266 = arith.maxsi %max3A_265, %convert_element_type3A_262 : vector<16xi32>
      %min3A_267 = vector.broadcast %jit3A_264 : i32 to vector<16xi32>
      %min3A_268 = arith.minsi %min3A_267, %max3A_266 : vector<16xi32>
      %swap3A_269 = arith.constant 80 : index
      %swap3A_270 = tpu.vector_load %arg11[%swap3A_269] {strides = array<i32>} : memref<208xi32, #tpu.memory_space<vmem>>, vector<16xi32>,
      tpu.vector_store %arg11[%swap3A_269], %min3A_268 {strides = array<i32>} : memref<208xi32, #tpu.memory_space<vmem>>, vector<16xi32>,
      %swap3A_271 = arith.constant 80 : index
      %swap3A_272 = tpu.vector_load %arg12[%swap3A_271] {strides = array<i32>} : memref<208xf32, #tpu.memory_space<vmem>>, vector<16xf32>,
      tpu.vector_store %arg12[%swap3A_271], %get3A_258 {strides = array<i32>} : memref<208xf32, #tpu.memory_space<vmem>>, vector<16xf32>,
      %gather3A_273 = tpu.vector_load_idx %arg7[%broadcast_in_dim3A_142, %min3A_268] : memref<32x1500xf32, #tpu.memory_space<vmem>>[vector<16xi32>, vector<16xi32>], vector<16xf32>,
      tpu.vector_store_idx %arg10[%min3A_268], %get3A_258 {add = true} : memref<1504xf32, #tpu.memory_space<vmem>>[vector<16xi32>], vector<16xf32>,
      %mul3A_274 = arith.mulf %gather3A_273, %get3A_258 : vector<16xf32>
      %add3A_275 = arith.addf %add3A_252, %mul3A_274 : vector<16xf32>
      %get3A_276 = arith.index_cast %scan3A_141 : i32 to index
      %get3A_277 = arith.constant 96 : index
      %get3A_278 = tpu.vector_load %arg8[%get3A_276, %get3A_277] {strides = array<i32>} : memref<32x200xf32, #tpu.memory_space<vmem>>, vector<16xf32>,
      %get3A_279 = arith.index_cast %scan3A_141 : i32 to index
      %get3A_280 = arith.constant 96 : index
      %get3A_281 = tpu.vector_load %arg9[%get3A_279, %get3A_280] {strides = array<i32>} : memref<32x200xf32, #tpu.memory_space<vmem>>, vector<16xf32>,
      %mul3A_282 = arith.constant 1.500000e+03 : f32
      %mul3A_283 = vector.broadcast %mul3A_282 : f32 to vector<16xf32>
      %mul3A_284 = arith.mulf %get3A_278, %mul3A_283 : vector<16xf32>
      %convert_element_type3A_285 = arith.fptosi %mul3A_284 : vector<16xf32> to vector<16xi32>
      %jit3A_286 = arith.constant 0 : i32
      %jit3A_287 = arith.constant 1499 : i32
      %max3A_288 = vector.broadcast %jit3A_286 : i32 to vector<16xi32>
      %max3A_289 = arith.maxsi %max3A_288, %convert_element_type3A_285 : vector<16xi32>
      %min3A_290 = vector.broadcast %jit3A_287 : i32 to vector<16xi32>
      %min3A_291 = arith.minsi %min3A_290, %max3A_289 : vector<16xi32>
      %swap3A_292 = arith.constant 96 : index
      %swap3A_293 = tpu.vector_load %arg11[%swap3A_292] {strides = array<i32>} : memref<208xi32, #tpu.memory_space<vmem>>, vector<16xi32>,
      tpu.vector_store %arg11[%swap3A_292], %min3A_291 {strides = array<i32>} : memref<208xi32, #tpu.memory_space<vmem>>, vector<16xi32>,
      %swap3A_294 = arith.constant 96 : index
      %swap3A_295 = tpu.vector_load %arg12[%swap3A_294] {strides = array<i32>} : memref<208xf32, #tpu.memory_space<vmem>>, vector<16xf32>,
      tpu.vector_store %arg12[%swap3A_294], %get3A_281 {strides = array<i32>} : memref<208xf32, #tpu.memory_space<vmem>>, vector<16xf32>,
      %gather3A_296 = tpu.vector_load_idx %arg7[%broadcast_in_dim3A_142, %min3A_291] : memref<32x1500xf32, #tpu.memory_space<vmem>>[vector<16xi32>, vector<16xi32>], vector<16xf32>,
      tpu.vector_store_idx %arg10[%min3A_291], %get3A_281 {add = true} : memref<1504xf32, #tpu.memory_space<vmem>>[vector<16xi32>], vector<16xf32>,
      %mul3A_297 = arith.mulf %gather3A_296, %get3A_281 : vector<16xf32>
      %add3A_298 = arith.addf %add3A_275, %mul3A_297 : vector<16xf32>
      %get3A_299 = arith.index_cast %scan3A_141 : i32 to index
      %get3A_300 = arith.constant 112 : index
      %get3A_301 = tpu.vector_load %arg8[%get3A_299, %get3A_300] {strides = array<i32>} : memref<32x200xf32, #tpu.memory_space<vmem>>, vector<16xf32>,
      %get3A_302 = arith.index_cast %scan3A_141 : i32 to index
      %get3A_303 = arith.constant 112 : index
      %get3A_304 = tpu.vector_load %arg9[%get3A_302, %get3A_303] {strides = array<i32>} : memref<32x200xf32, #tpu.memory_space<vmem>>, vector<16xf32>,
      %mul3A_305 = arith.constant 1.500000e+03 : f32
      %mul3A_306 = vector.broadcast %mul3A_305 : f32 to vector<16xf32>
      %mul3A_307 = arith.mulf %get3A_301, %mul3A_306 : vector<16xf32>
      %convert_element_type3A_308 = arith.fptosi %mul3A_307 : vector<16xf32> to vector<16xi32>
      %jit3A_309 = arith.constant 0 : i32
      %jit3A_310 = arith.constant 1499 : i32
      %max3A_311 = vector.broadcast %jit3A_309 : i32 to vector<16xi32>
      %max3A_312 = arith.maxsi %max3A_311, %convert_element_type3A_308 : vector<16xi32>
      %min3A_313 = vector.broadcast %jit3A_310 : i32 to vector<16xi32>
      %min3A_314 = arith.minsi %min3A_313, %max3A_312 : vector<16xi32>
      %swap3A_315 = arith.constant 112 : index
      %swap3A_316 = tpu.vector_load %arg11[%swap3A_315] {strides = array<i32>} : memref<208xi32, #tpu.memory_space<vmem>>, vector<16xi32>,
      tpu.vector_store %arg11[%swap3A_315], %min3A_314 {strides = array<i32>} : memref<208xi32, #tpu.memory_space<vmem>>, vector<16xi32>,
      %swap3A_317 = arith.constant 112 : index
      %swap3A_318 = tpu.vector_load %arg12[%swap3A_317] {strides = array<i32>} : memref<208xf32, #tpu.memory_space<vmem>>, vector<16xf32>,
      tpu.vector_store %arg12[%swap3A_317], %get3A_304 {strides = array<i32>} : memref<208xf32, #tpu.memory_space<vmem>>, vector<16xf32>,
      %gather3A_319 = tpu.vector_load_idx %arg7[%broadcast_in_dim3A_142, %min3A_314] : memref<32x1500xf32, #tpu.memory_space<vmem>>[vector<16xi32>, vector<16xi32>], vector<16xf32>,
      tpu.vector_store_idx %arg10[%min3A_314], %get3A_304 {add = true} : memref<1504xf32, #tpu.memory_space<vmem>>[vector<16xi32>], vector<16xf32>,
      %mul3A_320 = arith.mulf %gather3A_319, %get3A_304 : vector<16xf32>
      %add3A_321 = arith.addf %add3A_298, %mul3A_320 : vector<16xf32>
      %get3A_322 = arith.index_cast %scan3A_141 : i32 to index
      %get3A_323 = arith.constant 128 : index
      %get3A_324 = tpu.vector_load %arg8[%get3A_322, %get3A_323] {strides = array<i32>} : memref<32x200xf32, #tpu.memory_space<vmem>>, vector<16xf32>,
      %get3A_325 = arith.index_cast %scan3A_141 : i32 to index
      %get3A_326 = arith.constant 128 : index
      %get3A_327 = tpu.vector_load %arg9[%get3A_325, %get3A_326] {strides = array<i32>} : memref<32x200xf32, #tpu.memory_space<vmem>>, vector<16xf32>,
      %mul3A_328 = arith.constant 1.500000e+03 : f32
      %mul3A_329 = vector.broadcast %mul3A_328 : f32 to vector<16xf32>
      %mul3A_330 = arith.mulf %get3A_324, %mul3A_329 : vector<16xf32>
      %convert_element_type3A_331 = arith.fptosi %mul3A_330 : vector<16xf32> to vector<16xi32>
      %jit3A_332 = arith.constant 0 : i32
      %jit3A_333 = arith.constant 1499 : i32
      %max3A_334 = vector.broadcast %jit3A_332 : i32 to vector<16xi32>
      %max3A_335 = arith.maxsi %max3A_334, %convert_element_type3A_331 : vector<16xi32>
      %min3A_336 = vector.broadcast %jit3A_333 : i32 to vector<16xi32>
      %min3A_337 = arith.minsi %min3A_336, %max3A_335 : vector<16xi32>
      %swap3A_338 = arith.constant 128 : index
      %swap3A_339 = tpu.vector_load %arg11[%swap3A_338] {strides = array<i32>} : memref<208xi32, #tpu.memory_space<vmem>>, vector<16xi32>,
      tpu.vector_store %arg11[%swap3A_338], %min3A_337 {strides = array<i32>} : memref<208xi32, #tpu.memory_space<vmem>>, vector<16xi32>,
      %swap3A_340 = arith.constant 128 : index
      %swap3A_341 = tpu.vector_load %arg12[%swap3A_340] {strides = array<i32>} : memref<208xf32, #tpu.memory_space<vmem>>, vector<16xf32>,
      tpu.vector_store %arg12[%swap3A_340], %get3A_327 {strides = array<i32>} : memref<208xf32, #tpu.memory_space<vmem>>, vector<16xf32>,
      %gather3A_342 = tpu.vector_load_idx %arg7[%broadcast_in_dim3A_142, %min3A_337] : memref<32x1500xf32, #tpu.memory_space<vmem>>[vector<16xi32>, vector<16xi32>], vector<16xf32>,
      tpu.vector_store_idx %arg10[%min3A_337], %get3A_327 {add = true} : memref<1504xf32, #tpu.memory_space<vmem>>[vector<16xi32>], vector<16xf32>,
      %mul3A_343 = arith.mulf %gather3A_342, %get3A_327 : vector<16xf32>
      %add3A_344 = arith.addf %add3A_321, %mul3A_343 : vector<16xf32>
      %get3A_345 = arith.index_cast %scan3A_141 : i32 to index
      %get3A_346 = arith.constant 144 : index
      %get3A_347 = tpu.vector_load %arg8[%get3A_345, %get3A_346] {strides = array<i32>} : memref<32x200xf32, #tpu.memory_space<vmem>>, vector<16xf32>,
      %get3A_348 = arith.index_cast %scan3A_141 : i32 to index
      %get3A_349 = arith.constant 144 : index
      %get3A_350 = tpu.vector_load %arg9[%get3A_348, %get3A_349] {strides = array<i32>} : memref<32x200xf32, #tpu.memory_space<vmem>>, vector<16xf32>,
      %mul3A_351 = arith.constant 1.500000e+03 : f32
      %mul3A_352 = vector.broadcast %mul3A_351 : f32 to vector<16xf32>
      %mul3A_353 = arith.mulf %get3A_347, %mul3A_352 : vector<16xf32>
      %convert_element_type3A_354 = arith.fptosi %mul3A_353 : vector<16xf32> to vector<16xi32>
      %jit3A_355 = arith.constant 0 : i32
      %jit3A_356 = arith.constant 1499 : i32
      %max3A_357 = vector.broadcast %jit3A_355 : i32 to vector<16xi32>
      %max3A_358 = arith.maxsi %max3A_357, %convert_element_type3A_354 : vector<16xi32>
      %min3A_359 = vector.broadcast %jit3A_356 : i32 to vector<16xi32>
      %min3A_360 = arith.minsi %min3A_359, %max3A_358 : vector<16xi32>
      %swap3A_361 = arith.constant 144 : index
      %swap3A_362 = tpu.vector_load %arg11[%swap3A_361] {strides = array<i32>} : memref<208xi32, #tpu.memory_space<vmem>>, vector<16xi32>,
      tpu.vector_store %arg11[%swap3A_361], %min3A_360 {strides = array<i32>} : memref<208xi32, #tpu.memory_space<vmem>>, vector<16xi32>,
      %swap3A_363 = arith.constant 144 : index
      %swap3A_364 = tpu.vector_load %arg12[%swap3A_363] {strides = array<i32>} : memref<208xf32, #tpu.memory_space<vmem>>, vector<16xf32>,
      tpu.vector_store %arg12[%swap3A_363], %get3A_350 {strides = array<i32>} : memref<208xf32, #tpu.memory_space<vmem>>, vector<16xf32>,
      %gather3A_365 = tpu.vector_load_idx %arg7[%broadcast_in_dim3A_142, %min3A_360] : memref<32x1500xf32, #tpu.memory_space<vmem>>[vector<16xi32>, vector<16xi32>], vector<16xf32>,
      tpu.vector_store_idx %arg10[%min3A_360], %get3A_350 {add = true} : memref<1504xf32, #tpu.memory_space<vmem>>[vector<16xi32>], vector<16xf32>,
      %mul3A_366 = arith.mulf %gather3A_365, %get3A_350 : vector<16xf32>
      %add3A_367 = arith.addf %add3A_344, %mul3A_366 : vector<16xf32>
      %get3A_368 = arith.index_cast %scan3A_141 : i32 to index
      %get3A_369 = arith.constant 160 : index
      %get3A_370 = tpu.vector_load %arg8[%get3A_368, %get3A_369] {strides = array<i32>} : memref<32x200xf32, #tpu.memory_space<vmem>>, vector<16xf32>,
      %get3A_371 = arith.index_cast %scan3A_141 : i32 to index
      %get3A_372 = arith.constant 160 : index
      %get3A_373 = tpu.vector_load %arg9[%get3A_371, %get3A_372] {strides = array<i32>} : memref<32x200xf32, #tpu.memory_space<vmem>>, vector<16xf32>,
      %mul3A_374 = arith.constant 1.500000e+03 : f32
      %mul3A_375 = vector.broadcast %mul3A_374 : f32 to vector<16xf32>
      %mul3A_376 = arith.mulf %get3A_370, %mul3A_375 : vector<16xf32>
      %convert_element_type3A_377 = arith.fptosi %mul3A_376 : vector<16xf32> to vector<16xi32>
      %jit3A_378 = arith.constant 0 : i32
      %jit3A_379 = arith.constant 1499 : i32
      %max3A_380 = vector.broadcast %jit3A_378 : i32 to vector<16xi32>
      %max3A_381 = arith.maxsi %max3A_380, %convert_element_type3A_377 : vector<16xi32>
      %min3A_382 = vector.broadcast %jit3A_379 : i32 to vector<16xi32>
      %min3A_383 = arith.minsi %min3A_382, %max3A_381 : vector<16xi32>
      %swap3A_384 = arith.constant 160 : index
      %swap3A_385 = tpu.vector_load %arg11[%swap3A_384] {strides = array<i32>} : memref<208xi32, #tpu.memory_space<vmem>>, vector<16xi32>,
      tpu.vector_store %arg11[%swap3A_384], %min3A_383 {strides = array<i32>} : memref<208xi32, #tpu.memory_space<vmem>>, vector<16xi32>,
      %swap3A_386 = arith.constant 160 : index
      %swap3A_387 = tpu.vector_load %arg12[%swap3A_386] {strides = array<i32>} : memref<208xf32, #tpu.memory_space<vmem>>, vector<16xf32>,
      tpu.vector_store %arg12[%swap3A_386], %get3A_373 {strides = array<i32>} : memref<208xf32, #tpu.memory_space<vmem>>, vector<16xf32>,
      %gather3A_388 = tpu.vector_load_idx %arg7[%broadcast_in_dim3A_142, %min3A_383] : memref<32x1500xf32, #tpu.memory_space<vmem>>[vector<16xi32>, vector<16xi32>], vector<16xf32>,
      tpu.vector_store_idx %arg10[%min3A_383], %get3A_373 {add = true} : memref<1504xf32, #tpu.memory_space<vmem>>[vector<16xi32>], vector<16xf32>,
      %mul3A_389 = arith.mulf %gather3A_388, %get3A_373 : vector<16xf32>
      %add3A_390 = arith.addf %add3A_367, %mul3A_389 : vector<16xf32>
      %get3A_391 = arith.index_cast %scan3A_141 : i32 to index
      %get3A_392 = arith.constant 176 : index
      %get3A_393 = tpu.vector_load %arg8[%get3A_391, %get3A_392] {strides = array<i32>} : memref<32x200xf32, #tpu.memory_space<vmem>>, vector<16xf32>,
      %get3A_394 = arith.index_cast %scan3A_141 : i32 to index
      %get3A_395 = arith.constant 176 : index
      %get3A_396 = tpu.vector_load %arg9[%get3A_394, %get3A_395] {strides = array<i32>} : memref<32x200xf32, #tpu.memory_space<vmem>>, vector<16xf32>,
      %mul3A_397 = arith.constant 1.500000e+03 : f32
      %mul3A_398 = vector.broadcast %mul3A_397 : f32 to vector<16xf32>
      %mul3A_399 = arith.mulf %get3A_393, %mul3A_398 : vector<16xf32>
      %convert_element_type3A_400 = arith.fptosi %mul3A_399 : vector<16xf32> to vector<16xi32>
      %jit3A_401 = arith.constant 0 : i32
      %jit3A_402 = arith.constant 1499 : i32
      %max3A_403 = vector.broadcast %jit3A_401 : i32 to vector<16xi32>
      %max3A_404 = arith.maxsi %max3A_403, %convert_element_type3A_400 : vector<16xi32>
      %min3A_405 = vector.broadcast %jit3A_402 : i32 to vector<16xi32>
      %min3A_406 = arith.minsi %min3A_405, %max3A_404 : vector<16xi32>
      %swap3A_407 = arith.constant 176 : index
      %swap3A_408 = tpu.vector_load %arg11[%swap3A_407] {strides = array<i32>} : memref<208xi32, #tpu.memory_space<vmem>>, vector<16xi32>,
      tpu.vector_store %arg11[%swap3A_407], %min3A_406 {strides = array<i32>} : memref<208xi32, #tpu.memory_space<vmem>>, vector<16xi32>,
      %swap3A_409 = arith.constant 176 : index
      %swap3A_410 = tpu.vector_load %arg12[%swap3A_409] {strides = array<i32>} : memref<208xf32, #tpu.memory_space<vmem>>, vector<16xf32>,
      tpu.vector_store %arg12[%swap3A_409], %get3A_396 {strides = array<i32>} : memref<208xf32, #tpu.memory_space<vmem>>, vector<16xf32>,
      %gather3A_411 = tpu.vector_load_idx %arg7[%broadcast_in_dim3A_142, %min3A_406] : memref<32x1500xf32, #tpu.memory_space<vmem>>[vector<16xi32>, vector<16xi32>], vector<16xf32>,
      tpu.vector_store_idx %arg10[%min3A_406], %get3A_396 {add = true} : memref<1504xf32, #tpu.memory_space<vmem>>[vector<16xi32>], vector<16xf32>,
      %mul3A_412 = arith.mulf %gather3A_411, %get3A_396 : vector<16xf32>
      %add3A_413 = arith.addf %add3A_390, %mul3A_412 : vector<16xf32>
      %get3A_414 = arith.index_cast %scan3A_141 : i32 to index
      %get3A_415 = arith.constant 184 : index
      %get3A_416 = tpu.vector_load %arg8[%get3A_414, %get3A_415] {strides = array<i32>} : memref<32x200xf32, #tpu.memory_space<vmem>>, vector<16xf32>,
      %get3A_417 = arith.index_cast %scan3A_141 : i32 to index
      %get3A_418 = arith.constant 184 : index
      %get3A_419 = tpu.vector_load %arg9[%get3A_417, %get3A_418] {strides = array<i32>} : memref<32x200xf32, #tpu.memory_space<vmem>>, vector<16xf32>,
      %jit3A_420 = arith.constant 0.000000e+00 : f32
      %broadcast_in_dim3A_421 = vector.broadcast %jit3A_420 : f32 to vector<16xf32>
      %select_n3A = arith.select %ge3A_36, %get3A_419, %broadcast_in_dim3A_421 : vector<16xi1>, vector<16xf32>
      %mul3A_422 = arith.constant 1.500000e+03 : f32
      %mul3A_423 = vector.broadcast %mul3A_422 : f32 to vector<16xf32>
      %mul3A_424 = arith.mulf %get3A_416, %mul3A_423 : vector<16xf32>
      %convert_element_type3A_425 = arith.fptosi %mul3A_424 : vector<16xf32> to vector<16xi32>
      %jit3A_426 = arith.constant 0 : i32
      %jit3A_427 = arith.constant 1499 : i32
      %max3A_428 = vector.broadcast %jit3A_426 : i32 to vector<16xi32>
      %max3A_429 = arith.maxsi %max3A_428, %convert_element_type3A_425 : vector<16xi32>
      %min3A_430 = vector.broadcast %jit3A_427 : i32 to vector<16xi32>
      %min3A_431 = arith.minsi %min3A_430, %max3A_429 : vector<16xi32>
      %swap3A_432 = arith.constant 192 : index
      %swap3A_433 = tpu.vector_load %arg11[%swap3A_432] {strides = array<i32>} : memref<208xi32, #tpu.memory_space<vmem>>, vector<16xi32>,
      tpu.vector_store %arg11[%swap3A_432], %min3A_431 {strides = array<i32>} : memref<208xi32, #tpu.memory_space<vmem>>, vector<16xi32>,
      %swap3A_434 = arith.constant 192 : index
      %swap3A_435 = tpu.vector_load %arg12[%swap3A_434] {strides = array<i32>} : memref<208xf32, #tpu.memory_space<vmem>>, vector<16xf32>,
      tpu.vector_store %arg12[%swap3A_434], %select_n3A {strides = array<i32>} : memref<208xf32, #tpu.memory_space<vmem>>, vector<16xf32>,
      %gather3A_436 = tpu.vector_load_idx %arg7[%broadcast_in_dim3A_142, %min3A_431] : memref<32x1500xf32, #tpu.memory_space<vmem>>[vector<16xi32>, vector<16xi32>], vector<16xf32>,
      tpu.vector_store_idx %arg10[%min3A_431], %select_n3A {add = true} : memref<1504xf32, #tpu.memory_space<vmem>>[vector<16xi32>], vector<16xf32>,
      %mul3A_437 = arith.mulf %gather3A_436, %select_n3A : vector<16xf32>
      %add3A_438 = arith.addf %add3A_413, %mul3A_437 : vector<16xf32>
      %broadcast_in_dim3A_439 = arith.constant 0.000000e+00 : f32
      %broadcast_in_dim3A_440 = vector.broadcast %broadcast_in_dim3A_439 : f32 to vector<16xf32>
      %get3A_441 = arith.constant 0 : index
      %get3A_442 = tpu.vector_load %arg11[%get3A_441] {strides = array<i32>} : memref<208xi32, #tpu.memory_space<vmem>>, vector<16xi32>,
      %get3A_443 = arith.constant 0 : index
      %get3A_444 = tpu.vector_load %arg12[%get3A_443] {strides = array<i32>} : memref<208xf32, #tpu.memory_space<vmem>>, vector<16xf32>,
      %gather3A_445 = tpu.vector_load_idx %arg10[%get3A_442] : memref<1504xf32, #tpu.memory_space<vmem>>[vector<16xi32>], vector<16xf32>,
      %mul3A_446 = arith.mulf %gather3A_445, %get3A_444 : vector<16xf32>
      %add3A_447 = arith.addf %broadcast_in_dim3A_440, %mul3A_446 : vector<16xf32>
      %get3A_448 = arith.constant 16 : index
      %get3A_449 = tpu.vector_load %arg11[%get3A_448] {strides = array<i32>} : memref<208xi32, #tpu.memory_space<vmem>>, vector<16xi32>,
      %get3A_450 = arith.constant 16 : index
      %get3A_451 = tpu.vector_load %arg12[%get3A_450] {strides = array<i32>} : memref<208xf32, #tpu.memory_space<vmem>>, vector<16xf32>,
      %gather3A_452 = tpu.vector_load_idx %arg10[%get3A_449] : memref<1504xf32, #tpu.memory_space<vmem>>[vector<16xi32>], vector<16xf32>,
      %mul3A_453 = arith.mulf %gather3A_452, %get3A_451 : vector<16xf32>
      %add3A_454 = arith.addf %add3A_447, %mul3A_453 : vector<16xf32>
      %get3A_455 = arith.constant 32 : index
      %get3A_456 = tpu.vector_load %arg11[%get3A_455] {strides = array<i32>} : memref<208xi32, #tpu.memory_space<vmem>>, vector<16xi32>,
      %get3A_457 = arith.constant 32 : index
      %get3A_458 = tpu.vector_load %arg12[%get3A_457] {strides = array<i32>} : memref<208xf32, #tpu.memory_space<vmem>>, vector<16xf32>,
      %gather3A_459 = tpu.vector_load_idx %arg10[%get3A_456] : memref<1504xf32, #tpu.memory_space<vmem>>[vector<16xi32>], vector<16xf32>,
      %mul3A_460 = arith.mulf %gather3A_459, %get3A_458 : vector<16xf32>
      %add3A_461 = arith.addf %add3A_454, %mul3A_460 : vector<16xf32>
      %get3A_462 = arith.constant 48 : index
      %get3A_463 = tpu.vector_load %arg11[%get3A_462] {strides = array<i32>} : memref<208xi32, #tpu.memory_space<vmem>>, vector<16xi32>,
      %get3A_464 = arith.constant 48 : index
      %get3A_465 = tpu.vector_load %arg12[%get3A_464] {strides = array<i32>} : memref<208xf32, #tpu.memory_space<vmem>>, vector<16xf32>,
      %gather3A_466 = tpu.vector_load_idx %arg10[%get3A_463] : memref<1504xf32, #tpu.memory_space<vmem>>[vector<16xi32>], vector<16xf32>,
      %mul3A_467 = arith.mulf %gather3A_466, %get3A_465 : vector<16xf32>
      %add3A_468 = arith.addf %add3A_461, %mul3A_467 : vector<16xf32>
      %get3A_469 = arith.constant 64 : index
      %get3A_470 = tpu.vector_load %arg11[%get3A_469] {strides = array<i32>} : memref<208xi32, #tpu.memory_space<vmem>>, vector<16xi32>,
      %get3A_471 = arith.constant 64 : index
      %get3A_472 = tpu.vector_load %arg12[%get3A_471] {strides = array<i32>} : memref<208xf32, #tpu.memory_space<vmem>>, vector<16xf32>,
      %gather3A_473 = tpu.vector_load_idx %arg10[%get3A_470] : memref<1504xf32, #tpu.memory_space<vmem>>[vector<16xi32>], vector<16xf32>,
      %mul3A_474 = arith.mulf %gather3A_473, %get3A_472 : vector<16xf32>
      %add3A_475 = arith.addf %add3A_468, %mul3A_474 : vector<16xf32>
      %get3A_476 = arith.constant 80 : index
      %get3A_477 = tpu.vector_load %arg11[%get3A_476] {strides = array<i32>} : memref<208xi32, #tpu.memory_space<vmem>>, vector<16xi32>,
      %get3A_478 = arith.constant 80 : index
      %get3A_479 = tpu.vector_load %arg12[%get3A_478] {strides = array<i32>} : memref<208xf32, #tpu.memory_space<vmem>>, vector<16xf32>,
      %gather3A_480 = tpu.vector_load_idx %arg10[%get3A_477] : memref<1504xf32, #tpu.memory_space<vmem>>[vector<16xi32>], vector<16xf32>,
      %mul3A_481 = arith.mulf %gather3A_480, %get3A_479 : vector<16xf32>
      %add3A_482 = arith.addf %add3A_475, %mul3A_481 : vector<16xf32>
      %get3A_483 = arith.constant 96 : index
      %get3A_484 = tpu.vector_load %arg11[%get3A_483] {strides = array<i32>} : memref<208xi32, #tpu.memory_space<vmem>>, vector<16xi32>,
      %get3A_485 = arith.constant 96 : index
      %get3A_486 = tpu.vector_load %arg12[%get3A_485] {strides = array<i32>} : memref<208xf32, #tpu.memory_space<vmem>>, vector<16xf32>,
      %gather3A_487 = tpu.vector_load_idx %arg10[%get3A_484] : memref<1504xf32, #tpu.memory_space<vmem>>[vector<16xi32>], vector<16xf32>,
      %mul3A_488 = arith.mulf %gather3A_487, %get3A_486 : vector<16xf32>
      %add3A_489 = arith.addf %add3A_482, %mul3A_488 : vector<16xf32>
      %get3A_490 = arith.constant 112 : index
      %get3A_491 = tpu.vector_load %arg11[%get3A_490] {strides = array<i32>} : memref<208xi32, #tpu.memory_space<vmem>>, vector<16xi32>,
      %get3A_492 = arith.constant 112 : index
      %get3A_493 = tpu.vector_load %arg12[%get3A_492] {strides = array<i32>} : memref<208xf32, #tpu.memory_space<vmem>>, vector<16xf32>,
      %gather3A_494 = tpu.vector_load_idx %arg10[%get3A_491] : memref<1504xf32, #tpu.memory_space<vmem>>[vector<16xi32>], vector<16xf32>,
      %mul3A_495 = arith.mulf %gather3A_494, %get3A_493 : vector<16xf32>
      %add3A_496 = arith.addf %add3A_489, %mul3A_495 : vector<16xf32>
      %get3A_497 = arith.constant 128 : index
      %get3A_498 = tpu.vector_load %arg11[%get3A_497] {strides = array<i32>} : memref<208xi32, #tpu.memory_space<vmem>>, vector<16xi32>,
      %get3A_499 = arith.constant 128 : index
      %get3A_500 = tpu.vector_load %arg12[%get3A_499] {strides = array<i32>} : memref<208xf32, #tpu.memory_space<vmem>>, vector<16xf32>,
      %gather3A_501 = tpu.vector_load_idx %arg10[%get3A_498] : memref<1504xf32, #tpu.memory_space<vmem>>[vector<16xi32>], vector<16xf32>,
      %mul3A_502 = arith.mulf %gather3A_501, %get3A_500 : vector<16xf32>
      %add3A_503 = arith.addf %add3A_496, %mul3A_502 : vector<16xf32>
      %get3A_504 = arith.constant 144 : index
      %get3A_505 = tpu.vector_load %arg11[%get3A_504] {strides = array<i32>} : memref<208xi32, #tpu.memory_space<vmem>>, vector<16xi32>,
      %get3A_506 = arith.constant 144 : index
      %get3A_507 = tpu.vector_load %arg12[%get3A_506] {strides = array<i32>} : memref<208xf32, #tpu.memory_space<vmem>>, vector<16xf32>,
      %gather3A_508 = tpu.vector_load_idx %arg10[%get3A_505] : memref<1504xf32, #tpu.memory_space<vmem>>[vector<16xi32>], vector<16xf32>,
      %mul3A_509 = arith.mulf %gather3A_508, %get3A_507 : vector<16xf32>
      %add3A_510 = arith.addf %add3A_503, %mul3A_509 : vector<16xf32>
      %get3A_511 = arith.constant 160 : index
      %get3A_512 = tpu.vector_load %arg11[%get3A_511] {strides = array<i32>} : memref<208xi32, #tpu.memory_space<vmem>>, vector<16xi32>,
      %get3A_513 = arith.constant 160 : index
      %get3A_514 = tpu.vector_load %arg12[%get3A_513] {strides = array<i32>} : memref<208xf32, #tpu.memory_space<vmem>>, vector<16xf32>,
      %gather3A_515 = tpu.vector_load_idx %arg10[%get3A_512] : memref<1504xf32, #tpu.memory_space<vmem>>[vector<16xi32>], vector<16xf32>,
      %mul3A_516 = arith.mulf %gather3A_515, %get3A_514 : vector<16xf32>
      %add3A_517 = arith.addf %add3A_510, %mul3A_516 : vector<16xf32>
      %get3A_518 = arith.constant 176 : index
      %get3A_519 = tpu.vector_load %arg11[%get3A_518] {strides = array<i32>} : memref<208xi32, #tpu.memory_space<vmem>>, vector<16xi32>,
      %get3A_520 = arith.constant 176 : index
      %get3A_521 = tpu.vector_load %arg12[%get3A_520] {strides = array<i32>} : memref<208xf32, #tpu.memory_space<vmem>>, vector<16xf32>,
      %gather3A_522 = tpu.vector_load_idx %arg10[%get3A_519] : memref<1504xf32, #tpu.memory_space<vmem>>[vector<16xi32>], vector<16xf32>,
      %mul3A_523 = arith.mulf %gather3A_522, %get3A_521 : vector<16xf32>
      %add3A_524 = arith.addf %add3A_517, %mul3A_523 : vector<16xf32>
      %get3A_525 = arith.constant 192 : index
      %get3A_526 = tpu.vector_load %arg11[%get3A_525] {strides = array<i32>} : memref<208xi32, #tpu.memory_space<vmem>>, vector<16xi32>,
      %get3A_527 = arith.constant 192 : index
      %get3A_528 = tpu.vector_load %arg12[%get3A_527] {strides = array<i32>} : memref<208xf32, #tpu.memory_space<vmem>>, vector<16xf32>,
      %gather3A_529 = tpu.vector_load_idx %arg10[%get3A_526] : memref<1504xf32, #tpu.memory_space<vmem>>[vector<16xi32>], vector<16xf32>,
      %mul3A_530 = arith.mulf %gather3A_529, %get3A_528 : vector<16xf32>
      %add3A_531 = arith.addf %add3A_524, %mul3A_530 : vector<16xf32>
      %get3A_532 = arith.constant 0 : index
      %get3A_533 = tpu.vector_load %arg11[%get3A_532] {strides = array<i32>} : memref<208xi32, #tpu.memory_space<vmem>>, vector<16xi32>,
      tpu.vector_store_idx %arg10[%get3A_533], %broadcast_in_dim3A_34 : memref<1504xf32, #tpu.memory_space<vmem>>[vector<16xi32>], vector<16xf32>,
      %get3A_534 = arith.constant 16 : index
      %get3A_535 = tpu.vector_load %arg11[%get3A_534] {strides = array<i32>} : memref<208xi32, #tpu.memory_space<vmem>>, vector<16xi32>,
      tpu.vector_store_idx %arg10[%get3A_535], %broadcast_in_dim3A_34 : memref<1504xf32, #tpu.memory_space<vmem>>[vector<16xi32>], vector<16xf32>,
      %get3A_536 = arith.constant 32 : index
      %get3A_537 = tpu.vector_load %arg11[%get3A_536] {strides = array<i32>} : memref<208xi32, #tpu.memory_space<vmem>>, vector<16xi32>,
      tpu.vector_store_idx %arg10[%get3A_537], %broadcast_in_dim3A_34 : memref<1504xf32, #tpu.memory_space<vmem>>[vector<16xi32>], vector<16xf32>,
      %get3A_538 = arith.constant 48 : index
      %get3A_539 = tpu.vector_load %arg11[%get3A_538] {strides = array<i32>} : memref<208xi32, #tpu.memory_space<vmem>>, vector<16xi32>,
      tpu.vector_store_idx %arg10[%get3A_539], %broadcast_in_dim3A_34 : memref<1504xf32, #tpu.memory_space<vmem>>[vector<16xi32>], vector<16xf32>,
      %get3A_540 = arith.constant 64 : index
      %get3A_541 = tpu.vector_load %arg11[%get3A_540] {strides = array<i32>} : memref<208xi32, #tpu.memory_space<vmem>>, vector<16xi32>,
      tpu.vector_store_idx %arg10[%get3A_541], %broadcast_in_dim3A_34 : memref<1504xf32, #tpu.memory_space<vmem>>[vector<16xi32>], vector<16xf32>,
      %get3A_542 = arith.constant 80 : index
      %get3A_543 = tpu.vector_load %arg11[%get3A_542] {strides = array<i32>} : memref<208xi32, #tpu.memory_space<vmem>>, vector<16xi32>,
      tpu.vector_store_idx %arg10[%get3A_543], %broadcast_in_dim3A_34 : memref<1504xf32, #tpu.memory_space<vmem>>[vector<16xi32>], vector<16xf32>,
      %get3A_544 = arith.constant 96 : index
      %get3A_545 = tpu.vector_load %arg11[%get3A_544] {strides = array<i32>} : memref<208xi32, #tpu.memory_space<vmem>>, vector<16xi32>,
      tpu.vector_store_idx %arg10[%get3A_545], %broadcast_in_dim3A_34 : memref<1504xf32, #tpu.memory_space<vmem>>[vector<16xi32>], vector<16xf32>,
      %get3A_546 = arith.constant 112 : index
      %get3A_547 = tpu.vector_load %arg11[%get3A_546] {strides = array<i32>} : memref<208xi32, #tpu.memory_space<vmem>>, vector<16xi32>,
      tpu.vector_store_idx %arg10[%get3A_547], %broadcast_in_dim3A_34 : memref<1504xf32, #tpu.memory_space<vmem>>[vector<16xi32>], vector<16xf32>,
      %get3A_548 = arith.constant 128 : index
      %get3A_549 = tpu.vector_load %arg11[%get3A_548] {strides = array<i32>} : memref<208xi32, #tpu.memory_space<vmem>>, vector<16xi32>,
      tpu.vector_store_idx %arg10[%get3A_549], %broadcast_in_dim3A_34 : memref<1504xf32, #tpu.memory_space<vmem>>[vector<16xi32>], vector<16xf32>,
      %get3A_550 = arith.constant 144 : index
      %get3A_551 = tpu.vector_load %arg11[%get3A_550] {strides = array<i32>} : memref<208xi32, #tpu.memory_space<vmem>>, vector<16xi32>,
      tpu.vector_store_idx %arg10[%get3A_551], %broadcast_in_dim3A_34 : memref<1504xf32, #tpu.memory_space<vmem>>[vector<16xi32>], vector<16xf32>,
      %get3A_552 = arith.constant 160 : index
      %get3A_553 = tpu.vector_load %arg11[%get3A_552] {strides = array<i32>} : memref<208xi32, #tpu.memory_space<vmem>>, vector<16xi32>,
      tpu.vector_store_idx %arg10[%get3A_553], %broadcast_in_dim3A_34 : memref<1504xf32, #tpu.memory_space<vmem>>[vector<16xi32>], vector<16xf32>,
      %get3A_554 = arith.constant 176 : index
      %get3A_555 = tpu.vector_load %arg11[%get3A_554] {strides = array<i32>} : memref<208xi32, #tpu.memory_space<vmem>>, vector<16xi32>,
      tpu.vector_store_idx %arg10[%get3A_555], %broadcast_in_dim3A_34 : memref<1504xf32, #tpu.memory_space<vmem>>[vector<16xi32>], vector<16xf32>,
      %get3A_556 = arith.constant 192 : index
      %get3A_557 = tpu.vector_load %arg11[%get3A_556] {strides = array<i32>} : memref<208xi32, #tpu.memory_space<vmem>>, vector<16xi32>,
      tpu.vector_store_idx %arg10[%get3A_557], %broadcast_in_dim3A_34 : memref<1504xf32, #tpu.memory_space<vmem>>[vector<16xi32>], vector<16xf32>,
      %jit3A_558 = arith.constant 8 : i32
      %div3A = arith.divsi %scan3A_141, %jit3A_558 : i32
      %sign3A = arith.constant 0 : i32
      %sign3A_559 = arith.cmpi sgt, %scan3A_141, %sign3A : i32
      %sign3A_560 = arith.extui %sign3A_559 : i1 to i32
      %sign3A_561 = arith.constant 0 : i32
      %sign3A_562 = arith.cmpi slt, %scan3A_141, %sign3A_561 : i32
      %sign3A_563 = arith.extui %sign3A_562 : i1 to i32
      %sign3A_564 = arith.subi %sign3A_560, %sign3A_563 : i32
      %sign3A_565 = arith.constant 0 : i32
      %sign3A_566 = arith.cmpi sgt, %jit3A_558, %sign3A_565 : i32
      %sign3A_567 = arith.extui %sign3A_566 : i1 to i32
      %sign3A_568 = arith.constant 0 : i32
      %sign3A_569 = arith.cmpi slt, %jit3A_558, %sign3A_568 : i32
      %sign3A_570 = arith.extui %sign3A_569 : i1 to i32
      %sign3A_571 = arith.subi %sign3A_567, %sign3A_570 : i32
      %ne3A = arith.cmpi ne, %sign3A_564, %sign3A_571 : i32
      %rem3A = arith.remsi %scan3A_141, %jit3A_558 : i32
      %ne3A_572 = arith.constant 0 : i32
      %ne3A_573 = arith.cmpi ne, %rem3A, %ne3A_572 : i32
      %and3A = arith.andi %ne3A, %ne3A_573 : i1
      %sub3A = arith.constant 1 : i32
      %sub3A_574 = arith.subi %div3A, %sub3A : i32
      %select_n3A_575 = arith.select %and3A, %sub3A_574, %div3A : i32
      %jit3A_576 = arith.constant 8 : i32
      %eq3A = arith.constant 0 : i32
      %eq3A_577 = arith.cmpi eq, %jit3A_576, %eq3A : i32
      %jit3A_578 = arith.constant 1 : i32
      %select_n3A_579 = arith.select %eq3A_577, %jit3A_578, %jit3A_576 : i32
      %rem3A_580 = arith.remsi %scan3A_141, %select_n3A_579 : i32
      %ne3A_581 = arith.constant 0 : i32
      %ne3A_582 = arith.cmpi ne, %rem3A_580, %ne3A_581 : i32
      %lt3A = arith.constant 0 : i32
      %lt3A_583 = arith.cmpi slt, %rem3A_580, %lt3A : i32
      %lt3A_584 = arith.constant 0 : i32
      %lt3A_585 = arith.cmpi slt, %select_n3A_579, %lt3A_584 : i32
      %ne3A_586 = arith.xori %lt3A_583, %lt3A_585 : i1
      %and3A_587 = arith.andi %ne3A_586, %ne3A_582 : i1
      %add3A_588 = arith.addi %rem3A_580, %select_n3A_579 : i32
      %select_n3A_589 = arith.select %and3A_587, %add3A_588, %rem3A_580 : i32
      %mul3A_590 = arith.constant 16 : i32
      %mul3A_591 = arith.muli %select_n3A_589, %mul3A_590 : i32
      %swap3A_592 = arith.index_cast %select_n3A_575 : i32 to index
      %swap3A_593 = arith.index_cast %mul3A_591 : i32 to index
      %swap3A_594 = tpu.vector_load %arg13[%swap3A_592, %swap3A_593] {strides = array<i32>} : memref<4x128xf32, #tpu.memory_space<vmem>>, vector<16xf32>,
      tpu.vector_store %arg13[%swap3A_592, %swap3A_593], %add3A_438 {strides = array<i32>} : memref<4x128xf32, #tpu.memory_space<vmem>>, vector<16xf32>,
      %jit3A_595 = arith.constant 8 : i32
      %div3A_596 = arith.divsi %scan3A_141, %jit3A_595 : i32
      %sign3A_597 = arith.constant 0 : i32
      %sign3A_598 = arith.cmpi sgt, %scan3A_141, %sign3A_597 : i32
      %sign3A_599 = arith.extui %sign3A_598 : i1 to i32
      %sign3A_600 = arith.constant 0 : i32
      %sign3A_601 = arith.cmpi slt, %scan3A_141, %sign3A_600 : i32
      %sign3A_602 = arith.extui %sign3A_601 : i1 to i32
      %sign3A_603 = arith.subi %sign3A_599, %sign3A_602 : i32
      %sign3A_604 = arith.constant 0 : i32
      %sign3A_605 = arith.cmpi sgt, %jit3A_595, %sign3A_604 : i32
      %sign3A_606 = arith.extui %sign3A_605 : i1 to i32
      %sign3A_607 = arith.constant 0 : i32
      %sign3A_608 = arith.cmpi slt, %jit3A_595, %sign3A_607 : i32
      %sign3A_609 = arith.extui %sign3A_608 : i1 to i32
      %sign3A_610 = arith.subi %sign3A_606, %sign3A_609 : i32
      %ne3A_611 = arith.cmpi ne, %sign3A_603, %sign3A_610 : i32
      %rem3A_612 = arith.remsi %scan3A_141, %jit3A_595 : i32
      %ne3A_613 = arith.constant 0 : i32
      %ne3A_614 = arith.cmpi ne, %rem3A_612, %ne3A_613 : i32
      %and3A_615 = arith.andi %ne3A_611, %ne3A_614 : i1
      %sub3A_616 = arith.constant 1 : i32
      %sub3A_617 = arith.subi %div3A_596, %sub3A_616 : i32
      %select_n3A_618 = arith.select %and3A_615, %sub3A_617, %div3A_596 : i32
      %jit3A_619 = arith.constant 8 : i32
      %eq3A_620 = arith.constant 0 : i32
      %eq3A_621 = arith.cmpi eq, %jit3A_619, %eq3A_620 : i32
      %jit3A_622 = arith.constant 1 : i32
      %select_n3A_623 = arith.select %eq3A_621, %jit3A_622, %jit3A_619 : i32
      %rem3A_624 = arith.remsi %scan3A_141, %select_n3A_623 : i32
      %ne3A_625 = arith.constant 0 : i32
      %ne3A_626 = arith.cmpi ne, %rem3A_624, %ne3A_625 : i32
      %lt3A_627 = arith.constant 0 : i32
      %lt3A_628 = arith.cmpi slt, %rem3A_624, %lt3A_627 : i32
      %lt3A_629 = arith.constant 0 : i32
      %lt3A_630 = arith.cmpi slt, %select_n3A_623, %lt3A_629 : i32
      %ne3A_631 = arith.xori %lt3A_628, %lt3A_630 : i1
      %and3A_632 = arith.andi %ne3A_631, %ne3A_626 : i1
      %add3A_633 = arith.addi %rem3A_624, %select_n3A_623 : i32
      %select_n3A_634 = arith.select %and3A_632, %add3A_633, %rem3A_624 : i32
      %mul3A_635 = arith.constant 16 : i32
      %mul3A_636 = arith.muli %select_n3A_634, %mul3A_635 : i32
      %swap3A_637 = arith.index_cast %select_n3A_618 : i32 to index
      %swap3A_638 = arith.index_cast %mul3A_636 : i32 to index
      %swap3A_639 = tpu.vector_load %arg14[%swap3A_637, %swap3A_638] {strides = array<i32>} : memref<4x128xf32, #tpu.memory_space<vmem>>, vector<16xf32>,
      tpu.vector_store %arg14[%swap3A_637, %swap3A_638], %add3A_531 {strides = array<i32>} : memref<4x128xf32, #tpu.memory_space<vmem>>, vector<16xf32>,
    }
    %scan3A_136 = arith.constant 8 : i32
    %mul3A_137 = arith.constant 4 : i32
    %mul3A_138 = arith.muli %add3A, %mul3A_137 : i32
    "tpu.region"() ({
      %run_scoped3A = tpu.sem_alloc : memref<!tpu.dma_semaphore, #tpu.memory_space<semaphore_mem>>
      %dma_start3A_141 = arith.constant 0 : i32
      %dma_start3A_142 = tpu.memref_slice %arg5[%mul3A_138, %dma_start3A_141] : memref<128x128xf32, #tpu.memory_space<hbm>> -> memref<4x128xf32, #tpu.memory_space<hbm>>
      %dma_start3A_143 = arith.constant 0 : i32
      %dma_start3A_144 = tpu.memref_slice %arg5[%mul3A_138, %dma_start3A_143] : memref<128x128xf32, #tpu.memory_space<hbm>> -> memref<4x128xf32, #tpu.memory_space<hbm>>
      tpu.enqueue_dma source(%arg13 : memref<4x128xf32, #tpu.memory_space<vmem>>) target(%dma_start3A_144 : memref<4x128xf32, #tpu.memory_space<hbm>>) target_semaphore(%run_scoped3A : memref<!tpu.dma_semaphore, #tpu.memory_space<semaphore_mem>>)
      %dma_wait3A_145 = arith.constant 0 : i32
      %dma_wait3A_146 = tpu.memref_slice %arg5[%mul3A_138, %dma_wait3A_145] : memref<128x128xf32, #tpu.memory_space<hbm>> -> memref<4x128xf32, #tpu.memory_space<hbm>>
      %dma_wait3A_147 = arith.constant 0 : i32
      %dma_wait3A_148 = tpu.memref_slice %arg5[%mul3A_138, %dma_wait3A_147] : memref<128x128xf32, #tpu.memory_space<hbm>> -> memref<4x128xf32, #tpu.memory_space<hbm>>
      tpu.wait_dma2 semaphore(%run_scoped3A : memref<!tpu.dma_semaphore, #tpu.memory_space<semaphore_mem>>) src(%arg13 : memref<4x128xf32, #tpu.memory_space<vmem>>) dst(%dma_wait3A_148 : memref<4x128xf32, #tpu.memory_space<hbm>>)
      tpu.yield
    }) : () -> ()
    %mul3A_139 = arith.constant 4 : i32
    %mul3A_140 = arith.muli %add3A, %mul3A_139 : i32
    "tpu.region"() ({
      %run_scoped3A = tpu.sem_alloc : memref<!tpu.dma_semaphore, #tpu.memory_space<semaphore_mem>>
      %dma_start3A_141 = arith.constant 0 : i32
      %dma_start3A_142 = tpu.memref_slice %arg6[%mul3A_140, %dma_start3A_141] : memref<128x128xf32, #tpu.memory_space<hbm>> -> memref<4x128xf32, #tpu.memory_space<hbm>>
      %dma_start3A_143 = arith.constant 0 : i32
      %dma_start3A_144 = tpu.memref_slice %arg6[%mul3A_140, %dma_start3A_143] : memref<128x128xf32, #tpu.memory_space<hbm>> -> memref<4x128xf32, #tpu.memory_space<hbm>>
      tpu.enqueue_dma source(%arg14 : memref<4x128xf32, #tpu.memory_space<vmem>>) target(%dma_start3A_144 : memref<4x128xf32, #tpu.memory_space<hbm>>) target_semaphore(%run_scoped3A : memref<!tpu.dma_semaphore, #tpu.memory_space<semaphore_mem>>)
      %dma_wait3A_145 = arith.constant 0 : i32
      %dma_wait3A_146 = tpu.memref_slice %arg6[%mul3A_140, %dma_wait3A_145] : memref<128x128xf32, #tpu.memory_space<hbm>> -> memref<4x128xf32, #tpu.memory_space<hbm>>
      %dma_wait3A_147 = arith.constant 0 : i32
      %dma_wait3A_148 = tpu.memref_slice %arg6[%mul3A_140, %dma_wait3A_147] : memref<128x128xf32, #tpu.memory_space<hbm>> -> memref<4x128xf32, #tpu.memory_space<hbm>>
      tpu.wait_dma2 semaphore(%run_scoped3A : memref<!tpu.dma_semaphore, #tpu.memory_space<semaphore_mem>>) src(%arg14 : memref<4x128xf32, #tpu.memory_space<vmem>>) dst(%dma_wait3A_148 : memref<4x128xf32, #tpu.memory_space<hbm>>)
      tpu.yield
    }) : () -> ()
    return
  }
}

module attributes {stable_mosaic.version = 14 : i64} {
  func.func @_pn2_body(%arg0: i32, %arg1: memref<128x1500xf32, #tpu.memory_space<vmem>>, %arg2: memref<16x8xf32, #tpu.memory_space<vmem>>) attributes {dimension_semantics = [#tpu.dimension_semantics<arbitrary>], iteration_bounds = array<i64: 8>, scalar_prefetch = 0 : i64, scratch_operands = 0 : i64, tpu.core_type = #tpu.core_type<tc>, window_params = [{transform_indices = @transform_0, window_bounds = array<i64: 128, 1500>}, {transform_indices = @transform_1, window_bounds = array<i64: 16, 8>}]} {
    %get3A = arith.constant 0 : index
    %get3A_0 = arith.constant 0 : index
    %get3A_1 = vector.load %arg1[%get3A, %get3A_0] : memref<128x1500xf32, #tpu.memory_space<vmem>>, vector<128x1500xf32>
    %mul3A = arith.mulf %get3A_1, %get3A_1 : vector<128x1500xf32>
    %reduce_sum3A = arith.constant dense<0.000000e+00> : vector<128xf32>
    %reduce_sum3A_2 = vector.multi_reduction <add>, %mul3A, %reduce_sum3A [1] : vector<128x1500xf32> to vector<128xf32>
    %broadcast_in_dim3A = vector.shape_cast %reduce_sum3A_2 : vector<128xf32> to vector<128x1xf32>
    %reshape3A = vector.shape_cast %broadcast_in_dim3A : vector<128x1xf32> to vector<16x8xf32>
    %swap3A = arith.constant 0 : index
    %swap3A_3 = arith.constant 0 : index
    %swap3A_4 = vector.load %arg2[%swap3A, %swap3A_3] : memref<16x8xf32, #tpu.memory_space<vmem>>, vector<16x8xf32>
    tpu.vector_store %arg2[%swap3A, %swap3A_3], %reshape3A {strides = array<i32>} : memref<16x8xf32, #tpu.memory_space<vmem>>, vector<16x8xf32>,
    return
  }
  func.func @transform_0(%arg0: i32) -> (i32, i32) {
    %c0_i32 = arith.constant 0 : i32
    %c0_i32_0 = arith.constant 0 : i32
    return %arg0, %c0_i32 : i32, i32
  }
  func.func @transform_1(%arg0: i32) -> (i32, i32) {
    %c0_i32 = arith.constant 0 : i32
    %c0_i32_0 = arith.constant 0 : i32
    return %arg0, %c0_i32 : i32, i32
  }
}

module attributes {stable_mosaic.version = 14 : i64} {
  func.func @_combine_body(%arg0: memref<128x128xf32, #tpu.memory_space<vmem>>, %arg1: memref<128x128xf32, #tpu.memory_space<vmem>>, %arg2: memref<128x8xf32, #tpu.memory_space<vmem>>, %arg3: memref<1x1xf32, #tpu.memory_space<vmem>>) attributes {dimension_semantics = [], scalar_prefetch = 0 : i64, scratch_operands = 0 : i64, tpu.core_type = #tpu.core_type<tc>} {
    %iota3A = tpu.iota {dimensions = array<i32: 0>} : vector<128x8xi32>
    %jit3A = arith.constant 16 : i32
    %div3A = vector.broadcast %jit3A : i32 to vector<128x8xi32>
    %div3A_0 = arith.divsi %iota3A, %div3A : vector<128x8xi32>
    %sign3A = arith.constant 0 : i32
    %sign3A_1 = vector.broadcast %sign3A : i32 to vector<128x8xi32>
    %sign3A_2 = arith.cmpi sgt, %iota3A, %sign3A_1 : vector<128x8xi32>
    %sign3A_3 = arith.extui %sign3A_2 : vector<128x8xi1> to vector<128x8xi32>
    %sign3A_4 = arith.constant 0 : i32
    %sign3A_5 = vector.broadcast %sign3A_4 : i32 to vector<128x8xi32>
    %sign3A_6 = arith.cmpi slt, %iota3A, %sign3A_5 : vector<128x8xi32>
    %sign3A_7 = arith.extui %sign3A_6 : vector<128x8xi1> to vector<128x8xi32>
    %sign3A_8 = arith.subi %sign3A_3, %sign3A_7 : vector<128x8xi32>
    %sign3A_9 = arith.constant 0 : i32
    %sign3A_10 = arith.cmpi sgt, %jit3A, %sign3A_9 : i32
    %sign3A_11 = arith.extui %sign3A_10 : i1 to i32
    %sign3A_12 = arith.constant 0 : i32
    %sign3A_13 = arith.cmpi slt, %jit3A, %sign3A_12 : i32
    %sign3A_14 = arith.extui %sign3A_13 : i1 to i32
    %sign3A_15 = arith.subi %sign3A_11, %sign3A_14 : i32
    %ne3A = vector.broadcast %sign3A_15 : i32 to vector<128x8xi32>
    %ne3A_16 = arith.cmpi ne, %sign3A_8, %ne3A : vector<128x8xi32>
    %rem3A = vector.broadcast %jit3A : i32 to vector<128x8xi32>
    %rem3A_17 = arith.remsi %iota3A, %rem3A : vector<128x8xi32>
    %ne3A_18 = arith.constant 0 : i32
    %ne3A_19 = vector.broadcast %ne3A_18 : i32 to vector<128x8xi32>
    %ne3A_20 = arith.cmpi ne, %rem3A_17, %ne3A_19 : vector<128x8xi32>
    %and3A = arith.andi %ne3A_16, %ne3A_20 : vector<128x8xi1>
    %sub3A = arith.constant 1 : i32
    %sub3A_21 = vector.broadcast %sub3A : i32 to vector<128x8xi32>
    %sub3A_22 = arith.subi %div3A_0, %sub3A_21 : vector<128x8xi32>
    %select_n3A = arith.select %and3A, %sub3A_22, %div3A_0 : vector<128x8xi1>, vector<128x8xi32>
    %iota3A_23 = tpu.iota {dimensions = array<i32: 1>} : vector<128x8xi32>
    %eq3A = arith.cmpi eq, %select_n3A, %iota3A_23 : vector<128x8xi32>
    %convert_element_type3A = arith.extui %eq3A : vector<128x8xi1> to vector<128x8xi32>
    %convert_element_type3A_24 = arith.sitofp %convert_element_type3A : vector<128x8xi32> to vector<128x8xf32>
    %get3A = arith.constant 0 : index
    %get3A_25 = arith.constant 0 : index
    %get3A_26 = vector.load %arg0[%get3A, %get3A_25] : memref<128x128xf32, #tpu.memory_space<vmem>>, vector<128x128xf32>
    %dot_general3A = arith.constant dense<0.000000e+00> : vector<128x8xf32>
    %dot_general3A_27 = tpu.matmul %get3A_26, %convert_element_type3A_24, %dot_general3A {dimension_numbers = #tpu.dot_dimension_numbers<[1], [0], [0], [1], [0, 0, 1, 1], [], []>, transpose_lhs_hint = false} : vector<128x128xf32>, vector<128x8xf32>, vector<128x8xf32> -> vector<128x8xf32>
    %get3A_28 = arith.constant 0 : index
    %get3A_29 = arith.constant 0 : index
    %get3A_30 = vector.load %arg1[%get3A_28, %get3A_29] : memref<128x128xf32, #tpu.memory_space<vmem>>, vector<128x128xf32>
    %dot_general3A_31 = arith.constant dense<0.000000e+00> : vector<128x8xf32>
    %dot_general3A_32 = tpu.matmul %get3A_30, %convert_element_type3A_24, %dot_general3A_31 {dimension_numbers = #tpu.dot_dimension_numbers<[1], [0], [0], [1], [0, 0, 1, 1], [], []>, transpose_lhs_hint = false} : vector<128x128xf32>, vector<128x8xf32>, vector<128x8xf32> -> vector<128x8xf32>
    %sqrt3A = math.sqrt %dot_general3A_32 : vector<128x8xf32>
    %get3A_33 = arith.constant 0 : index
    %get3A_34 = arith.constant 0 : index
    %get3A_35 = vector.load %arg2[%get3A_33, %get3A_34] : memref<128x8xf32, #tpu.memory_space<vmem>>, vector<128x8xf32>
    %sqrt3A_36 = math.sqrt %get3A_35 : vector<128x8xf32>
    %add3A = arith.constant 9.99999993E-9 : f32
    %add3A_37 = vector.broadcast %add3A : f32 to vector<128x8xf32>
    %add3A_38 = arith.addf %sqrt3A_36, %add3A_37 : vector<128x8xf32>
    %add3A_39 = arith.constant 9.99999993E-9 : f32
    %add3A_40 = vector.broadcast %add3A_39 : f32 to vector<128x8xf32>
    %add3A_41 = arith.addf %sqrt3A, %add3A_40 : vector<128x8xf32>
    %mul3A = arith.mulf %add3A_38, %add3A_41 : vector<128x8xf32>
    %div3A_42 = arith.divf %dot_general3A_27, %mul3A : vector<128x8xf32>
    %add3A_43 = arith.constant 9.99999993E-9 : f32
    %add3A_44 = vector.broadcast %add3A_43 : f32 to vector<128x8xf32>
    %add3A_45 = arith.addf %sqrt3A_36, %add3A_44 : vector<128x8xf32>
    %div3A_46 = arith.divf %sqrt3A_36, %add3A_45 : vector<128x8xf32>
    %max3A = arith.constant 9.99999993E-9 : f32
    %max3A_47 = vector.broadcast %max3A : f32 to vector<128x8xf32>
    %max3A_48 = arith.maximumf %div3A_46, %max3A_47 : vector<128x8xf32>
    %add3A_49 = arith.constant 9.99999993E-9 : f32
    %add3A_50 = vector.broadcast %add3A_49 : f32 to vector<128x8xf32>
    %add3A_51 = arith.addf %sqrt3A, %add3A_50 : vector<128x8xf32>
    %div3A_52 = arith.divf %sqrt3A, %add3A_51 : vector<128x8xf32>
    %max3A_53 = arith.constant 9.99999993E-9 : f32
    %max3A_54 = vector.broadcast %max3A_53 : f32 to vector<128x8xf32>
    %max3A_55 = arith.maximumf %div3A_52, %max3A_54 : vector<128x8xf32>
    %mul3A_56 = arith.mulf %max3A_48, %max3A_55 : vector<128x8xf32>
    %div3A_57 = arith.divf %div3A_42, %mul3A_56 : vector<128x8xf32>
    %reduce_sum3A = vector.shape_cast %div3A_57 : vector<128x8xf32> to vector<1x128x8xf32>
    %reduce_sum3A_58 = arith.constant dense<0.000000e+00> : vector<1xf32>
    %reduce_sum3A_59 = vector.multi_reduction <add>, %reduce_sum3A, %reduce_sum3A_58 [1, 2] : vector<1x128x8xf32> to vector<1xf32>
    %reduce_sum3A_60 = vector.shape_cast %reduce_sum3A_59 : vector<1xf32> to vector<1x1x1xf32>
    %reduce_sum3A_61 = vector.extract %reduce_sum3A_60[0, 0, 0] : f32 from vector<1x1x1xf32>
    %div3A_62 = arith.constant 1.024000e+03 : f32
    %div3A_63 = arith.divf %reduce_sum3A_61, %div3A_62 : f32
    %sub3A_64 = arith.constant 1.000000e+00 : f32
    %sub3A_65 = arith.subf %sub3A_64, %div3A_63 : f32
    %broadcast_in_dim3A = vector.broadcast %sub3A_65 : f32 to vector<1x1xf32>
    %swap3A = arith.constant 0 : index
    %swap3A_66 = arith.constant 0 : index
    %swap3A_67 = vector.load %arg3[%swap3A, %swap3A_66] : memref<1x1xf32, #tpu.memory_space<vmem>>, vector<1x1xf32>
    tpu.vector_store %arg3[%swap3A, %swap3A_66], %broadcast_in_dim3A {strides = array<i32>} : memref<1x1xf32, #tpu.memory_space<vmem>>, vector<1x1xf32>,
    return
  }
}

</mosaic_0001>

<sc_bundles>
// kernel: kernel.5.cloned.1.call-start
scs
__scs_entry_jumppad:
0x0: {  	(pc) =	sbr.rel $0x88, $3  }
0x1: {  	(tag) =	ssettag $0x0;
	lr =	simm.s32 $0x1  }
0x2: {  	[smem:$0x3F9D] =	sst lr;
	_ =	strace $0xD0000000  }
0x3: {  	_ = 	snop  }
0x4: {  	_ = 	snop  }
0x5: {  	_ = 	snop  }
0x6: {  	_ = 	snop  }
0x7: {  	_ = 	snop  }
__scs_overlays_trampoline_lowered:
0x8: {  	[smem:$0x3FAC] =	sst s0  }
0x9: {  	[smem:$0x3FAD] =	sst s1  }
0xa: {  	[smem:$0x3FAE] =	sst s2  }
0xb: {  	[smem:$0x3FAF] =	sst s3  }
0xc: {  	[smem:$0x3FB0] =	sst s4  }
0xd: {  	[smem:$0x3FB1] =	sst s5  }
0xe: {  	[smem:$0x3FB2] =	sst s6  }
0xf: {  	[smem:$0x3FB3] =	sst s7  }
0x10: {  	[smem:$0x3FB4] =	sst s8  }
0x11: {  	[smem:$0x3FB5] =	sst s9;
	s0 =	simm.s32 @!p0 $0x0  }
0x12: {  	s1 =	sld [smem:$0x3F9B];
	s0 =	simm.s32 @p0 $0x1  }
0x13: {  	[smem:$0x3FB6] =	sst s0;
	s0 =	simm.s32 @!p1 $0x0  }
0x14: {  	s2 =	sld [smem:$0x3F9A];
	s0 =	simm.s32 @p1 $0x1  }
0x15: {  	[smem:$0x3FB7] =	sst s0;
	s0 =	simm.s32 @!p2 $0x0  }
0x16: {  	s3 =	sld [smem:$0x3FDB];
	s0 =	simm.s32 @p2 $0x1  }
0x17: {  	s4 =	simm.s32 $0x1BF5;
	[smem:$0x3FB9] =	sst s0  }
0x18: {  	s0 =	sld [smem:$0x3F9C];
	_ =	swait.ge [sflag:s4], $0x0  }
0x19: {  	s7 =	sld [smem:$0x3F9D]  }
0x1a: {  	s8 =	sadd.s32 $0xFFFFE003, lr  }
0x1b: {  	s9 =	sadd.s32 $0xFFFFFEF7, lr;
	s5 =	simm.s32 $0xFFFFFFFF;
	p2 =	slt.u32 s8, $0xFFFFF086  }
0x1c: {  	p1 =	slt.u32 s9, $0xF7A;
	s5 =	simm.s32 @!p2 $0x0  }
0x1d: {  	s5 =	simm.s32 @p1 $0x1;
	p0 =	seq.s32 s7, s2  }
0x1e: {  	s7 =	smul.u32 @!p0 $0xF7A, s2;
	p2 =	seq.s32 @!p0 s5, $0x0  }
0x1f: {  	s9 =	smul.u32 $0xF7A, s1;
	s8 =	simm.s32 @!p0 $0x1BF5;
	p2 =	por !p2, p0  }
0x20: {  	[sflag:s8] =	ssyncset.s32 @!p0 $0xFFFFF086;
	s6 =	sadd.s32 @!p0 s3, s7;
	s7 =	simm.s32 @!p0 $0x108  }
0x21: {  	s3 =	sadd.s32 s3, s9;
	s6 =	sadd.s32 @!p0 $0x88, s6;
	s7 =	simm.s32 @p2 $0x1082  }
0x22: {  	[simem:s7], [sflag:s8] =	dma.local @!p0 [hbm:s6], $0xF7A  }
0x23: {  	s9 =	sor.u32 $0xD0000000, s2;
	s6 =	simm.s32 $0x108;
	_ =	swait.ge @!p0 [sflag:s8], $0x0  }
0x24: {  	s3 =	sadd.s32 $0x88, s3;
	s6 =	simm.s32 @!p1 $0x1082;
	[sflag:s4] =	ssyncset.s32 $0xFFFFF086  }
0x25: {  	[simem:s6], [sflag:s4] =	dma.local [hbm:s3], $0xF7A  }
0x26: {  	[smem:$0x3F9D] =	sst s1;
	(tag) =	ssettag s2;
	_ =	strace s9  }
0x27: {  	s1 =	sld [smem:$0x3FAD]  }
0x28: {  	s2 =	sld [smem:$0x3FAE]  }
0x29: {  	s4 =	sld [smem:$0x3FB0]  }
0x2a: {  	p0 =	seq.s32 s5, $0x0;
	s5 =	sld [smem:$0x3FB1]  }
0x2b: {  	s6 =	sld [smem:$0x3FB2]  }
0x2c: {  	s7 =	sld [smem:$0x3FB3]  }
0x2d: {  	s3 =	simm.s32 $0x108;
	s8 =	sld [smem:$0x3FB4]  }
0x2e: {  	s3 =	simm.s32 @!p0 $0x1082;
	s9 =	sld [smem:$0x3FB5]  }
0x2f: {  	lr =	sadd.s32 s0, s3;
	s0 =	sld [smem:$0x3FAC]  }
0x30: {  	s3 =	sld [smem:$0x3FAF]  }
0x31: {  	[smem:$0x3FB8] =	sst s10  }
0x32: {  	s10 =	sld [smem:$0x3FB6];
	_ =	sdelay $0x3  }
0x33: {  	p0 =	seq.s32 s10, $0x1;
	s10 =	sld [smem:$0x3FB8];
	_ =	sdelay $0x3  }
0x34: {  	[smem:$0x3FB8] =	sst s10  }
0x35: {  	s10 =	sld [smem:$0x3FB7];
	_ =	sdelay $0x3  }
0x36: {  	p1 =	seq.s32 s10, $0x1;
	s10 =	sld [smem:$0x3FB8];
	_ =	sdelay $0x3  }
0x37: {  	[smem:$0x3FB8] =	sst s10  }
0x38: {  	s10 =	sld [smem:$0x3FB9]  }
0x39: {  	_ = 	snop;
	(pc) =	sbr.ind lr, $3  }
0x3a: {  	_ = 	snop  }
0x3b: {  	_ = 	snop  }
0x3c: {  	p2 =	seq.s32 s10, $0x1;
	s10 =	sld [smem:$0x3FB8]  }
0x3d: {  	_ =	shalt  }
0x3e: {  	_ =	shalt  }
0x3f: {  	_ =	shalt  }
0x40: {  	_ =	shalt  }
0x41: {  	_ =	shalt  }
0x42: {  	_ =	shalt  }
0x43: {  	_ =	shalt  }
0x44: {  	_ =	shalt  }
0x45: {  	_ =	shalt  }
0x46: {  	_ =	shalt  }
0x47: {  	_ =	shalt  }
0x48: {  	_ =	shalt  }
0x49: {  	_ =	shalt  }
0x4a: {  	_ =	shalt  }
0x4b: {  	_ =	shalt  }
0x4c: {  	_ =	shalt  }
0x4d: {  	_ =	shalt  }
0x4e: {  	_ =	shalt  }
0x4f: {  	_ =	shalt  }
0x50: {  	_ =	shalt  }
0x51: {  	_ =	shalt  }
0x52: {  	_ =	shalt  }
0x53: {  	_ =	shalt  }
0x54: {  	_ =	shalt  }
0x55: {  	_ =	shalt  }
0x56: {  	_ =	shalt  }
0x57: {  	_ =	shalt  }
0x58: {  	_ =	shalt  }
0x59: {  	_ =	shalt  }
0x5a: {  	_ =	shalt  }
0x5b: {  	_ =	shalt  }
0x5c: {  	_ =	shalt  }
0x5d: {  	_ =	shalt  }
0x5e: {  	_ =	shalt  }
0x5f: {  	_ =	shalt  }
0x60: {  	_ =	shalt  }
0x61: {  	_ =	shalt  }
0x62: {  	_ =	shalt  }
0x63: {  	_ =	shalt  }
0x64: {  	_ =	shalt  }
0x65: {  	_ =	shalt  }
0x66: {  	_ =	shalt  }
0x67: {  	_ =	shalt  }
0x68: {  	_ =	shalt  }
0x69: {  	_ =	shalt  }
0x6a: {  	_ =	shalt  }
0x6b: {  	_ =	shalt  }
0x6c: {  	_ =	shalt  }
0x6d: {  	_ =	shalt  }
0x6e: {  	_ =	shalt  }
0x6f: {  	_ =	shalt  }
0x70: {  	_ =	shalt  }
0x71: {  	_ =	shalt  }
0x72: {  	_ =	shalt  }
0x73: {  	_ =	shalt  }
0x74: {  	_ =	shalt  }
0x75: {  	_ =	shalt  }
0x76: {  	_ =	shalt  }
0x77: {  	_ =	shalt  }
0x78: {  	_ =	shalt  }
0x79: {  	_ =	shalt  }
0x7a: {  	_ =	shalt  }
0x7b: {  	_ =	shalt  }
0x7c: {  	_ =	shalt  }
0x7d: {  	_ =	shalt  }
0x7e: {  	_ =	shalt  }
0x7f: {  	_ =	shalt  }
0x80: {  	_ =	shalt  }
0x81: {  	_ =	shalt  }
0x82: {  	_ =	shalt  }
0x83: {  	_ =	shalt  }
0x84: {  	_ =	shalt  }
0x85: {  	_ =	shalt  }
0x86: {  	_ =	shalt  }
0x87: {  	_ =	shalt  }
.Lfunc_end0:
.L_simem_size_0:
called_computation_lowered:
.L_overlay_start_0:
0x88: {  	s2 =	sld [smem:$0x3FD9]  }
0x89: {  	s3 =	sld [smem:$0x3FFE];
	_ =	sdelay $0x1  }
0x8a: {  	s1 =	srdreg.scid  }
0x8b: {  	s0 =	sand.u32 $0x1, s1  }
0x8c: {  	s16 =	sshll.u32 s0, $0xA;
	s2 =	sadd.s32 s3, s2  }
0x8d: {  	s2 =	sadd.s32 s2, s16  }
0x8e: {  	[smem:$0x3FC4] =	sst s2  }
0x8f: {  	_ = 	snop  }
0x90: {  	(tm) =	ssettm $0x1  }
0x91: {  	s17 =	sld [smem:$0x3FFB];
	_ =	sdelay $0x3  }
0x92: {  	_ =	strace s17  }
0x93: {  	s2 =	sld [smem:$0x3FFC];
	_ =	sdelay $0x3  }
0x94: {  	_ =	strace s2  }
0x95: {  	s2 =	sld [smem:$0x3FFD];
	_ =	sdelay $0x3  }
0x96: {  	_ =	strace s2  }
0x97: {  	_ =	strace $0x8FFFFFFF  }
0x98: {  	s18 =	sld [smem:$0x3FDB];
	_ =	sdelay $0x1  }
0x99: {  	s19 =	simm.s32 $_scs_section_size  }
0x9a: {  	s4 =	simm.s32 $_size__tile_overlayer_lowered;
	s5 =	simm.s32 $_tile_overlayer_lowered  }
0x9b: {  	s22 =	simm.s32 $0x1BFF;
	s21 =	sshll.u32 s5, $0x1;
	s2 =	sadd.s32 s19, s18  }
0x9c: {  	s6 =	simm.s32 $0x0;
	s20 =	sshll.u32 s4, $0x1;
	s4 =	sadd.s32 s21, s2  }
0x9d: {  	[timem:s6], [sflag:s22] =	dma.local [hbm:s4], s20  }
0x9e: {  	_ =	swait.ge [sflag:s22], s20  }
0x9f: {  	s3 =	ssub.s32 $0x0, s20;
	[sflag:s22] =	ssyncset.done $0x0  }
0xa0: {  	[sflag:s22] =	ssyncadd.s32 s3;
	_ =	sdelay $0x1  }
0xa1: {  	s23 =	simm.s32 $0x1B8B  }
0xa2: {  	_ =	swait.ge [sflag:s23], $0x1  }
0xa3: {  	[sflag:s23] =	ssyncset.done $0x0  }
0xa4: {  	s25 =	simm.s32 $0x1B8E;
	s24 =	sld [smem:$0x3FFE];
	[sflag:s23] =	ssyncadd.s32 $0xFFFFFFFF  }
0xa5: {  	s26 =	simm.s32 $execute0_lowered;
	[smem:$0x3FD2] =	sst s25  }
0xa6: {  	s4 =	sshll.u32 s26, $0x1;
	_ =	strace $0x80000046;
	[dreg:$0x1] =	wrdreg $0xFFFFFFFF  }
0xa7: {  	s28 =	simm.s32 $_size_execute0_lowered;
	s2 =	sadd.s32 s2, s4;
	[dreg:$0x0] =	wrdreg $0x0  }
0xa8: {  	s4 =	sshll.u32 s28, $0x1;
	[dreg:$0x2] =	wrdreg s2  }
0xa9: {  	[dreg:$0x3] =	wrdreg s4  }
0xaa: {  	[dreg:$0x4] =	wrdreg $0xC0  }
0xab: {  	_ =	task [dreg:s6], $0x5FFFF  }
0xac: {  	[dreg:$0x1] =	wrdreg $0xFFFFFFFF  }
0xad: {  	[dreg:$0x0] =	wrdreg $0x60  }
0xae: {  	[dreg:$0x2] =	wrdreg s24  }
0xaf: {  	[dreg:$0x3] =	wrdreg $0x9  }
0xb0: {  	_ =	task.clear_ibuf [dreg:s6], $0x4FFFF;
	_ =	strace $0x90000046  }
0xb1: {  	s29 =	simm.s32 $0x9;
	_ =	strace $0x80000048  }
0xb2: {  	_ =	swait.ge [sflag:s29], $0x1  }
0xb3: {  	[sflag:s29] =	ssyncadd.s32 $0xFFFFFFFF  }
0xb4: {  	_ =	strace $0x90000048  }
0xb5: {  	_ =	sfence  }
0xb6: {  	s30 =	sld [smem:$0x0];
	_ =	sdelay $0x2  }
0xb7: {  	s31 =	sshll.u32 s1, $0xD;
	s1 =	sshrl.u32 s1, $0x2  }
0xb8: {  	s3 =	sand.u32 $0x4000, s31;
	s1 =	sadd.s32 s1, s30  }
0xb9: {  	s0 =	sor.u32 s3, s0;
	s1 =	sshll.u32 s1, $0x11  }
0xba: {  	s0 =	sor.u32 s1, s0  }
0xbb: {  	s0 =	sadd.s32 $0x8F2B, s0  }
0xbc: {  	[sflag:s0] =	ssyncadd.remote.s32 $0x1  }
0xbd: {  	_ =	sfence.sel $0xFFFF  }
0xbe: {  	[dreg:$0x0] =	wrdreg $0xFFFFFFFF;
	(pc) =	sbr.abs _section_cstart, $3  }
0xbf: {  	[dreg:$0x1] =	wrdreg $0xFFFFFFFF  }
0xc0: {  	_ =	task.clear_ibuf [dreg:s6], $0x2FFFF;
	_ =	strace $0x9FFFFFFF  }
0xc1: {  	(tm) =	ssettm $0x7FFFFFFF  }
tec
execute0_lowered:
.L_overlay_start_1:
0x0: {  	(tag) =	ssettag $0x1  }
0x1: {  	s0 =	rddreg [dreg:$0x0]  }
0x2: {  	s1 =	srdreg.scid;
	s5 =	stileid.u32;
	s2 =	simm.s32 $0x0  }
0x3: {  	s13 =	simm.s32 $0xE000;
	s14 =	simm.s32 $0x3000;
	s15 =	simm.s32 $0x1  }
0x4: {  	s16 =	simm.s32 $0x6000;
	s17 =	simm.s32 $0x2;
	s18 =	simm.s32 $0x10000  }
0x5: {  	s19 =	simm.s32 $0x9000;
	s20 =	simm.s32 $0x3;
	s21 =	simm.s32 $0x4  }
0x6: {  	s22 =	simm.s32 $0x5;
	s23 =	simm.s32 $0x10800;
	s24 =	simm.s32 $0x6  }
0x7: {  	s25 =	simm.s32 $0x10A00;
	s26 =	simm.s32 $0x0;
	s1 =	sand.u32 $0x1, s1  }
0x8: {  	s3 =	sshll.u32 s5, $0x1;
	[smem:$0x7FF] =	sst s2;
	s6 =	sadd.s32 $0x1A00, s0  }
0x9: {  	s5 =	sshll.u32 s5, $0x7;
	s3 =	sor.u32 s1, s3;
	_ =	strace $0x80000047  }
0xa: {  	s7 =	sshll.u32 s1, $0x6;
	s1 =	ssub.s32 $0x2, s1;
	s4 =	sshll.u32 s3, $0xA  }
0xb: {  	s5 =	sor.u32 s7, s5;
	s29 =	smul.u32 $0xC000, s3;
	s30 =	sshrl.u32 s1, $0x1  }
0xc: {  	s8 =	smul.u32 $0x1800, s3;
	s4 =	sadd.s32 s4, s0;
	s0 =	sadd.s32 s5, s0  }
0xd: {  	s1 =	ssub.s32 s1, s30;
	s3 =	sadd.s32 $0x39A00, s4;
	s7 =	sshrl.u32 s29, $0x3  }
0xe: {  	s4 =	sadd.s32 $0x31A00, s4;
	s5 =	sadd.s32 s6, s8;
	s9 =	sadd.s32 $0x41A00, s0  }
0xf: {  	s10 =	sadd.s32 $0x42200, s0;
	s11 =	smax.u32 s1, $0x1;
	s31 =	sadd.s32 s6, s7  }
0x10: {  	v0 =	vimm.f32 $0.0e+00;
	vm0 =	vmmov $0xff;
	s6 =	sadd.s32 $0x600, s5;
	s7 =	sadd.s32 $0xC00, s31;
	s8 =	sadd.s32 $0x1200, s31  }
.LBB2_1:
0x11: {  	s0 =	simm.s32 $0xC000  }
0x12: {  	[tilespmem:s0], [sflag:$0x1] =	stream.linear.gather [hbm4b:s3+s2], $0x2000, $0x38;
	[tilespmem:$0x10C00] =	vst v63  }
0x13: {  	_ = 	snop  }
0x14: {  	[tilespmem:s13], [sflag:$0x1] =	stream.linear.gather [hbm4b:s4+s2], $0x2000, $0x38;
	[tilespmem:$0x10C00] =	vst v63  }
0x15: {  	_ = 	snop  }
0x16: {  	[tilespmem:s2], [sflag:$0x2] =	stream.linear.gather [hbm4b:s5+s2], $0x3000, $0x38;
	[tilespmem:$0x10C00] =	vst v63  }
0x17: {  	s1 =	simm.s32 $0x0;
	s0 =	simm.s32 $0x40  }
0x18: {  	[tilespmem:s14], [sflag:$0x3] =	stream.linear.gather [hbm4b:s6+s2], $0x3000, $0x38;
	[tilespmem:$0x10C00] =	vst v63  }
.LBB2_2:
0x19: {  	p0 =	sne.s32 s0, $0x1740;
	[tilespmem:s1+$0x10000] =	vst v0;
	s1 =	smov.u32 s0;
	s0 =	sadd.s32 $0x40, s0  }
.Ltmp0:
0x1a: {  	(pc) =	sbr.rel @p0 .LBB2_2-.Ltmp0, $2  }
0x1b: {  	_ =	sdelay $0x2  }
0x1c: {  	s1 =	sshra.s32 s1, $0x2  }
0x1d: {  	[tilespmem:s1+$0x10000] =	vst v0  }
0x1e: {  	_ =	swait.ge [sflag:s15], $0x2000  }
0x1f: {  	[sflag:s15] =	ssyncset.done $0x0  }
0x20: {  	[sflag:s15] =	ssyncadd.s32 $0xFFFFE000  }
0x21: {  	_ =	swait.ge [sflag:s15], $0x2000  }
0x22: {  	[sflag:s15] =	ssyncset.done $0x0  }
0x23: {  	s0 =	simm.s32 $0x0;
	[sflag:s15] =	ssyncadd.s32 $0xFFFFE000  }
0x24: {  	[tilespmem:s16], [sflag:$0x4] =	stream.linear.gather [hbm4b:s7+s0], $0x3000, $0x38;
	[tilespmem:$0x10C00] =	vst v63  }
0x25: {  	_ =	swait.ge [sflag:s17], $0x3000  }
0x26: {  	s28 =	simm.s32 $0x10800;
	s29 =	simm.s32 $0x10A00;
	[sflag:s17] =	ssyncset.done $0x0  }
0x27: {  	s30 =	simm.s32 $0xC000;
	s31 =	simm.s32 $0xE000;
	[sflag:s17] =	ssyncadd.s32 $0xFFFFD000  }
.LBB2_4:
0x28: {  	v1 =	vld [tilespmem:s30+$0x0];
	_ =	sdelay $0x4  }
0x29: {  	v1 =	vmul.f32 $1.500000000e+03, v1;
	_ =	sdelay $0x1  }
0x2a: {  	v1 =	vtrunc.f32 v1  }
0x2b: {  	v1 =	vcvt.f32.s32 v1;
	_ =	sdelay $0x1  }
0x2c: {  	vm1 =	vgt.s32 v1, $0x0  }
0x2d: {  	v2 =	vmov s0;
	v1 =	vnsel vm1, $0x0, v1  }
0x2e: {  	v3 =	vmin.u32 v1, $0x5DB;
	v1 =	vshll.u32 v2, $0x7  }
0x2f: {  	v2 =	vshll.u32 v3, $0x3;
	v1 =	vand.u32 $0x380, v1  }
0x30: {  	v4 =	vand.u32 $0x7F, v3;
	v2 =	vand.u32 $0x3C00, v2;
	v11 =	vbroadcast v1, $0x0  }
0x31: {  	v1 =	vld [tilespmem:s31+$0x0];
	v2 =	vor.u32 v2, v4  }
0x32: {  	v2 =	vor.u32 v11, v2;
	_ =	sdelay $0x2  }
0x33: {  	[tilespmem:$0x10600] =	vst v3  }
0x34: {  	[tilespmem:$0x10700] =	vst v1  }
0x35: {  	v2 =	vld.idx.msk [tilespmem:v2+s2+$0x0], $0xffff  }
0x36: {  	[tilespmem:v3+s18+$0x0] =	vst.idx.add.f32.msk $0xffff, v1  }
0x37: {  	v3 =	vld [tilespmem:s30+$0x10];
	_ =	sdelay $0x4  }
0x38: {  	v3 =	vmul.f32 $1.500000000e+03, v3;
	_ =	sdelay $0x1  }
0x39: {  	v3 =	vtrunc.f32 v3  }
0x3a: {  	v3 =	vcvt.f32.s32 v3;
	_ =	sdelay $0x1  }
0x3b: {  	vm1 =	vgt.s32 v3, $0x0  }
0x3c: {  	v3 =	vnsel vm1, $0x0, v3  }
0x3d: {  	v5 =	vmin.u32 v3, $0x5DB  }
0x3e: {  	v3 =	vshll.u32 v5, $0x3  }
0x3f: {  	v50 =	vand.u32 $0x7F, v5;
	v6 =	vand.u32 $0x3C00, v3  }
0x40: {  	v3 =	vld [tilespmem:s31+$0x10];
	v4 =	vor.u32 v6, v50  }
0x41: {  	v4 =	vor.u32 v11, v4;
	_ =	sdelay $0x2  }
0x42: {  	[tilespmem:$0x10610] =	vst v5  }
0x43: {  	[tilespmem:$0x10710] =	vst v3  }
0x44: {  	v4 =	vld.idx.msk [tilespmem:v4+s2+$0x0], $0xffff  }
0x45: {  	[tilespmem:v5+s18+$0x0] =	vst.idx.add.f32.msk $0xffff, v3  }
0x46: {  	v5 =	vld [tilespmem:s30+$0x20];
	_ =	sdelay $0x4  }
0x47: {  	v5 =	vmul.f32 $1.500000000e+03, v5;
	_ =	sdelay $0x1  }
0x48: {  	v5 =	vtrunc.f32 v5  }
0x49: {  	v5 =	vcvt.f32.s32 v5;
	_ =	sdelay $0x1  }
0x4a: {  	vm1 =	vgt.s32 v5, $0x0  }
0x4b: {  	v5 =	vnsel vm1, $0x0, v5  }
0x4c: {  	v7 =	vmin.u32 v5, $0x5DB  }
0x4d: {  	v5 =	vshll.u32 v7, $0x3  }
0x4e: {  	v51 =	vand.u32 $0x7F, v7;
	v8 =	vand.u32 $0x3C00, v5  }
0x4f: {  	v5 =	vld [tilespmem:s31+$0x20];
	v6 =	vor.u32 v8, v51  }
0x50: {  	v6 =	vor.u32 v11, v6;
	_ =	sdelay $0x2  }
0x51: {  	[tilespmem:$0x10620] =	vst v7  }
0x52: {  	[tilespmem:$0x10720] =	vst v5  }
0x53: {  	v6 =	vld.idx.msk [tilespmem:v6+s2+$0x0], $0xffff  }
0x54: {  	[tilespmem:v7+s18+$0x0] =	vst.idx.add.f32.msk $0xffff, v5  }
0x55: {  	v7 =	vld [tilespmem:s30+$0x30];
	_ =	sdelay $0x4  }
0x56: {  	v7 =	vmul.f32 $1.500000000e+03, v7;
	_ =	sdelay $0x1  }
0x57: {  	v7 =	vtrunc.f32 v7  }
0x58: {  	v7 =	vcvt.f32.s32 v7;
	_ =	sdelay $0x1  }
0x59: {  	vm1 =	vgt.s32 v7, $0x0  }
0x5a: {  	v7 =	vnsel vm1, $0x0, v7  }
0x5b: {  	v9 =	vmin.u32 v7, $0x5DB  }
0x5c: {  	v7 =	vshll.u32 v9, $0x3  }
0x5d: {  	v52 =	vand.u32 $0x7F, v9;
	v10 =	vand.u32 $0x3C00, v7  }
0x5e: {  	v7 =	vld [tilespmem:s31+$0x30];
	v8 =	vor.u32 v10, v52  }
0x5f: {  	v8 =	vor.u32 v11, v8;
	_ =	sdelay $0x2  }
0x60: {  	[tilespmem:$0x10630] =	vst v9  }
0x61: {  	[tilespmem:$0x10730] =	vst v7  }
0x62: {  	v8 =	vld.idx.msk [tilespmem:v8+s2+$0x0], $0xffff  }
0x63: {  	[tilespmem:v9+s18+$0x0] =	vst.idx.add.f32.msk $0xffff, v7  }
0x64: {  	v9 =	vld [tilespmem:s30+$0x40];
	_ =	sdelay $0x4  }
0x65: {  	v9 =	vmul.f32 $1.500000000e+03, v9;
	_ =	sdelay $0x1  }
0x66: {  	v9 =	vtrunc.f32 v9  }
0x67: {  	v9 =	vcvt.f32.s32 v9;
	_ =	sdelay $0x1  }
0x68: {  	vm1 =	vgt.s32 v9, $0x0  }
0x69: {  	v9 =	vnsel vm1, $0x0, v9  }
0x6a: {  	v12 =	vmin.u32 v9, $0x5DB  }
0x6b: {  	v9 =	vshll.u32 v12, $0x3  }
0x6c: {  	v53 =	vand.u32 $0x7F, v12;
	v13 =	vand.u32 $0x3C00, v9  }
0x6d: {  	v9 =	vld [tilespmem:s31+$0x40];
	v10 =	vor.u32 v13, v53  }
0x6e: {  	v10 =	vor.u32 v11, v10;
	_ =	sdelay $0x2  }
0x6f: {  	[tilespmem:$0x10640] =	vst v12  }
0x70: {  	[tilespmem:$0x10740] =	vst v9  }
0x71: {  	v10 =	vld.idx.msk [tilespmem:v10+s2+$0x0], $0xffff  }
0x72: {  	[tilespmem:v12+s18+$0x0] =	vst.idx.add.f32.msk $0xffff, v9  }
0x73: {  	v12 =	vld [tilespmem:s30+$0x50];
	_ =	sdelay $0x4  }
0x74: {  	v12 =	vmul.f32 $1.500000000e+03, v12;
	_ =	sdelay $0x1  }
0x75: {  	v12 =	vtrunc.f32 v12  }
0x76: {  	v12 =	vcvt.f32.s32 v12;
	_ =	sdelay $0x1  }
0x77: {  	vm1 =	vgt.s32 v12, $0x0  }
0x78: {  	v12 =	vnsel vm1, $0x0, v12  }
0x79: {  	v14 =	vmin.u32 v12, $0x5DB  }
0x7a: {  	v12 =	vshll.u32 v14, $0x3  }
0x7b: {  	v54 =	vand.u32 $0x7F, v14;
	v15 =	vand.u32 $0x3C00, v12  }
0x7c: {  	v12 =	vld [tilespmem:s31+$0x50];
	v13 =	vor.u32 v15, v54  }
0x7d: {  	v13 =	vor.u32 v11, v13;
	_ =	sdelay $0x2  }
0x7e: {  	[tilespmem:$0x10650] =	vst v14  }
0x7f: {  	[tilespmem:$0x10750] =	vst v12  }
0x80: {  	v13 =	vld.idx.msk [tilespmem:v13+s2+$0x0], $0xffff  }
0x81: {  	[tilespmem:v14+s18+$0x0] =	vst.idx.add.f32.msk $0xffff, v12  }
0x82: {  	v14 =	vld [tilespmem:s30+$0x60];
	_ =	sdelay $0x4  }
0x83: {  	v14 =	vmul.f32 $1.500000000e+03, v14;
	_ =	sdelay $0x1  }
0x84: {  	v14 =	vtrunc.f32 v14  }
0x85: {  	v14 =	vcvt.f32.s32 v14;
	_ =	sdelay $0x1  }
0x86: {  	vm1 =	vgt.s32 v14, $0x0  }
0x87: {  	v14 =	vnsel vm1, $0x0, v14  }
0x88: {  	v16 =	vmin.u32 v14, $0x5DB  }
0x89: {  	v14 =	vshll.u32 v16, $0x3  }
0x8a: {  	v55 =	vand.u32 $0x7F, v16;
	v17 =	vand.u32 $0x3C00, v14  }
0x8b: {  	v14 =	vld [tilespmem:s31+$0x60];
	v15 =	vor.u32 v17, v55  }
0x8c: {  	v15 =	vor.u32 v11, v15;
	_ =	sdelay $0x2  }
0x8d: {  	[tilespmem:$0x10660] =	vst v16  }
0x8e: {  	[tilespmem:$0x10760] =	vst v14  }
0x8f: {  	v15 =	vld.idx.msk [tilespmem:v15+s2+$0x0], $0xffff  }
0x90: {  	[tilespmem:v16+s18+$0x0] =	vst.idx.add.f32.msk $0xffff, v14  }
0x91: {  	v16 =	vld [tilespmem:s30+$0x70];
	_ =	sdelay $0x4  }
0x92: {  	v16 =	vmul.f32 $1.500000000e+03, v16;
	_ =	sdelay $0x1  }
0x93: {  	v16 =	vtrunc.f32 v16  }
0x94: {  	v16 =	vcvt.f32.s32 v16;
	_ =	sdelay $0x1  }
0x95: {  	vm1 =	vgt.s32 v16, $0x0  }
0x96: {  	v16 =	vnsel vm1, $0x0, v16  }
0x97: {  	v18 =	vmin.u32 v16, $0x5DB  }
0x98: {  	v16 =	vshll.u32 v18, $0x3  }
0x99: {  	v56 =	vand.u32 $0x7F, v18;
	v19 =	vand.u32 $0x3C00, v16  }
0x9a: {  	v16 =	vld [tilespmem:s31+$0x70];
	v17 =	vor.u32 v19, v56  }
0x9b: {  	v17 =	vor.u32 v11, v17;
	_ =	sdelay $0x2  }
0x9c: {  	[tilespmem:$0x10670] =	vst v18  }
0x9d: {  	[tilespmem:$0x10770] =	vst v16  }
0x9e: {  	v17 =	vld.idx.msk [tilespmem:v17+s2+$0x0], $0xffff  }
0x9f: {  	[tilespmem:v18+s18+$0x0] =	vst.idx.add.f32.msk $0xffff, v16  }
0xa0: {  	v18 =	vld [tilespmem:s30+$0x400];
	_ =	sdelay $0x4  }
0xa1: {  	v18 =	vmul.f32 $1.500000000e+03, v18;
	_ =	sdelay $0x1  }
0xa2: {  	v18 =	vtrunc.f32 v18  }
0xa3: {  	v18 =	vcvt.f32.s32 v18;
	_ =	sdelay $0x1  }
0xa4: {  	vm1 =	vgt.s32 v18, $0x0  }
0xa5: {  	v18 =	vnsel vm1, $0x0, v18  }
0xa6: {  	v20 =	vmin.u32 v18, $0x5DB  }
0xa7: {  	v18 =	vshll.u32 v20, $0x3  }
0xa8: {  	v57 =	vand.u32 $0x7F, v20;
	v21 =	vand.u32 $0x3C00, v18  }
0xa9: {  	v18 =	vld [tilespmem:s31+$0x400];
	v19 =	vor.u32 v21, v57  }
0xaa: {  	v19 =	vor.u32 v11, v19;
	_ =	sdelay $0x2  }
0xab: {  	[tilespmem:$0x10680] =	vst v20  }
0xac: {  	[tilespmem:$0x10780] =	vst v18  }
0xad: {  	v19 =	vld.idx.msk [tilespmem:v19+s2+$0x0], $0xffff  }
0xae: {  	[tilespmem:v20+s18+$0x0] =	vst.idx.add.f32.msk $0xffff, v18  }
0xaf: {  	v20 =	vld [tilespmem:s30+$0x410];
	_ =	sdelay $0x4  }
0xb0: {  	v20 =	vmul.f32 $1.500000000e+03, v20;
	_ =	sdelay $0x1  }
0xb1: {  	v20 =	vtrunc.f32 v20  }
0xb2: {  	v20 =	vcvt.f32.s32 v20;
	_ =	sdelay $0x1  }
0xb3: {  	vm1 =	vgt.s32 v20, $0x0  }
0xb4: {  	v20 =	vnsel vm1, $0x0, v20  }
0xb5: {  	v22 =	vmin.u32 v20, $0x5DB  }
0xb6: {  	v20 =	vshll.u32 v22, $0x3  }
0xb7: {  	v58 =	vand.u32 $0x7F, v22;
	v23 =	vand.u32 $0x3C00, v20  }
0xb8: {  	v20 =	vld [tilespmem:s31+$0x410];
	v21 =	vor.u32 v23, v58  }
0xb9: {  	v21 =	vor.u32 v11, v21;
	_ =	sdelay $0x2  }
0xba: {  	[tilespmem:$0x10690] =	vst v22  }
0xbb: {  	[tilespmem:$0x10790] =	vst v20  }
0xbc: {  	v21 =	vld.idx.msk [tilespmem:v21+s2+$0x0], $0xffff  }
0xbd: {  	[tilespmem:v22+s18+$0x0] =	vst.idx.add.f32.msk $0xffff, v20  }
0xbe: {  	v22 =	vld [tilespmem:s30+$0x420];
	_ =	sdelay $0x4  }
0xbf: {  	v22 =	vmul.f32 $1.500000000e+03, v22;
	_ =	sdelay $0x1  }
0xc0: {  	v22 =	vtrunc.f32 v22  }
0xc1: {  	v22 =	vcvt.f32.s32 v22;
	_ =	sdelay $0x1  }
0xc2: {  	vm1 =	vgt.s32 v22, $0x0  }
0xc3: {  	v22 =	vnsel vm1, $0x0, v22  }
0xc4: {  	v24 =	vmin.u32 v22, $0x5DB  }
0xc5: {  	v22 =	vshll.u32 v24, $0x3  }
0xc6: {  	v59 =	vand.u32 $0x7F, v24;
	v25 =	vand.u32 $0x3C00, v22  }
0xc7: {  	v22 =	vld [tilespmem:s31+$0x420];
	v23 =	vor.u32 v25, v59  }
0xc8: {  	v23 =	vor.u32 v11, v23;
	_ =	sdelay $0x2  }
0xc9: {  	[tilespmem:$0x106A0] =	vst v24  }
0xca: {  	[tilespmem:$0x107A0] =	vst v22  }
0xcb: {  	v23 =	vld.idx.msk [tilespmem:v23+s2+$0x0], $0xffff  }
0xcc: {  	[tilespmem:v24+s18+$0x0] =	vst.idx.add.f32.msk $0xffff, v22  }
0xcd: {  	v24 =	vld [tilespmem:s30+$0x430];
	_ =	sdelay $0x4  }
0xce: {  	v24 =	vmul.f32 $1.500000000e+03, v24;
	_ =	sdelay $0x1  }
0xcf: {  	v24 =	vtrunc.f32 v24  }
0xd0: {  	v24 =	vcvt.f32.s32 v24;
	_ =	sdelay $0x1  }
0xd1: {  	vm1 =	vgt.s32 v24, $0x0  }
0xd2: {  	v24 =	vnsel vm1, $0x0, v24  }
0xd3: {  	v60 =	vmin.u32 v24, $0x5DB  }
0xd4: {  	v24 =	vshll.u32 v60, $0x3  }
0xd5: {  	v26 =	vand.u32 $0x7F, v60;
	v27 =	vand.u32 $0x3C00, v24  }
0xd6: {  	v24 =	vld [tilespmem:s31+$0x430];
	v26 =	vor.u32 v27, v26  }
0xd7: {  	v26 =	vor.u32 v11, v26;
	_ =	sdelay $0x2  }
0xd8: {  	[tilespmem:$0x106B0] =	vst v60  }
0xd9: {  	[tilespmem:$0x107B0] =	vst v24  }
0xda: {  	v26 =	vld.idx.msk [tilespmem:v26+s2+$0x0], $0xffff  }
0xdb: {  	[tilespmem:v60+s18+$0x0] =	vst.idx.add.f32.msk $0xffff, v24  }
0xdc: {  	v25 =	vld [tilespmem:s30+$0x438];
	_ =	sdelay $0x4  }
0xdd: {  	v25 =	vmul.f32 $1.500000000e+03, v25;
	_ =	sdelay $0x1  }
0xde: {  	v25 =	vtrunc.f32 v25  }
0xdf: {  	v25 =	vcvt.f32.s32 v25;
	_ =	sdelay $0x1  }
0xe0: {  	vm1 =	vgt.s32 v25, $0x0  }
0xe1: {  	v25 =	vnsel vm1, $0x0, v25  }
0xe2: {  	v25 =	vmin.u32 v25, $0x5DB  }
0xe3: {  	v61 =	vshll.u32 v25, $0x3  }
0xe4: {  	v28 =	vld [tilespmem:s31+$0x438];
	v29 =	vand.u32 $0x7F, v25;
	v27 =	vand.u32 $0x3C00, v61  }
0xe5: {  	v27 =	vor.u32 v27, v29  }
0xe6: {  	v11 =	vor.u32 v11, v27;
	_ =	sdelay $0x2  }
0xe7: {  	[tilespmem:$0x106C0] =	vst v25;
	v27 =	vsel vm0, $0x0, v28  }
0xe8: {  	[tilespmem:$0x107C0] =	vst v27  }
0xe9: {  	v11 =	vld.idx.msk [tilespmem:v11+s2+$0x0], $0xffff  }
0xea: {  	[tilespmem:v25+s18+$0x0] =	vst.idx.add.f32.msk $0xffff, v27  }
0xeb: {  	v25 =	vld [tilespmem:$0x10600]  }
0xec: {  	v62 =	vld [tilespmem:$0x10610]  }
0xed: {  	v63 =	vld [tilespmem:$0x10620]  }
0xee: {  	v30 =	vld [tilespmem:$0x10700]  }
0xef: {  	v32 =	vld [tilespmem:$0x10630]  }
0xf0: {  	v33 =	vld [tilespmem:$0x10710]  }
0xf1: {  	v34 =	vld [tilespmem:$0x10640]  }
0xf2: {  	v35 =	vld [tilespmem:$0x10720]  }
0xf3: {  	v36 =	vld [tilespmem:$0x10650]  }
0xf4: {  	v37 =	vld [tilespmem:$0x10730]  }
0xf5: {  	v38 =	vld [tilespmem:$0x10660]  }
0xf6: {  	v39 =	vld [tilespmem:$0x10740]  }
0xf7: {  	v40 =	vld [tilespmem:$0x10670]  }
0xf8: {  	v41 =	vld [tilespmem:$0x10750]  }
0xf9: {  	v42 =	vld [tilespmem:$0x10760]  }
0xfa: {  	v43 =	vld [tilespmem:$0x10680]  }
0xfb: {  	v44 =	vld [tilespmem:$0x10770]  }
0xfc: {  	v45 =	vld [tilespmem:$0x10690]  }
0xfd: {  	v46 =	vld [tilespmem:$0x106A0]  }
0xfe: {  	v47 =	vld [tilespmem:$0x10780]  }
0xff: {  	v48 =	vld [tilespmem:$0x106B0]  }
0x100: {  	v49 =	vld [tilespmem:$0x106C0]  }
0x101: {  	v50 =	vld [tilespmem:$0x10790]  }
0x102: {  	v51 =	vld [tilespmem:$0x107A0]  }
0x103: {  	v52 =	vld [tilespmem:$0x107B0]  }
0x104: {  	v53 =	vld [tilespmem:$0x107C0]  }
0x105: {  	v31 =	vld.idx.msk [tilespmem:v25+s18+$0x0], $0xffff  }
0x106: {  	v28 =	vld.idx.msk [tilespmem:v62+s18+$0x0], $0xffff  }
0x107: {  	v29 =	vld.idx.msk [tilespmem:v63+s18+$0x0], $0xffff  }
0x108: {  	v32 =	vld.idx.msk [tilespmem:v32+s18+$0x0], $0xffff  }
0x109: {  	v34 =	vld.idx.msk [tilespmem:v34+s18+$0x0], $0xffff  }
0x10a: {  	v36 =	vld.idx.msk [tilespmem:v36+s18+$0x0], $0xffff  }
0x10b: {  	v38 =	vld.idx.msk [tilespmem:v38+s18+$0x0], $0xffff  }
0x10c: {  	v40 =	vld.idx.msk [tilespmem:v40+s18+$0x0], $0xffff  }
0x10d: {  	v43 =	vld.idx.msk [tilespmem:v43+s18+$0x0], $0xffff  }
0x10e: {  	v45 =	vld.idx.msk [tilespmem:v45+s18+$0x0], $0xffff  }
0x10f: {  	v46 =	vld.idx.msk [tilespmem:v46+s18+$0x0], $0xffff  }
0x110: {  	v48 =	vld.idx.msk [tilespmem:v48+s18+$0x0], $0xffff  }
0x111: {  	v49 =	vld.idx.msk [tilespmem:v49+s18+$0x0], $0xffff;
	[tilespmem:v25+s18+$0x0] =	vst.idx.msk $0xffff, v0  }
0x112: {  	v25 =	vld [tilespmem:$0x10610];
	_ =	sdelay $0x7  }
0x113: {  	[tilespmem:v25+s18+$0x0] =	vst.idx.msk $0xffff, v0  }
0x114: {  	v25 =	vld [tilespmem:$0x10620];
	_ =	sdelay $0x7  }
0x115: {  	[tilespmem:v25+s18+$0x0] =	vst.idx.msk $0xffff, v0  }
0x116: {  	v25 =	vld [tilespmem:$0x10630];
	_ =	sdelay $0x7  }
0x117: {  	[tilespmem:v25+s18+$0x0] =	vst.idx.msk $0xffff, v0  }
0x118: {  	v25 =	vld [tilespmem:$0x10640];
	_ =	sdelay $0x7  }
0x119: {  	[tilespmem:v25+s18+$0x0] =	vst.idx.msk $0xffff, v0  }
0x11a: {  	v25 =	vld [tilespmem:$0x10650];
	_ =	sdelay $0x7  }
0x11b: {  	[tilespmem:v25+s18+$0x0] =	vst.idx.msk $0xffff, v0  }
0x11c: {  	v25 =	vld [tilespmem:$0x10660];
	_ =	sdelay $0x7  }
0x11d: {  	[tilespmem:v25+s18+$0x0] =	vst.idx.msk $0xffff, v0  }
0x11e: {  	v25 =	vld [tilespmem:$0x10670];
	_ =	sdelay $0x7  }
0x11f: {  	[tilespmem:v25+s18+$0x0] =	vst.idx.msk $0xffff, v0  }
0x120: {  	v25 =	vld [tilespmem:$0x10680];
	_ =	sdelay $0x7  }
0x121: {  	[tilespmem:v25+s18+$0x0] =	vst.idx.msk $0xffff, v0  }
0x122: {  	v25 =	vld [tilespmem:$0x10690];
	_ =	sdelay $0x7  }
0x123: {  	v1 =	vmul.f32 v2, v1;
	[tilespmem:v25+s18+$0x0] =	vst.idx.msk $0xffff, v0  }
0x124: {  	v2 =	vmul.f32 v31, v30;
	v25 =	vld [tilespmem:$0x106A0]  }
0x125: {  	v1 =	vadd.f32 $0.0e+00, v1;
	v3 =	vmul.f32 v4, v3  }
0x126: {  	v33 =	vmul.f32 v28, v33;
	v2 =	vadd.f32 $0.0e+00, v2  }
0x127: {  	v1 =	vadd.f32 v3, v1;
	v3 =	vmul.f32 v6, v5  }
0x128: {  	v35 =	vmul.f32 v29, v35;
	v2 =	vadd.f32 v33, v2  }
0x129: {  	v1 =	vadd.f32 v3, v1;
	v3 =	vmul.f32 v8, v7  }
0x12a: {  	v37 =	vmul.f32 v32, v37;
	v2 =	vadd.f32 v35, v2  }
0x12b: {  	v1 =	vadd.f32 v3, v1;
	v3 =	vmul.f32 v10, v9  }
0x12c: {  	v54 =	vmul.f32 v34, v39;
	v2 =	vadd.f32 v37, v2;
	[tilespmem:v25+s18+$0x0] =	vst.idx.msk $0xffff, v0  }
0x12d: {  	v1 =	vadd.f32 v3, v1;
	v3 =	vmul.f32 v13, v12;
	v55 =	vld [tilespmem:$0x106B0]  }
0x12e: {  	v56 =	vmul.f32 v36, v41;
	v2 =	vadd.f32 v54, v2  }
0x12f: {  	v1 =	vadd.f32 v3, v1;
	v3 =	vmul.f32 v15, v14  }
0x130: {  	v57 =	vmul.f32 v38, v42;
	v2 =	vadd.f32 v56, v2  }
0x131: {  	v1 =	vadd.f32 v3, v1;
	v3 =	vmul.f32 v17, v16  }
0x132: {  	v58 =	vmul.f32 v40, v44;
	v2 =	vadd.f32 v57, v2  }
0x133: {  	v1 =	vadd.f32 v3, v1;
	v3 =	vmul.f32 v19, v18  }
0x134: {  	v59 =	vmul.f32 v43, v47;
	v2 =	vadd.f32 v58, v2  }
0x135: {  	v1 =	vadd.f32 v3, v1;
	v3 =	vmul.f32 v21, v20;
	[tilespmem:v55+s18+$0x0] =	vst.idx.msk $0xffff, v0  }
0x136: {  	v60 =	vmul.f32 v45, v50;
	v2 =	vadd.f32 v59, v2;
	v5 =	vld [tilespmem:$0x106C0]  }
0x137: {  	v1 =	vadd.f32 v3, v1;
	v3 =	vmul.f32 v23, v22  }
0x138: {  	v61 =	vmul.f32 v46, v51;
	v2 =	vadd.f32 v60, v2  }
0x139: {  	v1 =	vadd.f32 v3, v1;
	v3 =	vmul.f32 v26, v24  }
0x13a: {  	v62 =	vmul.f32 v48, v52;
	v2 =	vadd.f32 v61, v2  }
0x13b: {  	p0 =	sne.s32 s0, $0x7;
	v1 =	vadd.f32 v3, v1;
	v3 =	vmul.f32 v11, v27  }
.Ltmp1:
0x13c: {  	v63 =	vmul.f32 v49, v53;
	v2 =	vadd.f32 v62, v2;
	(pc) =	sbr.rel @p0 .LBB2_4-.Ltmp1, $4  }
0x13d: {  	v1 =	vadd.f32 v3, v1  }
0x13e: {  	v2 =	vadd.f32 v63, v2;
	[tilespmem:v5+s18+$0x0] =	vst.idx.msk $0xffff, v0  }
0x13f: {  	s0 =	sadd.s32 $0x1, s0;
	s30 =	sadd.s32 $0x80, s30;
	[tilespmem:s28+$0x0] =	vst v1  }
0x140: {  	s31 =	sadd.s32 $0x80, s31;
	s28 =	sadd.s32 $0x10, s28;
	[tilespmem:s29+$0x0] =	vst v2;
	s29 =	sadd.s32 $0x10, s29  }
0x141: {  	s28 =	simm.s32 $0x0  }
0x142: {  	[tilespmem:s19], [sflag:$0x5] =	stream.linear.gather [hbm4b:s8+s28], $0x3000, $0x38;
	[tilespmem:$0x10C00] =	vst v63  }
0x143: {  	_ =	swait.ge [sflag:s20], $0x3000  }
0x144: {  	s29 =	simm.s32 $0x8;
	s30 =	simm.s32 $0x10A80;
	[sflag:s20] =	ssyncset.done $0x0  }
0x145: {  	s31 =	simm.s32 $0x10880;
	s0 =	simm.s32 $0x800;
	[sflag:s20] =	ssyncadd.s32 $0xFFFFD000  }
.LBB2_6:
0x146: {  	s1 =	sand.u32 $0x3FFFF800, s0;
	s12 =	sshra.s32 s28, $0x2  }
0x147: {  	s1 =	sadd.s32 s12, s1  }
0x148: {  	v1 =	vld [tilespmem:s1+$0xC000];
	_ =	sdelay $0x4  }
0x149: {  	v1 =	vmul.f32 $1.500000000e+03, v1;
	_ =	sdelay $0x1  }
0x14a: {  	v1 =	vtrunc.f32 v1  }
0x14b: {  	v1 =	vcvt.f32.s32 v1;
	_ =	sdelay $0x1  }
0x14c: {  	vm1 =	vgt.s32 v1, $0x0  }
0x14d: {  	v2 =	vmov s29;
	v1 =	vnsel vm1, $0x0, v1  }
0x14e: {  	v3 =	vmin.u32 v1, $0x5DB;
	v1 =	vshrl.u32 v2, $0x3  }
0x14f: {  	v10 =	vmul.u32 $0x3000, v1;
	v1 =	vshll.u32 v3, $0x3  }
0x150: {  	v1 =	vand.u32 $0x3C00, v1  }
0x151: {  	v2 =	vshll.u32 v2, $0x7;
	v4 =	vand.u32 $0x7F, v3;
	v5 =	vadd.s32 v10, v1  }
0x152: {  	v12 =	vand.u32 $0x380, v2;
	v1 =	vld [tilespmem:s1+$0xE000];
	v2 =	vor.u32 v4, v5  }
0x153: {  	v2 =	vor.u32 v12, v2;
	_ =	sdelay $0x2  }
0x154: {  	[tilespmem:$0x10600] =	vst v3  }
0x155: {  	[tilespmem:$0x10700] =	vst v1  }
0x156: {  	v2 =	vld.idx.msk [tilespmem:v2+s2+$0x0], $0xffff  }
0x157: {  	[tilespmem:v3+s18+$0x0] =	vst.idx.add.f32.msk $0xffff, v1  }
0x158: {  	v3 =	vld [tilespmem:s1+$0xC010];
	_ =	sdelay $0x4  }
0x159: {  	v3 =	vmul.f32 $1.500000000e+03, v3;
	_ =	sdelay $0x1  }
0x15a: {  	v3 =	vtrunc.f32 v3  }
0x15b: {  	v3 =	vcvt.f32.s32 v3;
	_ =	sdelay $0x1  }
0x15c: {  	vm1 =	vgt.s32 v3, $0x0  }
0x15d: {  	v3 =	vnsel vm1, $0x0, v3  }
0x15e: {  	v48 =	vmin.u32 v3, $0x5DB  }
0x15f: {  	v3 =	vshll.u32 v48, $0x3  }
0x160: {  	v3 =	vand.u32 $0x3C00, v3  }
0x161: {  	v49 =	vand.u32 $0x7F, v48;
	v6 =	vadd.s32 v10, v3  }
0x162: {  	v3 =	vld [tilespmem:s1+$0xE010];
	v4 =	vor.u32 v49, v6  }
0x163: {  	v4 =	vor.u32 v12, v4;
	_ =	sdelay $0x2  }
0x164: {  	[tilespmem:$0x10610] =	vst v48  }
0x165: {  	[tilespmem:$0x10710] =	vst v3  }
0x166: {  	v4 =	vld.idx.msk [tilespmem:v4+s2+$0x0], $0xffff  }
0x167: {  	[tilespmem:v48+s18+$0x0] =	vst.idx.add.f32.msk $0xffff, v3  }
0x168: {  	v5 =	vld [tilespmem:s1+$0xC020];
	_ =	sdelay $0x4  }
0x169: {  	v5 =	vmul.f32 $1.500000000e+03, v5;
	_ =	sdelay $0x1  }
0x16a: {  	v5 =	vtrunc.f32 v5  }
0x16b: {  	v5 =	vcvt.f32.s32 v5;
	_ =	sdelay $0x1  }
0x16c: {  	vm1 =	vgt.s32 v5, $0x0  }
0x16d: {  	v5 =	vnsel vm1, $0x0, v5  }
0x16e: {  	v7 =	vmin.u32 v5, $0x5DB  }
0x16f: {  	v5 =	vshll.u32 v7, $0x3  }
0x170: {  	v5 =	vand.u32 $0x3C00, v5  }
0x171: {  	v50 =	vand.u32 $0x7F, v7;
	v8 =	vadd.s32 v10, v5  }
0x172: {  	v5 =	vld [tilespmem:s1+$0xE020];
	v6 =	vor.u32 v50, v8  }
0x173: {  	v6 =	vor.u32 v12, v6;
	_ =	sdelay $0x2  }
0x174: {  	[tilespmem:$0x10620] =	vst v7  }
0x175: {  	[tilespmem:$0x10720] =	vst v5  }
0x176: {  	v6 =	vld.idx.msk [tilespmem:v6+s2+$0x0], $0xffff  }
0x177: {  	[tilespmem:v7+s18+$0x0] =	vst.idx.add.f32.msk $0xffff, v5  }
0x178: {  	v7 =	vld [tilespmem:s1+$0xC030];
	_ =	sdelay $0x4  }
0x179: {  	v7 =	vmul.f32 $1.500000000e+03, v7;
	_ =	sdelay $0x1  }
0x17a: {  	v7 =	vtrunc.f32 v7  }
0x17b: {  	v7 =	vcvt.f32.s32 v7;
	_ =	sdelay $0x1  }
0x17c: {  	vm1 =	vgt.s32 v7, $0x0  }
0x17d: {  	v7 =	vnsel vm1, $0x0, v7  }
0x17e: {  	v9 =	vmin.u32 v7, $0x5DB  }
0x17f: {  	v7 =	vshll.u32 v9, $0x3  }
0x180: {  	v7 =	vand.u32 $0x3C00, v7  }
0x181: {  	v51 =	vand.u32 $0x7F, v9;
	v11 =	vadd.s32 v10, v7  }
0x182: {  	v7 =	vld [tilespmem:s1+$0xE030];
	v8 =	vor.u32 v51, v11  }
0x183: {  	v8 =	vor.u32 v12, v8;
	_ =	sdelay $0x2  }
0x184: {  	[tilespmem:$0x10630] =	vst v9  }
0x185: {  	[tilespmem:$0x10730] =	vst v7  }
0x186: {  	v8 =	vld.idx.msk [tilespmem:v8+s2+$0x0], $0xffff  }
0x187: {  	[tilespmem:v9+s18+$0x0] =	vst.idx.add.f32.msk $0xffff, v7  }
0x188: {  	v9 =	vld [tilespmem:s1+$0xC040];
	_ =	sdelay $0x4  }
0x189: {  	v9 =	vmul.f32 $1.500000000e+03, v9;
	_ =	sdelay $0x1  }
0x18a: {  	v9 =	vtrunc.f32 v9  }
0x18b: {  	v9 =	vcvt.f32.s32 v9;
	_ =	sdelay $0x1  }
0x18c: {  	vm1 =	vgt.s32 v9, $0x0  }
0x18d: {  	v9 =	vnsel vm1, $0x0, v9  }
0x18e: {  	v13 =	vmin.u32 v9, $0x5DB  }
0x18f: {  	v9 =	vshll.u32 v13, $0x3  }
0x190: {  	v9 =	vand.u32 $0x3C00, v9  }
0x191: {  	v52 =	vand.u32 $0x7F, v13;
	v14 =	vadd.s32 v10, v9  }
0x192: {  	v9 =	vld [tilespmem:s1+$0xE040];
	v11 =	vor.u32 v52, v14  }
0x193: {  	v11 =	vor.u32 v12, v11;
	_ =	sdelay $0x2  }
0x194: {  	[tilespmem:$0x10640] =	vst v13  }
0x195: {  	[tilespmem:$0x10740] =	vst v9  }
0x196: {  	v11 =	vld.idx.msk [tilespmem:v11+s2+$0x0], $0xffff  }
0x197: {  	[tilespmem:v13+s18+$0x0] =	vst.idx.add.f32.msk $0xffff, v9  }
0x198: {  	v13 =	vld [tilespmem:s1+$0xC050];
	_ =	sdelay $0x4  }
0x199: {  	v13 =	vmul.f32 $1.500000000e+03, v13;
	_ =	sdelay $0x1  }
0x19a: {  	v13 =	vtrunc.f32 v13  }
0x19b: {  	v13 =	vcvt.f32.s32 v13;
	_ =	sdelay $0x1  }
0x19c: {  	vm1 =	vgt.s32 v13, $0x0  }
0x19d: {  	v13 =	vnsel vm1, $0x0, v13  }
0x19e: {  	v15 =	vmin.u32 v13, $0x5DB  }
0x19f: {  	v13 =	vshll.u32 v15, $0x3  }
0x1a0: {  	v13 =	vand.u32 $0x3C00, v13  }
0x1a1: {  	v53 =	vand.u32 $0x7F, v15;
	v16 =	vadd.s32 v10, v13  }
0x1a2: {  	v13 =	vld [tilespmem:s1+$0xE050];
	v14 =	vor.u32 v53, v16  }
0x1a3: {  	v14 =	vor.u32 v12, v14;
	_ =	sdelay $0x2  }
0x1a4: {  	[tilespmem:$0x10650] =	vst v15  }
0x1a5: {  	[tilespmem:$0x10750] =	vst v13  }
0x1a6: {  	v14 =	vld.idx.msk [tilespmem:v14+s2+$0x0], $0xffff  }
0x1a7: {  	[tilespmem:v15+s18+$0x0] =	vst.idx.add.f32.msk $0xffff, v13  }
0x1a8: {  	v15 =	vld [tilespmem:s1+$0xC060];
	_ =	sdelay $0x4  }
0x1a9: {  	v15 =	vmul.f32 $1.500000000e+03, v15;
	_ =	sdelay $0x1  }
0x1aa: {  	v15 =	vtrunc.f32 v15  }
0x1ab: {  	v15 =	vcvt.f32.s32 v15;
	_ =	sdelay $0x1  }
0x1ac: {  	vm1 =	vgt.s32 v15, $0x0  }
0x1ad: {  	v15 =	vnsel vm1, $0x0, v15  }
0x1ae: {  	v17 =	vmin.u32 v15, $0x5DB  }
0x1af: {  	v15 =	vshll.u32 v17, $0x3  }
0x1b0: {  	v15 =	vand.u32 $0x3C00, v15  }
0x1b1: {  	v54 =	vand.u32 $0x7F, v17;
	v18 =	vadd.s32 v10, v15  }
0x1b2: {  	v15 =	vld [tilespmem:s1+$0xE060];
	v16 =	vor.u32 v54, v18  }
0x1b3: {  	v16 =	vor.u32 v12, v16;
	_ =	sdelay $0x2  }
0x1b4: {  	[tilespmem:$0x10660] =	vst v17  }
0x1b5: {  	[tilespmem:$0x10760] =	vst v15  }
0x1b6: {  	v16 =	vld.idx.msk [tilespmem:v16+s2+$0x0], $0xffff  }
0x1b7: {  	[tilespmem:v17+s18+$0x0] =	vst.idx.add.f32.msk $0xffff, v15  }
0x1b8: {  	v17 =	vld [tilespmem:s1+$0xC070];
	_ =	sdelay $0x4  }
0x1b9: {  	v17 =	vmul.f32 $1.500000000e+03, v17;
	_ =	sdelay $0x1  }
0x1ba: {  	v17 =	vtrunc.f32 v17  }
0x1bb: {  	v17 =	vcvt.f32.s32 v17;
	_ =	sdelay $0x1  }
0x1bc: {  	vm1 =	vgt.s32 v17, $0x0  }
0x1bd: {  	v17 =	vnsel vm1, $0x0, v17  }
0x1be: {  	v19 =	vmin.u32 v17, $0x5DB  }
0x1bf: {  	v17 =	vshll.u32 v19, $0x3  }
0x1c0: {  	v17 =	vand.u32 $0x3C00, v17  }
0x1c1: {  	v55 =	vand.u32 $0x7F, v19;
	v20 =	vadd.s32 v10, v17  }
0x1c2: {  	v17 =	vld [tilespmem:s1+$0xE070];
	v18 =	vor.u32 v55, v20  }
0x1c3: {  	v18 =	vor.u32 v12, v18;
	_ =	sdelay $0x2  }
0x1c4: {  	[tilespmem:$0x10670] =	vst v19  }
0x1c5: {  	[tilespmem:$0x10770] =	vst v17  }
0x1c6: {  	v18 =	vld.idx.msk [tilespmem:v18+s2+$0x0], $0xffff  }
0x1c7: {  	[tilespmem:v19+s18+$0x0] =	vst.idx.add.f32.msk $0xffff, v17  }
0x1c8: {  	v19 =	vld [tilespmem:s1+$0xC400];
	_ =	sdelay $0x4  }
0x1c9: {  	v19 =	vmul.f32 $1.500000000e+03, v19;
	_ =	sdelay $0x1  }
0x1ca: {  	v19 =	vtrunc.f32 v19  }
0x1cb: {  	v19 =	vcvt.f32.s32 v19;
	_ =	sdelay $0x1  }
0x1cc: {  	vm1 =	vgt.s32 v19, $0x0  }
0x1cd: {  	v19 =	vnsel vm1, $0x0, v19  }
0x1ce: {  	v21 =	vmin.u32 v19, $0x5DB  }
0x1cf: {  	v19 =	vshll.u32 v21, $0x3  }
0x1d0: {  	v19 =	vand.u32 $0x3C00, v19  }
0x1d1: {  	v56 =	vand.u32 $0x7F, v21;
	v22 =	vadd.s32 v10, v19  }
0x1d2: {  	v19 =	vld [tilespmem:s1+$0xE400];
	v20 =	vor.u32 v56, v22  }
0x1d3: {  	v20 =	vor.u32 v12, v20;
	_ =	sdelay $0x2  }
0x1d4: {  	[tilespmem:$0x10680] =	vst v21  }
0x1d5: {  	[tilespmem:$0x10780] =	vst v19  }
0x1d6: {  	v20 =	vld.idx.msk [tilespmem:v20+s2+$0x0], $0xffff  }
0x1d7: {  	[tilespmem:v21+s18+$0x0] =	vst.idx.add.f32.msk $0xffff, v19  }
0x1d8: {  	v21 =	vld [tilespmem:s1+$0xC410];
	_ =	sdelay $0x4  }
0x1d9: {  	v21 =	vmul.f32 $1.500000000e+03, v21;
	_ =	sdelay $0x1  }
0x1da: {  	v21 =	vtrunc.f32 v21  }
0x1db: {  	v21 =	vcvt.f32.s32 v21;
	_ =	sdelay $0x1  }
0x1dc: {  	vm1 =	vgt.s32 v21, $0x0  }
0x1dd: {  	v21 =	vnsel vm1, $0x0, v21  }
0x1de: {  	v23 =	vmin.u32 v21, $0x5DB  }
0x1df: {  	v21 =	vshll.u32 v23, $0x3  }
0x1e0: {  	v21 =	vand.u32 $0x3C00, v21  }
0x1e1: {  	v57 =	vand.u32 $0x7F, v23;
	v24 =	vadd.s32 v10, v21  }
0x1e2: {  	v21 =	vld [tilespmem:s1+$0xE410];
	v22 =	vor.u32 v57, v24  }
0x1e3: {  	v22 =	vor.u32 v12, v22;
	_ =	sdelay $0x2  }
0x1e4: {  	[tilespmem:$0x10690] =	vst v23  }
0x1e5: {  	[tilespmem:$0x10790] =	vst v21  }
0x1e6: {  	v22 =	vld.idx.msk [tilespmem:v22+s2+$0x0], $0xffff  }
0x1e7: {  	[tilespmem:v23+s18+$0x0] =	vst.idx.add.f32.msk $0xffff, v21  }
0x1e8: {  	v23 =	vld [tilespmem:s1+$0xC420];
	_ =	sdelay $0x4  }
0x1e9: {  	v23 =	vmul.f32 $1.500000000e+03, v23;
	_ =	sdelay $0x1  }
0x1ea: {  	v23 =	vtrunc.f32 v23  }
0x1eb: {  	v23 =	vcvt.f32.s32 v23;
	_ =	sdelay $0x1  }
0x1ec: {  	vm1 =	vgt.s32 v23, $0x0  }
0x1ed: {  	v23 =	vnsel vm1, $0x0, v23  }
0x1ee: {  	v25 =	vmin.u32 v23, $0x5DB  }
0x1ef: {  	v23 =	vshll.u32 v25, $0x3  }
0x1f0: {  	v23 =	vand.u32 $0x3C00, v23  }
0x1f1: {  	v58 =	vand.u32 $0x7F, v25;
	v26 =	vadd.s32 v10, v23  }
0x1f2: {  	v23 =	vld [tilespmem:s1+$0xE420];
	v24 =	vor.u32 v58, v26  }
0x1f3: {  	v24 =	vor.u32 v12, v24;
	_ =	sdelay $0x2  }
0x1f4: {  	[tilespmem:$0x106A0] =	vst v25  }
0x1f5: {  	[tilespmem:$0x107A0] =	vst v23  }
0x1f6: {  	v24 =	vld.idx.msk [tilespmem:v24+s2+$0x0], $0xffff  }
0x1f7: {  	[tilespmem:v25+s18+$0x0] =	vst.idx.add.f32.msk $0xffff, v23  }
0x1f8: {  	v25 =	vld [tilespmem:s1+$0xC430];
	_ =	sdelay $0x4  }
0x1f9: {  	v25 =	vmul.f32 $1.500000000e+03, v25;
	_ =	sdelay $0x1  }
0x1fa: {  	v25 =	vtrunc.f32 v25  }
0x1fb: {  	v25 =	vcvt.f32.s32 v25;
	_ =	sdelay $0x1  }
0x1fc: {  	vm1 =	vgt.s32 v25, $0x0  }
0x1fd: {  	v25 =	vnsel vm1, $0x0, v25  }
0x1fe: {  	v59 =	vmin.u32 v25, $0x5DB  }
0x1ff: {  	v25 =	vshll.u32 v59, $0x3  }
0x200: {  	v25 =	vand.u32 $0x3C00, v25  }
0x201: {  	v27 =	vand.u32 $0x7F, v59;
	v28 =	vadd.s32 v10, v25  }
0x202: {  	v25 =	vld [tilespmem:s1+$0xE430];
	v27 =	vor.u32 v27, v28  }
0x203: {  	v27 =	vor.u32 v12, v27;
	_ =	sdelay $0x2  }
0x204: {  	[tilespmem:$0x106B0] =	vst v59  }
0x205: {  	[tilespmem:$0x107B0] =	vst v25  }
0x206: {  	v27 =	vld.idx.msk [tilespmem:v27+s2+$0x0], $0xffff  }
0x207: {  	[tilespmem:v59+s18+$0x0] =	vst.idx.add.f32.msk $0xffff, v25  }
0x208: {  	v26 =	vld [tilespmem:s1+$0xC438];
	_ =	sdelay $0x4  }
0x209: {  	v26 =	vmul.f32 $1.500000000e+03, v26;
	_ =	sdelay $0x1  }
0x20a: {  	v26 =	vtrunc.f32 v26  }
0x20b: {  	v26 =	vcvt.f32.s32 v26;
	_ =	sdelay $0x1  }
0x20c: {  	vm1 =	vgt.s32 v26, $0x0  }
0x20d: {  	v26 =	vnsel vm1, $0x0, v26  }
0x20e: {  	v26 =	vmin.u32 v26, $0x5DB  }
0x20f: {  	v60 =	vshll.u32 v26, $0x3  }
0x210: {  	v28 =	vand.u32 $0x3C00, v60  }
0x211: {  	v29 =	vld [tilespmem:s1+$0xE438];
	v30 =	vand.u32 $0x7F, v26;
	v10 =	vadd.s32 v10, v28  }
0x212: {  	v10 =	vor.u32 v30, v10  }
0x213: {  	v10 =	vor.u32 v12, v10;
	_ =	sdelay $0x2  }
0x214: {  	[tilespmem:$0x106C0] =	vst v26;
	v12 =	vsel vm0, $0x0, v29  }
0x215: {  	[tilespmem:$0x107C0] =	vst v12  }
0x216: {  	v10 =	vld.idx.msk [tilespmem:v10+s2+$0x0], $0xffff  }
0x217: {  	[tilespmem:v26+s18+$0x0] =	vst.idx.add.f32.msk $0xffff, v12  }
0x218: {  	v26 =	vld [tilespmem:$0x10600]  }
0x219: {  	v61 =	vld [tilespmem:$0x10610]  }
0x21a: {  	v62 =	vld [tilespmem:$0x10620]  }
0x21b: {  	v63 =	vld [tilespmem:$0x10700]  }
0x21c: {  	v32 =	vld [tilespmem:$0x10630]  }
0x21d: {  	v33 =	vld [tilespmem:$0x10710]  }
0x21e: {  	v34 =	vld [tilespmem:$0x10640]  }
0x21f: {  	v35 =	vld [tilespmem:$0x10720]  }
0x220: {  	v36 =	vld [tilespmem:$0x10650]  }
0x221: {  	v37 =	vld [tilespmem:$0x10730]  }
0x222: {  	v38 =	vld [tilespmem:$0x10660]  }
0x223: {  	v39 =	vld [tilespmem:$0x10740]  }
0x224: {  	v40 =	vld [tilespmem:$0x10670]  }
0x225: {  	v41 =	vld [tilespmem:$0x10750]  }
0x226: {  	v42 =	vld [tilespmem:$0x10760]  }
0x227: {  	v43 =	vld [tilespmem:$0x10680]  }
0x228: {  	v44 =	vld [tilespmem:$0x10770]  }
0x229: {  	v45 =	vld [tilespmem:$0x10690]  }
0x22a: {  	v46 =	vld [tilespmem:$0x106A0]  }
0x22b: {  	v47 =	vld [tilespmem:$0x10780]  }
0x22c: {  	v48 =	vld [tilespmem:$0x106B0]  }
0x22d: {  	v49 =	vld [tilespmem:$0x106C0]  }
0x22e: {  	v50 =	vld [tilespmem:$0x10790]  }
0x22f: {  	v51 =	vld [tilespmem:$0x107A0]  }
0x230: {  	v52 =	vld [tilespmem:$0x107B0]  }
0x231: {  	v53 =	vld [tilespmem:$0x107C0]  }
0x232: {  	v31 =	vld.idx.msk [tilespmem:v26+s18+$0x0], $0xffff  }
0x233: {  	v28 =	vld.idx.msk [tilespmem:v61+s18+$0x0], $0xffff  }
0x234: {  	v29 =	vld.idx.msk [tilespmem:v62+s18+$0x0], $0xffff  }
0x235: {  	v32 =	vld.idx.msk [tilespmem:v32+s18+$0x0], $0xffff  }
0x236: {  	v34 =	vld.idx.msk [tilespmem:v34+s18+$0x0], $0xffff  }
0x237: {  	v36 =	vld.idx.msk [tilespmem:v36+s18+$0x0], $0xffff  }
0x238: {  	v38 =	vld.idx.msk [tilespmem:v38+s18+$0x0], $0xffff  }
0x239: {  	v40 =	vld.idx.msk [tilespmem:v40+s18+$0x0], $0xffff  }
0x23a: {  	v43 =	vld.idx.msk [tilespmem:v43+s18+$0x0], $0xffff  }
0x23b: {  	v45 =	vld.idx.msk [tilespmem:v45+s18+$0x0], $0xffff  }
0x23c: {  	v46 =	vld.idx.msk [tilespmem:v46+s18+$0x0], $0xffff  }
0x23d: {  	v48 =	vld.idx.msk [tilespmem:v48+s18+$0x0], $0xffff  }
0x23e: {  	v49 =	vld.idx.msk [tilespmem:v49+s18+$0x0], $0xffff;
	[tilespmem:v26+s18+$0x0] =	vst.idx.msk $0xffff, v0  }
0x23f: {  	v26 =	vld [tilespmem:$0x10610];
	_ =	sdelay $0x7  }
0x240: {  	[tilespmem:v26+s18+$0x0] =	vst.idx.msk $0xffff, v0  }
0x241: {  	v26 =	vld [tilespmem:$0x10620];
	_ =	sdelay $0x7  }
0x242: {  	[tilespmem:v26+s18+$0x0] =	vst.idx.msk $0xffff, v0  }
0x243: {  	v26 =	vld [tilespmem:$0x10630];
	_ =	sdelay $0x7  }
0x244: {  	[tilespmem:v26+s18+$0x0] =	vst.idx.msk $0xffff, v0  }
0x245: {  	v26 =	vld [tilespmem:$0x10640];
	_ =	sdelay $0x7  }
0x246: {  	[tilespmem:v26+s18+$0x0] =	vst.idx.msk $0xffff, v0  }
0x247: {  	v26 =	vld [tilespmem:$0x10650];
	_ =	sdelay $0x7  }
0x248: {  	[tilespmem:v26+s18+$0x0] =	vst.idx.msk $0xffff, v0  }
0x249: {  	v26 =	vld [tilespmem:$0x10660];
	_ =	sdelay $0x7  }
0x24a: {  	[tilespmem:v26+s18+$0x0] =	vst.idx.msk $0xffff, v0  }
0x24b: {  	v26 =	vld [tilespmem:$0x10670];
	_ =	sdelay $0x7  }
0x24c: {  	[tilespmem:v26+s18+$0x0] =	vst.idx.msk $0xffff, v0  }
0x24d: {  	v26 =	vld [tilespmem:$0x10680];
	_ =	sdelay $0x7  }
0x24e: {  	[tilespmem:v26+s18+$0x0] =	vst.idx.msk $0xffff, v0  }
0x24f: {  	v26 =	vld [tilespmem:$0x10690];
	_ =	sdelay $0x7  }
0x250: {  	v1 =	vmul.f32 v2, v1;
	[tilespmem:v26+s18+$0x0] =	vst.idx.msk $0xffff, v0  }
0x251: {  	v2 =	vmul.f32 v31, v63;
	v26 =	vld [tilespmem:$0x106A0]  }
0x252: {  	v1 =	vadd.f32 $0.0e+00, v1;
	v3 =	vmul.f32 v4, v3  }
0x253: {  	v33 =	vmul.f32 v28, v33;
	v2 =	vadd.f32 $0.0e+00, v2  }
0x254: {  	v1 =	vadd.f32 v3, v1;
	v3 =	vmul.f32 v6, v5  }
0x255: {  	v35 =	vmul.f32 v29, v35;
	v2 =	vadd.f32 v33, v2  }
0x256: {  	v1 =	vadd.f32 v3, v1;
	v3 =	vmul.f32 v8, v7  }
0x257: {  	v37 =	vmul.f32 v32, v37;
	v2 =	vadd.f32 v35, v2  }
0x258: {  	v1 =	vadd.f32 v3, v1;
	v3 =	vmul.f32 v11, v9  }
0x259: {  	v54 =	vmul.f32 v34, v39;
	v2 =	vadd.f32 v37, v2;
	[tilespmem:v26+s18+$0x0] =	vst.idx.msk $0xffff, v0  }
0x25a: {  	v1 =	vadd.f32 v3, v1;
	v3 =	vmul.f32 v14, v13;
	v55 =	vld [tilespmem:$0x106B0]  }
0x25b: {  	v56 =	vmul.f32 v36, v41;
	v2 =	vadd.f32 v54, v2  }
0x25c: {  	v1 =	vadd.f32 v3, v1;
	v3 =	vmul.f32 v16, v15  }
0x25d: {  	v57 =	vmul.f32 v38, v42;
	v2 =	vadd.f32 v56, v2  }
0x25e: {  	v1 =	vadd.f32 v3, v1;
	v3 =	vmul.f32 v18, v17  }
0x25f: {  	v58 =	vmul.f32 v40, v44;
	v2 =	vadd.f32 v57, v2  }
0x260: {  	v1 =	vadd.f32 v3, v1;
	v3 =	vmul.f32 v20, v19  }
0x261: {  	v59 =	vmul.f32 v43, v47;
	v2 =	vadd.f32 v58, v2  }
0x262: {  	v1 =	vadd.f32 v3, v1;
	v3 =	vmul.f32 v22, v21;
	[tilespmem:v55+s18+$0x0] =	vst.idx.msk $0xffff, v0  }
0x263: {  	v60 =	vmul.f32 v45, v50;
	v2 =	vadd.f32 v59, v2;
	v5 =	vld [tilespmem:$0x106C0]  }
0x264: {  	v1 =	vadd.f32 v3, v1;
	v3 =	vmul.f32 v24, v23  }
0x265: {  	v61 =	vmul.f32 v46, v51;
	v2 =	vadd.f32 v60, v2  }
0x266: {  	v1 =	vadd.f32 v3, v1;
	v3 =	vmul.f32 v27, v25  }
0x267: {  	v62 =	vmul.f32 v48, v52;
	v2 =	vadd.f32 v61, v2  }
0x268: {  	p0 =	sne.s32 s28, $0xE00;
	v1 =	vadd.f32 v3, v1;
	v3 =	vmul.f32 v10, v12  }
.Ltmp2:
0x269: {  	v63 =	vmul.f32 v49, v53;
	v2 =	vadd.f32 v62, v2;
	(pc) =	sbr.rel @p0 .LBB2_6-.Ltmp2, $4  }
0x26a: {  	v1 =	vadd.f32 v3, v1  }
0x26b: {  	v2 =	vadd.f32 v63, v2;
	[tilespmem:v5+s18+$0x0] =	vst.idx.msk $0xffff, v0  }
0x26c: {  	s29 =	sadd.s32 $0x1, s29;
	s0 =	sadd.s32 $0x100, s0;
	[tilespmem:s31+$0x0] =	vst v1  }
0x26d: {  	s28 =	sadd.s32 $0x200, s28;
	s31 =	sadd.s32 $0x10, s31;
	[tilespmem:s30+$0x0] =	vst v2;
	s30 =	sadd.s32 $0x10, s30  }
0x26e: {  	_ =	swait.ge [sflag:s21], $0x3000;
	s28 =	simm.s32 $0x10  }
0x26f: {  	s29 =	simm.s32 $0x0;
	s30 =	simm.s32 $0x10B00;
	[sflag:s21] =	ssyncset.done $0x0  }
0x270: {  	s31 =	simm.s32 $0x10900;
	s0 =	simm.s32 $0x1000;
	[sflag:s21] =	ssyncadd.s32 $0xFFFFD000  }
.LBB2_8:
0x271: {  	s1 =	sand.u32 $0x3FFFF800, s0;
	s12 =	sshra.s32 s29, $0x2  }
0x272: {  	s1 =	sadd.s32 s12, s1  }
0x273: {  	v1 =	vld [tilespmem:s1+$0xC000];
	_ =	sdelay $0x4  }
0x274: {  	v1 =	vmul.f32 $1.500000000e+03, v1;
	_ =	sdelay $0x1  }
0x275: {  	v1 =	vtrunc.f32 v1  }
0x276: {  	v1 =	vcvt.f32.s32 v1;
	_ =	sdelay $0x1  }
0x277: {  	vm1 =	vgt.s32 v1, $0x0  }
0x278: {  	v2 =	vmov s28;
	v1 =	vnsel vm1, $0x0, v1  }
0x279: {  	v3 =	vmin.u32 v1, $0x5DB;
	v1 =	vshrl.u32 v2, $0x3  }
0x27a: {  	v10 =	vmul.u32 $0x3000, v1;
	v1 =	vshll.u32 v3, $0x3  }
0x27b: {  	v1 =	vand.u32 $0x3C00, v1  }
0x27c: {  	v2 =	vshll.u32 v2, $0x7;
	v4 =	vand.u32 $0x7F, v3;
	v5 =	vadd.s32 v10, v1  }
0x27d: {  	v12 =	vand.u32 $0x380, v2;
	v1 =	vld [tilespmem:s1+$0xE000];
	v2 =	vor.u32 v4, v5  }
0x27e: {  	v2 =	vor.u32 v12, v2;
	_ =	sdelay $0x2  }
0x27f: {  	[tilespmem:$0x10600] =	vst v3  }
0x280: {  	[tilespmem:$0x10700] =	vst v1  }
0x281: {  	v2 =	vld.idx.msk [tilespmem:v2+s2+$0x0], $0xffff  }
0x282: {  	[tilespmem:v3+s18+$0x0] =	vst.idx.add.f32.msk $0xffff, v1  }
0x283: {  	v3 =	vld [tilespmem:s1+$0xC010];
	_ =	sdelay $0x4  }
0x284: {  	v3 =	vmul.f32 $1.500000000e+03, v3;
	_ =	sdelay $0x1  }
0x285: {  	v3 =	vtrunc.f32 v3  }
0x286: {  	v3 =	vcvt.f32.s32 v3;
	_ =	sdelay $0x1  }
0x287: {  	vm1 =	vgt.s32 v3, $0x0  }
0x288: {  	v3 =	vnsel vm1, $0x0, v3  }
0x289: {  	v48 =	vmin.u32 v3, $0x5DB  }
0x28a: {  	v3 =	vshll.u32 v48, $0x3  }
0x28b: {  	v3 =	vand.u32 $0x3C00, v3  }
0x28c: {  	v49 =	vand.u32 $0x7F, v48;
	v6 =	vadd.s32 v10, v3  }
0x28d: {  	v3 =	vld [tilespmem:s1+$0xE010];
	v4 =	vor.u32 v49, v6  }
0x28e: {  	v4 =	vor.u32 v12, v4;
	_ =	sdelay $0x2  }
0x28f: {  	[tilespmem:$0x10610] =	vst v48  }
0x290: {  	[tilespmem:$0x10710] =	vst v3  }
0x291: {  	v4 =	vld.idx.msk [tilespmem:v4+s2+$0x0], $0xffff  }
0x292: {  	[tilespmem:v48+s18+$0x0] =	vst.idx.add.f32.msk $0xffff, v3  }
0x293: {  	v5 =	vld [tilespmem:s1+$0xC020];
	_ =	sdelay $0x4  }
0x294: {  	v5 =	vmul.f32 $1.500000000e+03, v5;
	_ =	sdelay $0x1  }
0x295: {  	v5 =	vtrunc.f32 v5  }
0x296: {  	v5 =	vcvt.f32.s32 v5;
	_ =	sdelay $0x1  }
0x297: {  	vm1 =	vgt.s32 v5, $0x0  }
0x298: {  	v5 =	vnsel vm1, $0x0, v5  }
0x299: {  	v7 =	vmin.u32 v5, $0x5DB  }
0x29a: {  	v5 =	vshll.u32 v7, $0x3  }
0x29b: {  	v5 =	vand.u32 $0x3C00, v5  }
0x29c: {  	v50 =	vand.u32 $0x7F, v7;
	v8 =	vadd.s32 v10, v5  }
0x29d: {  	v5 =	vld [tilespmem:s1+$0xE020];
	v6 =	vor.u32 v50, v8  }
0x29e: {  	v6 =	vor.u32 v12, v6;
	_ =	sdelay $0x2  }
0x29f: {  	[tilespmem:$0x10620] =	vst v7  }
0x2a0: {  	[tilespmem:$0x10720] =	vst v5  }
0x2a1: {  	v6 =	vld.idx.msk [tilespmem:v6+s2+$0x0], $0xffff  }
0x2a2: {  	[tilespmem:v7+s18+$0x0] =	vst.idx.add.f32.msk $0xffff, v5  }
0x2a3: {  	v7 =	vld [tilespmem:s1+$0xC030];
	_ =	sdelay $0x4  }
0x2a4: {  	v7 =	vmul.f32 $1.500000000e+03, v7;
	_ =	sdelay $0x1  }
0x2a5: {  	v7 =	vtrunc.f32 v7  }
0x2a6: {  	v7 =	vcvt.f32.s32 v7;
	_ =	sdelay $0x1  }
0x2a7: {  	vm1 =	vgt.s32 v7, $0x0  }
0x2a8: {  	v7 =	vnsel vm1, $0x0, v7  }
0x2a9: {  	v9 =	vmin.u32 v7, $0x5DB  }
0x2aa: {  	v7 =	vshll.u32 v9, $0x3  }
0x2ab: {  	v7 =	vand.u32 $0x3C00, v7  }
0x2ac: {  	v51 =	vand.u32 $0x7F, v9;
	v11 =	vadd.s32 v10, v7  }
0x2ad: {  	v7 =	vld [tilespmem:s1+$0xE030];
	v8 =	vor.u32 v51, v11  }
0x2ae: {  	v8 =	vor.u32 v12, v8;
	_ =	sdelay $0x2  }
0x2af: {  	[tilespmem:$0x10630] =	vst v9  }
0x2b0: {  	[tilespmem:$0x10730] =	vst v7  }
0x2b1: {  	v8 =	vld.idx.msk [tilespmem:v8+s2+$0x0], $0xffff  }
0x2b2: {  	[tilespmem:v9+s18+$0x0] =	vst.idx.add.f32.msk $0xffff, v7  }
0x2b3: {  	v9 =	vld [tilespmem:s1+$0xC040];
	_ =	sdelay $0x4  }
0x2b4: {  	v9 =	vmul.f32 $1.500000000e+03, v9;
	_ =	sdelay $0x1  }
0x2b5: {  	v9 =	vtrunc.f32 v9  }
0x2b6: {  	v9 =	vcvt.f32.s32 v9;
	_ =	sdelay $0x1  }
0x2b7: {  	vm1 =	vgt.s32 v9, $0x0  }
0x2b8: {  	v9 =	vnsel vm1, $0x0, v9  }
0x2b9: {  	v13 =	vmin.u32 v9, $0x5DB  }
0x2ba: {  	v9 =	vshll.u32 v13, $0x3  }
0x2bb: {  	v9 =	vand.u32 $0x3C00, v9  }
0x2bc: {  	v52 =	vand.u32 $0x7F, v13;
	v14 =	vadd.s32 v10, v9  }
0x2bd: {  	v9 =	vld [tilespmem:s1+$0xE040];
	v11 =	vor.u32 v52, v14  }
0x2be: {  	v11 =	vor.u32 v12, v11;
	_ =	sdelay $0x2  }
0x2bf: {  	[tilespmem:$0x10640] =	vst v13  }
0x2c0: {  	[tilespmem:$0x10740] =	vst v9  }
0x2c1: {  	v11 =	vld.idx.msk [tilespmem:v11+s2+$0x0], $0xffff  }
0x2c2: {  	[tilespmem:v13+s18+$0x0] =	vst.idx.add.f32.msk $0xffff, v9  }
0x2c3: {  	v13 =	vld [tilespmem:s1+$0xC050];
	_ =	sdelay $0x4  }
0x2c4: {  	v13 =	vmul.f32 $1.500000000e+03, v13;
	_ =	sdelay $0x1  }
0x2c5: {  	v13 =	vtrunc.f32 v13  }
0x2c6: {  	v13 =	vcvt.f32.s32 v13;
	_ =	sdelay $0x1  }
0x2c7: {  	vm1 =	vgt.s32 v13, $0x0  }
0x2c8: {  	v13 =	vnsel vm1, $0x0, v13  }
0x2c9: {  	v15 =	vmin.u32 v13, $0x5DB  }
0x2ca: {  	v13 =	vshll.u32 v15, $0x3  }
0x2cb: {  	v13 =	vand.u32 $0x3C00, v13  }
0x2cc: {  	v53 =	vand.u32 $0x7F, v15;
	v16 =	vadd.s32 v10, v13  }
0x2cd: {  	v13 =	vld [tilespmem:s1+$0xE050];
	v14 =	vor.u32 v53, v16  }
0x2ce: {  	v14 =	vor.u32 v12, v14;
	_ =	sdelay $0x2  }
0x2cf: {  	[tilespmem:$0x10650] =	vst v15  }
0x2d0: {  	[tilespmem:$0x10750] =	vst v13  }
0x2d1: {  	v14 =	vld.idx.msk [tilespmem:v14+s2+$0x0], $0xffff  }
0x2d2: {  	[tilespmem:v15+s18+$0x0] =	vst.idx.add.f32.msk $0xffff, v13  }
0x2d3: {  	v15 =	vld [tilespmem:s1+$0xC060];
	_ =	sdelay $0x4  }
0x2d4: {  	v15 =	vmul.f32 $1.500000000e+03, v15;
	_ =	sdelay $0x1  }
0x2d5: {  	v15 =	vtrunc.f32 v15  }
0x2d6: {  	v15 =	vcvt.f32.s32 v15;
	_ =	sdelay $0x1  }
0x2d7: {  	vm1 =	vgt.s32 v15, $0x0  }
0x2d8: {  	v15 =	vnsel vm1, $0x0, v15  }
0x2d9: {  	v17 =	vmin.u32 v15, $0x5DB  }
0x2da: {  	v15 =	vshll.u32 v17, $0x3  }
0x2db: {  	v15 =	vand.u32 $0x3C00, v15  }
0x2dc: {  	v54 =	vand.u32 $0x7F, v17;
	v18 =	vadd.s32 v10, v15  }
0x2dd: {  	v15 =	vld [tilespmem:s1+$0xE060];
	v16 =	vor.u32 v54, v18  }
0x2de: {  	v16 =	vor.u32 v12, v16;
	_ =	sdelay $0x2  }
0x2df: {  	[tilespmem:$0x10660] =	vst v17  }
0x2e0: {  	[tilespmem:$0x10760] =	vst v15  }
0x2e1: {  	v16 =	vld.idx.msk [tilespmem:v16+s2+$0x0], $0xffff  }
0x2e2: {  	[tilespmem:v17+s18+$0x0] =	vst.idx.add.f32.msk $0xffff, v15  }
0x2e3: {  	v17 =	vld [tilespmem:s1+$0xC070];
	_ =	sdelay $0x4  }
0x2e4: {  	v17 =	vmul.f32 $1.500000000e+03, v17;
	_ =	sdelay $0x1  }
0x2e5: {  	v17 =	vtrunc.f32 v17  }
0x2e6: {  	v17 =	vcvt.f32.s32 v17;
	_ =	sdelay $0x1  }
0x2e7: {  	vm1 =	vgt.s32 v17, $0x0  }
0x2e8: {  	v17 =	vnsel vm1, $0x0, v17  }
0x2e9: {  	v19 =	vmin.u32 v17, $0x5DB  }
0x2ea: {  	v17 =	vshll.u32 v19, $0x3  }
0x2eb: {  	v17 =	vand.u32 $0x3C00, v17  }
0x2ec: {  	v55 =	vand.u32 $0x7F, v19;
	v20 =	vadd.s32 v10, v17  }
0x2ed: {  	v17 =	vld [tilespmem:s1+$0xE070];
	v18 =	vor.u32 v55, v20  }
0x2ee: {  	v18 =	vor.u32 v12, v18;
	_ =	sdelay $0x2  }
0x2ef: {  	[tilespmem:$0x10670] =	vst v19  }
0x2f0: {  	[tilespmem:$0x10770] =	vst v17  }
0x2f1: {  	v18 =	vld.idx.msk [tilespmem:v18+s2+$0x0], $0xffff  }
0x2f2: {  	[tilespmem:v19+s18+$0x0] =	vst.idx.add.f32.msk $0xffff, v17  }
0x2f3: {  	v19 =	vld [tilespmem:s1+$0xC400];
	_ =	sdelay $0x4  }
0x2f4: {  	v19 =	vmul.f32 $1.500000000e+03, v19;
	_ =	sdelay $0x1  }
0x2f5: {  	v19 =	vtrunc.f32 v19  }
0x2f6: {  	v19 =	vcvt.f32.s32 v19;
	_ =	sdelay $0x1  }
0x2f7: {  	vm1 =	vgt.s32 v19, $0x0  }
0x2f8: {  	v19 =	vnsel vm1, $0x0, v19  }
0x2f9: {  	v21 =	vmin.u32 v19, $0x5DB  }
0x2fa: {  	v19 =	vshll.u32 v21, $0x3  }
0x2fb: {  	v19 =	vand.u32 $0x3C00, v19  }
0x2fc: {  	v56 =	vand.u32 $0x7F, v21;
	v22 =	vadd.s32 v10, v19  }
0x2fd: {  	v19 =	vld [tilespmem:s1+$0xE400];
	v20 =	vor.u32 v56, v22  }
0x2fe: {  	v20 =	vor.u32 v12, v20;
	_ =	sdelay $0x2  }
0x2ff: {  	[tilespmem:$0x10680] =	vst v21  }
0x300: {  	[tilespmem:$0x10780] =	vst v19  }
0x301: {  	v20 =	vld.idx.msk [tilespmem:v20+s2+$0x0], $0xffff  }
0x302: {  	[tilespmem:v21+s18+$0x0] =	vst.idx.add.f32.msk $0xffff, v19  }
0x303: {  	v21 =	vld [tilespmem:s1+$0xC410];
	_ =	sdelay $0x4  }
0x304: {  	v21 =	vmul.f32 $1.500000000e+03, v21;
	_ =	sdelay $0x1  }
0x305: {  	v21 =	vtrunc.f32 v21  }
0x306: {  	v21 =	vcvt.f32.s32 v21;
	_ =	sdelay $0x1  }
0x307: {  	vm1 =	vgt.s32 v21, $0x0  }
0x308: {  	v21 =	vnsel vm1, $0x0, v21  }
0x309: {  	v23 =	vmin.u32 v21, $0x5DB  }
0x30a: {  	v21 =	vshll.u32 v23, $0x3  }
0x30b: {  	v21 =	vand.u32 $0x3C00, v21  }
0x30c: {  	v57 =	vand.u32 $0x7F, v23;
	v24 =	vadd.s32 v10, v21  }
0x30d: {  	v21 =	vld [tilespmem:s1+$0xE410];
	v22 =	vor.u32 v57, v24  }
0x30e: {  	v22 =	vor.u32 v12, v22;
	_ =	sdelay $0x2  }
0x30f: {  	[tilespmem:$0x10690] =	vst v23  }
0x310: {  	[tilespmem:$0x10790] =	vst v21  }
0x311: {  	v22 =	vld.idx.msk [tilespmem:v22+s2+$0x0], $0xffff  }
0x312: {  	[tilespmem:v23+s18+$0x0] =	vst.idx.add.f32.msk $0xffff, v21  }
0x313: {  	v23 =	vld [tilespmem:s1+$0xC420];
	_ =	sdelay $0x4  }
0x314: {  	v23 =	vmul.f32 $1.500000000e+03, v23;
	_ =	sdelay $0x1  }
0x315: {  	v23 =	vtrunc.f32 v23  }
0x316: {  	v23 =	vcvt.f32.s32 v23;
	_ =	sdelay $0x1  }
0x317: {  	vm1 =	vgt.s32 v23, $0x0  }
0x318: {  	v23 =	vnsel vm1, $0x0, v23  }
0x319: {  	v25 =	vmin.u32 v23, $0x5DB  }
0x31a: {  	v23 =	vshll.u32 v25, $0x3  }
0x31b: {  	v23 =	vand.u32 $0x3C00, v23  }
0x31c: {  	v58 =	vand.u32 $0x7F, v25;
	v26 =	vadd.s32 v10, v23  }
0x31d: {  	v23 =	vld [tilespmem:s1+$0xE420];
	v24 =	vor.u32 v58, v26  }
0x31e: {  	v24 =	vor.u32 v12, v24;
	_ =	sdelay $0x2  }
0x31f: {  	[tilespmem:$0x106A0] =	vst v25  }
0x320: {  	[tilespmem:$0x107A0] =	vst v23  }
0x321: {  	v24 =	vld.idx.msk [tilespmem:v24+s2+$0x0], $0xffff  }
0x322: {  	[tilespmem:v25+s18+$0x0] =	vst.idx.add.f32.msk $0xffff, v23  }
0x323: {  	v25 =	vld [tilespmem:s1+$0xC430];
	_ =	sdelay $0x4  }
0x324: {  	v25 =	vmul.f32 $1.500000000e+03, v25;
	_ =	sdelay $0x1  }
0x325: {  	v25 =	vtrunc.f32 v25  }
0x326: {  	v25 =	vcvt.f32.s32 v25;
	_ =	sdelay $0x1  }
0x327: {  	vm1 =	vgt.s32 v25, $0x0  }
0x328: {  	v25 =	vnsel vm1, $0x0, v25  }
0x329: {  	v59 =	vmin.u32 v25, $0x5DB  }
0x32a: {  	v25 =	vshll.u32 v59, $0x3  }
0x32b: {  	v25 =	vand.u32 $0x3C00, v25  }
0x32c: {  	v27 =	vand.u32 $0x7F, v59;
	v28 =	vadd.s32 v10, v25  }
0x32d: {  	v25 =	vld [tilespmem:s1+$0xE430];
	v27 =	vor.u32 v27, v28  }
0x32e: {  	v27 =	vor.u32 v12, v27;
	_ =	sdelay $0x2  }
0x32f: {  	[tilespmem:$0x106B0] =	vst v59  }
0x330: {  	[tilespmem:$0x107B0] =	vst v25  }
0x331: {  	v27 =	vld.idx.msk [tilespmem:v27+s2+$0x0], $0xffff  }
0x332: {  	[tilespmem:v59+s18+$0x0] =	vst.idx.add.f32.msk $0xffff, v25  }
0x333: {  	v26 =	vld [tilespmem:s1+$0xC438];
	_ =	sdelay $0x4  }
0x334: {  	v26 =	vmul.f32 $1.500000000e+03, v26;
	_ =	sdelay $0x1  }
0x335: {  	v26 =	vtrunc.f32 v26  }
0x336: {  	v26 =	vcvt.f32.s32 v26;
	_ =	sdelay $0x1  }
0x337: {  	vm1 =	vgt.s32 v26, $0x0  }
0x338: {  	v26 =	vnsel vm1, $0x0, v26  }
0x339: {  	v26 =	vmin.u32 v26, $0x5DB  }
0x33a: {  	v60 =	vshll.u32 v26, $0x3  }
0x33b: {  	v28 =	vand.u32 $0x3C00, v60  }
0x33c: {  	v29 =	vld [tilespmem:s1+$0xE438];
	v30 =	vand.u32 $0x7F, v26;
	v10 =	vadd.s32 v10, v28  }
0x33d: {  	v10 =	vor.u32 v30, v10  }
0x33e: {  	v10 =	vor.u32 v12, v10;
	_ =	sdelay $0x2  }
0x33f: {  	[tilespmem:$0x106C0] =	vst v26;
	v12 =	vsel vm0, $0x0, v29  }
0x340: {  	[tilespmem:$0x107C0] =	vst v12  }
0x341: {  	v10 =	vld.idx.msk [tilespmem:v10+s2+$0x0], $0xffff  }
0x342: {  	[tilespmem:v26+s18+$0x0] =	vst.idx.add.f32.msk $0xffff, v12  }
0x343: {  	v26 =	vld [tilespmem:$0x10600]  }
0x344: {  	v61 =	vld [tilespmem:$0x10610]  }
0x345: {  	v62 =	vld [tilespmem:$0x10620]  }
0x346: {  	v63 =	vld [tilespmem:$0x10700]  }
0x347: {  	v32 =	vld [tilespmem:$0x10630]  }
0x348: {  	v33 =	vld [tilespmem:$0x10710]  }
0x349: {  	v34 =	vld [tilespmem:$0x10640]  }
0x34a: {  	v35 =	vld [tilespmem:$0x10720]  }
0x34b: {  	v36 =	vld [tilespmem:$0x10650]  }
0x34c: {  	v37 =	vld [tilespmem:$0x10730]  }
0x34d: {  	v38 =	vld [tilespmem:$0x10660]  }
0x34e: {  	v39 =	vld [tilespmem:$0x10740]  }
0x34f: {  	v40 =	vld [tilespmem:$0x10670]  }
0x350: {  	v41 =	vld [tilespmem:$0x10750]  }
0x351: {  	v42 =	vld [tilespmem:$0x10760]  }
0x352: {  	v43 =	vld [tilespmem:$0x10680]  }
0x353: {  	v44 =	vld [tilespmem:$0x10770]  }
0x354: {  	v45 =	vld [tilespmem:$0x10690]  }
0x355: {  	v46 =	vld [tilespmem:$0x106A0]  }
0x356: {  	v47 =	vld [tilespmem:$0x10780]  }
0x357: {  	v48 =	vld [tilespmem:$0x106B0]  }
0x358: {  	v49 =	vld [tilespmem:$0x106C0]  }
0x359: {  	v50 =	vld [tilespmem:$0x10790]  }
0x35a: {  	v51 =	vld [tilespmem:$0x107A0]  }
0x35b: {  	v52 =	vld [tilespmem:$0x107B0]  }
0x35c: {  	v53 =	vld [tilespmem:$0x107C0]  }
0x35d: {  	v31 =	vld.idx.msk [tilespmem:v26+s18+$0x0], $0xffff  }
0x35e: {  	v28 =	vld.idx.msk [tilespmem:v61+s18+$0x0], $0xffff  }
0x35f: {  	v29 =	vld.idx.msk [tilespmem:v62+s18+$0x0], $0xffff  }
0x360: {  	v32 =	vld.idx.msk [tilespmem:v32+s18+$0x0], $0xffff  }
0x361: {  	v34 =	vld.idx.msk [tilespmem:v34+s18+$0x0], $0xffff  }
0x362: {  	v36 =	vld.idx.msk [tilespmem:v36+s18+$0x0], $0xffff  }
0x363: {  	v38 =	vld.idx.msk [tilespmem:v38+s18+$0x0], $0xffff  }
0x364: {  	v40 =	vld.idx.msk [tilespmem:v40+s18+$0x0], $0xffff  }
0x365: {  	v43 =	vld.idx.msk [tilespmem:v43+s18+$0x0], $0xffff  }
0x366: {  	v45 =	vld.idx.msk [tilespmem:v45+s18+$0x0], $0xffff  }
0x367: {  	v46 =	vld.idx.msk [tilespmem:v46+s18+$0x0], $0xffff  }
0x368: {  	v48 =	vld.idx.msk [tilespmem:v48+s18+$0x0], $0xffff  }
0x369: {  	v49 =	vld.idx.msk [tilespmem:v49+s18+$0x0], $0xffff;
	[tilespmem:v26+s18+$0x0] =	vst.idx.msk $0xffff, v0  }
0x36a: {  	v26 =	vld [tilespmem:$0x10610];
	_ =	sdelay $0x7  }
0x36b: {  	[tilespmem:v26+s18+$0x0] =	vst.idx.msk $0xffff, v0  }
0x36c: {  	v26 =	vld [tilespmem:$0x10620];
	_ =	sdelay $0x7  }
0x36d: {  	[tilespmem:v26+s18+$0x0] =	vst.idx.msk $0xffff, v0  }
0x36e: {  	v26 =	vld [tilespmem:$0x10630];
	_ =	sdelay $0x7  }
0x36f: {  	[tilespmem:v26+s18+$0x0] =	vst.idx.msk $0xffff, v0  }
0x370: {  	v26 =	vld [tilespmem:$0x10640];
	_ =	sdelay $0x7  }
0x371: {  	[tilespmem:v26+s18+$0x0] =	vst.idx.msk $0xffff, v0  }
0x372: {  	v26 =	vld [tilespmem:$0x10650];
	_ =	sdelay $0x7  }
0x373: {  	[tilespmem:v26+s18+$0x0] =	vst.idx.msk $0xffff, v0  }
0x374: {  	v26 =	vld [tilespmem:$0x10660];
	_ =	sdelay $0x7  }
0x375: {  	[tilespmem:v26+s18+$0x0] =	vst.idx.msk $0xffff, v0  }
0x376: {  	v26 =	vld [tilespmem:$0x10670];
	_ =	sdelay $0x7  }
0x377: {  	[tilespmem:v26+s18+$0x0] =	vst.idx.msk $0xffff, v0  }
0x378: {  	v26 =	vld [tilespmem:$0x10680];
	_ =	sdelay $0x7  }
0x379: {  	[tilespmem:v26+s18+$0x0] =	vst.idx.msk $0xffff, v0  }
0x37a: {  	v26 =	vld [tilespmem:$0x10690];
	_ =	sdelay $0x7  }
0x37b: {  	v1 =	vmul.f32 v2, v1;
	[tilespmem:v26+s18+$0x0] =	vst.idx.msk $0xffff, v0  }
0x37c: {  	v2 =	vmul.f32 v31, v63;
	v26 =	vld [tilespmem:$0x106A0]  }
0x37d: {  	v1 =	vadd.f32 $0.0e+00, v1;
	v3 =	vmul.f32 v4, v3  }
0x37e: {  	v33 =	vmul.f32 v28, v33;
	v2 =	vadd.f32 $0.0e+00, v2  }
0x37f: {  	v1 =	vadd.f32 v3, v1;
	v3 =	vmul.f32 v6, v5  }
0x380: {  	v35 =	vmul.f32 v29, v35;
	v2 =	vadd.f32 v33, v2  }
0x381: {  	v1 =	vadd.f32 v3, v1;
	v3 =	vmul.f32 v8, v7  }
0x382: {  	v37 =	vmul.f32 v32, v37;
	v2 =	vadd.f32 v35, v2  }
0x383: {  	v1 =	vadd.f32 v3, v1;
	v3 =	vmul.f32 v11, v9  }
0x384: {  	v54 =	vmul.f32 v34, v39;
	v2 =	vadd.f32 v37, v2;
	[tilespmem:v26+s18+$0x0] =	vst.idx.msk $0xffff, v0  }
0x385: {  	v1 =	vadd.f32 v3, v1;
	v3 =	vmul.f32 v14, v13;
	v55 =	vld [tilespmem:$0x106B0]  }
0x386: {  	v56 =	vmul.f32 v36, v41;
	v2 =	vadd.f32 v54, v2  }
0x387: {  	v1 =	vadd.f32 v3, v1;
	v3 =	vmul.f32 v16, v15  }
0x388: {  	v57 =	vmul.f32 v38, v42;
	v2 =	vadd.f32 v56, v2  }
0x389: {  	v1 =	vadd.f32 v3, v1;
	v3 =	vmul.f32 v18, v17  }
0x38a: {  	v58 =	vmul.f32 v40, v44;
	v2 =	vadd.f32 v57, v2  }
0x38b: {  	v1 =	vadd.f32 v3, v1;
	v3 =	vmul.f32 v20, v19  }
0x38c: {  	v59 =	vmul.f32 v43, v47;
	v2 =	vadd.f32 v58, v2  }
0x38d: {  	v1 =	vadd.f32 v3, v1;
	v3 =	vmul.f32 v22, v21;
	[tilespmem:v55+s18+$0x0] =	vst.idx.msk $0xffff, v0  }
0x38e: {  	v60 =	vmul.f32 v45, v50;
	v2 =	vadd.f32 v59, v2;
	v5 =	vld [tilespmem:$0x106C0]  }
0x38f: {  	v1 =	vadd.f32 v3, v1;
	v3 =	vmul.f32 v24, v23  }
0x390: {  	v61 =	vmul.f32 v46, v51;
	v2 =	vadd.f32 v60, v2  }
0x391: {  	v1 =	vadd.f32 v3, v1;
	v3 =	vmul.f32 v27, v25  }
0x392: {  	v62 =	vmul.f32 v48, v52;
	v2 =	vadd.f32 v61, v2  }
0x393: {  	p0 =	sne.s32 s29, $0xE00;
	v1 =	vadd.f32 v3, v1;
	v3 =	vmul.f32 v10, v12  }
.Ltmp3:
0x394: {  	v63 =	vmul.f32 v49, v53;
	v2 =	vadd.f32 v62, v2;
	(pc) =	sbr.rel @p0 .LBB2_8-.Ltmp3, $4  }
0x395: {  	v1 =	vadd.f32 v3, v1  }
0x396: {  	v2 =	vadd.f32 v63, v2;
	[tilespmem:v5+s18+$0x0] =	vst.idx.msk $0xffff, v0  }
0x397: {  	s28 =	sadd.s32 $0x1, s28;
	s0 =	sadd.s32 $0x100, s0;
	[tilespmem:s31+$0x0] =	vst v1  }
0x398: {  	s29 =	sadd.s32 $0x200, s29;
	s31 =	sadd.s32 $0x10, s31;
	[tilespmem:s30+$0x0] =	vst v2;
	s30 =	sadd.s32 $0x10, s30  }
0x399: {  	_ =	swait.ge [sflag:s22], $0x3000;
	s28 =	simm.s32 $0x18  }
0x39a: {  	s29 =	simm.s32 $0x0;
	s30 =	simm.s32 $0x10B80;
	[sflag:s22] =	ssyncset.done $0x0  }
0x39b: {  	s31 =	simm.s32 $0x10980;
	s0 =	simm.s32 $0x1800;
	[sflag:s22] =	ssyncadd.s32 $0xFFFFD000  }
.LBB2_10:
0x39c: {  	s1 =	sand.u32 $0x3FFFF800, s0;
	s12 =	sshra.s32 s29, $0x2  }
0x39d: {  	s1 =	sadd.s32 s12, s1  }
0x39e: {  	v1 =	vld [tilespmem:s1+$0xC000];
	_ =	sdelay $0x4  }
0x39f: {  	v1 =	vmul.f32 $1.500000000e+03, v1;
	_ =	sdelay $0x1  }
0x3a0: {  	v1 =	vtrunc.f32 v1  }
0x3a1: {  	v1 =	vcvt.f32.s32 v1;
	_ =	sdelay $0x1  }
0x3a2: {  	vm1 =	vgt.s32 v1, $0x0  }
0x3a3: {  	v2 =	vmov s28;
	v1 =	vnsel vm1, $0x0, v1  }
0x3a4: {  	v3 =	vmin.u32 v1, $0x5DB;
	v1 =	vshrl.u32 v2, $0x3  }
0x3a5: {  	v10 =	vmul.u32 $0x3000, v1;
	v1 =	vshll.u32 v3, $0x3  }
0x3a6: {  	v1 =	vand.u32 $0x3C00, v1  }
0x3a7: {  	v2 =	vshll.u32 v2, $0x7;
	v4 =	vand.u32 $0x7F, v3;
	v5 =	vadd.s32 v10, v1  }
0x3a8: {  	v12 =	vand.u32 $0x380, v2;
	v1 =	vld [tilespmem:s1+$0xE000];
	v2 =	vor.u32 v4, v5  }
0x3a9: {  	v2 =	vor.u32 v12, v2;
	_ =	sdelay $0x2  }
0x3aa: {  	[tilespmem:$0x10600] =	vst v3  }
0x3ab: {  	[tilespmem:$0x10700] =	vst v1  }
0x3ac: {  	v2 =	vld.idx.msk [tilespmem:v2+s2+$0x0], $0xffff  }
0x3ad: {  	[tilespmem:v3+s18+$0x0] =	vst.idx.add.f32.msk $0xffff, v1  }
0x3ae: {  	v3 =	vld [tilespmem:s1+$0xC010];
	_ =	sdelay $0x4  }
0x3af: {  	v3 =	vmul.f32 $1.500000000e+03, v3;
	_ =	sdelay $0x1  }
0x3b0: {  	v3 =	vtrunc.f32 v3  }
0x3b1: {  	v3 =	vcvt.f32.s32 v3;
	_ =	sdelay $0x1  }
0x3b2: {  	vm1 =	vgt.s32 v3, $0x0  }
0x3b3: {  	v3 =	vnsel vm1, $0x0, v3  }
0x3b4: {  	v48 =	vmin.u32 v3, $0x5DB  }
0x3b5: {  	v3 =	vshll.u32 v48, $0x3  }
0x3b6: {  	v3 =	vand.u32 $0x3C00, v3  }
0x3b7: {  	v49 =	vand.u32 $0x7F, v48;
	v6 =	vadd.s32 v10, v3  }
0x3b8: {  	v3 =	vld [tilespmem:s1+$0xE010];
	v4 =	vor.u32 v49, v6  }
0x3b9: {  	v4 =	vor.u32 v12, v4;
	_ =	sdelay $0x2  }
0x3ba: {  	[tilespmem:$0x10610] =	vst v48  }
0x3bb: {  	[tilespmem:$0x10710] =	vst v3  }
0x3bc: {  	v4 =	vld.idx.msk [tilespmem:v4+s2+$0x0], $0xffff  }
0x3bd: {  	[tilespmem:v48+s18+$0x0] =	vst.idx.add.f32.msk $0xffff, v3  }
0x3be: {  	v5 =	vld [tilespmem:s1+$0xC020];
	_ =	sdelay $0x4  }
0x3bf: {  	v5 =	vmul.f32 $1.500000000e+03, v5;
	_ =	sdelay $0x1  }
0x3c0: {  	v5 =	vtrunc.f32 v5  }
0x3c1: {  	v5 =	vcvt.f32.s32 v5;
	_ =	sdelay $0x1  }
0x3c2: {  	vm1 =	vgt.s32 v5, $0x0  }
0x3c3: {  	v5 =	vnsel vm1, $0x0, v5  }
0x3c4: {  	v7 =	vmin.u32 v5, $0x5DB  }
0x3c5: {  	v5 =	vshll.u32 v7, $0x3  }
0x3c6: {  	v5 =	vand.u32 $0x3C00, v5  }
0x3c7: {  	v50 =	vand.u32 $0x7F, v7;
	v8 =	vadd.s32 v10, v5  }
0x3c8: {  	v5 =	vld [tilespmem:s1+$0xE020];
	v6 =	vor.u32 v50, v8  }
0x3c9: {  	v6 =	vor.u32 v12, v6;
	_ =	sdelay $0x2  }
0x3ca: {  	[tilespmem:$0x10620] =	vst v7  }
0x3cb: {  	[tilespmem:$0x10720] =	vst v5  }
0x3cc: {  	v6 =	vld.idx.msk [tilespmem:v6+s2+$0x0], $0xffff  }
0x3cd: {  	[tilespmem:v7+s18+$0x0] =	vst.idx.add.f32.msk $0xffff, v5  }
0x3ce: {  	v7 =	vld [tilespmem:s1+$0xC030];
	_ =	sdelay $0x4  }
0x3cf: {  	v7 =	vmul.f32 $1.500000000e+03, v7;
	_ =	sdelay $0x1  }
0x3d0: {  	v7 =	vtrunc.f32 v7  }
0x3d1: {  	v7 =	vcvt.f32.s32 v7;
	_ =	sdelay $0x1  }
0x3d2: {  	vm1 =	vgt.s32 v7, $0x0  }
0x3d3: {  	v7 =	vnsel vm1, $0x0, v7  }
0x3d4: {  	v9 =	vmin.u32 v7, $0x5DB  }
0x3d5: {  	v7 =	vshll.u32 v9, $0x3  }
0x3d6: {  	v7 =	vand.u32 $0x3C00, v7  }
0x3d7: {  	v51 =	vand.u32 $0x7F, v9;
	v11 =	vadd.s32 v10, v7  }
0x3d8: {  	v7 =	vld [tilespmem:s1+$0xE030];
	v8 =	vor.u32 v51, v11  }
0x3d9: {  	v8 =	vor.u32 v12, v8;
	_ =	sdelay $0x2  }
0x3da: {  	[tilespmem:$0x10630] =	vst v9  }
0x3db: {  	[tilespmem:$0x10730] =	vst v7  }
0x3dc: {  	v8 =	vld.idx.msk [tilespmem:v8+s2+$0x0], $0xffff  }
0x3dd: {  	[tilespmem:v9+s18+$0x0] =	vst.idx.add.f32.msk $0xffff, v7  }
0x3de: {  	v9 =	vld [tilespmem:s1+$0xC040];
	_ =	sdelay $0x4  }
0x3df: {  	v9 =	vmul.f32 $1.500000000e+03, v9;
	_ =	sdelay $0x1  }
0x3e0: {  	v9 =	vtrunc.f32 v9  }
0x3e1: {  	v9 =	vcvt.f32.s32 v9;
	_ =	sdelay $0x1  }
0x3e2: {  	vm1 =	vgt.s32 v9, $0x0  }
0x3e3: {  	v9 =	vnsel vm1, $0x0, v9  }
0x3e4: {  	v13 =	vmin.u32 v9, $0x5DB  }
0x3e5: {  	v9 =	vshll.u32 v13, $0x3  }
0x3e6: {  	v9 =	vand.u32 $0x3C00, v9  }
0x3e7: {  	v52 =	vand.u32 $0x7F, v13;
	v14 =	vadd.s32 v10, v9  }
0x3e8: {  	v9 =	vld [tilespmem:s1+$0xE040];
	v11 =	vor.u32 v52, v14  }
0x3e9: {  	v11 =	vor.u32 v12, v11;
	_ =	sdelay $0x2  }
0x3ea: {  	[tilespmem:$0x10640] =	vst v13  }
0x3eb: {  	[tilespmem:$0x10740] =	vst v9  }
0x3ec: {  	v11 =	vld.idx.msk [tilespmem:v11+s2+$0x0], $0xffff  }
0x3ed: {  	[tilespmem:v13+s18+$0x0] =	vst.idx.add.f32.msk $0xffff, v9  }
0x3ee: {  	v13 =	vld [tilespmem:s1+$0xC050];
	_ =	sdelay $0x4  }
0x3ef: {  	v13 =	vmul.f32 $1.500000000e+03, v13;
	_ =	sdelay $0x1  }
0x3f0: {  	v13 =	vtrunc.f32 v13  }
0x3f1: {  	v13 =	vcvt.f32.s32 v13;
	_ =	sdelay $0x1  }
0x3f2: {  	vm1 =	vgt.s32 v13, $0x0  }
0x3f3: {  	v13 =	vnsel vm1, $0x0, v13  }
0x3f4: {  	v15 =	vmin.u32 v13, $0x5DB  }
0x3f5: {  	v13 =	vshll.u32 v15, $0x3  }
0x3f6: {  	v13 =	vand.u32 $0x3C00, v13  }
0x3f7: {  	v53 =	vand.u32 $0x7F, v15;
	v16 =	vadd.s32 v10, v13  }
0x3f8: {  	v13 =	vld [tilespmem:s1+$0xE050];
	v14 =	vor.u32 v53, v16  }
0x3f9: {  	v14 =	vor.u32 v12, v14;
	_ =	sdelay $0x2  }
0x3fa: {  	[tilespmem:$0x10650] =	vst v15  }
0x3fb: {  	[tilespmem:$0x10750] =	vst v13  }
0x3fc: {  	v14 =	vld.idx.msk [tilespmem:v14+s2+$0x0], $0xffff  }
0x3fd: {  	[tilespmem:v15+s18+$0x0] =	vst.idx.add.f32.msk $0xffff, v13  }
0x3fe: {  	v15 =	vld [tilespmem:s1+$0xC060];
	_ =	sdelay $0x4  }
0x3ff: {  	v15 =	vmul.f32 $1.500000000e+03, v15;
	_ =	sdelay $0x1  }
0x400: {  	v15 =	vtrunc.f32 v15  }
0x401: {  	v15 =	vcvt.f32.s32 v15;
	_ =	sdelay $0x1  }
0x402: {  	vm1 =	vgt.s32 v15, $0x0  }
0x403: {  	v15 =	vnsel vm1, $0x0, v15  }
0x404: {  	v17 =	vmin.u32 v15, $0x5DB  }
0x405: {  	v15 =	vshll.u32 v17, $0x3  }
0x406: {  	v15 =	vand.u32 $0x3C00, v15  }
0x407: {  	v54 =	vand.u32 $0x7F, v17;
	v18 =	vadd.s32 v10, v15  }
0x408: {  	v15 =	vld [tilespmem:s1+$0xE060];
	v16 =	vor.u32 v54, v18  }
0x409: {  	v16 =	vor.u32 v12, v16;
	_ =	sdelay $0x2  }
0x40a: {  	[tilespmem:$0x10660] =	vst v17  }
0x40b: {  	[tilespmem:$0x10760] =	vst v15  }
0x40c: {  	v16 =	vld.idx.msk [tilespmem:v16+s2+$0x0], $0xffff  }
0x40d: {  	[tilespmem:v17+s18+$0x0] =	vst.idx.add.f32.msk $0xffff, v15  }
0x40e: {  	v17 =	vld [tilespmem:s1+$0xC070];
	_ =	sdelay $0x4  }
0x40f: {  	v17 =	vmul.f32 $1.500000000e+03, v17;
	_ =	sdelay $0x1  }
0x410: {  	v17 =	vtrunc.f32 v17  }
0x411: {  	v17 =	vcvt.f32.s32 v17;
	_ =	sdelay $0x1  }
0x412: {  	vm1 =	vgt.s32 v17, $0x0  }
0x413: {  	v17 =	vnsel vm1, $0x0, v17  }
0x414: {  	v19 =	vmin.u32 v17, $0x5DB  }
0x415: {  	v17 =	vshll.u32 v19, $0x3  }
0x416: {  	v17 =	vand.u32 $0x3C00, v17  }
0x417: {  	v55 =	vand.u32 $0x7F, v19;
	v20 =	vadd.s32 v10, v17  }
0x418: {  	v17 =	vld [tilespmem:s1+$0xE070];
	v18 =	vor.u32 v55, v20  }
0x419: {  	v18 =	vor.u32 v12, v18;
	_ =	sdelay $0x2  }
0x41a: {  	[tilespmem:$0x10670] =	vst v19  }
0x41b: {  	[tilespmem:$0x10770] =	vst v17  }
0x41c: {  	v18 =	vld.idx.msk [tilespmem:v18+s2+$0x0], $0xffff  }
0x41d: {  	[tilespmem:v19+s18+$0x0] =	vst.idx.add.f32.msk $0xffff, v17  }
0x41e: {  	v19 =	vld [tilespmem:s1+$0xC400];
	_ =	sdelay $0x4  }
0x41f: {  	v19 =	vmul.f32 $1.500000000e+03, v19;
	_ =	sdelay $0x1  }
0x420: {  	v19 =	vtrunc.f32 v19  }
0x421: {  	v19 =	vcvt.f32.s32 v19;
	_ =	sdelay $0x1  }
0x422: {  	vm1 =	vgt.s32 v19, $0x0  }
0x423: {  	v19 =	vnsel vm1, $0x0, v19  }
0x424: {  	v21 =	vmin.u32 v19, $0x5DB  }
0x425: {  	v19 =	vshll.u32 v21, $0x3  }
0x426: {  	v19 =	vand.u32 $0x3C00, v19  }
0x427: {  	v56 =	vand.u32 $0x7F, v21;
	v22 =	vadd.s32 v10, v19  }
0x428: {  	v19 =	vld [tilespmem:s1+$0xE400];
	v20 =	vor.u32 v56, v22  }
0x429: {  	v20 =	vor.u32 v12, v20;
	_ =	sdelay $0x2  }
0x42a: {  	[tilespmem:$0x10680] =	vst v21  }
0x42b: {  	[tilespmem:$0x10780] =	vst v19  }
0x42c: {  	v20 =	vld.idx.msk [tilespmem:v20+s2+$0x0], $0xffff  }
0x42d: {  	[tilespmem:v21+s18+$0x0] =	vst.idx.add.f32.msk $0xffff, v19  }
0x42e: {  	v21 =	vld [tilespmem:s1+$0xC410];
	_ =	sdelay $0x4  }
0x42f: {  	v21 =	vmul.f32 $1.500000000e+03, v21;
	_ =	sdelay $0x1  }
0x430: {  	v21 =	vtrunc.f32 v21  }
0x431: {  	v21 =	vcvt.f32.s32 v21;
	_ =	sdelay $0x1  }
0x432: {  	vm1 =	vgt.s32 v21, $0x0  }
0x433: {  	v21 =	vnsel vm1, $0x0, v21  }
0x434: {  	v23 =	vmin.u32 v21, $0x5DB  }
0x435: {  	v21 =	vshll.u32 v23, $0x3  }
0x436: {  	v21 =	vand.u32 $0x3C00, v21  }
0x437: {  	v57 =	vand.u32 $0x7F, v23;
	v24 =	vadd.s32 v10, v21  }
0x438: {  	v21 =	vld [tilespmem:s1+$0xE410];
	v22 =	vor.u32 v57, v24  }
0x439: {  	v22 =	vor.u32 v12, v22;
	_ =	sdelay $0x2  }
0x43a: {  	[tilespmem:$0x10690] =	vst v23  }
0x43b: {  	[tilespmem:$0x10790] =	vst v21  }
0x43c: {  	v22 =	vld.idx.msk [tilespmem:v22+s2+$0x0], $0xffff  }
0x43d: {  	[tilespmem:v23+s18+$0x0] =	vst.idx.add.f32.msk $0xffff, v21  }
0x43e: {  	v23 =	vld [tilespmem:s1+$0xC420];
	_ =	sdelay $0x4  }
0x43f: {  	v23 =	vmul.f32 $1.500000000e+03, v23;
	_ =	sdelay $0x1  }
0x440: {  	v23 =	vtrunc.f32 v23  }
0x441: {  	v23 =	vcvt.f32.s32 v23;
	_ =	sdelay $0x1  }
0x442: {  	vm1 =	vgt.s32 v23, $0x0  }
0x443: {  	v23 =	vnsel vm1, $0x0, v23  }
0x444: {  	v25 =	vmin.u32 v23, $0x5DB  }
0x445: {  	v23 =	vshll.u32 v25, $0x3  }
0x446: {  	v23 =	vand.u32 $0x3C00, v23  }
0x447: {  	v58 =	vand.u32 $0x7F, v25;
	v26 =	vadd.s32 v10, v23  }
0x448: {  	v23 =	vld [tilespmem:s1+$0xE420];
	v24 =	vor.u32 v58, v26  }
0x449: {  	v24 =	vor.u32 v12, v24;
	_ =	sdelay $0x2  }
0x44a: {  	[tilespmem:$0x106A0] =	vst v25  }
0x44b: {  	[tilespmem:$0x107A0] =	vst v23  }
0x44c: {  	v24 =	vld.idx.msk [tilespmem:v24+s2+$0x0], $0xffff  }
0x44d: {  	[tilespmem:v25+s18+$0x0] =	vst.idx.add.f32.msk $0xffff, v23  }
0x44e: {  	v25 =	vld [tilespmem:s1+$0xC430];
	_ =	sdelay $0x4  }
0x44f: {  	v25 =	vmul.f32 $1.500000000e+03, v25;
	_ =	sdelay $0x1  }
0x450: {  	v25 =	vtrunc.f32 v25  }
0x451: {  	v25 =	vcvt.f32.s32 v25;
	_ =	sdelay $0x1  }
0x452: {  	vm1 =	vgt.s32 v25, $0x0  }
0x453: {  	v25 =	vnsel vm1, $0x0, v25  }
0x454: {  	v59 =	vmin.u32 v25, $0x5DB  }
0x455: {  	v25 =	vshll.u32 v59, $0x3  }
0x456: {  	v25 =	vand.u32 $0x3C00, v25  }
0x457: {  	v27 =	vand.u32 $0x7F, v59;
	v28 =	vadd.s32 v10, v25  }
0x458: {  	v25 =	vld [tilespmem:s1+$0xE430];
	v27 =	vor.u32 v27, v28  }
0x459: {  	v27 =	vor.u32 v12, v27;
	_ =	sdelay $0x2  }
0x45a: {  	[tilespmem:$0x106B0] =	vst v59  }
0x45b: {  	[tilespmem:$0x107B0] =	vst v25  }
0x45c: {  	v27 =	vld.idx.msk [tilespmem:v27+s2+$0x0], $0xffff  }
0x45d: {  	[tilespmem:v59+s18+$0x0] =	vst.idx.add.f32.msk $0xffff, v25  }
0x45e: {  	v26 =	vld [tilespmem:s1+$0xC438];
	_ =	sdelay $0x4  }
0x45f: {  	v26 =	vmul.f32 $1.500000000e+03, v26;
	_ =	sdelay $0x1  }
0x460: {  	v26 =	vtrunc.f32 v26  }
0x461: {  	v26 =	vcvt.f32.s32 v26;
	_ =	sdelay $0x1  }
0x462: {  	vm1 =	vgt.s32 v26, $0x0  }
0x463: {  	v26 =	vnsel vm1, $0x0, v26  }
0x464: {  	v26 =	vmin.u32 v26, $0x5DB  }
0x465: {  	v60 =	vshll.u32 v26, $0x3  }
0x466: {  	v28 =	vand.u32 $0x3C00, v60  }
0x467: {  	v29 =	vld [tilespmem:s1+$0xE438];
	v30 =	vand.u32 $0x7F, v26;
	v10 =	vadd.s32 v10, v28  }
0x468: {  	v10 =	vor.u32 v30, v10  }
0x469: {  	v10 =	vor.u32 v12, v10;
	_ =	sdelay $0x2  }
0x46a: {  	[tilespmem:$0x106C0] =	vst v26;
	v12 =	vsel vm0, $0x0, v29  }
0x46b: {  	[tilespmem:$0x107C0] =	vst v12  }
0x46c: {  	v10 =	vld.idx.msk [tilespmem:v10+s2+$0x0], $0xffff  }
0x46d: {  	[tilespmem:v26+s18+$0x0] =	vst.idx.add.f32.msk $0xffff, v12  }
0x46e: {  	v26 =	vld [tilespmem:$0x10600]  }
0x46f: {  	v61 =	vld [tilespmem:$0x10610]  }
0x470: {  	v62 =	vld [tilespmem:$0x10620]  }
0x471: {  	v63 =	vld [tilespmem:$0x10700]  }
0x472: {  	v32 =	vld [tilespmem:$0x10630]  }
0x473: {  	v33 =	vld [tilespmem:$0x10710]  }
0x474: {  	v34 =	vld [tilespmem:$0x10640]  }
0x475: {  	v35 =	vld [tilespmem:$0x10720]  }
0x476: {  	v36 =	vld [tilespmem:$0x10650]  }
0x477: {  	v37 =	vld [tilespmem:$0x10730]  }
0x478: {  	v38 =	vld [tilespmem:$0x10660]  }
0x479: {  	v39 =	vld [tilespmem:$0x10740]  }
0x47a: {  	v40 =	vld [tilespmem:$0x10670]  }
0x47b: {  	v41 =	vld [tilespmem:$0x10750]  }
0x47c: {  	v42 =	vld [tilespmem:$0x10760]  }
0x47d: {  	v43 =	vld [tilespmem:$0x10680]  }
0x47e: {  	v44 =	vld [tilespmem:$0x10770]  }
0x47f: {  	v45 =	vld [tilespmem:$0x10690]  }
0x480: {  	v46 =	vld [tilespmem:$0x106A0]  }
0x481: {  	v47 =	vld [tilespmem:$0x10780]  }
0x482: {  	v48 =	vld [tilespmem:$0x106B0]  }
0x483: {  	v49 =	vld [tilespmem:$0x106C0]  }
0x484: {  	v50 =	vld [tilespmem:$0x10790]  }
0x485: {  	v51 =	vld [tilespmem:$0x107A0]  }
0x486: {  	v52 =	vld [tilespmem:$0x107B0]  }
0x487: {  	v53 =	vld [tilespmem:$0x107C0]  }
0x488: {  	v31 =	vld.idx.msk [tilespmem:v26+s18+$0x0], $0xffff  }
0x489: {  	v28 =	vld.idx.msk [tilespmem:v61+s18+$0x0], $0xffff  }
0x48a: {  	v29 =	vld.idx.msk [tilespmem:v62+s18+$0x0], $0xffff  }
0x48b: {  	v32 =	vld.idx.msk [tilespmem:v32+s18+$0x0], $0xffff  }
0x48c: {  	v34 =	vld.idx.msk [tilespmem:v34+s18+$0x0], $0xffff  }
0x48d: {  	v36 =	vld.idx.msk [tilespmem:v36+s18+$0x0], $0xffff  }
0x48e: {  	v38 =	vld.idx.msk [tilespmem:v38+s18+$0x0], $0xffff  }
0x48f: {  	v40 =	vld.idx.msk [tilespmem:v40+s18+$0x0], $0xffff  }
0x490: {  	v43 =	vld.idx.msk [tilespmem:v43+s18+$0x0], $0xffff  }
0x491: {  	v45 =	vld.idx.msk [tilespmem:v45+s18+$0x0], $0xffff  }
0x492: {  	v46 =	vld.idx.msk [tilespmem:v46+s18+$0x0], $0xffff  }
0x493: {  	v48 =	vld.idx.msk [tilespmem:v48+s18+$0x0], $0xffff  }
0x494: {  	v49 =	vld.idx.msk [tilespmem:v49+s18+$0x0], $0xffff;
	[tilespmem:v26+s18+$0x0] =	vst.idx.msk $0xffff, v0  }
0x495: {  	v26 =	vld [tilespmem:$0x10610];
	_ =	sdelay $0x7  }
0x496: {  	[tilespmem:v26+s18+$0x0] =	vst.idx.msk $0xffff, v0  }
0x497: {  	v26 =	vld [tilespmem:$0x10620];
	_ =	sdelay $0x7  }
0x498: {  	[tilespmem:v26+s18+$0x0] =	vst.idx.msk $0xffff, v0  }
0x499: {  	v26 =	vld [tilespmem:$0x10630];
	_ =	sdelay $0x7  }
0x49a: {  	[tilespmem:v26+s18+$0x0] =	vst.idx.msk $0xffff, v0  }
0x49b: {  	v26 =	vld [tilespmem:$0x10640];
	_ =	sdelay $0x7  }
0x49c: {  	[tilespmem:v26+s18+$0x0] =	vst.idx.msk $0xffff, v0  }
0x49d: {  	v26 =	vld [tilespmem:$0x10650];
	_ =	sdelay $0x7  }
0x49e: {  	[tilespmem:v26+s18+$0x0] =	vst.idx.msk $0xffff, v0  }
0x49f: {  	v26 =	vld [tilespmem:$0x10660];
	_ =	sdelay $0x7  }
0x4a0: {  	[tilespmem:v26+s18+$0x0] =	vst.idx.msk $0xffff, v0  }
0x4a1: {  	v26 =	vld [tilespmem:$0x10670];
	_ =	sdelay $0x7  }
0x4a2: {  	[tilespmem:v26+s18+$0x0] =	vst.idx.msk $0xffff, v0  }
0x4a3: {  	v26 =	vld [tilespmem:$0x10680];
	_ =	sdelay $0x7  }
0x4a4: {  	[tilespmem:v26+s18+$0x0] =	vst.idx.msk $0xffff, v0  }
0x4a5: {  	v26 =	vld [tilespmem:$0x10690];
	_ =	sdelay $0x7  }
0x4a6: {  	v1 =	vmul.f32 v2, v1;
	[tilespmem:v26+s18+$0x0] =	vst.idx.msk $0xffff, v0  }
0x4a7: {  	v2 =	vmul.f32 v31, v63;
	v26 =	vld [tilespmem:$0x106A0]  }
0x4a8: {  	v1 =	vadd.f32 $0.0e+00, v1;
	v3 =	vmul.f32 v4, v3  }
0x4a9: {  	v33 =	vmul.f32 v28, v33;
	v2 =	vadd.f32 $0.0e+00, v2  }
0x4aa: {  	v1 =	vadd.f32 v3, v1;
	v3 =	vmul.f32 v6, v5  }
0x4ab: {  	v35 =	vmul.f32 v29, v35;
	v2 =	vadd.f32 v33, v2  }
0x4ac: {  	v1 =	vadd.f32 v3, v1;
	v3 =	vmul.f32 v8, v7  }
0x4ad: {  	v37 =	vmul.f32 v32, v37;
	v2 =	vadd.f32 v35, v2  }
0x4ae: {  	v1 =	vadd.f32 v3, v1;
	v3 =	vmul.f32 v11, v9  }
0x4af: {  	v54 =	vmul.f32 v34, v39;
	v2 =	vadd.f32 v37, v2;
	[tilespmem:v26+s18+$0x0] =	vst.idx.msk $0xffff, v0  }
0x4b0: {  	v1 =	vadd.f32 v3, v1;
	v3 =	vmul.f32 v14, v13;
	v55 =	vld [tilespmem:$0x106B0]  }
0x4b1: {  	v56 =	vmul.f32 v36, v41;
	v2 =	vadd.f32 v54, v2  }
0x4b2: {  	v1 =	vadd.f32 v3, v1;
	v3 =	vmul.f32 v16, v15  }
0x4b3: {  	v57 =	vmul.f32 v38, v42;
	v2 =	vadd.f32 v56, v2  }
0x4b4: {  	v1 =	vadd.f32 v3, v1;
	v3 =	vmul.f32 v18, v17  }
0x4b5: {  	v58 =	vmul.f32 v40, v44;
	v2 =	vadd.f32 v57, v2  }
0x4b6: {  	v1 =	vadd.f32 v3, v1;
	v3 =	vmul.f32 v20, v19  }
0x4b7: {  	v59 =	vmul.f32 v43, v47;
	v2 =	vadd.f32 v58, v2  }
0x4b8: {  	v1 =	vadd.f32 v3, v1;
	v3 =	vmul.f32 v22, v21;
	[tilespmem:v55+s18+$0x0] =	vst.idx.msk $0xffff, v0  }
0x4b9: {  	v60 =	vmul.f32 v45, v50;
	v2 =	vadd.f32 v59, v2;
	v5 =	vld [tilespmem:$0x106C0]  }
0x4ba: {  	v1 =	vadd.f32 v3, v1;
	v3 =	vmul.f32 v24, v23  }
0x4bb: {  	v61 =	vmul.f32 v46, v51;
	v2 =	vadd.f32 v60, v2  }
0x4bc: {  	v1 =	vadd.f32 v3, v1;
	v3 =	vmul.f32 v27, v25  }
0x4bd: {  	v62 =	vmul.f32 v48, v52;
	v2 =	vadd.f32 v61, v2  }
0x4be: {  	p0 =	sne.s32 s29, $0xE00;
	v1 =	vadd.f32 v3, v1;
	v3 =	vmul.f32 v10, v12  }
.Ltmp4:
0x4bf: {  	v63 =	vmul.f32 v49, v53;
	v2 =	vadd.f32 v62, v2;
	(pc) =	sbr.rel @p0 .LBB2_10-.Ltmp4, $4  }
0x4c0: {  	v1 =	vadd.f32 v3, v1  }
0x4c1: {  	v2 =	vadd.f32 v63, v2;
	[tilespmem:v5+s18+$0x0] =	vst.idx.msk $0xffff, v0  }
0x4c2: {  	s28 =	sadd.s32 $0x1, s28;
	s0 =	sadd.s32 $0x100, s0;
	[tilespmem:s31+$0x0] =	vst v1  }
0x4c3: {  	s29 =	sadd.s32 $0x200, s29;
	s31 =	sadd.s32 $0x10, s31;
	[tilespmem:s30+$0x0] =	vst v2;
	s30 =	sadd.s32 $0x10, s30  }
0x4c4: {  	[hbm4b:s9+s2] =	stream.linear.scatter [tilespmem:s23], [sflag:$0x6], $0x200, $0x38;
	[tilespmem:$0x10C00] =	vst v63  }
0x4c5: {  	s26 =	sadd.s32 $0x1, s26;
	_ =	swait.ge [sflag:s24], $0x200  }
0x4c6: {  	p0 =	sne.s32 s26, s11;
	[sflag:s24] =	ssyncset.done $0x0  }
.Ltmp5:
0x4c7: {  	[sflag:s24] =	ssyncadd.s32 $0xFFFFFE00;
	(pc) =	sbr.rel @p0 .LBB2_1-.Ltmp5, $4  }
0x4c8: {  	[hbm4b:s10+s2] =	stream.linear.scatter [tilespmem:s25], [sflag:$0x6], $0x200, $0x38;
	[tilespmem:$0x10C00] =	vst v63  }
0x4c9: {  	_ =	swait.ge [sflag:s24], $0x200  }
0x4ca: {  	[sflag:s24] =	ssyncset.done $0x0  }
0x4cb: {  	[sflag:s24] =	ssyncadd.s32 $0xFFFFFE00  }
0x4cc: {  	_ =	sfence.sel $0x180000  }
0x4cd: {  	[bflag:$0x0] =	sbarrier.arrive $0xFFFF  }
0x4ce: {  	_ =	strace $0x90000047  }
0x4cf: {  	s0 =	stileid.u32;
	[bflag:$0x2] =	sbarrier.arrive $0xFFFF  }
0x4d0: {  	p0 =	sne.s32 s0, $0x0;
	s0 =	rddreg [dreg:$0x1]  }
0x4d1: {  	s0 =	sadd.s32 @!p0 $0x100000, s0  }
0x4d2: {  	[sflag:s0] =	ssyncadd.tile.s32 @!p0 $0x1;
	_ =	shalt  }
.Lfunc_end2:
_tile_overlayer_lowered:
.L_overlay_start_2:
0x4d3: {  	(tag) =	ssettag $0x2  }
0x4d4: {  	s0 =	rddreg [dreg:$0x0];
	s2 =	stileid.u32  }
0x4d5: {  	s1 =	rddreg [dreg:$0x1];
	p0 =	sne.s32 s2, $0x0  }
0x4d6: {  	s3 =	rddreg [dreg:$0x2];
	[bflag:$0x3] =	sbarrier.arrive $0xFFFF;
	s2 =	simm.s32 @!p0 $0x1C06  }
0x4d7: {  	[timem:s3], [sflag:s2] =	dma.local @!p0 [hbm:s0], s1  }
0x4d8: {  	s0 =	simm.s32 @!p0 $0x6  }
0x4d9: {  	_ =	swait.ge @!p0 [sflag:s0], s1  }
0x4da: {  	s1 =	ssub.s32 @!p0 $0x0, s1;
	[sflag:s0] =	ssyncset.done @!p0 $0x0  }
0x4db: {  	[sflag:s0] =	ssyncadd.s32 @!p0 s1  }
0x4dc: {  	[bflag:$0x3] =	sbarrier.arrive $0xFFFF  }
0x4dd: {  	_ =	shalt  }

</sc_bundles>
